<compile_context>
chip_gen: v7x
topology: tpu7x:2x2x1
jax: 0.10.2.dev20260603
libtpu: 0.0.44.dev20260713+nightly
codegen_flags: <defaults>
</compile_context>

<pallas_src>
import functools
import jax
import jax.numpy as jnp
from jax.experimental import pallas as pl

H = 4
C = 8
HID = 32
ROWS = 400

_INTERPRET = False


def _lrelu(v):
    return jnp.where(v >= 0, v, 0.2 * v)


def _elu(v):
    return jnp.where(v > 0, v, jnp.exp(jnp.minimum(v, 0.0)) - 1.0)


def _dense1_body(x_ref, wl_ref, bl_ref, wg_ref, asm_ref, adm_ref, wl1_ref,
                 bl1_ref, h1_o, xw_o, as_o, ad_o, lin_o):
    h1 = jnp.maximum(x_ref[...] @ wl_ref[...] + bl_ref[...], 0.0)
    xw = h1 @ wg_ref[...]
    h1_o[...] = h1
    xw_o[...] = xw
    as_o[...] = xw @ asm_ref[...]
    ad_o[...] = xw @ adm_ref[...]
    lin_o[...] = h1 @ wl1_ref[...] + bl1_ref[...]


def _merge(num_ref, den_ref, as_ref, ad_ref, xw_ref, lin_ref, bg_ref, bm_ref):
    a = as_ref[...] + ad_ref[...]
    e_self = jnp.exp(_lrelu(a))
    den = (den_ref[...] + e_self) @ bm_ref[...]
    num = num_ref[...] + (e_self @ bm_ref[...]) * xw_ref[...]
    return _elu(num / den + bg_ref[...] + lin_ref[...])


def _dense2_body(num_ref, den_ref, as_ref, ad_ref, xw_ref, lin_ref, bg_ref,
                 bm_ref, wg_ref, asm_ref, adm_ref, wl_ref, bl_ref,
                 h2_o, xw_o, as_o, ad_o, lin_o):
    h2 = _merge(num_ref, den_ref, as_ref, ad_ref, xw_ref, lin_ref, bg_ref,
                bm_ref)
    xw = h2 @ wg_ref[...]
    h2_o[...] = h2
    xw_o[...] = xw
    as_o[...] = xw @ asm_ref[...]
    ad_o[...] = xw @ adm_ref[...]
    lin_o[...] = h2 @ wl_ref[...] + bl_ref[...]


def _dense3_body(h1_ref, h2_ref, num_ref, den_ref, as_ref, ad_ref, xw_ref,
                 lin_ref, bg_ref, bm_ref, wf1_ref, wf2_ref, wf3_ref, bf_ref,
                 wo_ref, bo_ref, out_o):
    h3 = _merge(num_ref, den_ref, as_ref, ad_ref, xw_ref, lin_ref, bg_ref,
                bm_ref)
    t = jnp.maximum(h1_ref[...] @ wf1_ref[...] + h2_ref[...] @ wf2_ref[...]
                    + h3 @ wf3_ref[...] + bf_ref[...], 0.0)
    out_o[...] = jax.nn.sigmoid(t @ wo_ref[...] + bo_ref[...])


def _row_spec(cols):
    return pl.BlockSpec((ROWS, cols), lambda i: (i, 0))


def _full_spec(shape):
    nd = len(shape)
    return pl.BlockSpec(shape, lambda i: (0,) * nd)


def _att_mat(a):
    m = jnp.zeros((H * C, 16), a.dtype)
    return m.at[jnp.arange(H * C), jnp.repeat(jnp.arange(H), C)].set(
        a.reshape(-1))


def _edge_phase(as16, ad16, xw, dst_sorted_src, n):
    src, dst = dst_sorted_src
    e = jnp.exp(_lrelu(as16[src, :H] + ad16[dst, :H]))
    den = jax.ops.segment_sum(e, dst, num_segments=n)
    num = jax.ops.segment_sum(xw[src] * jnp.repeat(e, C, axis=1), dst,
                              num_segments=n)
    return num, jnp.pad(den, ((0, 0), (0, 16 - H)))


def kernel(x, edge_index, W_line, b_line, W_g1, a_src1, a_dst1, b_g1, W_l1,
           b_l1, W_g2, a_src2, a_dst2, b_g2, W_l2, b_l2, W_fc, b_fc, W_out,
           b_out):
    n = x.shape[0]
    d_in = x.shape[1]
    nblk = n // ROWS
    f32 = jnp.float32

    asm1, adm1 = _att_mat(a_src1), _att_mat(a_dst1)
    asm2, adm2 = _att_mat(a_src2), _att_mat(a_dst2)
    bmat = jnp.zeros((16, H * C), f32).at[
        jnp.repeat(jnp.arange(H), C), jnp.arange(H * C)].set(1.0)
    bl2d = b_line.reshape(1, -1)
    bl1_2d, bl2_2d = b_l1.reshape(1, -1), b_l2.reshape(1, -1)
    bg1_2d, bg2_2d = b_g1.reshape(1, -1), b_g2.reshape(1, -1)
    bf2d, bo2d = b_fc.reshape(1, -1), b_out.reshape(1, -1)
    wf1, wf2, wf3 = W_fc[:HID], W_fc[HID:2 * HID], W_fc[2 * HID:]

    node_out = lambda cols: (jax.ShapeDtypeStruct((n, cols), f32),
                             _row_spec(cols))

    shapes1 = [node_out(HID), node_out(HID), node_out(16), node_out(16),
               node_out(HID)]
    h1, xw1, as1, ad1, lin1 = pl.pallas_call(
        _dense1_body,
        grid=(nblk,),
        in_specs=[_row_spec(d_in), _full_spec(W_line.shape),
                  _full_spec((1, HID)), _full_spec(W_g1.shape),
                  _full_spec((HID, 16)), _full_spec((HID, 16)),
                  _full_spec(W_l1.shape), _full_spec((1, HID))],
        out_specs=[s for _, s in shapes1],
        out_shape=[s for s, _ in shapes1],
        interpret=_INTERPRET,
    )(x, W_line, bl2d, W_g1, asm1, adm1, W_l1, bl1_2d)

    src, dst = edge_index[0], edge_index[1]
    num1, den1 = _edge_phase(as1, ad1, xw1, (src, dst), n)

    h2, xw2, as2, ad2, lin2 = pl.pallas_call(
        _dense2_body,
        grid=(nblk,),
        in_specs=[_row_spec(HID), _row_spec(16), _row_spec(16), _row_spec(16),
                  _row_spec(HID), _row_spec(HID), _full_spec((1, HID)),
                  _full_spec((16, HID)), _full_spec(W_g2.shape),
                  _full_spec((HID, 16)), _full_spec((HID, 16)),
                  _full_spec(W_l2.shape), _full_spec((1, HID))],
        out_specs=[s for _, s in shapes1],
        out_shape=[s for s, _ in shapes1],
        interpret=_INTERPRET,
    )(num1, den1, as1, ad1, xw1, lin1, bg1_2d, bmat, W_g2, asm2, adm2, W_l2,
      bl2_2d)

    num2, den2 = _edge_phase(as2, ad2, xw2, (src, dst), n)

    out = pl.pallas_call(
        _dense3_body,
        grid=(nblk,),
        in_specs=[_row_spec(HID), _row_spec(HID), _row_spec(HID),
                  _row_spec(16), _row_spec(16), _row_spec(16), _row_spec(HID),
                  _row_spec(HID), _full_spec((1, HID)), _full_spec((16, HID)),
                  _full_spec((HID, 16)), _full_spec((HID, 16)),
                  _full_spec((HID, 16)), _full_spec((1, 16)),
                  _full_spec((16, 1)), _full_spec((1, 1))],
        out_specs=[_row_spec(1)],
        out_shape=[jax.ShapeDtypeStruct((n, 1), f32)],
        interpret=_INTERPRET,
    )(h1, h2, num2, den2, as2, ad2, xw2, lin2, bg2_2d, bmat, wf1, wf2, wf3,
      bf2d, W_out, bo2d)[0]

    return out.reshape(-1)

# --- scband reference (transcript-rebuilt; emitter-appended) ---
"""Pipeline reference for scband-net-14370960573240 (READ-ONLY COPY).

The authoritative reference and input builder live on the scoring server;
editing this copy changes nothing except your own understanding.
"""

import jax, jax.numpy as jnp
import numpy as np

N = 50000
E = 1600000
D_IN = 1346
H = 4
C = 8
HID = 32


def _gat(x, src, dst, W, att_src, att_dst, bias, n):
    xW = (x @ W).reshape(n, H, C)
    a_s = (xW * att_src[None, :, :]).sum(-1)
    a_d = (xW * att_dst[None, :, :]).sum(-1)
    alpha = jax.nn.leaky_relu(a_s[src] + a_d[dst], 0.2)
    amax = jax.lax.stop_gradient(jax.ops.segment_max(alpha, dst, num_segments=n))
    amax = jnp.where(jnp.isfinite(amax), amax, 0.0)
    e = jnp.exp(alpha - amax[dst])
    denom = jax.ops.segment_sum(e, dst, num_segments=n)
    coef = e / (denom[dst] + 1e-16)
    out = jax.ops.segment_sum(xW[src] * coef[:, :, None], dst, num_segments=n)
    return out.reshape(n, H * C) + bias


def _net(x, edge_index, W_line, b_line, W_g1, a_src1, a_dst1, b_g1, W_l1, b_l1,
         W_g2, a_src2, a_dst2, b_g2, W_l2, b_l2, W_fc, b_fc, W_out, b_out):
    n = x.shape[0]
    loop = jnp.arange(n, dtype=edge_index.dtype)
    src = jnp.concatenate([edge_index[0], loop])
    dst = jnp.concatenate([edge_index[1], loop])
    h1 = jax.nn.relu(x @ W_line + b_line)
    h2 = jax.nn.elu(_gat(h1, src, dst, W_g1, a_src1, a_dst1, b_g1, n) + h1 @ W_l1 + b_l1)
    h3 = jax.nn.elu(_gat(h2, src, dst, W_g2, a_src2, a_dst2, b_g2, n) + h2 @ W_l2 + b_l2)
    h = jnp.concatenate([h1, h2, h3], axis=-1)
    h = jax.nn.relu(h @ W_fc + b_fc)
    h = h @ W_out + b_out
    return jax.nn.sigmoid(h).squeeze(-1)


def setup_inputs(seed: int = 0):
    key = jax.random.key(seed)
    ks = jax.random.split(key, 16)
    def p(k, shape, fan):
        return jax.random.normal(k, shape, dtype=jnp.float32) / np.sqrt(fan)
    inp = {}
    inp['x'] = jax.random.normal(ks[0], (N, D_IN), dtype=jnp.float32)
    inp['edge_index'] = jax.random.randint(ks[1], (2, E), 0, N, dtype=jnp.int32)
    inp['W_line'] = p(ks[2], (D_IN, HID), D_IN)
    inp['b_line'] = jnp.zeros((HID,), jnp.float32)
    inp['W_g1'] = p(ks[3], (HID, H * C), HID)
    inp['a_src1'] = p(ks[4], (H, C), C)
    inp['a_dst1'] = p(ks[5], (H, C), C)
    inp['b_g1'] = jnp.zeros((H * C,), jnp.float32)
    inp['W_l1'] = p(ks[6], (HID, HID), HID)
    inp['b_l1'] = jnp.zeros((HID,), jnp.float32)
    inp['W_g2'] = p(ks[7], (HID, H * C), HID)
    inp['a_src2'] = p(ks[8], (H, C), C)
    inp['a_dst2'] = p(ks[9], (H, C), C)
    inp['b_g2'] = jnp.zeros((H * C,), jnp.float32)
    inp['W_l2'] = p(ks[10], (HID, HID), HID)
    inp['b_l2'] = jnp.zeros((HID,), jnp.float32)
    inp['W_fc'] = p(ks[11], (3 * HID, 16), 3 * HID)
    inp['b_fc'] = jnp.zeros((16,), jnp.float32)
    inp['W_out'] = p(ks[12], (16, 1), 16)
    inp['b_out'] = jnp.zeros((1,), jnp.float32)
    return inp


def reference(x, edge_index, W_line, b_line, W_g1, a_src1, a_dst1, b_g1, W_l1, b_l1,
              W_g2, a_src2, a_dst2, b_g2, W_l2, b_l2, W_fc, b_fc, W_out, b_out):
    return _net(x, edge_index, W_line, b_line, W_g1, a_src1, a_dst1, b_g1, W_l1, b_l1,
                W_g2, a_src2, a_dst2, b_g2, W_l2, b_l2, W_fc, b_fc, W_out, b_out)

if __name__ == "__main__":
    import jax
    _d = setup_inputs()
    print(jax.jit(kernel)(*tuple(_d.values())))

</pallas_src>

<mosaic_0001>
module attributes {stable_mosaic.version = 14 : i64} {
  func.func @_dense1_body(%arg0: i32, %arg1: memref<400x1346xf32, #tpu.memory_space<vmem>>, %arg2: memref<1346x32xf32, #tpu.memory_space<vmem>>, %arg3: memref<1x32xf32, #tpu.memory_space<vmem>>, %arg4: memref<32x32xf32, #tpu.memory_space<vmem>>, %arg5: memref<32x16xf32, #tpu.memory_space<vmem>>, %arg6: memref<32x16xf32, #tpu.memory_space<vmem>>, %arg7: memref<32x32xf32, #tpu.memory_space<vmem>>, %arg8: memref<1x32xf32, #tpu.memory_space<vmem>>, %arg9: memref<400x32xf32, #tpu.memory_space<vmem>>, %arg10: memref<400x32xf32, #tpu.memory_space<vmem>>, %arg11: memref<400x16xf32, #tpu.memory_space<vmem>>, %arg12: memref<400x16xf32, #tpu.memory_space<vmem>>, %arg13: memref<400x32xf32, #tpu.memory_space<vmem>>) attributes {dimension_semantics = [#tpu.dimension_semantics<arbitrary>], iteration_bounds = array<i64: 125>, scalar_prefetch = 0 : i64, scratch_operands = 0 : i64, tpu.core_type = #tpu.core_type<tc>, window_params = [{transform_indices = @transform_0, window_bounds = array<i64: 400, 1346>}, {pipeline_mode = #tpu.pipeline_mode<synchronous>, transform_indices = @transform_1, window_bounds = array<i64: 1346, 32>}, {pipeline_mode = #tpu.pipeline_mode<synchronous>, transform_indices = @transform_2, window_bounds = array<i64: 1, 32>}, {pipeline_mode = #tpu.pipeline_mode<synchronous>, transform_indices = @transform_3, window_bounds = array<i64: 32, 32>}, {pipeline_mode = #tpu.pipeline_mode<synchronous>, transform_indices = @transform_4, window_bounds = array<i64: 32, 16>}, {pipeline_mode = #tpu.pipeline_mode<synchronous>, transform_indices = @transform_5, window_bounds = array<i64: 32, 16>}, {pipeline_mode = #tpu.pipeline_mode<synchronous>, transform_indices = @transform_6, window_bounds = array<i64: 32, 32>}, {pipeline_mode = #tpu.pipeline_mode<synchronous>, transform_indices = @transform_7, window_bounds = array<i64: 1, 32>}, {transform_indices = @transform_8, window_bounds = array<i64: 400, 32>}, {transform_indices = @transform_9, window_bounds = array<i64: 400, 32>}, {transform_indices = @transform_10, window_bounds = array<i64: 400, 16>}, {transform_indices = @transform_11, window_bounds = array<i64: 400, 16>}, {transform_indices = @transform_12, window_bounds = array<i64: 400, 32>}]} {
    %get3A = arith.constant 0 : index
    %get3A_0 = arith.constant 0 : index
    %get3A_1 = vector.load %arg1[%get3A, %get3A_0] : memref<400x1346xf32, #tpu.memory_space<vmem>>, vector<400x1346xf32>
    %get3A_2 = arith.constant 0 : index
    %get3A_3 = arith.constant 0 : index
    %get3A_4 = vector.load %arg2[%get3A_2, %get3A_3] : memref<1346x32xf32, #tpu.memory_space<vmem>>, vector<1346x32xf32>
    %dot_general3A = arith.constant dense<0.000000e+00> : vector<400x32xf32>
    %dot_general3A_5 = tpu.matmul %get3A_1, %get3A_4, %dot_general3A {dimension_numbers = #tpu.dot_dimension_numbers<[1], [0], [0], [1], [0, 0, 1, 1], [], []>, transpose_lhs_hint = false} : vector<400x1346xf32>, vector<1346x32xf32>, vector<400x32xf32> -> vector<400x32xf32>
    %get3A_6 = arith.constant 0 : index
    %get3A_7 = arith.constant 0 : index
    %get3A_8 = vector.load %arg3[%get3A_6, %get3A_7] : memref<1x32xf32, #tpu.memory_space<vmem>>, vector<1x32xf32>
    %add3A = vector.broadcast %get3A_8 : vector<1x32xf32> to vector<400x32xf32>
    %add3A_9 = arith.addf %dot_general3A_5, %add3A : vector<400x32xf32>
    %max3A = arith.constant 0.000000e+00 : f32
    %max3A_10 = vector.broadcast %max3A : f32 to vector<400x32xf32>
    %max3A_11 = arith.maximumf %add3A_9, %max3A_10 : vector<400x32xf32>
    %get3A_12 = arith.constant 0 : index
    %get3A_13 = arith.constant 0 : index
    %get3A_14 = vector.load %arg4[%get3A_12, %get3A_13] : memref<32x32xf32, #tpu.memory_space<vmem>>, vector<32x32xf32>
    %dot_general3A_15 = arith.constant dense<0.000000e+00> : vector<400x32xf32>
    %dot_general3A_16 = tpu.matmul %max3A_11, %get3A_14, %dot_general3A_15 {dimension_numbers = #tpu.dot_dimension_numbers<[1], [0], [0], [1], [0, 0, 1, 1], [], []>, transpose_lhs_hint = false} : vector<400x32xf32>, vector<32x32xf32>, vector<400x32xf32> -> vector<400x32xf32>
    %swap3A = arith.constant 0 : index
    %swap3A_17 = arith.constant 0 : index
    %swap3A_18 = vector.load %arg9[%swap3A, %swap3A_17] : memref<400x32xf32, #tpu.memory_space<vmem>>, vector<400x32xf32>
    tpu.vector_store %arg9[%swap3A, %swap3A_17], %max3A_11 {strides = array<i32>} : memref<400x32xf32, #tpu.memory_space<vmem>>, vector<400x32xf32>,
    %swap3A_19 = arith.constant 0 : index
    %swap3A_20 = arith.constant 0 : index
    %swap3A_21 = vector.load %arg10[%swap3A_19, %swap3A_20] : memref<400x32xf32, #tpu.memory_space<vmem>>, vector<400x32xf32>
    tpu.vector_store %arg10[%swap3A_19, %swap3A_20], %dot_general3A_16 {strides = array<i32>} : memref<400x32xf32, #tpu.memory_space<vmem>>, vector<400x32xf32>,
    %get3A_22 = arith.constant 0 : index
    %get3A_23 = arith.constant 0 : index
    %get3A_24 = vector.load %arg5[%get3A_22, %get3A_23] : memref<32x16xf32, #tpu.memory_space<vmem>>, vector<32x16xf32>
    %dot_general3A_25 = arith.constant dense<0.000000e+00> : vector<400x16xf32>
    %dot_general3A_26 = tpu.matmul %dot_general3A_16, %get3A_24, %dot_general3A_25 {dimension_numbers = #tpu.dot_dimension_numbers<[1], [0], [0], [1], [0, 0, 1, 1], [], []>, transpose_lhs_hint = false} : vector<400x32xf32>, vector<32x16xf32>, vector<400x16xf32> -> vector<400x16xf32>
    %swap3A_27 = arith.constant 0 : index
    %swap3A_28 = arith.constant 0 : index
    %swap3A_29 = vector.load %arg11[%swap3A_27, %swap3A_28] : memref<400x16xf32, #tpu.memory_space<vmem>>, vector<400x16xf32>
    tpu.vector_store %arg11[%swap3A_27, %swap3A_28], %dot_general3A_26 {strides = array<i32>} : memref<400x16xf32, #tpu.memory_space<vmem>>, vector<400x16xf32>,
    %get3A_30 = arith.constant 0 : index
    %get3A_31 = arith.constant 0 : index
    %get3A_32 = vector.load %arg6[%get3A_30, %get3A_31] : memref<32x16xf32, #tpu.memory_space<vmem>>, vector<32x16xf32>
    %dot_general3A_33 = arith.constant dense<0.000000e+00> : vector<400x16xf32>
    %dot_general3A_34 = tpu.matmul %dot_general3A_16, %get3A_32, %dot_general3A_33 {dimension_numbers = #tpu.dot_dimension_numbers<[1], [0], [0], [1], [0, 0, 1, 1], [], []>, transpose_lhs_hint = false} : vector<400x32xf32>, vector<32x16xf32>, vector<400x16xf32> -> vector<400x16xf32>
    %swap3A_35 = arith.constant 0 : index
    %swap3A_36 = arith.constant 0 : index
    %swap3A_37 = vector.load %arg12[%swap3A_35, %swap3A_36] : memref<400x16xf32, #tpu.memory_space<vmem>>, vector<400x16xf32>
    tpu.vector_store %arg12[%swap3A_35, %swap3A_36], %dot_general3A_34 {strides = array<i32>} : memref<400x16xf32, #tpu.memory_space<vmem>>, vector<400x16xf32>,
    %get3A_38 = arith.constant 0 : index
    %get3A_39 = arith.constant 0 : index
    %get3A_40 = vector.load %arg7[%get3A_38, %get3A_39] : memref<32x32xf32, #tpu.memory_space<vmem>>, vector<32x32xf32>
    %dot_general3A_41 = arith.constant dense<0.000000e+00> : vector<400x32xf32>
    %dot_general3A_42 = tpu.matmul %max3A_11, %get3A_40, %dot_general3A_41 {dimension_numbers = #tpu.dot_dimension_numbers<[1], [0], [0], [1], [0, 0, 1, 1], [], []>, transpose_lhs_hint = false} : vector<400x32xf32>, vector<32x32xf32>, vector<400x32xf32> -> vector<400x32xf32>
    %get3A_43 = arith.constant 0 : index
    %get3A_44 = arith.constant 0 : index
    %get3A_45 = vector.load %arg8[%get3A_43, %get3A_44] : memref<1x32xf32, #tpu.memory_space<vmem>>, vector<1x32xf32>
    %add3A_46 = vector.broadcast %get3A_45 : vector<1x32xf32> to vector<400x32xf32>
    %add3A_47 = arith.addf %dot_general3A_42, %add3A_46 : vector<400x32xf32>
    %swap3A_48 = arith.constant 0 : index
    %swap3A_49 = arith.constant 0 : index
    %swap3A_50 = vector.load %arg13[%swap3A_48, %swap3A_49] : memref<400x32xf32, #tpu.memory_space<vmem>>, vector<400x32xf32>
    tpu.vector_store %arg13[%swap3A_48, %swap3A_49], %add3A_47 {strides = array<i32>} : memref<400x32xf32, #tpu.memory_space<vmem>>, vector<400x32xf32>,
    return
  }
  func.func @transform_0(%arg0: i32) -> (i32, i32) {
    %c0_i32 = arith.constant 0 : i32
    %c0_i32_0 = arith.constant 0 : i32
    return %arg0, %c0_i32 : i32, i32
  }
  func.func @transform_1(%arg0: i32) -> (i32, i32) {
    %c0_i32 = arith.constant 0 : i32
    %c0_i32_0 = arith.constant 0 : i32
    %c0_i32_1 = arith.constant 0 : i32
    return %c0_i32, %c0_i32_0 : i32, i32
  }
  func.func @transform_2(%arg0: i32) -> (i32, i32) {
    %c0_i32 = arith.constant 0 : i32
    %c0_i32_0 = arith.constant 0 : i32
    %c0_i32_1 = arith.constant 0 : i32
    return %c0_i32, %c0_i32_0 : i32, i32
  }
  func.func @transform_3(%arg0: i32) -> (i32, i32) {
    %c0_i32 = arith.constant 0 : i32
    %c0_i32_0 = arith.constant 0 : i32
    %c0_i32_1 = arith.constant 0 : i32
    return %c0_i32, %c0_i32_0 : i32, i32
  }
  func.func @transform_4(%arg0: i32) -> (i32, i32) {
    %c0_i32 = arith.constant 0 : i32
    %c0_i32_0 = arith.constant 0 : i32
    %c0_i32_1 = arith.constant 0 : i32
    return %c0_i32, %c0_i32_0 : i32, i32
  }
  func.func @transform_5(%arg0: i32) -> (i32, i32) {
    %c0_i32 = arith.constant 0 : i32
    %c0_i32_0 = arith.constant 0 : i32
    %c0_i32_1 = arith.constant 0 : i32
    return %c0_i32, %c0_i32_0 : i32, i32
  }
  func.func @transform_6(%arg0: i32) -> (i32, i32) {
    %c0_i32 = arith.constant 0 : i32
    %c0_i32_0 = arith.constant 0 : i32
    %c0_i32_1 = arith.constant 0 : i32
    return %c0_i32, %c0_i32_0 : i32, i32
  }
  func.func @transform_7(%arg0: i32) -> (i32, i32) {
    %c0_i32 = arith.constant 0 : i32
    %c0_i32_0 = arith.constant 0 : i32
    %c0_i32_1 = arith.constant 0 : i32
    return %c0_i32, %c0_i32_0 : i32, i32
  }
  func.func @transform_8(%arg0: i32) -> (i32, i32) {
    %c0_i32 = arith.constant 0 : i32
    %c0_i32_0 = arith.constant 0 : i32
    return %arg0, %c0_i32 : i32, i32
  }
  func.func @transform_9(%arg0: i32) -> (i32, i32) {
    %c0_i32 = arith.constant 0 : i32
    %c0_i32_0 = arith.constant 0 : i32
    return %arg0, %c0_i32 : i32, i32
  }
  func.func @transform_10(%arg0: i32) -> (i32, i32) {
    %c0_i32 = arith.constant 0 : i32
    %c0_i32_0 = arith.constant 0 : i32
    return %arg0, %c0_i32 : i32, i32
  }
  func.func @transform_11(%arg0: i32) -> (i32, i32) {
    %c0_i32 = arith.constant 0 : i32
    %c0_i32_0 = arith.constant 0 : i32
    return %arg0, %c0_i32 : i32, i32
  }
  func.func @transform_12(%arg0: i32) -> (i32, i32) {
    %c0_i32 = arith.constant 0 : i32
    %c0_i32_0 = arith.constant 0 : i32
    return %arg0, %c0_i32 : i32, i32
  }
}

module attributes {stable_mosaic.version = 14 : i64} {
  func.func @_dense2_body(%arg0: i32, %arg1: memref<400x32xf32, #tpu.memory_space<vmem>>, %arg2: memref<400x16xf32, #tpu.memory_space<vmem>>, %arg3: memref<400x16xf32, #tpu.memory_space<vmem>>, %arg4: memref<400x16xf32, #tpu.memory_space<vmem>>, %arg5: memref<400x32xf32, #tpu.memory_space<vmem>>, %arg6: memref<400x32xf32, #tpu.memory_space<vmem>>, %arg7: memref<1x32xf32, #tpu.memory_space<vmem>>, %arg8: memref<16x32xf32, #tpu.memory_space<vmem>>, %arg9: memref<32x32xf32, #tpu.memory_space<vmem>>, %arg10: memref<32x16xf32, #tpu.memory_space<vmem>>, %arg11: memref<32x16xf32, #tpu.memory_space<vmem>>, %arg12: memref<32x32xf32, #tpu.memory_space<vmem>>, %arg13: memref<1x32xf32, #tpu.memory_space<vmem>>, %arg14: memref<400x32xf32, #tpu.memory_space<vmem>>, %arg15: memref<400x32xf32, #tpu.memory_space<vmem>>, %arg16: memref<400x16xf32, #tpu.memory_space<vmem>>, %arg17: memref<400x16xf32, #tpu.memory_space<vmem>>, %arg18: memref<400x32xf32, #tpu.memory_space<vmem>>) attributes {dimension_semantics = [#tpu.dimension_semantics<arbitrary>], iteration_bounds = array<i64: 125>, scalar_prefetch = 0 : i64, scratch_operands = 0 : i64, tpu.core_type = #tpu.core_type<tc>, window_params = [{transform_indices = @transform_0, window_bounds = array<i64: 400, 32>}, {transform_indices = @transform_1, window_bounds = array<i64: 400, 16>}, {transform_indices = @transform_2, window_bounds = array<i64: 400, 16>}, {transform_indices = @transform_3, window_bounds = array<i64: 400, 16>}, {transform_indices = @transform_4, window_bounds = array<i64: 400, 32>}, {transform_indices = @transform_5, window_bounds = array<i64: 400, 32>}, {pipeline_mode = #tpu.pipeline_mode<synchronous>, transform_indices = @transform_6, window_bounds = array<i64: 1, 32>}, {pipeline_mode = #tpu.pipeline_mode<synchronous>, transform_indices = @transform_7, window_bounds = array<i64: 16, 32>}, {pipeline_mode = #tpu.pipeline_mode<synchronous>, transform_indices = @transform_8, window_bounds = array<i64: 32, 32>}, {pipeline_mode = #tpu.pipeline_mode<synchronous>, transform_indices = @transform_9, window_bounds = array<i64: 32, 16>}, {pipeline_mode = #tpu.pipeline_mode<synchronous>, transform_indices = @transform_10, window_bounds = array<i64: 32, 16>}, {pipeline_mode = #tpu.pipeline_mode<synchronous>, transform_indices = @transform_11, window_bounds = array<i64: 32, 32>}, {pipeline_mode = #tpu.pipeline_mode<synchronous>, transform_indices = @transform_12, window_bounds = array<i64: 1, 32>}, {transform_indices = @transform_13, window_bounds = array<i64: 400, 32>}, {transform_indices = @transform_14, window_bounds = array<i64: 400, 32>}, {transform_indices = @transform_15, window_bounds = array<i64: 400, 16>}, {transform_indices = @transform_16, window_bounds = array<i64: 400, 16>}, {transform_indices = @transform_17, window_bounds = array<i64: 400, 32>}]} {
    %get3A = arith.constant 0 : index
    %get3A_0 = arith.constant 0 : index
    %get3A_1 = vector.load %arg3[%get3A, %get3A_0] : memref<400x16xf32, #tpu.memory_space<vmem>>, vector<400x16xf32>
    %get3A_2 = arith.constant 0 : index
    %get3A_3 = arith.constant 0 : index
    %get3A_4 = vector.load %arg4[%get3A_2, %get3A_3] : memref<400x16xf32, #tpu.memory_space<vmem>>, vector<400x16xf32>
    %add3A = arith.addf %get3A_1, %get3A_4 : vector<400x16xf32>
    %ge3A = arith.constant 0.000000e+00 : f32
    %ge3A_5 = vector.broadcast %ge3A : f32 to vector<400x16xf32>
    %ge3A_6 = arith.cmpf oge, %add3A, %ge3A_5 : vector<400x16xf32>
    %mul3A = arith.constant 2.000000e-01 : f32
    %mul3A_7 = vector.broadcast %mul3A : f32 to vector<400x16xf32>
    %mul3A_8 = arith.mulf %mul3A_7, %add3A : vector<400x16xf32>
    %select_n3A = arith.select %ge3A_6, %add3A, %mul3A_8 : vector<400x16xi1>, vector<400x16xf32>
    %exp3A = math.exp %select_n3A : vector<400x16xf32>
    %get3A_9 = arith.constant 0 : index
    %get3A_10 = arith.constant 0 : index
    %get3A_11 = vector.load %arg2[%get3A_9, %get3A_10] : memref<400x16xf32, #tpu.memory_space<vmem>>, vector<400x16xf32>
    %add3A_12 = arith.addf %get3A_11, %exp3A : vector<400x16xf32>
    %get3A_13 = arith.constant 0 : index
    %get3A_14 = arith.constant 0 : index
    %get3A_15 = vector.load %arg8[%get3A_13, %get3A_14] : memref<16x32xf32, #tpu.memory_space<vmem>>, vector<16x32xf32>
    %dot_general3A = arith.constant dense<0.000000e+00> : vector<400x32xf32>
    %dot_general3A_16 = tpu.matmul %add3A_12, %get3A_15, %dot_general3A {dimension_numbers = #tpu.dot_dimension_numbers<[1], [0], [0], [1], [0, 0, 1, 1], [], []>, transpose_lhs_hint = false} : vector<400x16xf32>, vector<16x32xf32>, vector<400x32xf32> -> vector<400x32xf32>
    %get3A_17 = arith.constant 0 : index
    %get3A_18 = arith.constant 0 : index
    %get3A_19 = vector.load %arg1[%get3A_17, %get3A_18] : memref<400x32xf32, #tpu.memory_space<vmem>>, vector<400x32xf32>
    %get3A_20 = arith.constant 0 : index
    %get3A_21 = arith.constant 0 : index
    %get3A_22 = vector.load %arg8[%get3A_20, %get3A_21] : memref<16x32xf32, #tpu.memory_space<vmem>>, vector<16x32xf32>
    %dot_general3A_23 = arith.constant dense<0.000000e+00> : vector<400x32xf32>
    %dot_general3A_24 = tpu.matmul %exp3A, %get3A_22, %dot_general3A_23 {dimension_numbers = #tpu.dot_dimension_numbers<[1], [0], [0], [1], [0, 0, 1, 1], [], []>, transpose_lhs_hint = false} : vector<400x16xf32>, vector<16x32xf32>, vector<400x32xf32> -> vector<400x32xf32>
    %get3A_25 = arith.constant 0 : index
    %get3A_26 = arith.constant 0 : index
    %get3A_27 = vector.load %arg5[%get3A_25, %get3A_26] : memref<400x32xf32, #tpu.memory_space<vmem>>, vector<400x32xf32>
    %mul3A_28 = arith.mulf %dot_general3A_24, %get3A_27 : vector<400x32xf32>
    %add3A_29 = arith.addf %get3A_19, %mul3A_28 : vector<400x32xf32>
    %div3A = arith.divf %add3A_29, %dot_general3A_16 : vector<400x32xf32>
    %get3A_30 = arith.constant 0 : index
    %get3A_31 = arith.constant 0 : index
    %get3A_32 = vector.load %arg7[%get3A_30, %get3A_31] : memref<1x32xf32, #tpu.memory_space<vmem>>, vector<1x32xf32>
    %add3A_33 = vector.broadcast %get3A_32 : vector<1x32xf32> to vector<400x32xf32>
    %add3A_34 = arith.addf %div3A, %add3A_33 : vector<400x32xf32>
    %get3A_35 = arith.constant 0 : index
    %get3A_36 = arith.constant 0 : index
    %get3A_37 = vector.load %arg6[%get3A_35, %get3A_36] : memref<400x32xf32, #tpu.memory_space<vmem>>, vector<400x32xf32>
    %add3A_38 = arith.addf %add3A_34, %get3A_37 : vector<400x32xf32>
    %gt3A = arith.constant 0.000000e+00 : f32
    %gt3A_39 = vector.broadcast %gt3A : f32 to vector<400x32xf32>
    %gt3A_40 = arith.cmpf ogt, %add3A_38, %gt3A_39 : vector<400x32xf32>
    %min3A = arith.constant 0.000000e+00 : f32
    %min3A_41 = vector.broadcast %min3A : f32 to vector<400x32xf32>
    %min3A_42 = arith.minimumf %add3A_38, %min3A_41 : vector<400x32xf32>
    %exp3A_43 = math.exp %min3A_42 : vector<400x32xf32>
    %sub3A = arith.constant 1.000000e+00 : f32
    %sub3A_44 = vector.broadcast %sub3A : f32 to vector<400x32xf32>
    %sub3A_45 = arith.subf %exp3A_43, %sub3A_44 : vector<400x32xf32>
    %select_n3A_46 = arith.select %gt3A_40, %add3A_38, %sub3A_45 : vector<400x32xi1>, vector<400x32xf32>
    %get3A_47 = arith.constant 0 : index
    %get3A_48 = arith.constant 0 : index
    %get3A_49 = vector.load %arg9[%get3A_47, %get3A_48] : memref<32x32xf32, #tpu.memory_space<vmem>>, vector<32x32xf32>
    %dot_general3A_50 = arith.constant dense<0.000000e+00> : vector<400x32xf32>
    %dot_general3A_51 = tpu.matmul %select_n3A_46, %get3A_49, %dot_general3A_50 {dimension_numbers = #tpu.dot_dimension_numbers<[1], [0], [0], [1], [0, 0, 1, 1], [], []>, transpose_lhs_hint = false} : vector<400x32xf32>, vector<32x32xf32>, vector<400x32xf32> -> vector<400x32xf32>
    %swap3A = arith.constant 0 : index
    %swap3A_52 = arith.constant 0 : index
    %swap3A_53 = vector.load %arg14[%swap3A, %swap3A_52] : memref<400x32xf32, #tpu.memory_space<vmem>>, vector<400x32xf32>
    tpu.vector_store %arg14[%swap3A, %swap3A_52], %select_n3A_46 {strides = array<i32>} : memref<400x32xf32, #tpu.memory_space<vmem>>, vector<400x32xf32>,
    %swap3A_54 = arith.constant 0 : index
    %swap3A_55 = arith.constant 0 : index
    %swap3A_56 = vector.load %arg15[%swap3A_54, %swap3A_55] : memref<400x32xf32, #tpu.memory_space<vmem>>, vector<400x32xf32>
    tpu.vector_store %arg15[%swap3A_54, %swap3A_55], %dot_general3A_51 {strides = array<i32>} : memref<400x32xf32, #tpu.memory_space<vmem>>, vector<400x32xf32>,
    %get3A_57 = arith.constant 0 : index
    %get3A_58 = arith.constant 0 : index
    %get3A_59 = vector.load %arg10[%get3A_57, %get3A_58] : memref<32x16xf32, #tpu.memory_space<vmem>>, vector<32x16xf32>
    %dot_general3A_60 = arith.constant dense<0.000000e+00> : vector<400x16xf32>
    %dot_general3A_61 = tpu.matmul %dot_general3A_51, %get3A_59, %dot_general3A_60 {dimension_numbers = #tpu.dot_dimension_numbers<[1], [0], [0], [1], [0, 0, 1, 1], [], []>, transpose_lhs_hint = false} : vector<400x32xf32>, vector<32x16xf32>, vector<400x16xf32> -> vector<400x16xf32>
    %swap3A_62 = arith.constant 0 : index
    %swap3A_63 = arith.constant 0 : index
    %swap3A_64 = vector.load %arg16[%swap3A_62, %swap3A_63] : memref<400x16xf32, #tpu.memory_space<vmem>>, vector<400x16xf32>
    tpu.vector_store %arg16[%swap3A_62, %swap3A_63], %dot_general3A_61 {strides = array<i32>} : memref<400x16xf32, #tpu.memory_space<vmem>>, vector<400x16xf32>,
    %get3A_65 = arith.constant 0 : index
    %get3A_66 = arith.constant 0 : index
    %get3A_67 = vector.load %arg11[%get3A_65, %get3A_66] : memref<32x16xf32, #tpu.memory_space<vmem>>, vector<32x16xf32>
    %dot_general3A_68 = arith.constant dense<0.000000e+00> : vector<400x16xf32>
    %dot_general3A_69 = tpu.matmul %dot_general3A_51, %get3A_67, %dot_general3A_68 {dimension_numbers = #tpu.dot_dimension_numbers<[1], [0], [0], [1], [0, 0, 1, 1], [], []>, transpose_lhs_hint = false} : vector<400x32xf32>, vector<32x16xf32>, vector<400x16xf32> -> vector<400x16xf32>
    %swap3A_70 = arith.constant 0 : index
    %swap3A_71 = arith.constant 0 : index
    %swap3A_72 = vector.load %arg17[%swap3A_70, %swap3A_71] : memref<400x16xf32, #tpu.memory_space<vmem>>, vector<400x16xf32>
    tpu.vector_store %arg17[%swap3A_70, %swap3A_71], %dot_general3A_69 {strides = array<i32>} : memref<400x16xf32, #tpu.memory_space<vmem>>, vector<400x16xf32>,
    %get3A_73 = arith.constant 0 : index
    %get3A_74 = arith.constant 0 : index
    %get3A_75 = vector.load %arg12[%get3A_73, %get3A_74] : memref<32x32xf32, #tpu.memory_space<vmem>>, vector<32x32xf32>
    %dot_general3A_76 = arith.constant dense<0.000000e+00> : vector<400x32xf32>
    %dot_general3A_77 = tpu.matmul %select_n3A_46, %get3A_75, %dot_general3A_76 {dimension_numbers = #tpu.dot_dimension_numbers<[1], [0], [0], [1], [0, 0, 1, 1], [], []>, transpose_lhs_hint = false} : vector<400x32xf32>, vector<32x32xf32>, vector<400x32xf32> -> vector<400x32xf32>
    %get3A_78 = arith.constant 0 : index
    %get3A_79 = arith.constant 0 : index
    %get3A_80 = vector.load %arg13[%get3A_78, %get3A_79] : memref<1x32xf32, #tpu.memory_space<vmem>>, vector<1x32xf32>
    %add3A_81 = vector.broadcast %get3A_80 : vector<1x32xf32> to vector<400x32xf32>
    %add3A_82 = arith.addf %dot_general3A_77, %add3A_81 : vector<400x32xf32>
    %swap3A_83 = arith.constant 0 : index
    %swap3A_84 = arith.constant 0 : index
    %swap3A_85 = vector.load %arg18[%swap3A_83, %swap3A_84] : memref<400x32xf32, #tpu.memory_space<vmem>>, vector<400x32xf32>
    tpu.vector_store %arg18[%swap3A_83, %swap3A_84], %add3A_82 {strides = array<i32>} : memref<400x32xf32, #tpu.memory_space<vmem>>, vector<400x32xf32>,
    return
  }
  func.func @transform_0(%arg0: i32) -> (i32, i32) {
    %c0_i32 = arith.constant 0 : i32
    %c0_i32_0 = arith.constant 0 : i32
    return %arg0, %c0_i32 : i32, i32
  }
  func.func @transform_1(%arg0: i32) -> (i32, i32) {
    %c0_i32 = arith.constant 0 : i32
    %c0_i32_0 = arith.constant 0 : i32
    return %arg0, %c0_i32 : i32, i32
  }
  func.func @transform_2(%arg0: i32) -> (i32, i32) {
    %c0_i32 = arith.constant 0 : i32
    %c0_i32_0 = arith.constant 0 : i32
    return %arg0, %c0_i32 : i32, i32
  }
  func.func @transform_3(%arg0: i32) -> (i32, i32) {
    %c0_i32 = arith.constant 0 : i32
    %c0_i32_0 = arith.constant 0 : i32
    return %arg0, %c0_i32 : i32, i32
  }
  func.func @transform_4(%arg0: i32) -> (i32, i32) {
    %c0_i32 = arith.constant 0 : i32
    %c0_i32_0 = arith.constant 0 : i32
    return %arg0, %c0_i32 : i32, i32
  }
  func.func @transform_5(%arg0: i32) -> (i32, i32) {
    %c0_i32 = arith.constant 0 : i32
    %c0_i32_0 = arith.constant 0 : i32
    return %arg0, %c0_i32 : i32, i32
  }
  func.func @transform_6(%arg0: i32) -> (i32, i32) {
    %c0_i32 = arith.constant 0 : i32
    %c0_i32_0 = arith.constant 0 : i32
    %c0_i32_1 = arith.constant 0 : i32
    return %c0_i32, %c0_i32_0 : i32, i32
  }
  func.func @transform_7(%arg0: i32) -> (i32, i32) {
    %c0_i32 = arith.constant 0 : i32
    %c0_i32_0 = arith.constant 0 : i32
    %c0_i32_1 = arith.constant 0 : i32
    return %c0_i32, %c0_i32_0 : i32, i32
  }
  func.func @transform_8(%arg0: i32) -> (i32, i32) {
    %c0_i32 = arith.constant 0 : i32
    %c0_i32_0 = arith.constant 0 : i32
    %c0_i32_1 = arith.constant 0 : i32
    return %c0_i32, %c0_i32_0 : i32, i32
  }
  func.func @transform_9(%arg0: i32) -> (i32, i32) {
    %c0_i32 = arith.constant 0 : i32
    %c0_i32_0 = arith.constant 0 : i32
    %c0_i32_1 = arith.constant 0 : i32
    return %c0_i32, %c0_i32_0 : i32, i32
  }
  func.func @transform_10(%arg0: i32) -> (i32, i32) {
    %c0_i32 = arith.constant 0 : i32
    %c0_i32_0 = arith.constant 0 : i32
    %c0_i32_1 = arith.constant 0 : i32
    return %c0_i32, %c0_i32_0 : i32, i32
  }
  func.func @transform_11(%arg0: i32) -> (i32, i32) {
    %c0_i32 = arith.constant 0 : i32
    %c0_i32_0 = arith.constant 0 : i32
    %c0_i32_1 = arith.constant 0 : i32
    return %c0_i32, %c0_i32_0 : i32, i32
  }
  func.func @transform_12(%arg0: i32) -> (i32, i32) {
    %c0_i32 = arith.constant 0 : i32
    %c0_i32_0 = arith.constant 0 : i32
    %c0_i32_1 = arith.constant 0 : i32
    return %c0_i32, %c0_i32_0 : i32, i32
  }
  func.func @transform_13(%arg0: i32) -> (i32, i32) {
    %c0_i32 = arith.constant 0 : i32
    %c0_i32_0 = arith.constant 0 : i32
    return %arg0, %c0_i32 : i32, i32
  }
  func.func @transform_14(%arg0: i32) -> (i32, i32) {
    %c0_i32 = arith.constant 0 : i32
    %c0_i32_0 = arith.constant 0 : i32
    return %arg0, %c0_i32 : i32, i32
  }
  func.func @transform_15(%arg0: i32) -> (i32, i32) {
    %c0_i32 = arith.constant 0 : i32
    %c0_i32_0 = arith.constant 0 : i32
    return %arg0, %c0_i32 : i32, i32
  }
  func.func @transform_16(%arg0: i32) -> (i32, i32) {
    %c0_i32 = arith.constant 0 : i32
    %c0_i32_0 = arith.constant 0 : i32
    return %arg0, %c0_i32 : i32, i32
  }
  func.func @transform_17(%arg0: i32) -> (i32, i32) {
    %c0_i32 = arith.constant 0 : i32
    %c0_i32_0 = arith.constant 0 : i32
    return %arg0, %c0_i32 : i32, i32
  }
}

module attributes {stable_mosaic.version = 14 : i64} {
  func.func @_dense3_body(%arg0: i32, %arg1: memref<400x32xf32, #tpu.memory_space<vmem>>, %arg2: memref<400x32xf32, #tpu.memory_space<vmem>>, %arg3: memref<400x32xf32, #tpu.memory_space<vmem>>, %arg4: memref<400x16xf32, #tpu.memory_space<vmem>>, %arg5: memref<400x16xf32, #tpu.memory_space<vmem>>, %arg6: memref<400x16xf32, #tpu.memory_space<vmem>>, %arg7: memref<400x32xf32, #tpu.memory_space<vmem>>, %arg8: memref<400x32xf32, #tpu.memory_space<vmem>>, %arg9: memref<1x32xf32, #tpu.memory_space<vmem>>, %arg10: memref<16x32xf32, #tpu.memory_space<vmem>>, %arg11: memref<32x16xf32, #tpu.memory_space<vmem>>, %arg12: memref<32x16xf32, #tpu.memory_space<vmem>>, %arg13: memref<32x16xf32, #tpu.memory_space<vmem>>, %arg14: memref<1x16xf32, #tpu.memory_space<vmem>>, %arg15: memref<16x1xf32, #tpu.memory_space<vmem>>, %arg16: memref<1x1xf32, #tpu.memory_space<vmem>>, %arg17: memref<400x1xf32, #tpu.memory_space<vmem>>) attributes {dimension_semantics = [#tpu.dimension_semantics<arbitrary>], iteration_bounds = array<i64: 125>, scalar_prefetch = 0 : i64, scratch_operands = 0 : i64, tpu.core_type = #tpu.core_type<tc>, window_params = [{transform_indices = @transform_0, window_bounds = array<i64: 400, 32>}, {transform_indices = @transform_1, window_bounds = array<i64: 400, 32>}, {transform_indices = @transform_2, window_bounds = array<i64: 400, 32>}, {transform_indices = @transform_3, window_bounds = array<i64: 400, 16>}, {transform_indices = @transform_4, window_bounds = array<i64: 400, 16>}, {transform_indices = @transform_5, window_bounds = array<i64: 400, 16>}, {transform_indices = @transform_6, window_bounds = array<i64: 400, 32>}, {transform_indices = @transform_7, window_bounds = array<i64: 400, 32>}, {pipeline_mode = #tpu.pipeline_mode<synchronous>, transform_indices = @transform_8, window_bounds = array<i64: 1, 32>}, {pipeline_mode = #tpu.pipeline_mode<synchronous>, transform_indices = @transform_9, window_bounds = array<i64: 16, 32>}, {pipeline_mode = #tpu.pipeline_mode<synchronous>, transform_indices = @transform_10, window_bounds = array<i64: 32, 16>}, {pipeline_mode = #tpu.pipeline_mode<synchronous>, transform_indices = @transform_11, window_bounds = array<i64: 32, 16>}, {pipeline_mode = #tpu.pipeline_mode<synchronous>, transform_indices = @transform_12, window_bounds = array<i64: 32, 16>}, {pipeline_mode = #tpu.pipeline_mode<synchronous>, transform_indices = @transform_13, window_bounds = array<i64: 1, 16>}, {pipeline_mode = #tpu.pipeline_mode<synchronous>, transform_indices = @transform_14, window_bounds = array<i64: 16, 1>}, {pipeline_mode = #tpu.pipeline_mode<synchronous>, transform_indices = @transform_15, window_bounds = array<i64: 1, 1>}, {transform_indices = @transform_16, window_bounds = array<i64: 400, 1>}]} {
    %get3A = arith.constant 0 : index
    %get3A_0 = arith.constant 0 : index
    %get3A_1 = vector.load %arg5[%get3A, %get3A_0] : memref<400x16xf32, #tpu.memory_space<vmem>>, vector<400x16xf32>
    %get3A_2 = arith.constant 0 : index
    %get3A_3 = arith.constant 0 : index
    %get3A_4 = vector.load %arg6[%get3A_2, %get3A_3] : memref<400x16xf32, #tpu.memory_space<vmem>>, vector<400x16xf32>
    %add3A = arith.addf %get3A_1, %get3A_4 : vector<400x16xf32>
    %ge3A = arith.constant 0.000000e+00 : f32
    %ge3A_5 = vector.broadcast %ge3A : f32 to vector<400x16xf32>
    %ge3A_6 = arith.cmpf oge, %add3A, %ge3A_5 : vector<400x16xf32>
    %mul3A = arith.constant 2.000000e-01 : f32
    %mul3A_7 = vector.broadcast %mul3A : f32 to vector<400x16xf32>
    %mul3A_8 = arith.mulf %mul3A_7, %add3A : vector<400x16xf32>
    %select_n3A = arith.select %ge3A_6, %add3A, %mul3A_8 : vector<400x16xi1>, vector<400x16xf32>
    %exp3A = math.exp %select_n3A : vector<400x16xf32>
    %get3A_9 = arith.constant 0 : index
    %get3A_10 = arith.constant 0 : index
    %get3A_11 = vector.load %arg4[%get3A_9, %get3A_10] : memref<400x16xf32, #tpu.memory_space<vmem>>, vector<400x16xf32>
    %add3A_12 = arith.addf %get3A_11, %exp3A : vector<400x16xf32>
    %get3A_13 = arith.constant 0 : index
    %get3A_14 = arith.constant 0 : index
    %get3A_15 = vector.load %arg10[%get3A_13, %get3A_14] : memref<16x32xf32, #tpu.memory_space<vmem>>, vector<16x32xf32>
    %dot_general3A = arith.constant dense<0.000000e+00> : vector<400x32xf32>
    %dot_general3A_16 = tpu.matmul %add3A_12, %get3A_15, %dot_general3A {dimension_numbers = #tpu.dot_dimension_numbers<[1], [0], [0], [1], [0, 0, 1, 1], [], []>, transpose_lhs_hint = false} : vector<400x16xf32>, vector<16x32xf32>, vector<400x32xf32> -> vector<400x32xf32>
    %get3A_17 = arith.constant 0 : index
    %get3A_18 = arith.constant 0 : index
    %get3A_19 = vector.load %arg3[%get3A_17, %get3A_18] : memref<400x32xf32, #tpu.memory_space<vmem>>, vector<400x32xf32>
    %get3A_20 = arith.constant 0 : index
    %get3A_21 = arith.constant 0 : index
    %get3A_22 = vector.load %arg10[%get3A_20, %get3A_21] : memref<16x32xf32, #tpu.memory_space<vmem>>, vector<16x32xf32>
    %dot_general3A_23 = arith.constant dense<0.000000e+00> : vector<400x32xf32>
    %dot_general3A_24 = tpu.matmul %exp3A, %get3A_22, %dot_general3A_23 {dimension_numbers = #tpu.dot_dimension_numbers<[1], [0], [0], [1], [0, 0, 1, 1], [], []>, transpose_lhs_hint = false} : vector<400x16xf32>, vector<16x32xf32>, vector<400x32xf32> -> vector<400x32xf32>
    %get3A_25 = arith.constant 0 : index
    %get3A_26 = arith.constant 0 : index
    %get3A_27 = vector.load %arg7[%get3A_25, %get3A_26] : memref<400x32xf32, #tpu.memory_space<vmem>>, vector<400x32xf32>
    %mul3A_28 = arith.mulf %dot_general3A_24, %get3A_27 : vector<400x32xf32>
    %add3A_29 = arith.addf %get3A_19, %mul3A_28 : vector<400x32xf32>
    %div3A = arith.divf %add3A_29, %dot_general3A_16 : vector<400x32xf32>
    %get3A_30 = arith.constant 0 : index
    %get3A_31 = arith.constant 0 : index
    %get3A_32 = vector.load %arg9[%get3A_30, %get3A_31] : memref<1x32xf32, #tpu.memory_space<vmem>>, vector<1x32xf32>
    %add3A_33 = vector.broadcast %get3A_32 : vector<1x32xf32> to vector<400x32xf32>
    %add3A_34 = arith.addf %div3A, %add3A_33 : vector<400x32xf32>
    %get3A_35 = arith.constant 0 : index
    %get3A_36 = arith.constant 0 : index
    %get3A_37 = vector.load %arg8[%get3A_35, %get3A_36] : memref<400x32xf32, #tpu.memory_space<vmem>>, vector<400x32xf32>
    %add3A_38 = arith.addf %add3A_34, %get3A_37 : vector<400x32xf32>
    %gt3A = arith.constant 0.000000e+00 : f32
    %gt3A_39 = vector.broadcast %gt3A : f32 to vector<400x32xf32>
    %gt3A_40 = arith.cmpf ogt, %add3A_38, %gt3A_39 : vector<400x32xf32>
    %min3A = arith.constant 0.000000e+00 : f32
    %min3A_41 = vector.broadcast %min3A : f32 to vector<400x32xf32>
    %min3A_42 = arith.minimumf %add3A_38, %min3A_41 : vector<400x32xf32>
    %exp3A_43 = math.exp %min3A_42 : vector<400x32xf32>
    %sub3A = arith.constant 1.000000e+00 : f32
    %sub3A_44 = vector.broadcast %sub3A : f32 to vector<400x32xf32>
    %sub3A_45 = arith.subf %exp3A_43, %sub3A_44 : vector<400x32xf32>
    %select_n3A_46 = arith.select %gt3A_40, %add3A_38, %sub3A_45 : vector<400x32xi1>, vector<400x32xf32>
    %get3A_47 = arith.constant 0 : index
    %get3A_48 = arith.constant 0 : index
    %get3A_49 = vector.load %arg1[%get3A_47, %get3A_48] : memref<400x32xf32, #tpu.memory_space<vmem>>, vector<400x32xf32>
    %get3A_50 = arith.constant 0 : index
    %get3A_51 = arith.constant 0 : index
    %get3A_52 = vector.load %arg11[%get3A_50, %get3A_51] : memref<32x16xf32, #tpu.memory_space<vmem>>, vector<32x16xf32>
    %dot_general3A_53 = arith.constant dense<0.000000e+00> : vector<400x16xf32>
    %dot_general3A_54 = tpu.matmul %get3A_49, %get3A_52, %dot_general3A_53 {dimension_numbers = #tpu.dot_dimension_numbers<[1], [0], [0], [1], [0, 0, 1, 1], [], []>, transpose_lhs_hint = false} : vector<400x32xf32>, vector<32x16xf32>, vector<400x16xf32> -> vector<400x16xf32>
    %get3A_55 = arith.constant 0 : index
    %get3A_56 = arith.constant 0 : index
    %get3A_57 = vector.load %arg2[%get3A_55, %get3A_56] : memref<400x32xf32, #tpu.memory_space<vmem>>, vector<400x32xf32>
    %get3A_58 = arith.constant 0 : index
    %get3A_59 = arith.constant 0 : index
    %get3A_60 = vector.load %arg12[%get3A_58, %get3A_59] : memref<32x16xf32, #tpu.memory_space<vmem>>, vector<32x16xf32>
    %dot_general3A_61 = arith.constant dense<0.000000e+00> : vector<400x16xf32>
    %dot_general3A_62 = tpu.matmul %get3A_57, %get3A_60, %dot_general3A_61 {dimension_numbers = #tpu.dot_dimension_numbers<[1], [0], [0], [1], [0, 0, 1, 1], [], []>, transpose_lhs_hint = false} : vector<400x32xf32>, vector<32x16xf32>, vector<400x16xf32> -> vector<400x16xf32>
    %add3A_63 = arith.addf %dot_general3A_54, %dot_general3A_62 : vector<400x16xf32>
    %get3A_64 = arith.constant 0 : index
    %get3A_65 = arith.constant 0 : index
    %get3A_66 = vector.load %arg13[%get3A_64, %get3A_65] : memref<32x16xf32, #tpu.memory_space<vmem>>, vector<32x16xf32>
    %dot_general3A_67 = arith.constant dense<0.000000e+00> : vector<400x16xf32>
    %dot_general3A_68 = tpu.matmul %select_n3A_46, %get3A_66, %dot_general3A_67 {dimension_numbers = #tpu.dot_dimension_numbers<[1], [0], [0], [1], [0, 0, 1, 1], [], []>, transpose_lhs_hint = false} : vector<400x32xf32>, vector<32x16xf32>, vector<400x16xf32> -> vector<400x16xf32>
    %add3A_69 = arith.addf %add3A_63, %dot_general3A_68 : vector<400x16xf32>
    %get3A_70 = arith.constant 0 : index
    %get3A_71 = arith.constant 0 : index
    %get3A_72 = vector.load %arg14[%get3A_70, %get3A_71] : memref<1x16xf32, #tpu.memory_space<vmem>>, vector<1x16xf32>
    %add3A_73 = vector.broadcast %get3A_72 : vector<1x16xf32> to vector<400x16xf32>
    %add3A_74 = arith.addf %add3A_69, %add3A_73 : vector<400x16xf32>
    %max3A = arith.constant 0.000000e+00 : f32
    %max3A_75 = vector.broadcast %max3A : f32 to vector<400x16xf32>
    %max3A_76 = arith.maximumf %add3A_74, %max3A_75 : vector<400x16xf32>
    %get3A_77 = arith.constant 0 : index
    %get3A_78 = arith.constant 0 : index
    %get3A_79 = vector.load %arg15[%get3A_77, %get3A_78] : memref<16x1xf32, #tpu.memory_space<vmem>>, vector<16x1xf32>
    %dot_general3A_80 = arith.constant dense<0.000000e+00> : vector<400x1xf32>
    %dot_general3A_81 = tpu.matmul %max3A_76, %get3A_79, %dot_general3A_80 {dimension_numbers = #tpu.dot_dimension_numbers<[1], [0], [0], [1], [0, 0, 1, 1], [], []>, transpose_lhs_hint = false} : vector<400x16xf32>, vector<16x1xf32>, vector<400x1xf32> -> vector<400x1xf32>
    %get3A_82 = arith.constant 0 : index
    %get3A_83 = arith.constant 0 : index
    %get3A_84 = vector.load %arg16[%get3A_82, %get3A_83] : memref<1x1xf32, #tpu.memory_space<vmem>>, vector<1x1xf32>
    %add3A_85 = vector.broadcast %get3A_84 : vector<1x1xf32> to vector<400x1xf32>
    %add3A_86 = arith.addf %dot_general3A_81, %add3A_85 : vector<400x1xf32>
    %logistic3A = arith.negf %add3A_86 : vector<400x1xf32>
    %logistic3A_87 = math.exp %logistic3A : vector<400x1xf32>
    %logistic3A_88 = arith.constant 1.000000e+00 : f32
    %logistic3A_89 = vector.broadcast %logistic3A_88 : f32 to vector<400x1xf32>
    %logistic3A_90 = arith.addf %logistic3A_89, %logistic3A_87 : vector<400x1xf32>
    %logistic3A_91 = arith.divf %logistic3A_89, %logistic3A_90 : vector<400x1xf32>
    %swap3A = arith.constant 0 : index
    %swap3A_92 = arith.constant 0 : index
    %swap3A_93 = vector.load %arg17[%swap3A, %swap3A_92] : memref<400x1xf32, #tpu.memory_space<vmem>>, vector<400x1xf32>
    tpu.vector_store %arg17[%swap3A, %swap3A_92], %logistic3A_91 {strides = array<i32>} : memref<400x1xf32, #tpu.memory_space<vmem>>, vector<400x1xf32>,
    return
  }
  func.func @transform_0(%arg0: i32) -> (i32, i32) {
    %c0_i32 = arith.constant 0 : i32
    %c0_i32_0 = arith.constant 0 : i32
    return %arg0, %c0_i32 : i32, i32
  }
  func.func @transform_1(%arg0: i32) -> (i32, i32) {
    %c0_i32 = arith.constant 0 : i32
    %c0_i32_0 = arith.constant 0 : i32
    return %arg0, %c0_i32 : i32, i32
  }
  func.func @transform_2(%arg0: i32) -> (i32, i32) {
    %c0_i32 = arith.constant 0 : i32
    %c0_i32_0 = arith.constant 0 : i32
    return %arg0, %c0_i32 : i32, i32
  }
  func.func @transform_3(%arg0: i32) -> (i32, i32) {
    %c0_i32 = arith.constant 0 : i32
    %c0_i32_0 = arith.constant 0 : i32
    return %arg0, %c0_i32 : i32, i32
  }
  func.func @transform_4(%arg0: i32) -> (i32, i32) {
    %c0_i32 = arith.constant 0 : i32
    %c0_i32_0 = arith.constant 0 : i32
    return %arg0, %c0_i32 : i32, i32
  }
  func.func @transform_5(%arg0: i32) -> (i32, i32) {
    %c0_i32 = arith.constant 0 : i32
    %c0_i32_0 = arith.constant 0 : i32
    return %arg0, %c0_i32 : i32, i32
  }
  func.func @transform_6(%arg0: i32) -> (i32, i32) {
    %c0_i32 = arith.constant 0 : i32
    %c0_i32_0 = arith.constant 0 : i32
    return %arg0, %c0_i32 : i32, i32
  }
  func.func @transform_7(%arg0: i32) -> (i32, i32) {
    %c0_i32 = arith.constant 0 : i32
    %c0_i32_0 = arith.constant 0 : i32
    return %arg0, %c0_i32 : i32, i32
  }
  func.func @transform_8(%arg0: i32) -> (i32, i32) {
    %c0_i32 = arith.constant 0 : i32
    %c0_i32_0 = arith.constant 0 : i32
    %c0_i32_1 = arith.constant 0 : i32
    return %c0_i32, %c0_i32_0 : i32, i32
  }
  func.func @transform_9(%arg0: i32) -> (i32, i32) {
    %c0_i32 = arith.constant 0 : i32
    %c0_i32_0 = arith.constant 0 : i32
    %c0_i32_1 = arith.constant 0 : i32
    return %c0_i32, %c0_i32_0 : i32, i32
  }
  func.func @transform_10(%arg0: i32) -> (i32, i32) {
    %c0_i32 = arith.constant 0 : i32
    %c0_i32_0 = arith.constant 0 : i32
    %c0_i32_1 = arith.constant 0 : i32
    return %c0_i32, %c0_i32_0 : i32, i32
  }
  func.func @transform_11(%arg0: i32) -> (i32, i32) {
    %c0_i32 = arith.constant 0 : i32
    %c0_i32_0 = arith.constant 0 : i32
    %c0_i32_1 = arith.constant 0 : i32
    return %c0_i32, %c0_i32_0 : i32, i32
  }
  func.func @transform_12(%arg0: i32) -> (i32, i32) {
    %c0_i32 = arith.constant 0 : i32
    %c0_i32_0 = arith.constant 0 : i32
    %c0_i32_1 = arith.constant 0 : i32
    return %c0_i32, %c0_i32_0 : i32, i32
  }
  func.func @transform_13(%arg0: i32) -> (i32, i32) {
    %c0_i32 = arith.constant 0 : i32
    %c0_i32_0 = arith.constant 0 : i32
    %c0_i32_1 = arith.constant 0 : i32
    return %c0_i32, %c0_i32_0 : i32, i32
  }
  func.func @transform_14(%arg0: i32) -> (i32, i32) {
    %c0_i32 = arith.constant 0 : i32
    %c0_i32_0 = arith.constant 0 : i32
    %c0_i32_1 = arith.constant 0 : i32
    return %c0_i32, %c0_i32_0 : i32, i32
  }
  func.func @transform_15(%arg0: i32) -> (i32, i32) {
    %c0_i32 = arith.constant 0 : i32
    %c0_i32_0 = arith.constant 0 : i32
    %c0_i32_1 = arith.constant 0 : i32
    return %c0_i32, %c0_i32_0 : i32, i32
  }
  func.func @transform_16(%arg0: i32) -> (i32, i32) {
    %c0_i32 = arith.constant 0 : i32
    %c0_i32_0 = arith.constant 0 : i32
    return %arg0, %c0_i32 : i32, i32
  }
}

</mosaic_0001>

<sc_bundles>
// kernel: scatter_offload_async_start.1
scs
__scs_entry_jumppad:
0x0: {  	(pc) =	sbr.rel $0x88, $3  }
0x1: {  	(tag) =	ssettag $0x0;
	lr =	simm.s32 $0x1  }
0x2: {  	[smem:$0x3F8D] =	sst lr;
	_ =	strace $0xD0000000  }
0x3: {  	_ = 	snop  }
0x4: {  	_ = 	snop  }
0x5: {  	_ = 	snop  }
0x6: {  	_ = 	snop  }
0x7: {  	_ = 	snop  }
__scs_overlays_trampoline_lowered:
0x8: {  	[smem:$0x3F9C] =	sst s0  }
0x9: {  	[smem:$0x3F9D] =	sst s1  }
0xa: {  	[smem:$0x3F9E] =	sst s2  }
0xb: {  	[smem:$0x3F9F] =	sst s3  }
0xc: {  	[smem:$0x3FA0] =	sst s4  }
0xd: {  	[smem:$0x3FA1] =	sst s5  }
0xe: {  	[smem:$0x3FA2] =	sst s6  }
0xf: {  	[smem:$0x3FA3] =	sst s7  }
0x10: {  	[smem:$0x3FA4] =	sst s8  }
0x11: {  	[smem:$0x3FA5] =	sst s9;
	s0 =	simm.s32 @!p0 $0x0  }
0x12: {  	s1 =	sld [smem:$0x3F8B];
	s0 =	simm.s32 @p0 $0x1  }
0x13: {  	[smem:$0x3FA6] =	sst s0;
	s0 =	simm.s32 @!p1 $0x0  }
0x14: {  	s2 =	sld [smem:$0x3F8A];
	s0 =	simm.s32 @p1 $0x1  }
0x15: {  	[smem:$0x3FA7] =	sst s0;
	s0 =	simm.s32 @!p2 $0x0  }
0x16: {  	s3 =	sld [smem:$0x3FDB];
	s0 =	simm.s32 @p2 $0x1  }
0x17: {  	s4 =	simm.s32 $0x1BF5;
	[smem:$0x3FA9] =	sst s0  }
0x18: {  	s0 =	sld [smem:$0x3F8C];
	_ =	swait.ge [sflag:s4], $0x0  }
0x19: {  	s7 =	sld [smem:$0x3F8D]  }
0x1a: {  	s8 =	sadd.s32 $0xFFFFE003, lr  }
0x1b: {  	s9 =	sadd.s32 $0xFFFFFEF7, lr;
	s5 =	simm.s32 $0xFFFFFFFF;
	p2 =	slt.u32 s8, $0xFFFFF086  }
0x1c: {  	p1 =	slt.u32 s9, $0xF7A;
	s5 =	simm.s32 @!p2 $0x0  }
0x1d: {  	s5 =	simm.s32 @p1 $0x1;
	p0 =	seq.s32 s7, s2  }
0x1e: {  	s7 =	smul.u32 @!p0 $0xF7A, s2;
	p2 =	seq.s32 @!p0 s5, $0x0  }
0x1f: {  	s9 =	smul.u32 $0xF7A, s1;
	s8 =	simm.s32 @!p0 $0x1BF5;
	p2 =	por !p2, p0  }
0x20: {  	[sflag:s8] =	ssyncset.s32 @!p0 $0xFFFFF086;
	s6 =	sadd.s32 @!p0 s3, s7;
	s7 =	simm.s32 @!p0 $0x108  }
0x21: {  	s3 =	sadd.s32 s3, s9;
	s6 =	sadd.s32 @!p0 $0x88, s6;
	s7 =	simm.s32 @p2 $0x1082  }
0x22: {  	[simem:s7], [sflag:s8] =	dma.local @!p0 [hbm:s6], $0xF7A  }
0x23: {  	s9 =	sor.u32 $0xD0000000, s2;
	s6 =	simm.s32 $0x108;
	_ =	swait.ge @!p0 [sflag:s8], $0x0  }
0x24: {  	s3 =	sadd.s32 $0x88, s3;
	s6 =	simm.s32 @!p1 $0x1082;
	[sflag:s4] =	ssyncset.s32 $0xFFFFF086  }
0x25: {  	[simem:s6], [sflag:s4] =	dma.local [hbm:s3], $0xF7A  }
0x26: {  	[smem:$0x3F8D] =	sst s1;
	(tag) =	ssettag s2;
	_ =	strace s9  }
0x27: {  	s1 =	sld [smem:$0x3F9D]  }
0x28: {  	s2 =	sld [smem:$0x3F9E]  }
0x29: {  	s4 =	sld [smem:$0x3FA0]  }
0x2a: {  	p0 =	seq.s32 s5, $0x0;
	s5 =	sld [smem:$0x3FA1]  }
0x2b: {  	s6 =	sld [smem:$0x3FA2]  }
0x2c: {  	s7 =	sld [smem:$0x3FA3]  }
0x2d: {  	s3 =	simm.s32 $0x108;
	s8 =	sld [smem:$0x3FA4]  }
0x2e: {  	s3 =	simm.s32 @!p0 $0x1082;
	s9 =	sld [smem:$0x3FA5]  }
0x2f: {  	lr =	sadd.s32 s0, s3;
	s0 =	sld [smem:$0x3F9C]  }
0x30: {  	s3 =	sld [smem:$0x3F9F]  }
0x31: {  	[smem:$0x3FA8] =	sst s10  }
0x32: {  	s10 =	sld [smem:$0x3FA6];
	_ =	sdelay $0x3  }
0x33: {  	p0 =	seq.s32 s10, $0x1;
	s10 =	sld [smem:$0x3FA8];
	_ =	sdelay $0x3  }
0x34: {  	[smem:$0x3FA8] =	sst s10  }
0x35: {  	s10 =	sld [smem:$0x3FA7];
	_ =	sdelay $0x3  }
0x36: {  	p1 =	seq.s32 s10, $0x1;
	s10 =	sld [smem:$0x3FA8];
	_ =	sdelay $0x3  }
0x37: {  	[smem:$0x3FA8] =	sst s10  }
0x38: {  	s10 =	sld [smem:$0x3FA9]  }
0x39: {  	_ = 	snop;
	(pc) =	sbr.ind lr, $3  }
0x3a: {  	_ = 	snop  }
0x3b: {  	_ = 	snop  }
0x3c: {  	p2 =	seq.s32 s10, $0x1;
	s10 =	sld [smem:$0x3FA8]  }
0x3d: {  	_ =	shalt  }
0x3e: {  	_ =	shalt  }
0x3f: {  	_ =	shalt  }
0x40: {  	_ =	shalt  }
0x41: {  	_ =	shalt  }
0x42: {  	_ =	shalt  }
0x43: {  	_ =	shalt  }
0x44: {  	_ =	shalt  }
0x45: {  	_ =	shalt  }
0x46: {  	_ =	shalt  }
0x47: {  	_ =	shalt  }
0x48: {  	_ =	shalt  }
0x49: {  	_ =	shalt  }
0x4a: {  	_ =	shalt  }
0x4b: {  	_ =	shalt  }
0x4c: {  	_ =	shalt  }
0x4d: {  	_ =	shalt  }
0x4e: {  	_ =	shalt  }
0x4f: {  	_ =	shalt  }
0x50: {  	_ =	shalt  }
0x51: {  	_ =	shalt  }
0x52: {  	_ =	shalt  }
0x53: {  	_ =	shalt  }
0x54: {  	_ =	shalt  }
0x55: {  	_ =	shalt  }
0x56: {  	_ =	shalt  }
0x57: {  	_ =	shalt  }
0x58: {  	_ =	shalt  }
0x59: {  	_ =	shalt  }
0x5a: {  	_ =	shalt  }
0x5b: {  	_ =	shalt  }
0x5c: {  	_ =	shalt  }
0x5d: {  	_ =	shalt  }
0x5e: {  	_ =	shalt  }
0x5f: {  	_ =	shalt  }
0x60: {  	_ =	shalt  }
0x61: {  	_ =	shalt  }
0x62: {  	_ =	shalt  }
0x63: {  	_ =	shalt  }
0x64: {  	_ =	shalt  }
0x65: {  	_ =	shalt  }
0x66: {  	_ =	shalt  }
0x67: {  	_ =	shalt  }
0x68: {  	_ =	shalt  }
0x69: {  	_ =	shalt  }
0x6a: {  	_ =	shalt  }
0x6b: {  	_ =	shalt  }
0x6c: {  	_ =	shalt  }
0x6d: {  	_ =	shalt  }
0x6e: {  	_ =	shalt  }
0x6f: {  	_ =	shalt  }
0x70: {  	_ =	shalt  }
0x71: {  	_ =	shalt  }
0x72: {  	_ =	shalt  }
0x73: {  	_ =	shalt  }
0x74: {  	_ =	shalt  }
0x75: {  	_ =	shalt  }
0x76: {  	_ =	shalt  }
0x77: {  	_ =	shalt  }
0x78: {  	_ =	shalt  }
0x79: {  	_ =	shalt  }
0x7a: {  	_ =	shalt  }
0x7b: {  	_ =	shalt  }
0x7c: {  	_ =	shalt  }
0x7d: {  	_ =	shalt  }
0x7e: {  	_ =	shalt  }
0x7f: {  	_ =	shalt  }
0x80: {  	_ =	shalt  }
0x81: {  	_ =	shalt  }
0x82: {  	_ =	shalt  }
0x83: {  	_ =	shalt  }
0x84: {  	_ =	shalt  }
0x85: {  	_ =	shalt  }
0x86: {  	_ =	shalt  }
0x87: {  	_ =	shalt  }
.Lfunc_end0:
.L_simem_size_0:
called_computation.1_lowered:
.L_overlay_start_0:
0x88: {  	s2 =	sld [smem:$0x3FD9]  }
0x89: {  	s3 =	sld [smem:$0x3FFE];
	_ =	sdelay $0x1  }
0x8a: {  	s1 =	srdreg.scid  }
0x8b: {  	s0 =	sand.u32 $0x1, s1  }
0x8c: {  	s12 =	sshll.u32 s0, $0xA;
	s2 =	sadd.s32 s3, s2  }
0x8d: {  	s2 =	sadd.s32 s2, s12  }
0x8e: {  	[smem:$0x3FB4] =	sst s2  }
0x8f: {  	_ = 	snop  }
0x90: {  	(tm) =	ssettm $0x1  }
0x91: {  	s13 =	sld [smem:$0x3FFB];
	_ =	sdelay $0x3  }
0x92: {  	_ =	strace s13  }
0x93: {  	s2 =	sld [smem:$0x3FFC];
	_ =	sdelay $0x3  }
0x94: {  	_ =	strace s2  }
0x95: {  	s2 =	sld [smem:$0x3FFD];
	_ =	sdelay $0x3  }
0x96: {  	_ =	strace s2  }
0x97: {  	_ =	strace $0x8FFFFFFF  }
0x98: {  	s14 =	sld [smem:$0x3FDB];
	_ =	sdelay $0x1  }
0x99: {  	s15 =	simm.s32 $_scs_section_size  }
0x9a: {  	s4 =	simm.s32 $_size__tile_overlayer_lowered;
	s5 =	simm.s32 $_tile_overlayer_lowered  }
0x9b: {  	s19 =	simm.s32 $0x1BFF;
	s17 =	sshll.u32 s5, $0x1;
	s6 =	sadd.s32 s15, s14  }
0x9c: {  	s20 =	simm.s32 $0x0;
	s16 =	sshll.u32 s4, $0x1;
	s18 =	sadd.s32 s17, s6  }
0x9d: {  	[timem:s20], [sflag:s19] =	dma.local [hbm:s18], s16  }
0x9e: {  	_ =	swait.ge [sflag:s19], s16  }
0x9f: {  	s3 =	ssub.s32 $0x0, s16;
	[sflag:s19] =	ssyncset.done $0x0  }
0xa0: {  	[sflag:s19] =	ssyncadd.s32 s3;
	_ =	sdelay $0x1  }
0xa1: {  	s21 =	simm.s32 $0x1B8B  }
0xa2: {  	_ =	swait.ge [sflag:s21], $0x1  }
0xa3: {  	[sflag:s21] =	ssyncset.done $0x0  }
0xa4: {  	[sflag:s21] =	ssyncadd.s32 $0xFFFFFFFF  }
0xa5: {  	s3 =	sld [smem:$0x0]  }
0xa6: {  	s4 =	sand.u32 $0xFFFFFFFE, s1  }
0xa7: {  	p0 =	sne.s32 s1, s4  }
0xa8: {  	s4 =	sshll.u32 @p0 s4, $0xE  }
0xa9: {  	s5 =	sadd.s32 @p0 $0x11B8D, s4;
	s7 =	sshll.u32 @p0 s3, $0x11  }
0xaa: {  	s5 =	sor.u32 @p0 s7, s5  }
0xab: {  	[sflag:s5] =	ssyncadd.remote.s32 @p0 $0x1;
	_ =	sdelay $0x1  }
0xac: {  	s5 =	simm.s32 @p0 $0x1B8D  }
0xad: {  	_ =	swait.eq @p0 [sflag:s5], $0x1  }
0xae: {  	[sflag:s5] =	ssyncadd.s32 @p0 $0xFFFFFFFF  }
0xaf: {  	s7 =	sshll.u32 @!p0 s1, $0xE  }
0xb0: {  	s7 =	sor.u32 @!p0 $0x4000, s7;
	s5 =	simm.s32 @!p0 $0x1B8D  }
0xb1: {  	s9 =	sshll.u32 @!p0 s3, $0x11;
	s8 =	sadd.s32 @!p0 $0x11B8D, s7;
	_ =	swait.eq @!p0 [sflag:s5], $0x1  }
0xb2: {  	[sflag:s5] =	ssyncadd.s32 @!p0 $0xFFFFFFFF;
	s5 =	sor.u32 @!p0 s9, s8  }
0xb3: {  	s23 =	simm.s32 $0x1B8E;
	s22 =	sld [smem:$0x3FFE];
	[sflag:s5] =	ssyncadd.remote.s32 @!p0 $0x1  }
0xb4: {  	s24 =	simm.s32 $execute0_lowered;
	[smem:$0x3FD2] =	sst s23  }
0xb5: {  	s8 =	sshll.u32 s24, $0x1;
	_ =	strace $0x8000004F;
	[dreg:$0x1] =	wrdreg $0xFFFFFFFF  }
0xb6: {  	s25 =	simm.s32 $_size_execute0_lowered;
	s8 =	sadd.s32 s6, s8;
	[dreg:$0x0] =	wrdreg $0x0  }
0xb7: {  	s9 =	sshll.u32 s25, $0x1;
	[dreg:$0x2] =	wrdreg s8  }
0xb8: {  	[dreg:$0x3] =	wrdreg s9  }
0xb9: {  	[dreg:$0x4] =	wrdreg $0xC0  }
0xba: {  	s26 =	simm.s32 $execute1_lowered;
	_ =	task [dreg:s20], $0x5FFFF  }
0xbb: {  	s8 =	sshll.u32 s26, $0x1;
	[dreg:$0x1] =	wrdreg $0xFFFFFFFF  }
0xbc: {  	s6 =	sadd.s32 s6, s8;
	[dreg:$0x0] =	wrdreg $0x60  }
0xbd: {  	[dreg:$0x2] =	wrdreg s6  }
0xbe: {  	[dreg:$0x3] =	wrdreg s22  }
0xbf: {  	[dreg:$0x4] =	wrdreg $0xB  }
0xc0: {  	_ =	task.clear_ibuf [dreg:s20], $0x5FFFF;
	_ =	strace $0x9000004F  }
0xc1: {  	s28 =	simm.s32 $0xB;
	_ =	strace $0x80000051  }
0xc2: {  	_ =	swait.ge [sflag:s28], $0x1  }
0xc3: {  	[sflag:s28] =	ssyncadd.s32 $0xFFFFFFFF  }
0xc4: {  	_ =	strace $0x90000051  }
0xc5: {  	s6 =	sld [smem:$0x0];
	_ =	sdelay $0x3  }
0xc6: {  	s4 =	sadd.s32 @p0 $0x11BF3, s4;
	s8 =	sshll.u32 @p0 s6, $0x11  }
0xc7: {  	s4 =	sor.u32 @p0 s8, s4  }
0xc8: {  	[sflag:s4] =	ssyncadd.remote.s32 @p0 $0x1;
	_ =	sdelay $0x1  }
0xc9: {  	s4 =	simm.s32 @p0 $0x1BF3  }
0xca: {  	_ =	swait.eq @p0 [sflag:s4], $0x1  }
0xcb: {  	[sflag:s4] =	ssyncadd.s32 @p0 $0xFFFFFFFF;
	_ =	sdelay $0x1  }
0xcc: {  	s4 =	simm.s32 @!p0 $0x1BF3  }
0xcd: {  	s7 =	sadd.s32 @!p0 $0x11BF3, s7;
	s6 =	sshll.u32 @!p0 s6, $0x11;
	_ =	swait.eq @!p0 [sflag:s4], $0x1  }
0xce: {  	[sflag:s4] =	ssyncadd.s32 @!p0 $0xFFFFFFFF;
	s4 =	sor.u32 @!p0 s6, s7  }
0xcf: {  	[sflag:s4] =	ssyncadd.remote.s32 @!p0 $0x1  }
0xd0: {  	_ =	strace $0x80000052;
	[dreg:$0x1] =	wrdreg $0xFFFFFFFF  }
0xd1: {  	[dreg:$0x0] =	wrdreg $0x2030  }
0xd2: {  	[dreg:$0x2] =	wrdreg s22  }
0xd3: {  	[dreg:$0x3] =	wrdreg s1  }
0xd4: {  	[dreg:$0x4] =	wrdreg s3  }
0xd5: {  	[dreg:$0x5] =	wrdreg $0xC  }
0xd6: {  	_ =	task.clear_ibuf [dreg:s20], $0x6FFFF;
	_ =	strace $0x90000052  }
0xd7: {  	s29 =	simm.s32 $0xC;
	_ =	strace $0x80000054  }
0xd8: {  	_ =	swait.ge [sflag:s29], $0x1  }
0xd9: {  	[sflag:s29] =	ssyncadd.s32 $0xFFFFFFFF  }
0xda: {  	_ =	strace $0x90000054  }
0xdb: {  	_ =	sfence  }
0xdc: {  	s30 =	sld [smem:$0x0];
	_ =	sdelay $0x2  }
0xdd: {  	s31 =	sshll.u32 s1, $0xD;
	s1 =	sshrl.u32 s1, $0x2  }
0xde: {  	s4 =	sand.u32 $0x4000, s31;
	s1 =	sadd.s32 s1, s30  }
0xdf: {  	s0 =	sor.u32 s4, s0;
	s1 =	sshll.u32 s1, $0x11  }
0xe0: {  	s0 =	sor.u32 s1, s0  }
0xe1: {  	s0 =	sadd.s32 $0x8F2B, s0  }
0xe2: {  	[sflag:s0] =	ssyncadd.remote.s32 $0x1  }
0xe3: {  	_ =	sfence.sel $0xFFFF  }
0xe4: {  	[dreg:$0x0] =	wrdreg $0xFFFFFFFF;
	(pc) =	sbr.abs _section_cstart, $3  }
0xe5: {  	[dreg:$0x1] =	wrdreg $0xFFFFFFFF  }
0xe6: {  	_ =	task.clear_ibuf [dreg:s20], $0x2FFFF;
	_ =	strace $0x9FFFFFFF  }
0xe7: {  	(tm) =	ssettm $0x7FFFFFFF  }
tec
execute0_lowered:
.L_overlay_start_1:
0x0: {  	(tag) =	ssettag $0x1  }
0x1: {  	s2 =	rddreg [dreg:$0x0]  }
0x2: {  	s5 =	rddreg [dreg:$0x1]  }
0x3: {  	s0 =	rddreg [dreg:$0x2];
	s3 =	stileid.u32;
	[bflag:$0x3] =	sbarrier.arrive $0xFFFF  }
0x4: {  	s1 =	simm.s32 $_size_execute1_lowered;
	s29 =	srdreg.scid;
	s31 =	simm.s32 $0x2  }
0x5: {  	s13 =	simm.s32 $0x0;
	s8 =	simm.s32 $0x20;
	p0 =	sne.s32 s3, $0x0  }
0x6: {  	s1 =	sshll.u32 s1, $0x1;
	s4 =	simm.s32 @!p0 $0x1C3F;
	s6 =	simm.s32 @!p0 $0x4060  }
0x7: {  	[timem:s6], [sflag:s4] =	dma.local @!p0 [hbm:s2], s1  }
0x8: {  	s9 =	simm.s32 $0x80;
	s11 =	simm.s32 $0x0;
	s2 =	sshll.u32 s29, $0x9  }
.Ltmp0:
0x9: {  	s3 =	sshll.u32 s3, $0xA;
	s30 =	sand.u32 $0x200, s2;
	(pc) =	sbr.rel .LBB2_1-.Ltmp0, $4  }
0xa: {  	s12 =	simm.s32 $0x0;
	_ =	strace $0x80000050;
	s3 =	sor.u32 s3, s30  }
0xb: {  	s4 =	simm.s32 $0x1;
	s2 =	sadd.s32 $0x319E00, s5;
	s7 =	ssub.s32 $0xC200, s3  }
0xc: {  	s5 =	sadd.s32 $0x3DD400, s5;
	[sflag:s4] =	ssyncpa.u1 $0x0;
	s6 =	sshrl.u32 s7, $0xE  }
0xd: {  	[sflag:s31] =	ssyncpa.u1 $0x0;
	s10 =	smov.u32 s3;
	s7 =	sadd.s32 $0x2, s6  }
.LBB2_5:
0xe: {  	_ =	sdelay $0x3  }
0xf: {  	[tilespmem:v1+s16+$0x0 ss:$0x1] =	vst.idx.msk $0xffff, v2  }
0x10: {  	[tilespmem:v1+s17+$0x0 ss:$0x1] =	vst.idx.msk $0xffff, v3  }
.LBB2_6:
0x11: {  	s16 =	sand.u32 $0x1FFFFFF, s11  }
0x12: {  	s17 =	smulhi.u32 $0x14F8B59, s16;
	_ =	sdelay $0x1  }
0x13: {  	s17 =	sshrl.u32 s17, $0x8  }
0x14: {  	s17 =	smul.u32 $0xC350, s17;
	_ =	sdelay $0x1  }
0x15: {  	s16 =	ssub.s32 s16, s17  }
0x16: {  	s16 =	sshll.u32 s16, $0x4  }
0x17: {  	s16 =	sadd.s32 s5, s16  }
0x18: {  	[hbm4b:s16+s8] =	stream.strided.scatter [tilespmem:s15], [sflag:$0x2], s14, s9, s8, $0x38;
	[tilespmem:$0x10000] =	vst v63  }
.LBB2_7:
0x19: {  	p1 =	slt.u32 s12, $0x2  }
0x1a: {  	p2 =	sgt.s32 @!p1 s13, $0xC150  }
0x1b: {  	s14 =	smov.u32 s13;
	s15 =	sshra.s32 @!p1 s13, $0x1F;
	p2 =	por !p2, p1  }
0x1c: {  	s13 =	sand.u32 @!p1 s15, s13;
	s14 =	simm.s32 @p2 $0xC150  }
0x1d: {  	s13 =	ssub.s32 @!p1 s14, s13  }
0x1e: {  	s13 =	sadd.s32 @!p1 $0xFFFF3EB0, s13  }
0x1f: {  	s14 =	sshll.u32 @!p1 s13, $0x7  }
0x20: {  	p2 =	sgt.s32 @!p1 s13, $0x1FF;
	s13 =	ssub.s32 @!p1 $0x10000, s14  }
0x21: {  	s15 =	sadd.s32 $0x4000, s10;
	p2 =	por !p2, p1;
	s13 =	sshrl.u32 @!p1 s13, $0x2  }
0x22: {  	s13 =	simm.s32 @!p2 $0x0;
	p2 =	sgt.s32 s15, $0xC34F  }
0x23: {  	s15 =	smov.u32 @p2 s3;
	p2 =	sne.s32 s12, s7  }
.Ltmp1:
0x24: {  	_ = 	snop;
	(pc) =	sbr.rel @!p2 .LBB2_8-.Ltmp1, $4  }
0x25: {  	s14 =	simm.s32 @!p1 $0x2  }
0x26: {  	_ =	swait.ge @!p1 [sflag:s14], s13;
	s16 =	ssub.s32 @!p1 $0x0, s13  }
0x27: {  	s13 =	smov.u32 s11;
	s12 =	sadd.s32 $0x1, s12;
	[sflag:s14] =	ssyncset.done @!p1 $0x0  }
0x28: {  	s11 =	smov.u32 s10;
	s10 =	smov.u32 s15;
	[sflag:s14] =	ssyncadd.s32 @!p1 s16  }
.LBB2_1:
0x29: {  	p1 =	sgt.u32 s12, s6  }
0x2a: {  	s15 =	smov.u32 s10;
	p2 =	sgt.s32 @!p1 s10, $0xC150  }
0x2b: {  	s14 =	sand.u32 @!p1 $0x1FFFFFF, s10;
	s16 =	sshra.s32 @!p1 s10, $0x1F;
	p2 =	por !p2, p1  }
0x2c: {  	s17 =	smulhi.u32 @!p1 $0x14F8B59, s14;
	s16 =	sand.u32 @!p1 s16, s10;
	s15 =	simm.s32 @p2 $0xC150  }
0x2d: {  	s15 =	ssub.s32 @!p1 s15, s16  }
0x2e: {  	s16 =	sshrl.u32 @!p1 s17, $0x8;
	s15 =	sadd.s32 @!p1 $0xFFFF3EB0, s15  }
0x2f: {  	s17 =	sxor.u32 @!p1 $0xFFFFFFFF, s12;
	s16 =	smul.u32 @!p1 $0xC350, s16;
	s18 =	sshll.u32 @!p1 s15, $0x7  }
0x30: {  	s17 =	sshll.u32 @!p1 s17, $0xE;
	p2 =	sgt.s32 @!p1 s15, $0x1FF;
	s15 =	ssub.s32 @!p1 $0x10000, s18  }
0x31: {  	s14 =	ssub.s32 @!p1 s14, s16;
	p2 =	por !p2, p1;
	s16 =	sand.u32 @!p1 $0x4000, s17  }
0x32: {  	s17 =	simm.s32 @!p1 $0x20;
	s15 =	sshrl.u32 @!p1 s15, $0x2;
	s14 =	sshll.u32 @!p1 s14, $0x4  }
0x33: {  	s18 =	simm.s32 @!p1 $0x80;
	s15 =	simm.s32 @!p2 $0x0;
	s14 =	sadd.s32 @!p1 s2, s14  }
0x34: {  	[tilespmem:s16], [sflag:$0x1] =	stream.strided.gather @!p1 [hbm4b:s14+s17], s15, s18, s17, $0x38;
	[tilespmem:$0x10000] =	vst v63  }
0x35: {  	p1 =	seq.s32 s12, $0x0  }
0x36: {  	p2 =	sge.u32 @!p1 s12, s7  }
0x37: {  	p1 =	por p1, p2  }
.Ltmp2:
0x38: {  	_ = 	snop;
	(pc) =	sbr.rel @p1 .LBB2_7-.Ltmp2, $1  }
0x39: {  	_ =	sdelay $0x3  }
0x3a: {  	p1 =	sgt.s32 s11, $0xC150;
	s14 =	smov.u32 s11;
	s15 =	sshra.s32 s11, $0x1F  }
0x3b: {  	s14 =	simm.s32 @!p1 $0xC150;
	s15 =	sand.u32 s15, s11  }
0x3c: {  	s14 =	ssub.s32 s14, s15  }
0x3d: {  	s14 =	sadd.s32 $0xFFFF3EB0, s14  }
0x3e: {  	s31 =	sshll.u32 s14, $0x7  }
0x3f: {  	s15 =	ssub.s32 $0x10000, s31  }
0x40: {  	p1 =	sgt.s32 s14, $0x1FF;
	s14 =	sshrl.u32 s15, $0x2;
	s15 =	sadd.s32 $0x200, s11  }
0x41: {  	s14 =	simm.s32 @p1 $0x0;
	p1 =	slt.s32 s15, $0xC350  }
0x42: {  	s15 =	simm.s32 @!p1 $0xC350  }
0x43: {  	s18 =	ssub.s32 s15, s11  }
0x44: {  	p1 =	slt.s32 s18, $0x1  }
.Ltmp3:
0x45: {  	_ = 	snop;
	(pc) =	sbr.rel @p1 .LBB2_6-.Ltmp3, $4  }
0x46: {  	_ = 	snop  }
0x47: {  	s16 =	sshll.u32 s12, $0xE;
	_ =	swait.ge [sflag:s4], s14  }
0x48: {  	s16 =	sand.u32 $0x4000, s16;
	s17 =	ssub.s32 $0x0, s14;
	[sflag:s4] =	ssyncset.done $0x0  }
0x49: {  	s15 =	sor.u32 $0x8000, s16;
	[sflag:s4] =	ssyncadd.s32 s17  }
0x4a: {  	v0 =	vmov s16;
	_ =	sdelay $0x2  }
0x4b: {  	s31 =	simm.s32 $0x0;
	p1 =	sne.s32 s18, $0x1  }
.Ltmp4:
0x4c: {  	s16 =	sand.u32 $0x3FE0, s31;
	(pc) =	sbr.rel @!p1 .LBB2_5-.Ltmp4, $3  }
0x4d: {  	v1 =	vmov s15;
	s17 =	sor.u32 $0x10, s16;
	v2 =	vld.idx.msk [tilespmem:v0+s16+$0x0 ss:$0x1], $0xffff  }
0x4e: {  	v3 =	vld.idx.msk [tilespmem:v0+s17+$0x0 ss:$0x1], $0xffff;
	_ =	sdelay $0x1  }
0x4f: {  	s18 =	sadd.s32 $0xFFFFFFFF, s18;
	s19 =	simm.s32 $0x20  }
.LBB2_4:
0x50: {  	s20 =	sand.u32 $0x3FE0, s19;
	p1 =	sne.s32 s18, $0x1;
	s18 =	sadd.s32 $0xFFFFFFFF, s18  }
.Ltmp5:
0x51: {  	s21 =	sor.u32 $0x10, s20;
	[tilespmem:v1+s16+$0x0 ss:$0x1] =	vst.idx.msk $0xffff, v2;
	v2 =	vld.idx.msk [tilespmem:v0+s20+$0x0 ss:$0x1], $0xffff;
	s16 =	smov.u32 s20;
	(pc) =	sbr.rel @p1 .LBB2_4-.Ltmp5, $2  }
0x52: {  	[tilespmem:v1+s17+$0x0 ss:$0x1] =	vst.idx.msk $0xffff, v3;
	v3 =	vld.idx.msk [tilespmem:v0+s21+$0x0 ss:$0x1], $0xffff;
	s17 =	smov.u32 s21;
	_ =	sdelay $0x2  }
0x53: {  	s19 =	sadd.s32 $0x20, s19  }
.Ltmp6:
0x54: {  	_ = 	snop;
	(pc) =	sbr.rel .LBB2_5-.Ltmp6, $1  }
0x55: {  	_ =	sdelay $0x3  }
.LBB2_8:
0x56: {  	_ =	sfence.sel $0x180000  }
0x57: {  	s2 =	simm.s32 $0x1;
	[bflag:$0x0] =	sbarrier.arrive $0xFFFF  }
0x58: {  	s31 =	simm.s32 $0x2;
	[sflag:s2] =	ssyncpa.u1 $0x1  }
0x59: {  	[sflag:s31] =	ssyncpa.u1 $0x1  }
0x5a: {  	_ =	strace $0x90000050  }
0x5b: {  	s0 =	sadd.s32 @!p0 $0x100000, s0;
	[bflag:$0x2] =	sbarrier.arrive $0xFFFF  }
0x5c: {  	[sflag:s0] =	ssyncadd.tile.s32 @!p0 $0x1;
	s0 =	simm.s32 @!p0 $0x3F  }
0x5d: {  	_ =	swait.ge @!p0 [sflag:s0], s1  }
0x5e: {  	s1 =	ssub.s32 @!p0 $0x0, s1;
	[sflag:s0] =	ssyncset.done @!p0 $0x0  }
0x5f: {  	[sflag:s0] =	ssyncadd.s32 @!p0 s1  }
0x60: {  	[bflag:$0x3] =	sbarrier.arrive $0xFFFF  }
0x61: {  	_ =	shalt  }
.Lfunc_end2:
execute1_lowered:
.L_overlay_start_2:
0x62: {  	(tag) =	ssettag $0x2  }
0x63: {  	s7 =	rddreg [dreg:$0x0]  }
0x64: {  	s2 =	rddreg [dreg:$0x1];
	_ =	strace $0x80000053;
	s3 =	simm.s32 $0x1  }
0x65: {  	v0 =	vimm.s32 $0x0;
	[sflag:s3] =	ssyncpa.u1 $0x0  }
0x66: {  	[tilespmem:$0x48] =	vst v0  }
0x67: {  	[tilespmem:$0x58] =	vst v0  }
0x68: {  	[tilespmem:$0x68] =	vst v0  }
0x69: {  	[tilespmem:$0x78] =	vst v0  }
0x6a: {  	[tilespmem:$0x88] =	vst v0  }
0x6b: {  	[tilespmem:$0x98] =	vst v0  }
0x6c: {  	[tilespmem:$0xA8] =	vst v0  }
0x6d: {  	[tilespmem:$0xB8] =	vst v0  }
0x6e: {  	[tilespmem:$0xC8] =	vst v0  }
0x6f: {  	[tilespmem:$0xD8] =	vst v0  }
0x70: {  	[tilespmem:$0xE8] =	vst v0  }
0x71: {  	[tilespmem:$0xF8] =	vst v0  }
0x72: {  	[tilespmem:$0x108] =	vst v0  }
0x73: {  	[tilespmem:$0x118] =	vst v0  }
0x74: {  	[tilespmem:$0x128] =	vst v0  }
0x75: {  	[tilespmem:$0x138] =	vst v0  }
0x76: {  	[tilespmem:$0x148] =	vst v0  }
0x77: {  	[tilespmem:$0x158] =	vst v0  }
0x78: {  	[tilespmem:$0x168] =	vst v0  }
0x79: {  	[tilespmem:$0x178] =	vst v0  }
0x7a: {  	[tilespmem:$0x188] =	vst v0  }
0x7b: {  	[tilespmem:$0x198] =	vst v0  }
0x7c: {  	[tilespmem:$0x1A8] =	vst v0  }
0x7d: {  	[tilespmem:$0x1B8] =	vst v0  }
0x7e: {  	[tilespmem:$0x1C8] =	vst v0  }
0x7f: {  	[tilespmem:$0x1D8] =	vst v0  }
0x80: {  	[tilespmem:$0x1E8] =	vst v0  }
0x81: {  	[tilespmem:$0x1F8] =	vst v0  }
0x82: {  	[tilespmem:$0x208] =	vst v0  }
0x83: {  	[tilespmem:$0x218] =	vst v0  }
0x84: {  	[tilespmem:$0x228] =	vst v0  }
0x85: {  	[tilespmem:$0x238] =	vst v0  }
0x86: {  	[tilespmem:$0x248] =	vst v0  }
0x87: {  	[tilespmem:$0x258] =	vst v0  }
0x88: {  	[tilespmem:$0x268] =	vst v0  }
0x89: {  	[tilespmem:$0x278] =	vst v0  }
0x8a: {  	[tilespmem:$0x288] =	vst v0  }
0x8b: {  	[tilespmem:$0x298] =	vst v0  }
0x8c: {  	[tilespmem:$0x2A8] =	vst v0  }
0x8d: {  	[tilespmem:$0x2B8] =	vst v0  }
0x8e: {  	[tilespmem:$0x2C8] =	vst v0  }
0x8f: {  	[tilespmem:$0x2D8] =	vst v0  }
0x90: {  	[tilespmem:$0x2E8] =	vst v0  }
0x91: {  	[tilespmem:$0x2F8] =	vst v0  }
0x92: {  	[tilespmem:$0x308] =	vst v0  }
0x93: {  	[tilespmem:$0x318] =	vst v0  }
0x94: {  	[tilespmem:$0x328] =	vst v0  }
0x95: {  	[tilespmem:$0x338] =	vst v0  }
0x96: {  	[tilespmem:$0x348] =	vst v0  }
0x97: {  	[tilespmem:$0x358] =	vst v0  }
0x98: {  	[tilespmem:$0x368] =	vst v0  }
0x99: {  	[tilespmem:$0x378] =	vst v0  }
0x9a: {  	[tilespmem:$0x388] =	vst v0  }
0x9b: {  	[tilespmem:$0x398] =	vst v0  }
0x9c: {  	[tilespmem:$0x3A8] =	vst v0  }
0x9d: {  	[tilespmem:$0x3B8] =	vst v0  }
0x9e: {  	[tilespmem:$0x3C8] =	vst v0  }
0x9f: {  	[tilespmem:$0x3D8] =	vst v0  }
0xa0: {  	[tilespmem:$0x3E8] =	vst v0  }
0xa1: {  	[tilespmem:$0x3F8] =	vst v0  }
0xa2: {  	[tilespmem:$0x408] =	vst v0  }
0xa3: {  	[tilespmem:$0x418] =	vst v0  }
0xa4: {  	[tilespmem:$0x428] =	vst v0  }
0xa5: {  	[tilespmem:$0x438] =	vst v0  }
0xa6: {  	[tilespmem:$0x448] =	vst v0  }
0xa7: {  	[tilespmem:$0x458] =	vst v0  }
0xa8: {  	[tilespmem:$0x468] =	vst v0  }
0xa9: {  	[tilespmem:$0x478] =	vst v0  }
0xaa: {  	[tilespmem:$0x488] =	vst v0  }
0xab: {  	[tilespmem:$0x498] =	vst v0  }
0xac: {  	[tilespmem:$0x4A8] =	vst v0  }
0xad: {  	[tilespmem:$0x4B8] =	vst v0  }
0xae: {  	[tilespmem:$0x4C8] =	vst v0  }
0xaf: {  	[tilespmem:$0x4D8] =	vst v0  }
0xb0: {  	[tilespmem:$0x4E8] =	vst v0  }
0xb1: {  	[tilespmem:$0x4F8] =	vst v0  }
0xb2: {  	[tilespmem:$0x508] =	vst v0  }
0xb3: {  	[tilespmem:$0x518] =	vst v0  }
0xb4: {  	[tilespmem:$0x528] =	vst v0  }
0xb5: {  	[tilespmem:$0x538] =	vst v0  }
0xb6: {  	[tilespmem:$0x548] =	vst v0  }
0xb7: {  	[tilespmem:$0x558] =	vst v0  }
0xb8: {  	[tilespmem:$0x568] =	vst v0  }
0xb9: {  	[tilespmem:$0x578] =	vst v0  }
0xba: {  	[tilespmem:$0x588] =	vst v0  }
0xbb: {  	[tilespmem:$0x598] =	vst v0  }
0xbc: {  	[tilespmem:$0x5A8] =	vst v0  }
0xbd: {  	[tilespmem:$0x5B8] =	vst v0  }
0xbe: {  	[tilespmem:$0x5C8] =	vst v0  }
0xbf: {  	[tilespmem:$0x5D8] =	vst v0  }
0xc0: {  	[tilespmem:$0x5E8] =	vst v0  }
0xc1: {  	[tilespmem:$0x5F8] =	vst v0  }
0xc2: {  	[tilespmem:$0x608] =	vst v0  }
0xc3: {  	[tilespmem:$0x618] =	vst v0  }
0xc4: {  	[tilespmem:$0x628] =	vst v0  }
0xc5: {  	[tilespmem:$0x638] =	vst v0  }
0xc6: {  	[tilespmem:$0x648] =	vst v0  }
0xc7: {  	[tilespmem:$0x658] =	vst v0  }
0xc8: {  	[tilespmem:$0x668] =	vst v0  }
0xc9: {  	[tilespmem:$0x678] =	vst v0  }
0xca: {  	[tilespmem:$0x688] =	vst v0  }
0xcb: {  	[tilespmem:$0x698] =	vst v0  }
0xcc: {  	[tilespmem:$0x6A8] =	vst v0  }
0xcd: {  	[tilespmem:$0x6B8] =	vst v0  }
0xce: {  	[tilespmem:$0x6C8] =	vst v0  }
0xcf: {  	[tilespmem:$0x6D8] =	vst v0  }
0xd0: {  	[tilespmem:$0x6E8] =	vst v0  }
0xd1: {  	[tilespmem:$0x6F8] =	vst v0  }
0xd2: {  	[tilespmem:$0x708] =	vst v0  }
0xd3: {  	[tilespmem:$0x718] =	vst v0  }
0xd4: {  	[tilespmem:$0x728] =	vst v0  }
0xd5: {  	[tilespmem:$0x738] =	vst v0  }
0xd6: {  	[tilespmem:$0x748] =	vst v0  }
0xd7: {  	[tilespmem:$0x758] =	vst v0  }
0xd8: {  	[tilespmem:$0x768] =	vst v0  }
0xd9: {  	[tilespmem:$0x778] =	vst v0  }
0xda: {  	[tilespmem:$0x788] =	vst v0  }
0xdb: {  	[tilespmem:$0x798] =	vst v0  }
0xdc: {  	[tilespmem:$0x7A8] =	vst v0  }
0xdd: {  	[tilespmem:$0x7B8] =	vst v0  }
0xde: {  	[tilespmem:$0x7C8] =	vst v0  }
0xdf: {  	[tilespmem:$0x7D8] =	vst v0  }
0xe0: {  	[tilespmem:$0x7E8] =	vst v0  }
0xe1: {  	[tilespmem:$0x7F8] =	vst v0  }
0xe2: {  	[tilespmem:$0x808] =	vst v0  }
0xe3: {  	[tilespmem:$0x818] =	vst v0  }
0xe4: {  	[tilespmem:$0x828] =	vst v0  }
0xe5: {  	[tilespmem:$0x838] =	vst v0  }
0xe6: {  	[tilespmem:$0x848] =	vst v0  }
0xe7: {  	[tilespmem:$0x858] =	vst v0  }
0xe8: {  	[tilespmem:$0x868] =	vst v0  }
0xe9: {  	[tilespmem:$0x878] =	vst v0  }
0xea: {  	[tilespmem:$0x888] =	vst v0  }
0xeb: {  	[tilespmem:$0x898] =	vst v0  }
0xec: {  	[tilespmem:$0x8A8] =	vst v0  }
0xed: {  	[tilespmem:$0x8B8] =	vst v0  }
0xee: {  	[tilespmem:$0x8C8] =	vst v0  }
0xef: {  	[tilespmem:$0x8D8] =	vst v0  }
0xf0: {  	[tilespmem:$0x8E8] =	vst v0  }
0xf1: {  	[tilespmem:$0x8F8] =	vst v0  }
0xf2: {  	[tilespmem:$0x908] =	vst v0  }
0xf3: {  	[tilespmem:$0x918] =	vst v0  }
0xf4: {  	[tilespmem:$0x928] =	vst v0  }
0xf5: {  	[tilespmem:$0x938] =	vst v0  }
0xf6: {  	[tilespmem:$0x948] =	vst v0  }
0xf7: {  	[tilespmem:$0x958] =	vst v0  }
0xf8: {  	[tilespmem:$0x968] =	vst v0  }
0xf9: {  	[tilespmem:$0x978] =	vst v0  }
0xfa: {  	[tilespmem:$0x988] =	vst v0  }
0xfb: {  	[tilespmem:$0x998] =	vst v0  }
0xfc: {  	[tilespmem:$0x9A8] =	vst v0  }
0xfd: {  	[tilespmem:$0x9B8] =	vst v0  }
0xfe: {  	[tilespmem:$0x9C8] =	vst v0  }
0xff: {  	[tilespmem:$0x9D8] =	vst v0  }
0x100: {  	[tilespmem:$0x9E8] =	vst v0  }
0x101: {  	[tilespmem:$0x9F8] =	vst v0  }
0x102: {  	[tilespmem:$0xA08] =	vst v0  }
0x103: {  	[tilespmem:$0xA18] =	vst v0  }
0x104: {  	[tilespmem:$0xA28] =	vst v0  }
0x105: {  	[tilespmem:$0xA38] =	vst v0  }
0x106: {  	[tilespmem:$0xA48] =	vst v0  }
0x107: {  	[tilespmem:$0xA58] =	vst v0  }
0x108: {  	[tilespmem:$0xA68] =	vst v0  }
0x109: {  	[tilespmem:$0xA78] =	vst v0  }
0x10a: {  	[tilespmem:$0xA88] =	vst v0  }
0x10b: {  	[tilespmem:$0xA98] =	vst v0  }
0x10c: {  	[tilespmem:$0xAA8] =	vst v0  }
0x10d: {  	[tilespmem:$0xAB8] =	vst v0  }
0x10e: {  	[tilespmem:$0xAC8] =	vst v0  }
0x10f: {  	[tilespmem:$0xAD8] =	vst v0  }
0x110: {  	[tilespmem:$0xAE8] =	vst v0  }
0x111: {  	[tilespmem:$0xAF8] =	vst v0  }
0x112: {  	[tilespmem:$0xB08] =	vst v0  }
0x113: {  	[tilespmem:$0xB18] =	vst v0  }
0x114: {  	[tilespmem:$0xB28] =	vst v0  }
0x115: {  	[tilespmem:$0xB38] =	vst v0  }
0x116: {  	[tilespmem:$0xB48] =	vst v0  }
0x117: {  	[tilespmem:$0xB58] =	vst v0  }
0x118: {  	[tilespmem:$0xB68] =	vst v0  }
0x119: {  	[tilespmem:$0xB78] =	vst v0  }
0x11a: {  	[tilespmem:$0xB88] =	vst v0  }
0x11b: {  	[tilespmem:$0xB98] =	vst v0  }
0x11c: {  	[tilespmem:$0xBA8] =	vst v0  }
0x11d: {  	[tilespmem:$0xBB8] =	vst v0  }
0x11e: {  	[tilespmem:$0xBC8] =	vst v0  }
0x11f: {  	[tilespmem:$0xBD8] =	vst v0  }
0x120: {  	[tilespmem:$0xBE8] =	vst v0  }
0x121: {  	[tilespmem:$0xBF8] =	vst v0  }
0x122: {  	[tilespmem:$0xC08] =	vst v0  }
0x123: {  	[tilespmem:$0xC18] =	vst v0  }
0x124: {  	[tilespmem:$0xC28] =	vst v0  }
0x125: {  	[tilespmem:$0xC38] =	vst v0  }
0x126: {  	[tilespmem:$0xC48] =	vst v0  }
0x127: {  	[tilespmem:$0xC58] =	vst v0  }
0x128: {  	[tilespmem:$0xC68] =	vst v0  }
0x129: {  	[tilespmem:$0xC78] =	vst v0  }
0x12a: {  	[tilespmem:$0xC88] =	vst v0  }
0x12b: {  	[tilespmem:$0xC98] =	vst v0  }
0x12c: {  	[tilespmem:$0xCA8] =	vst v0  }
0x12d: {  	[tilespmem:$0xCB8] =	vst v0  }
0x12e: {  	[tilespmem:$0xCC8] =	vst v0  }
0x12f: {  	[tilespmem:$0xCD8] =	vst v0  }
0x130: {  	[tilespmem:$0xCE8] =	vst v0  }
0x131: {  	[tilespmem:$0xCF8] =	vst v0  }
0x132: {  	[tilespmem:$0xD08] =	vst v0  }
0x133: {  	[tilespmem:$0xD18] =	vst v0  }
0x134: {  	[tilespmem:$0xD28] =	vst v0  }
0x135: {  	[tilespmem:$0xD38] =	vst v0  }
0x136: {  	[tilespmem:$0xD48] =	vst v0  }
0x137: {  	[tilespmem:$0xD58] =	vst v0  }
0x138: {  	[tilespmem:$0xD68] =	vst v0  }
0x139: {  	[tilespmem:$0xD78] =	vst v0  }
0x13a: {  	[tilespmem:$0xD88] =	vst v0  }
0x13b: {  	[tilespmem:$0xD98] =	vst v0  }
0x13c: {  	[tilespmem:$0xDA8] =	vst v0  }
0x13d: {  	[tilespmem:$0xDB8] =	vst v0  }
0x13e: {  	[tilespmem:$0xDC8] =	vst v0  }
0x13f: {  	[tilespmem:$0xDD8] =	vst v0  }
0x140: {  	[tilespmem:$0xDE8] =	vst v0  }
0x141: {  	[tilespmem:$0xDF8] =	vst v0  }
0x142: {  	[tilespmem:$0xE08] =	vst v0  }
0x143: {  	[tilespmem:$0xE18] =	vst v0  }
0x144: {  	[tilespmem:$0xE28] =	vst v0  }
0x145: {  	[tilespmem:$0xE38] =	vst v0  }
0x146: {  	[tilespmem:$0xE48] =	vst v0  }
0x147: {  	[tilespmem:$0xE58] =	vst v0  }
0x148: {  	[tilespmem:$0xE68] =	vst v0  }
0x149: {  	[tilespmem:$0xE78] =	vst v0  }
0x14a: {  	[tilespmem:$0xE88] =	vst v0  }
0x14b: {  	[tilespmem:$0xE98] =	vst v0  }
0x14c: {  	[tilespmem:$0xEA8] =	vst v0  }
0x14d: {  	[tilespmem:$0xEB8] =	vst v0  }
0x14e: {  	[tilespmem:$0xEC8] =	vst v0  }
0x14f: {  	[tilespmem:$0xED8] =	vst v0  }
0x150: {  	[tilespmem:$0xEE8] =	vst v0  }
0x151: {  	[tilespmem:$0xEF8] =	vst v0  }
0x152: {  	[tilespmem:$0xF08] =	vst v0  }
0x153: {  	[tilespmem:$0xF18] =	vst v0  }
0x154: {  	[tilespmem:$0xF28] =	vst v0  }
0x155: {  	[tilespmem:$0xF38] =	vst v0  }
0x156: {  	[tilespmem:$0xF48] =	vst v0  }
0x157: {  	[tilespmem:$0xF58] =	vst v0  }
0x158: {  	[tilespmem:$0xF68] =	vst v0  }
0x159: {  	[tilespmem:$0xF78] =	vst v0  }
0x15a: {  	[tilespmem:$0xF88] =	vst v0  }
0x15b: {  	[tilespmem:$0xF98] =	vst v0  }
0x15c: {  	[tilespmem:$0xFA8] =	vst v0  }
0x15d: {  	[tilespmem:$0xFB8] =	vst v0  }
0x15e: {  	[tilespmem:$0xFC8] =	vst v0  }
0x15f: {  	[tilespmem:$0xFD8] =	vst v0  }
0x160: {  	[tilespmem:$0xFE8] =	vst v0  }
0x161: {  	[tilespmem:$0xFF8] =	vst v0  }
0x162: {  	[tilespmem:$0x1008] =	vst v0  }
0x163: {  	[tilespmem:$0x1018] =	vst v0  }
0x164: {  	[tilespmem:$0x1028] =	vst v0  }
0x165: {  	[tilespmem:$0x1168] =	vst v0  }
0x166: {  	[tilespmem:$0x1038] =	vst v0  }
0x167: {  	[tilespmem:$0x1048] =	vst v0  }
0x168: {  	[tilespmem:$0x1058] =	vst v0  }
0x169: {  	[tilespmem:$0x1068] =	vst v0  }
0x16a: {  	[tilespmem:$0x1078] =	vst v0  }
0x16b: {  	[tilespmem:$0x1088] =	vst v0  }
0x16c: {  	[tilespmem:$0x1098] =	vst v0  }
0x16d: {  	[tilespmem:$0x10A8] =	vst v0  }
0x16e: {  	[tilespmem:$0x10B8] =	vst v0  }
0x16f: {  	[tilespmem:$0x10C8] =	vst v0  }
0x170: {  	[tilespmem:$0x10D8] =	vst v0  }
0x171: {  	[tilespmem:$0x10E8] =	vst v0  }
0x172: {  	[tilespmem:$0x10F8] =	vst v0  }
0x173: {  	[tilespmem:$0x1108] =	vst v0  }
0x174: {  	[tilespmem:$0x1118] =	vst v0  }
0x175: {  	[tilespmem:$0x1128] =	vst v0  }
0x176: {  	[tilespmem:$0x1138] =	vst v0  }
0x177: {  	[tilespmem:$0x1148] =	vst v0  }
0x178: {  	[tilespmem:$0x1158] =	vst v0  }
0x179: {  	[tilespmem:$0x1178] =	vst v0  }
0x17a: {  	[tilespmem:$0x1188] =	vst v0  }
0x17b: {  	[tilespmem:$0x1198] =	vst v0  }
0x17c: {  	[tilespmem:$0x11A8] =	vst v0  }
0x17d: {  	[tilespmem:$0x11B8] =	vst v0  }
0x17e: {  	[tilespmem:$0x11C8] =	vst v0  }
0x17f: {  	[tilespmem:$0x11D8] =	vst v0  }
0x180: {  	[tilespmem:$0x11E8] =	vst v0  }
0x181: {  	[tilespmem:$0x11F8] =	vst v0  }
0x182: {  	[tilespmem:$0x1208] =	vst v0  }
0x183: {  	[tilespmem:$0x1218] =	vst v0  }
0x184: {  	[tilespmem:$0x1228] =	vst v0  }
0x185: {  	[tilespmem:$0x1238] =	vst v0  }
0x186: {  	[tilespmem:$0x1248] =	vst v0  }
0x187: {  	[tilespmem:$0x1258] =	vst v0  }
0x188: {  	[tilespmem:$0x1268] =	vst v0  }
0x189: {  	[tilespmem:$0x1278] =	vst v0  }
0x18a: {  	[tilespmem:$0x1288] =	vst v0  }
0x18b: {  	[tilespmem:$0x1298] =	vst v0  }
0x18c: {  	[tilespmem:$0x12A8] =	vst v0  }
0x18d: {  	[tilespmem:$0x12B8] =	vst v0  }
0x18e: {  	[tilespmem:$0x12C8] =	vst v0  }
0x18f: {  	[tilespmem:$0x12D8] =	vst v0  }
0x190: {  	[tilespmem:$0x12E8] =	vst v0  }
0x191: {  	[tilespmem:$0x12F8] =	vst v0  }
0x192: {  	[tilespmem:$0x1308] =	vst v0  }
0x193: {  	[tilespmem:$0x1318] =	vst v0  }
0x194: {  	[tilespmem:$0x1328] =	vst v0  }
0x195: {  	[tilespmem:$0x1338] =	vst v0  }
0x196: {  	[tilespmem:$0x1348] =	vst v0  }
0x197: {  	[tilespmem:$0x1358] =	vst v0  }
0x198: {  	[tilespmem:$0x1368] =	vst v0  }
0x199: {  	[tilespmem:$0x1378] =	vst v0  }
0x19a: {  	[tilespmem:$0x1388] =	vst v0  }
0x19b: {  	[tilespmem:$0x1398] =	vst v0  }
0x19c: {  	[tilespmem:$0x13A8] =	vst v0  }
0x19d: {  	[tilespmem:$0x13B8] =	vst v0  }
0x19e: {  	[tilespmem:$0x13C8] =	vst v0  }
0x19f: {  	[tilespmem:$0x13D8] =	vst v0  }
0x1a0: {  	[tilespmem:$0x13E8] =	vst v0  }
0x1a1: {  	[tilespmem:$0x13F8] =	vst v0  }
0x1a2: {  	[tilespmem:$0x1408] =	vst v0  }
0x1a3: {  	[tilespmem:$0x1418] =	vst v0  }
0x1a4: {  	[tilespmem:$0x1428] =	vst v0  }
0x1a5: {  	[tilespmem:$0x1438] =	vst v0  }
0x1a6: {  	[tilespmem:$0x1448] =	vst v0  }
0x1a7: {  	[tilespmem:$0x1458] =	vst v0  }
0x1a8: {  	[tilespmem:$0x1468] =	vst v0  }
0x1a9: {  	[tilespmem:$0x1478] =	vst v0  }
0x1aa: {  	[tilespmem:$0x1488] =	vst v0  }
0x1ab: {  	[tilespmem:$0x1498] =	vst v0  }
0x1ac: {  	[tilespmem:$0x14A8] =	vst v0  }
0x1ad: {  	[tilespmem:$0x14B8] =	vst v0  }
0x1ae: {  	[tilespmem:$0x14C8] =	vst v0  }
0x1af: {  	[tilespmem:$0x14D8] =	vst v0  }
0x1b0: {  	[tilespmem:$0x14E8] =	vst v0  }
0x1b1: {  	[tilespmem:$0x14F8] =	vst v0  }
0x1b2: {  	[tilespmem:$0x1508] =	vst v0  }
0x1b3: {  	[tilespmem:$0x1518] =	vst v0  }
0x1b4: {  	[tilespmem:$0x1528] =	vst v0  }
0x1b5: {  	[tilespmem:$0x1538] =	vst v0  }
0x1b6: {  	[tilespmem:$0x1548] =	vst v0  }
0x1b7: {  	[tilespmem:$0x1558] =	vst v0  }
0x1b8: {  	[tilespmem:$0x1568] =	vst v0  }
0x1b9: {  	[tilespmem:$0x1578] =	vst v0  }
0x1ba: {  	[tilespmem:$0x1588] =	vst v0  }
0x1bb: {  	[tilespmem:$0x1598] =	vst v0  }
0x1bc: {  	[tilespmem:$0x15A8] =	vst v0  }
0x1bd: {  	[tilespmem:$0x15B8] =	vst v0  }
0x1be: {  	[tilespmem:$0x15C8] =	vst v0  }
0x1bf: {  	[tilespmem:$0x15D8] =	vst v0  }
0x1c0: {  	[tilespmem:$0x15E8] =	vst v0  }
0x1c1: {  	[tilespmem:$0x15F8] =	vst v0  }
0x1c2: {  	[tilespmem:$0x1608] =	vst v0  }
0x1c3: {  	[tilespmem:$0x1618] =	vst v0  }
0x1c4: {  	[tilespmem:$0x1628] =	vst v0  }
0x1c5: {  	[tilespmem:$0x1638] =	vst v0  }
0x1c6: {  	[tilespmem:$0x1648] =	vst v0  }
0x1c7: {  	[tilespmem:$0x1658] =	vst v0  }
0x1c8: {  	[tilespmem:$0x1668] =	vst v0  }
0x1c9: {  	[tilespmem:$0x1678] =	vst v0  }
0x1ca: {  	[tilespmem:$0x1688] =	vst v0  }
0x1cb: {  	[tilespmem:$0x1698] =	vst v0  }
0x1cc: {  	[tilespmem:$0x16A8] =	vst v0  }
0x1cd: {  	[tilespmem:$0x16B8] =	vst v0  }
0x1ce: {  	[tilespmem:$0x16C8] =	vst v0  }
0x1cf: {  	[tilespmem:$0x16D8] =	vst v0  }
0x1d0: {  	[tilespmem:$0x16E8] =	vst v0  }
0x1d1: {  	[tilespmem:$0x16F8] =	vst v0  }
0x1d2: {  	[tilespmem:$0x1708] =	vst v0  }
0x1d3: {  	[tilespmem:$0x1718] =	vst v0  }
0x1d4: {  	[tilespmem:$0x1728] =	vst v0  }
0x1d5: {  	[tilespmem:$0x1738] =	vst v0  }
0x1d6: {  	[tilespmem:$0x1748] =	vst v0  }
0x1d7: {  	[tilespmem:$0x1758] =	vst v0  }
0x1d8: {  	[tilespmem:$0x1768] =	vst v0  }
0x1d9: {  	[tilespmem:$0x1778] =	vst v0  }
0x1da: {  	[tilespmem:$0x1788] =	vst v0  }
0x1db: {  	[tilespmem:$0x1798] =	vst v0  }
0x1dc: {  	[tilespmem:$0x17A8] =	vst v0  }
0x1dd: {  	[tilespmem:$0x17B8] =	vst v0  }
0x1de: {  	[tilespmem:$0x17C8] =	vst v0  }
0x1df: {  	[tilespmem:$0x17D8] =	vst v0  }
0x1e0: {  	[tilespmem:$0x17E8] =	vst v0  }
0x1e1: {  	[tilespmem:$0x17F8] =	vst v0  }
0x1e2: {  	[tilespmem:$0x1808] =	vst v0  }
0x1e3: {  	[tilespmem:$0x1818] =	vst v0  }
0x1e4: {  	[tilespmem:$0x1828] =	vst v0  }
0x1e5: {  	[tilespmem:$0x1838] =	vst v0  }
0x1e6: {  	[tilespmem:$0x1848] =	vst v0  }
0x1e7: {  	[tilespmem:$0x1858] =	vst v0  }
0x1e8: {  	[tilespmem:$0x1868] =	vst v0  }
0x1e9: {  	[tilespmem:$0x1878] =	vst v0  }
0x1ea: {  	[tilespmem:$0x1888] =	vst v0  }
0x1eb: {  	[tilespmem:$0x1898] =	vst v0  }
0x1ec: {  	[tilespmem:$0x18A8] =	vst v0  }
0x1ed: {  	[tilespmem:$0x18B8] =	vst v0  }
0x1ee: {  	[tilespmem:$0x18C8] =	vst v0  }
0x1ef: {  	[tilespmem:$0x18D8] =	vst v0  }
0x1f0: {  	[tilespmem:$0x18E8] =	vst v0  }
0x1f1: {  	[tilespmem:$0x18F8] =	vst v0  }
0x1f2: {  	[tilespmem:$0x1908] =	vst v0  }
0x1f3: {  	[tilespmem:$0x1918] =	vst v0  }
0x1f4: {  	[tilespmem:$0x1928] =	vst v0  }
0x1f5: {  	[tilespmem:$0x1938] =	vst v0  }
0x1f6: {  	[tilespmem:$0x1948] =	vst v0  }
0x1f7: {  	[tilespmem:$0x1958] =	vst v0  }
0x1f8: {  	[tilespmem:$0x1968] =	vst v0  }
0x1f9: {  	[tilespmem:$0x1978] =	vst v0  }
0x1fa: {  	[tilespmem:$0x1988] =	vst v0  }
0x1fb: {  	[tilespmem:$0x1998] =	vst v0  }
0x1fc: {  	[tilespmem:$0x19A8] =	vst v0  }
0x1fd: {  	[tilespmem:$0x19B8] =	vst v0  }
0x1fe: {  	[tilespmem:$0x19C8] =	vst v0  }
0x1ff: {  	[tilespmem:$0x19D8] =	vst v0  }
0x200: {  	[tilespmem:$0x19E8] =	vst v0  }
0x201: {  	[tilespmem:$0x19F8] =	vst v0  }
0x202: {  	[tilespmem:$0x1A08] =	vst v0  }
0x203: {  	[tilespmem:$0x1A18] =	vst v0  }
0x204: {  	[tilespmem:$0x1A28] =	vst v0  }
0x205: {  	[tilespmem:$0x1A38] =	vst v0  }
0x206: {  	[tilespmem:$0x1A48] =	vst v0  }
0x207: {  	[tilespmem:$0x1A58] =	vst v0  }
0x208: {  	[tilespmem:$0x1A68] =	vst v0  }
0x209: {  	[tilespmem:$0x1A78] =	vst v0  }
0x20a: {  	[tilespmem:$0x1A88] =	vst v0  }
0x20b: {  	[tilespmem:$0x1A98] =	vst v0  }
0x20c: {  	[tilespmem:$0x1AA8] =	vst v0  }
0x20d: {  	[tilespmem:$0x1AB8] =	vst v0  }
0x20e: {  	[tilespmem:$0x1AC8] =	vst v0  }
0x20f: {  	[tilespmem:$0x1AD8] =	vst v0  }
0x210: {  	[tilespmem:$0x1AE8] =	vst v0  }
0x211: {  	[tilespmem:$0x1AF8] =	vst v0  }
0x212: {  	[tilespmem:$0x1B08] =	vst v0  }
0x213: {  	[tilespmem:$0x1B18] =	vst v0  }
0x214: {  	[tilespmem:$0x1B28] =	vst v0  }
0x215: {  	[tilespmem:$0x1B38] =	vst v0  }
0x216: {  	[tilespmem:$0x1B48] =	vst v0  }
0x217: {  	[tilespmem:$0x1B58] =	vst v0  }
0x218: {  	[tilespmem:$0x1B68] =	vst v0  }
0x219: {  	[tilespmem:$0x1B78] =	vst v0  }
0x21a: {  	[tilespmem:$0x1B88] =	vst v0  }
0x21b: {  	[tilespmem:$0x1B98] =	vst v0  }
0x21c: {  	[tilespmem:$0x1BA8] =	vst v0  }
0x21d: {  	[tilespmem:$0x1BB8] =	vst v0  }
0x21e: {  	[tilespmem:$0x1BC8] =	vst v0  }
0x21f: {  	[tilespmem:$0x1BD8] =	vst v0  }
0x220: {  	[tilespmem:$0x1BE8] =	vst v0  }
0x221: {  	[tilespmem:$0x1BF8] =	vst v0  }
0x222: {  	[tilespmem:$0x1C08] =	vst v0  }
0x223: {  	[tilespmem:$0x1C18] =	vst v0  }
0x224: {  	[tilespmem:$0x1C28] =	vst v0  }
0x225: {  	[tilespmem:$0x1C38] =	vst v0  }
0x226: {  	[tilespmem:$0x1C48] =	vst v0  }
0x227: {  	[tilespmem:$0x1C58] =	vst v0  }
0x228: {  	[tilespmem:$0x1C68] =	vst v0  }
0x229: {  	[tilespmem:$0x1C78] =	vst v0  }
0x22a: {  	[tilespmem:$0x1C88] =	vst v0  }
0x22b: {  	[tilespmem:$0x1C98] =	vst v0  }
0x22c: {  	[tilespmem:$0x1CA8] =	vst v0  }
0x22d: {  	[tilespmem:$0x1CB8] =	vst v0  }
0x22e: {  	[tilespmem:$0x1CC8] =	vst v0  }
0x22f: {  	[tilespmem:$0x1CD8] =	vst v0  }
0x230: {  	[tilespmem:$0x1CE8] =	vst v0  }
0x231: {  	[tilespmem:$0x1CF8] =	vst v0  }
0x232: {  	[tilespmem:$0x1D08] =	vst v0  }
0x233: {  	[tilespmem:$0x1D18] =	vst v0  }
0x234: {  	[tilespmem:$0x1D28] =	vst v0  }
0x235: {  	[tilespmem:$0x1D38] =	vst v0  }
0x236: {  	[tilespmem:$0x1D48] =	vst v0  }
0x237: {  	[tilespmem:$0x1D58] =	vst v0  }
0x238: {  	[tilespmem:$0x1D68] =	vst v0  }
0x239: {  	[tilespmem:$0x1D78] =	vst v0  }
0x23a: {  	[tilespmem:$0x1D88] =	vst v0  }
0x23b: {  	[tilespmem:$0x1D98] =	vst v0  }
0x23c: {  	[tilespmem:$0x1DA8] =	vst v0  }
0x23d: {  	[tilespmem:$0x1DB8] =	vst v0  }
0x23e: {  	[tilespmem:$0x1DC8] =	vst v0  }
0x23f: {  	[tilespmem:$0x1DD8] =	vst v0  }
0x240: {  	[tilespmem:$0x1DE8] =	vst v0  }
0x241: {  	[tilespmem:$0x1DF8] =	vst v0  }
0x242: {  	[tilespmem:$0x1E08] =	vst v0  }
0x243: {  	[tilespmem:$0x1E18] =	vst v0  }
0x244: {  	[tilespmem:$0x1E28] =	vst v0  }
0x245: {  	[tilespmem:$0x1E38] =	vst v0  }
0x246: {  	[tilespmem:$0x1E48] =	vst v0  }
0x247: {  	[tilespmem:$0x1E58] =	vst v0  }
0x248: {  	[tilespmem:$0x1E68] =	vst v0  }
0x249: {  	[tilespmem:$0x1E78] =	vst v0  }
0x24a: {  	[tilespmem:$0x1E88] =	vst v0  }
0x24b: {  	[tilespmem:$0x1E98] =	vst v0  }
0x24c: {  	[tilespmem:$0x1EA8] =	vst v0  }
0x24d: {  	[tilespmem:$0x1EB8] =	vst v0  }
0x24e: {  	[tilespmem:$0x1EC8] =	vst v0  }
0x24f: {  	[tilespmem:$0x1ED8] =	vst v0  }
0x250: {  	[tilespmem:$0x1EE8] =	vst v0  }
0x251: {  	[tilespmem:$0x1EF8] =	vst v0  }
0x252: {  	[tilespmem:$0x1F08] =	vst v0  }
0x253: {  	[tilespmem:$0x1F18] =	vst v0  }
0x254: {  	[tilespmem:$0x1F28] =	vst v0  }
0x255: {  	[tilespmem:$0x1F38] =	vst v0  }
0x256: {  	[tilespmem:$0x1F48] =	vst v0  }
0x257: {  	[tilespmem:$0x1F58] =	vst v0  }
0x258: {  	[tilespmem:$0x1F68] =	vst v0  }
0x259: {  	[tilespmem:$0x1F78] =	vst v0  }
0x25a: {  	[tilespmem:$0x1F88] =	vst v0  }
0x25b: {  	[tilespmem:$0x1F98] =	vst v0  }
0x25c: {  	[tilespmem:$0x1FA8] =	vst v0  }
0x25d: {  	[tilespmem:$0x1FB8] =	vst v0  }
0x25e: {  	[tilespmem:$0x1FC8] =	vst v0  }
0x25f: {  	[tilespmem:$0x1FD8] =	vst v0  }
0x260: {  	[tilespmem:$0x1FE8] =	vst v0  }
0x261: {  	[tilespmem:$0x1FF8] =	vst v0  }
0x262: {  	[tilespmem:$0x2008] =	vst v0  }
0x263: {  	[tilespmem:$0x2018] =	vst v0  }
0x264: {  	[tilespmem:$0x2028] =	vst v0  }
0x265: {  	[tilespmem:$0x2038] =	vst v0  }
0x266: {  	[tilespmem:$0x2048] =	vst v0  }
0x267: {  	[tilespmem:$0x2058] =	vst v0  }
0x268: {  	[tilespmem:$0x2068] =	vst v0  }
0x269: {  	[tilespmem:$0x2078] =	vst v0  }
0x26a: {  	[tilespmem:$0x2088] =	vst v0  }
0x26b: {  	[tilespmem:$0x2098] =	vst v0  }
0x26c: {  	[tilespmem:$0x20A8] =	vst v0  }
0x26d: {  	[tilespmem:$0x20B8] =	vst v0  }
0x26e: {  	[tilespmem:$0x20C8] =	vst v0  }
0x26f: {  	[tilespmem:$0x20D8] =	vst v0  }
0x270: {  	[tilespmem:$0x20E8] =	vst v0  }
0x271: {  	[tilespmem:$0x20F8] =	vst v0  }
0x272: {  	[tilespmem:$0x2108] =	vst v0  }
0x273: {  	[tilespmem:$0x2118] =	vst v0  }
0x274: {  	[tilespmem:$0x2128] =	vst v0  }
0x275: {  	[tilespmem:$0x2138] =	vst v0  }
0x276: {  	[tilespmem:$0x2148] =	vst v0  }
0x277: {  	[tilespmem:$0x2158] =	vst v0  }
0x278: {  	[tilespmem:$0x2168] =	vst v0  }
0x279: {  	[tilespmem:$0x2218] =	vst v0  }
0x27a: {  	[tilespmem:$0x3058] =	vst v0  }
0x27b: {  	[tilespmem:$0x3048] =	vst v0  }
0x27c: {  	[tilespmem:$0x3038] =	vst v0  }
0x27d: {  	[tilespmem:$0x3028] =	vst v0  }
0x27e: {  	[tilespmem:$0x3018] =	vst v0  }
0x27f: {  	[tilespmem:$0x3008] =	vst v0  }
0x280: {  	[tilespmem:$0x2FF8] =	vst v0  }
0x281: {  	[tilespmem:$0x2FE8] =	vst v0  }
0x282: {  	[tilespmem:$0x2FD8] =	vst v0  }
0x283: {  	[tilespmem:$0x2FC8] =	vst v0  }
0x284: {  	[tilespmem:$0x2FB8] =	vst v0  }
0x285: {  	[tilespmem:$0x2FA8] =	vst v0  }
0x286: {  	[tilespmem:$0x2F98] =	vst v0  }
0x287: {  	[tilespmem:$0x2F88] =	vst v0  }
0x288: {  	[tilespmem:$0x2F78] =	vst v0  }
0x289: {  	[tilespmem:$0x2F68] =	vst v0  }
0x28a: {  	[tilespmem:$0x2F58] =	vst v0  }
0x28b: {  	[tilespmem:$0x2F48] =	vst v0  }
0x28c: {  	[tilespmem:$0x2F38] =	vst v0  }
0x28d: {  	[tilespmem:$0x2F28] =	vst v0  }
0x28e: {  	[tilespmem:$0x2F18] =	vst v0  }
0x28f: {  	[tilespmem:$0x2F08] =	vst v0  }
0x290: {  	[tilespmem:$0x2EF8] =	vst v0  }
0x291: {  	[tilespmem:$0x2EE8] =	vst v0  }
0x292: {  	[tilespmem:$0x2ED8] =	vst v0  }
0x293: {  	[tilespmem:$0x2EC8] =	vst v0  }
0x294: {  	[tilespmem:$0x2EB8] =	vst v0  }
0x295: {  	[tilespmem:$0x2EA8] =	vst v0  }
0x296: {  	[tilespmem:$0x2E98] =	vst v0  }
0x297: {  	[tilespmem:$0x2E88] =	vst v0  }
0x298: {  	[tilespmem:$0x2E78] =	vst v0  }
0x299: {  	[tilespmem:$0x2E68] =	vst v0  }
0x29a: {  	[tilespmem:$0x2E58] =	vst v0  }
0x29b: {  	[tilespmem:$0x2E48] =	vst v0  }
0x29c: {  	[tilespmem:$0x2E38] =	vst v0  }
0x29d: {  	[tilespmem:$0x2E28] =	vst v0  }
0x29e: {  	[tilespmem:$0x2E18] =	vst v0  }
0x29f: {  	[tilespmem:$0x2E08] =	vst v0  }
0x2a0: {  	[tilespmem:$0x2DF8] =	vst v0  }
0x2a1: {  	[tilespmem:$0x2DE8] =	vst v0  }
0x2a2: {  	[tilespmem:$0x2DD8] =	vst v0  }
0x2a3: {  	[tilespmem:$0x2DC8] =	vst v0  }
0x2a4: {  	[tilespmem:$0x2DB8] =	vst v0  }
0x2a5: {  	[tilespmem:$0x2DA8] =	vst v0  }
0x2a6: {  	[tilespmem:$0x2D98] =	vst v0  }
0x2a7: {  	[tilespmem:$0x2D88] =	vst v0  }
0x2a8: {  	[tilespmem:$0x2D78] =	vst v0  }
0x2a9: {  	[tilespmem:$0x2D68] =	vst v0  }
0x2aa: {  	[tilespmem:$0x2D58] =	vst v0  }
0x2ab: {  	[tilespmem:$0x2D48] =	vst v0  }
0x2ac: {  	[tilespmem:$0x2D38] =	vst v0  }
0x2ad: {  	[tilespmem:$0x2D28] =	vst v0  }
0x2ae: {  	[tilespmem:$0x2D18] =	vst v0  }
0x2af: {  	[tilespmem:$0x2D08] =	vst v0  }
0x2b0: {  	[tilespmem:$0x2CF8] =	vst v0  }
0x2b1: {  	[tilespmem:$0x2CE8] =	vst v0  }
0x2b2: {  	[tilespmem:$0x2CD8] =	vst v0  }
0x2b3: {  	[tilespmem:$0x2CC8] =	vst v0  }
0x2b4: {  	[tilespmem:$0x2CB8] =	vst v0  }
0x2b5: {  	[tilespmem:$0x2CA8] =	vst v0  }
0x2b6: {  	[tilespmem:$0x2C98] =	vst v0  }
0x2b7: {  	[tilespmem:$0x2C88] =	vst v0  }
0x2b8: {  	[tilespmem:$0x2C78] =	vst v0  }
0x2b9: {  	[tilespmem:$0x2C68] =	vst v0  }
0x2ba: {  	[tilespmem:$0x2C58] =	vst v0  }
0x2bb: {  	[tilespmem:$0x2C48] =	vst v0  }
0x2bc: {  	[tilespmem:$0x2C38] =	vst v0  }
0x2bd: {  	[tilespmem:$0x2C28] =	vst v0  }
0x2be: {  	[tilespmem:$0x2C18] =	vst v0  }
0x2bf: {  	[tilespmem:$0x2C08] =	vst v0  }
0x2c0: {  	[tilespmem:$0x2BF8] =	vst v0  }
0x2c1: {  	[tilespmem:$0x2BE8] =	vst v0  }
0x2c2: {  	[tilespmem:$0x2BD8] =	vst v0  }
0x2c3: {  	[tilespmem:$0x2BC8] =	vst v0  }
0x2c4: {  	[tilespmem:$0x2BB8] =	vst v0  }
0x2c5: {  	[tilespmem:$0x2BA8] =	vst v0  }
0x2c6: {  	[tilespmem:$0x2B98] =	vst v0  }
0x2c7: {  	[tilespmem:$0x2B88] =	vst v0  }
0x2c8: {  	[tilespmem:$0x2B78] =	vst v0  }
0x2c9: {  	[tilespmem:$0x2B68] =	vst v0  }
0x2ca: {  	[tilespmem:$0x2B58] =	vst v0  }
0x2cb: {  	[tilespmem:$0x2B48] =	vst v0  }
0x2cc: {  	[tilespmem:$0x2B38] =	vst v0  }
0x2cd: {  	[tilespmem:$0x2B28] =	vst v0  }
0x2ce: {  	[tilespmem:$0x2B18] =	vst v0  }
0x2cf: {  	[tilespmem:$0x2B08] =	vst v0  }
0x2d0: {  	[tilespmem:$0x2AF8] =	vst v0  }
0x2d1: {  	[tilespmem:$0x2AE8] =	vst v0  }
0x2d2: {  	[tilespmem:$0x2AD8] =	vst v0  }
0x2d3: {  	[tilespmem:$0x2AC8] =	vst v0  }
0x2d4: {  	[tilespmem:$0x2AB8] =	vst v0  }
0x2d5: {  	[tilespmem:$0x2AA8] =	vst v0  }
0x2d6: {  	[tilespmem:$0x2A98] =	vst v0  }
0x2d7: {  	[tilespmem:$0x2A88] =	vst v0  }
0x2d8: {  	[tilespmem:$0x2A78] =	vst v0  }
0x2d9: {  	[tilespmem:$0x2A68] =	vst v0  }
0x2da: {  	[tilespmem:$0x2A58] =	vst v0  }
0x2db: {  	[tilespmem:$0x2A48] =	vst v0  }
0x2dc: {  	[tilespmem:$0x2A38] =	vst v0  }
0x2dd: {  	[tilespmem:$0x2A28] =	vst v0  }
0x2de: {  	[tilespmem:$0x2A18] =	vst v0  }
0x2df: {  	[tilespmem:$0x2A08] =	vst v0  }
0x2e0: {  	[tilespmem:$0x29F8] =	vst v0  }
0x2e1: {  	[tilespmem:$0x29E8] =	vst v0  }
0x2e2: {  	[tilespmem:$0x29D8] =	vst v0  }
0x2e3: {  	[tilespmem:$0x29C8] =	vst v0  }
0x2e4: {  	[tilespmem:$0x29B8] =	vst v0  }
0x2e5: {  	[tilespmem:$0x29A8] =	vst v0  }
0x2e6: {  	[tilespmem:$0x2998] =	vst v0  }
0x2e7: {  	[tilespmem:$0x2988] =	vst v0  }
0x2e8: {  	[tilespmem:$0x2978] =	vst v0  }
0x2e9: {  	[tilespmem:$0x2968] =	vst v0  }
0x2ea: {  	[tilespmem:$0x2958] =	vst v0  }
0x2eb: {  	[tilespmem:$0x2948] =	vst v0  }
0x2ec: {  	[tilespmem:$0x2938] =	vst v0  }
0x2ed: {  	[tilespmem:$0x2928] =	vst v0  }
0x2ee: {  	[tilespmem:$0x2918] =	vst v0  }
0x2ef: {  	[tilespmem:$0x2908] =	vst v0  }
0x2f0: {  	[tilespmem:$0x28F8] =	vst v0  }
0x2f1: {  	[tilespmem:$0x28E8] =	vst v0  }
0x2f2: {  	[tilespmem:$0x28D8] =	vst v0  }
0x2f3: {  	[tilespmem:$0x28C8] =	vst v0  }
0x2f4: {  	[tilespmem:$0x28B8] =	vst v0  }
0x2f5: {  	[tilespmem:$0x28A8] =	vst v0  }
0x2f6: {  	[tilespmem:$0x2898] =	vst v0  }
0x2f7: {  	[tilespmem:$0x2888] =	vst v0  }
0x2f8: {  	[tilespmem:$0x2878] =	vst v0  }
0x2f9: {  	[tilespmem:$0x2868] =	vst v0  }
0x2fa: {  	[tilespmem:$0x2858] =	vst v0  }
0x2fb: {  	[tilespmem:$0x2848] =	vst v0  }
0x2fc: {  	[tilespmem:$0x2838] =	vst v0  }
0x2fd: {  	[tilespmem:$0x2828] =	vst v0  }
0x2fe: {  	[tilespmem:$0x2818] =	vst v0  }
0x2ff: {  	[tilespmem:$0x2808] =	vst v0  }
0x300: {  	[tilespmem:$0x27F8] =	vst v0  }
0x301: {  	[tilespmem:$0x27E8] =	vst v0  }
0x302: {  	[tilespmem:$0x27D8] =	vst v0  }
0x303: {  	[tilespmem:$0x27C8] =	vst v0  }
0x304: {  	[tilespmem:$0x27B8] =	vst v0  }
0x305: {  	[tilespmem:$0x27A8] =	vst v0  }
0x306: {  	[tilespmem:$0x2798] =	vst v0  }
0x307: {  	[tilespmem:$0x2788] =	vst v0  }
0x308: {  	[tilespmem:$0x2778] =	vst v0  }
0x309: {  	[tilespmem:$0x2768] =	vst v0  }
0x30a: {  	[tilespmem:$0x2758] =	vst v0  }
0x30b: {  	[tilespmem:$0x2748] =	vst v0  }
0x30c: {  	[tilespmem:$0x2738] =	vst v0  }
0x30d: {  	[tilespmem:$0x2728] =	vst v0  }
0x30e: {  	[tilespmem:$0x2718] =	vst v0  }
0x30f: {  	[tilespmem:$0x2708] =	vst v0  }
0x310: {  	[tilespmem:$0x26F8] =	vst v0  }
0x311: {  	[tilespmem:$0x26E8] =	vst v0  }
0x312: {  	[tilespmem:$0x26D8] =	vst v0  }
0x313: {  	[tilespmem:$0x26C8] =	vst v0  }
0x314: {  	[tilespmem:$0x26B8] =	vst v0  }
0x315: {  	[tilespmem:$0x26A8] =	vst v0  }
0x316: {  	[tilespmem:$0x2698] =	vst v0  }
0x317: {  	[tilespmem:$0x2688] =	vst v0  }
0x318: {  	[tilespmem:$0x2678] =	vst v0  }
0x319: {  	[tilespmem:$0x2668] =	vst v0  }
0x31a: {  	[tilespmem:$0x2658] =	vst v0  }
0x31b: {  	[tilespmem:$0x2648] =	vst v0  }
0x31c: {  	[tilespmem:$0x2638] =	vst v0  }
0x31d: {  	[tilespmem:$0x2628] =	vst v0  }
0x31e: {  	[tilespmem:$0x2618] =	vst v0  }
0x31f: {  	[tilespmem:$0x2608] =	vst v0  }
0x320: {  	[tilespmem:$0x25F8] =	vst v0  }
0x321: {  	[tilespmem:$0x25E8] =	vst v0  }
0x322: {  	[tilespmem:$0x25D8] =	vst v0  }
0x323: {  	[tilespmem:$0x25C8] =	vst v0  }
0x324: {  	[tilespmem:$0x25B8] =	vst v0  }
0x325: {  	[tilespmem:$0x25A8] =	vst v0  }
0x326: {  	[tilespmem:$0x2598] =	vst v0  }
0x327: {  	[tilespmem:$0x2588] =	vst v0  }
0x328: {  	[tilespmem:$0x2578] =	vst v0  }
0x329: {  	[tilespmem:$0x2568] =	vst v0  }
0x32a: {  	[tilespmem:$0x2558] =	vst v0  }
0x32b: {  	[tilespmem:$0x2548] =	vst v0  }
0x32c: {  	[tilespmem:$0x2538] =	vst v0  }
0x32d: {  	[tilespmem:$0x2528] =	vst v0  }
0x32e: {  	[tilespmem:$0x2518] =	vst v0  }
0x32f: {  	[tilespmem:$0x2508] =	vst v0  }
0x330: {  	[tilespmem:$0x24F8] =	vst v0  }
0x331: {  	[tilespmem:$0x24E8] =	vst v0  }
0x332: {  	[tilespmem:$0x24D8] =	vst v0  }
0x333: {  	[tilespmem:$0x24C8] =	vst v0  }
0x334: {  	[tilespmem:$0x24B8] =	vst v0  }
0x335: {  	[tilespmem:$0x24A8] =	vst v0  }
0x336: {  	[tilespmem:$0x2498] =	vst v0  }
0x337: {  	[tilespmem:$0x2488] =	vst v0  }
0x338: {  	[tilespmem:$0x2478] =	vst v0  }
0x339: {  	[tilespmem:$0x2468] =	vst v0  }
0x33a: {  	[tilespmem:$0x2458] =	vst v0  }
0x33b: {  	[tilespmem:$0x2448] =	vst v0  }
0x33c: {  	[tilespmem:$0x2438] =	vst v0  }
0x33d: {  	[tilespmem:$0x2428] =	vst v0  }
0x33e: {  	[tilespmem:$0x2418] =	vst v0  }
0x33f: {  	[tilespmem:$0x2408] =	vst v0  }
0x340: {  	[tilespmem:$0x23F8] =	vst v0  }
0x341: {  	[tilespmem:$0x23E8] =	vst v0  }
0x342: {  	[tilespmem:$0x23D8] =	vst v0  }
0x343: {  	[tilespmem:$0x23C8] =	vst v0  }
0x344: {  	[tilespmem:$0x23B8] =	vst v0  }
0x345: {  	[tilespmem:$0x23A8] =	vst v0  }
0x346: {  	[tilespmem:$0x2398] =	vst v0  }
0x347: {  	[tilespmem:$0x2388] =	vst v0  }
0x348: {  	[tilespmem:$0x2378] =	vst v0  }
0x349: {  	[tilespmem:$0x2368] =	vst v0  }
0x34a: {  	[tilespmem:$0x2358] =	vst v0  }
0x34b: {  	[tilespmem:$0x2348] =	vst v0  }
0x34c: {  	[tilespmem:$0x2338] =	vst v0  }
0x34d: {  	[tilespmem:$0x2328] =	vst v0  }
0x34e: {  	[tilespmem:$0x2318] =	vst v0  }
0x34f: {  	[tilespmem:$0x2308] =	vst v0  }
0x350: {  	[tilespmem:$0x22F8] =	vst v0  }
0x351: {  	[tilespmem:$0x22E8] =	vst v0  }
0x352: {  	[tilespmem:$0x22D8] =	vst v0  }
0x353: {  	[tilespmem:$0x22C8] =	vst v0  }
0x354: {  	[tilespmem:$0x22B8] =	vst v0  }
0x355: {  	[tilespmem:$0x22A8] =	vst v0  }
0x356: {  	[tilespmem:$0x2298] =	vst v0  }
0x357: {  	[tilespmem:$0x2288] =	vst v0  }
0x358: {  	[tilespmem:$0x2278] =	vst v0  }
0x359: {  	s10 =	stileid.u32;
	[tilespmem:$0x2268] =	vst v0  }
0x35a: {  	s0 =	smul.u32 $0x82, s10;
	[tilespmem:$0x2258] =	vst v0  }
0x35b: {  	s1 =	smin.u32 s10, $0x4;
	[tilespmem:$0x2248] =	vst v0  }
0x35c: {  	[tilespmem:$0x2238] =	vst v0;
	s0 =	sadd.s32 s1, s0  }
0x35d: {  	p0 =	slt.u32 s10, $0x4;
	[tilespmem:$0x2228] =	vst v0;
	s1 =	simm.s32 $0xC480;
	s8 =	smul.u32 $0x180, s0  }
0x35e: {  	s1 =	simm.s32 @!p0 $0xC300;
	[tilespmem:$0x21F8] =	vst v0  }
0x35f: {  	[tilespmem:$0x2208] =	vst v0;
	s0 =	sadd.s32 s1, s8  }
0x360: {  	s4 =	simm.s32 $0x2;
	[tilespmem:$0x21E8] =	vst v0;
	s9 =	smin.u32 s0, $0xC3500  }
0x361: {  	s31 =	simm.s32 $0x9;
	s5 =	simm.s32 $0xA;
	[tilespmem:$0x2188] =	vst v0;
	s0 =	ssub.s32 s9, s8  }
0x362: {  	s12 =	simm.s32 $0xB;
	s18 =	simm.s32 $0x0;
	[tilespmem:$0x21D8] =	vst v0;
	p0 =	sgt.s32 s0, $0x0  }
0x363: {  	p1 =	por $0x0, $0x0;
	s19 =	simm.s32 $0xC;
	[tilespmem:$0x21C8] =	vst v0;
	s0 =	simm.s32 @!p0 $0x0  }
0x364: {  	s23 =	simm.s32 $0x0;
	s20 =	simm.s32 $0x0;
	[tilespmem:$0x21B8] =	vst v0;
	s30 =	smulhi.u32 $0x2AAAAAAB, s0  }
0x365: {  	s22 =	simm.s32 $0x0;
	s2 =	sand.u32 $0x1, s2;
	s16 =	sshll.u32 s10, $0x6;
	[tilespmem:$0x21A8] =	vst v0  }
0x366: {  	s1 =	sshrl.u32 s30, $0x6;
	[tilespmem:$0x2198] =	vst v0;
	[dreg:$0x4] =	wrdreg s2;
	s2 =	smul.u32 $0x186A0, s2  }
0x367: {  	[tilespmem:$0x2178] =	vst v0;
	[sflag:s4] =	ssyncpa.u1 $0x0;
	v0 =	vimm.s32 $0xFFFFFFFF;
	s4 =	sadd.s32 $0x3DD400, s7;
	s6 =	smul.u32 $0x180, s1  }
.Ltmp7:
0x368: {  	[tilespmem:$0x6088] =	vst v0;
	[sflag:s31] =	ssyncpa.u1 $0x0;
	s2 =	sadd.s32 s2, s7;
	(pc) =	sbr.rel .LBB3_1-.Ltmp7, $4  }
0x369: {  	[sflag:s5] =	ssyncpa.u1 $0x0;
	p0 =	sne.s32 s0, s6;
	s0 =	simm.s32 $0x1  }
0x36a: {  	s7 =	sadd.s32 $0x3F5FE00, s7;
	[sflag:s12] =	ssyncpa.u1 $0x0;
	s0 =	simm.s32 @!p0 $0x0  }
0x36b: {  	s14 =	sadd.s32 $0x934600, s2;
	s15 =	sadd.s32 $0x6600, s2;
	s13 =	sadd.s32 s0, s1  }
0x36c: {  	v0 =	vlaneseq.u32;
	s21 =	smov.u32 s8;
	p0 =	por $0x1, $0x1;
	s17 =	sadd.s32 $0x1, s13  }
.LBB3_22:
0x36d: {  	s0 =	sshrl.u32 s0, $0x2  }
.LBB3_24:
0x36e: {  	_ =	swait.ge [sflag:s19], s0  }
0x36f: {  	s30 =	ssub.s32 $0x0, s0;
	v1 =	vmov s25;
	vm0 =	veq.s32 v0, $0x0;
	[sflag:s19] =	ssyncset.done $0x0  }
0x370: {  	vm15 =	veq.s32 v0, $0x2;
	v1 =	vsel vm0, s31, v1;
	[sflag:s19] =	ssyncadd.s32 s30  }
0x371: {  	v1 =	vsel vm15, s23, v1;
	[sflag:s19] =	ssyncpa.u1 $0x1  }
0x372: {  	[tilespmem:$0x6088] =	vst v1  }
.LBB3_25:
0x373: {  	s0 =	sadd.s32 $0x180, s21  }
0x374: {  	s1 =	smov.u32 s8;
	p2 =	slt.s32 s0, s9  }
0x375: {  	s1 =	smov.u32 @p2 s0;
	p2 =	sne.s32 s22, s17  }
.Ltmp8:
0x376: {  	_ = 	snop;
	(pc) =	sbr.rel @!p2 .LBB3_26-.Ltmp8, $4  }
0x377: {  	_ = 	snop  }
0x378: {  	s23 =	smov.u32 s20  }
0x379: {  	s31 =	sadd.s32 $0x1, s22;
	s20 =	smov.u32 s21;
	p0 =	por !p0, !p0  }
0x37a: {  	p1 =	por !p1, !p1;
	s22 =	smov.u32 s31;
	s21 =	smov.u32 s1  }
.LBB3_1:
0x37b: {  	p2 =	sge.u32 s22, s13  }
0x37c: {  	s0 =	smulhi.u32 @!p2 $0xAAAAAAAB, s22  }
0x37d: {  	s1 =	smov.u32 s21;
	p3 =	sgt.s32 @!p2 s21, $0xC3380  }
0x37e: {  	s2 =	sshra.s32 @!p2 s21, $0x1F;
	p3 =	por !p3, p2;
	s0 =	sshrl.u32 @!p2 s0, $0x1  }
0x37f: {  	s2 =	sand.u32 @!p2 s2, s21;
	s1 =	simm.s32 @p3 $0xC3380;
	s0 =	smul.u32 @!p2 $0x3, s0  }
0x380: {  	s1 =	ssub.s32 @!p2 s1, s2  }
0x381: {  	s1 =	sadd.s32 @!p2 $0xFFF3CC80, s1;
	s0 =	ssub.s32 @!p2 s22, s0  }
0x382: {  	s2 =	sshll.u32 @!p2 s1, $0x2;
	p3 =	sgt.s32 @!p2 s1, $0x17F;
	s0 =	smul.u32 @!p2 $0x600, s0  }
0x383: {  	s5 =	sand.u32 @!p2 $0x7, s21;
	s1 =	ssub.s32 @!p2 $0x600, s2;
	p3 =	por !p3, p2  }
0x384: {  	s2 =	sshrl.u32 @!p2 s21, $0x3;
	s1 =	sshrl.u32 @!p2 s1, $0x2;
	s0 =	sshrl.u32 @!p2 s0, $0x2  }
0x385: {  	s2 =	sadd.s32 @!p2 s2, s14;
	s1 =	simm.s32 @!p3 $0x0;
	s0 =	sadd.s32 @!p2 $0x64C8, s0  }
0x386: {  	[tilespmem:s0], [sflag:$0xA] =	stream.linear.gather @!p2 [hbm4b:s2+s5], s1, $0x38;
	[tilespmem:$0x1EC48] =	vst v63  }
0x387: {  	s1 =	sadd.s32 $0xFFFFFFFF, s22  }
0x388: {  	p2 =	sge.u32 s1, s13  }
0x389: {  	p3 =	sgt.s32 @!p2 s20, $0xC3380  }
0x38a: {  	s0 =	smov.u32 s20;
	s2 =	sshra.s32 @!p2 s20, $0x1F;
	p3 =	por !p3, p2  }
0x38b: {  	s2 =	sand.u32 @!p2 s2, s20;
	s0 =	simm.s32 @p3 $0xC3380  }
0x38c: {  	s0 =	ssub.s32 @!p2 s0, s2  }
0x38d: {  	s0 =	sadd.s32 @!p2 $0xFFF3CC80, s0  }
0x38e: {  	s2 =	sshll.u32 @!p2 s0, $0x2  }
0x38f: {  	p3 =	sgt.s32 @!p2 s0, $0x17F;
	s0 =	ssub.s32 @!p2 $0x600, s2  }
0x390: {  	p3 =	por !p3, p2;
	s0 =	sshrl.u32 @!p2 s0, $0x2  }
0x391: {  	s5 =	simm.s32 @!p2 $0xA;
	s2 =	sand.u32 @!p2 $0x1, s1;
	s0 =	simm.s32 @!p3 $0x0  }
0x392: {  	s2 =	smul.u32 @!p2 $0x600, s2;
	_ =	swait.ge @!p2 [sflag:s5], s0  }
0x393: {  	s6 =	ssub.s32 @!p2 $0x0, s0;
	[sflag:s5] =	ssyncset.done @!p2 $0x0  }
0x394: {  	s2 =	sshrl.u32 @!p2 s2, $0x2;
	[sflag:s5] =	ssyncadd.s32 @!p2 s6;
	s5 =	sshrl.u32 @!p2 s20, $0x3  }
0x395: {  	s2 =	sadd.s32 @!p2 $0x6948, s2;
	s6 =	sand.u32 @!p2 $0x7, s20;
	s5 =	sadd.s32 @!p2 s5, s15  }
0x396: {  	[tilespmem:s2], [sflag:$0xB] =	stream.linear.gather @!p2 [hbm4b:s5+s6], s0, $0x38;
	[tilespmem:$0x1EC48] =	vst v63  }
0x397: {  	s0 =	ssub.s32 @!p2 $0xC3500, s20  }
0x398: {  	p3 =	slt.s32 @!p2 s0, $0x1  }
0x399: {  	p3 =	por p2, p3  }
.Ltmp9:
0x39a: {  	_ = 	snop;
	(pc) =	sbr.rel @p3 .LBB3_7-.Ltmp9, $1  }
0x39b: {  	_ =	sdelay $0x3  }
0x39c: {  	s2 =	smulhi.u32 $0xAAAAAAAB, s1;
	_ =	sdelay $0x1  }
0x39d: {  	s2 =	sshrl.u32 s2, $0x1  }
0x39e: {  	s2 =	smul.u32 $0x3, s2;
	_ =	sdelay $0x1  }
0x39f: {  	s29 =	ssub.s32 s1, s2  }
0x3a0: {  	s5 =	simm.s32 $0x1;
	s1 =	smul.u32 $0x600, s29  }
.Ltmp10:
0x3a1: {  	s5 =	simm.s32 @!p0 $0x0;
	(pc) =	sbr.rel .LBB3_4-.Ltmp10, $4  }
0x3a2: {  	s30 =	smul.u32 $0x30000, s5  }
0x3a3: {  	p3 =	slt.s32 @!p2 s0, $0x180;
	s1 =	sshrl.u32 s1, $0x2  }
0x3a4: {  	p2 =	por !p3, p2;
	s2 =	sshrl.u32 s30, $0x2;
	s31 =	sadd.s32 $0x64C8, s1  }
0x3a5: {  	s24 =	simm.s32 $0x0;
	s0 =	simm.s32 @p2 $0x180;
	s1 =	sadd.s32 $0x6C48, s2;
	v1 =	vmov s31  }
.LBB3_3:
0x3a6: {  	p2 =	sge.s32 s24, s0  }
.Ltmp11:
0x3a7: {  	_ = 	snop;
	(pc) =	sbr.rel @p2 .LBB3_7-.Ltmp11, $2  }
0x3a8: {  	_ =	sdelay $0x2  }
0x3a9: {  	s1 =	sadd.s32 $0x800, s1  }
.LBB3_4:
0x3aa: {  	p2 =	sle.s32 s0, s24  }
.Ltmp12:
0x3ab: {  	_ = 	snop;
	(pc) =	sbr.rel @p2 .LBB3_3-.Ltmp12, $2  }
0x3ac: {  	_ =	sdelay $0x2  }
0x3ad: {  	s2 =	smov.u32 s24;
	s24 =	sadd.s32 $0x10, s24  }
0x3ae: {  	s5 =	ssub.s32 s0, s2  }
0x3af: {  	p2 =	slt.s32 s5, $0x10  }
0x3b0: {  	s5 =	simm.s32 @!p2 $0x10  }
0x3b1: {  	v2 =	vmov s5  }
0x3b2: {  	vm0 =	vgt.s32 v2, v0;
	_ =	sdelay $0x5  }
0x3b3: {  	v2 =	vld.idx.msk [tilespmem:v1+s2+$0x0 ss:$0x1], vm0;
	_ =	sdelay $0x2  }
0x3b4: {  	s6 =	smov.u32 s0;
	p2 =	slt.s32 s24, s0  }
0x3b5: {  	s25 =	simm.s32 $0x0;
	s6 =	smov.u32 @p2 s24;
	s5 =	smov.u32 s1  }
.LBB3_6:
0x3b6: {  	(v2sf) =	vpush v2, s25;
	_ =	sdelay $0xc  }
0x3b7: {  	s25 =	sadd.s32 $0x1, s25  }
0x3b8: {  	s31 =	sadd.s32 s25, s2  }
0x3b9: {  	p2 =	slt.s32 s31, s6;
	s10 =	spop (v2sf)  }
.Ltmp13:
0x3ba: {  	s10 =	sshll.u32 s10, $0x4;
	(pc) =	sbr.rel @p2 .LBB3_6-.Ltmp13, $4  }
0x3bb: {  	s10 =	sand.u32 $0x1FFFFFF0, s10  }
0x3bc: {  	s10 =	sadd.s32 s7, s10  }
0x3bd: {  	[tilespmem:s5], [sflag:$0x9] =	stream.linear.gather [hbm4b:s10+s18], $0x20, $0x38;
	[tilespmem:$0x1EC48] =	vst v63  }
0x3be: {  	s5 =	sadd.s32 $0x80, s5  }
.Ltmp14:
0x3bf: {  	_ = 	snop;
	(pc) =	sbr.rel .LBB3_3-.Ltmp14, $1  }
0x3c0: {  	_ =	sdelay $0x3  }
.LBB3_7:
0x3c1: {  	p2 =	slt.u32 s22, $0x2  }
.Ltmp15:
0x3c2: {  	_ = 	snop;
	(pc) =	sbr.rel @p2 .LBB3_25-.Ltmp15, $1  }
0x3c3: {  	_ =	sdelay $0x3  }
0x3c4: {  	p2 =	sgt.s32 s23, $0xC3380  }
0x3c5: {  	s0 =	smov.u32 s23;
	s1 =	sshra.s32 s23, $0x1F;
	s2 =	ssub.s32 $0xC3500, s23  }
0x3c6: {  	s0 =	simm.s32 @!p2 $0xC3380;
	s1 =	sand.u32 s1, s23;
	p2 =	slt.s32 s2, $0x180  }
0x3c7: {  	s0 =	ssub.s32 s0, s1;
	s2 =	simm.s32 @!p2 $0x180  }
0x3c8: {  	s0 =	sadd.s32 $0xFFF3CC80, s0;
	s11 =	sshll.u32 s2, $0x5  }
0x3c9: {  	s26 =	simm.s32 $0x9;
	s24 =	sshll.u32 s0, $0x2;
	s1 =	sand.u32 $0x3FFFFFE0, s11  }
0x3ca: {  	p2 =	sgt.s32 s0, $0x17F;
	s25 =	ssub.s32 $0x600, s24;
	_ =	swait.ge [sflag:s26], s1  }
0x3cb: {  	s1 =	ssub.s32 $0x0, s1;
	[sflag:s26] =	ssyncset.done $0x0;
	s0 =	sshrl.u32 s25, $0x2  }
0x3cc: {  	[sflag:s26] =	ssyncadd.s32 s1;
	s0 =	simm.s32 @p2 $0x0  }
0x3cd: {  	_ =	swait.ge [sflag:s12], s0  }
0x3ce: {  	s0 =	ssub.s32 $0x0, s0;
	[sflag:s12] =	ssyncset.done $0x0  }
0x3cf: {  	[sflag:s12] =	ssyncadd.s32 s0  }
0x3d0: {  	v1 =	vld [tilespmem:$0x6088];
	_ =	sdelay $0x4  }
0x3d1: {  	(v2sf) =	vpush v1, $0x0  }
0x3d2: {  	(v2sf) =	vpush v1, $0x1  }
0x3d3: {  	(v2sf) =	vpush v1, $0x2;
	_ =	sdelay $0x3  }
0x3d4: {  	s0 =	sadd.s32 $0x180, s23  }
0x3d5: {  	s1 =	ssub.s32 $0x186A00, s23;
	p2 =	slt.s32 s9, s0  }
0x3d6: {  	s0 =	smov.u32 @p2 s9;
	p2 =	sgt.s32 s1, $0x0  }
0x3d7: {  	s28 =	ssub.s32 s0, s23;
	s1 =	simm.s32 @!p2 $0x0  }
0x3d8: {  	p2 =	slt.s32 s1, s28  }
0x3d9: {  	s28 =	smov.u32 @p2 s1  }
0x3da: {  	s26 =	simm.s32 $0x1;
	p2 =	slt.s32 s28, $0x1  }
.Ltmp16:
0x3db: {  	s26 =	simm.s32 @!p1 $0x0;
	(pc) =	sbr.rel @p2 .LBB3_12-.Ltmp16, $4  }
0x3dc: {  	s30 =	smul.u32 $0x600, s26  }
0x3dd: {  	s0 =	spop (v2sf)  }
0x3de: {  	s31 =	sshrl.u32 s30, $0x2;
	s29 =	spop (v2sf)  }
0x3df: {  	s24 =	sadd.s32 $0x6948, s31;
	s23 =	spop (v2sf)  }
0x3e0: {  	s1 =	smin.u32 s28, $0x10  }
0x3e1: {  	v1 =	vmov s1  }
0x3e2: {  	p3 =	sgt.s32 s28, $0x10;
	vm1 =	vgt.u32 v1, v0  }
.Ltmp17:
0x3e3: {  	_ = 	snop;
	(pc) =	sbr.rel @!p3 .LBB3_11-.Ltmp17, $2  }
0x3e4: {  	_ =	sdelay $0x2  }
0x3e5: {  	s2 =	simm.s32 $0x10;
	s25 =	sadd.s32 $0xFFFFFFF0, s28;
	s1 =	smov.u32 s24;
	vm0 =	vmmov vm1  }
.LBB3_10:
0x3e6: {  	s5 =	smin.u32 s25, $0x10;
	s2 =	sadd.s32 $0x10, s2;
	v1 =	vld.msk [tilespmem:s1+$0x0 ss:$0x1], vm1  }
0x3e7: {  	v2 =	vmov s5;
	p3 =	slt.s32 s2, s28  }
0x3e8: {  	vm1 =	vgt.u32 v2, v0  }
.Ltmp18:
0x3e9: {  	(pc) =	sbr.rel @p3 .LBB3_10-.Ltmp18, $3  }
0x3ea: {  	_ =	sdelay $0x1  }
0x3eb: {  	v1 =	vshll.u32 v1, $0x4  }
0x3ec: {  	s25 =	sadd.s32 $0xFFFFFFF0, s25;
	[tilespmem:s1+$0x0] =	vst.msk vm0, v1;
	s1 =	sadd.s32 $0x10, s1;
	vm0 =	vmmov vm1  }
.LBB3_11:
0x3ed: {  	_ =	sdelay $0x4  }
0x3ee: {  	v1 =	vld.msk [tilespmem:s1+$0x0 ss:$0x1], vm1;
	_ =	sdelay $0x4  }
0x3ef: {  	v1 =	vshll.u32 v1, $0x4  }
0x3f0: {  	[tilespmem:s1+$0x0] =	vst.msk vm0, v1  }
.LBB3_12:
0x3f1: {  	s1 =	sand.u32 $0x1, s22  }
0x3f2: {  	s1 =	smul.u32 $0x180, s1  }
0x3f3: {  	p3 =	sne.s32 s29, $0xFFFFFFFF  }
0x3f4: {  	v1 =	vld.msk @!p3 [tilespmem:s1+$0x6948], $0x1;
	_ =	sdelay $0x4  }
0x3f5: {  	(v2sf) =	vpush @!p3 v1, $0x0;
	_ =	sdelay $0xc  }
.Ltmp19:
0x3f6: {  	_ = 	snop;
	(pc) =	sbr.rel @p2 .LBB3_23-.Ltmp19, $4  }
0x3f7: {  	_ = 	snop  }
0x3f8: {  	s30 =	spop @!p3 (v2sf)  }
0x3f9: {  	s23 =	simm.s32 @!p3 $0x0;
	s25 =	smov.u32 s30  }
0x3fa: {  	[sflag:s19] =	ssyncpa.u1 $0x0;
	s30 =	smov.u32 @p3 s0;
	s25 =	smov.u32 @p3 s29  }
0x3fb: {  	v1 =	vld.msk [tilespmem:s24+$0x0], $0x1;
	_ =	sdelay $0x4  }
0x3fc: {  	(v2sf) =	vpush v1, $0x0;
	_ =	sdelay $0xe  }
0x3fd: {  	s0 =	smul.u32 $0x30000, s26;
	s1 =	spop (v2sf)  }
0x3fe: {  	s28 =	ssub.s32 $0x0, s28;
	p2 =	seq.s32 s30, s1  }
0x3ff: {  	s31 =	sadd.s32 $0x1, s28;
	s0 =	sshrl.u32 s0, $0x2;
	p3 =	sgt.s32 @!p2 s30, $0x0  }
0x400: {  	s26 =	sadd.s32 $0x6C58, s0;
	s0 =	smov.u32 s30;
	p3 =	por !p3, p2  }
0x401: {  	s0 =	simm.s32 @p3 $0x0;
	p3 =	seq.s32 s31, $0x0  }
.Ltmp20:
0x402: {  	_ = 	snop;
	(pc) =	sbr.rel @p3 .LBB3_15-.Ltmp20, $4  }
0x403: {  	_ = 	snop  }
0x404: {  	s29 =	simm.s32 $0x0;
	s2 =	simm.s32 @!p2 $0x1;
	s0 =	smin.u32 @!p2 s0, $0xC34FC  }
0x405: {  	s6 =	simm.s32 @!p2 $0x3068;
	s2 =	smov.u32 @p2 s29;
	s10 =	sand.u32 @!p2 $0xFFFF8, s0  }
0x406: {  	s5 =	sand.u32 @!p2 $0x7, s0;
	s0 =	sadd.s32 $0x1, s24;
	s10 =	sadd.s32 @!p2 s4, s10  }
.LBB3_14:
0x407: {  	s11 =	smov.u32 s2  }
0x408: {  	[tilespmem:s6], [sflag:$0x2] =	stream.linear.gather @!p2 [hbm4b:s10+s5], $0x20, $0x38;
	[tilespmem:$0x1EC48] =	vst v63  }
0x409: {  	s31 =	sadd.s32 $0x1, s31;
	s5 =	smov.u32 s1;
	v1 =	vld.msk [tilespmem:s0+$0x0], $0x1  }
0x40a: {  	p3 =	seq.s32 s31, $0x0;
	_ =	sdelay $0x3  }
0x40b: {  	(v2sf) =	vpush v1, $0x0;
	_ =	sdelay $0xe  }
0x40c: {  	s1 =	spop (v2sf)  }
0x40d: {  	p2 =	seq.s32 s5, s1  }
0x40e: {  	p4 =	sgt.s32 @!p2 s5, $0x0;
	s6 =	sshll.u32 @!p2 s2, $0x7;
	s2 =	sadd.s32 @!p2 $0x1, s2  }
.Ltmp21:
0x40f: {  	p4 =	por !p4, p2;
	s6 =	sshra.s32 @!p2 s6, $0x2;
	(pc) =	sbr.rel @!p3 .LBB3_14-.Ltmp21, $4  }
0x410: {  	s2 =	smov.u32 @p2 s11;
	s5 =	simm.s32 @p4 $0x0;
	s6 =	sadd.s32 @!p2 $0x3068, s6  }
0x411: {  	s5 =	smin.u32 @!p2 s5, $0xC34FC  }
0x412: {  	s10 =	sand.u32 @!p2 $0xFFFF8, s5;
	s5 =	sand.u32 @!p2 $0x7, s5  }
0x413: {  	s0 =	sadd.s32 $0x1, s0;
	s10 =	sadd.s32 @!p2 s4, s10  }
.LBB3_15:
0x414: {  	[tilespmem:s6], [sflag:$0x2] =	stream.linear.gather @!p2 [hbm4b:s10+s5], $0x20, $0x38;
	[tilespmem:$0x1EC48] =	vst v63  }
.Ltmp22:
0x415: {  	s0 =	sshll.u32 s2, $0x5;
	(pc) =	sbr.rel .LBB3_16-.Ltmp22, $4  }
0x416: {  	s1 =	simm.s32 $0x2;
	s0 =	sand.u32 $0x3FFFFFE0, s0  }
0x417: {  	_ =	swait.ge [sflag:s1], s0  }
0x418: {  	s0 =	ssub.s32 $0x0, s0;
	[sflag:s1] =	ssyncset.done $0x0  }
0x419: {  	[sflag:s1] =	ssyncadd.s32 s0;
	s0 =	simm.s32 $0x0  }
.LBB3_17:
0x41a: {  	v1 =	vld [tilespmem:s26+$0xFFFFFFF0];
	_ =	sdelay $0x4  }
0x41b: {  	[tilespmem:s1+$0x48] =	vst.add.f32.msk $0xffff, v1  }
0x41c: {  	v1 =	vld [tilespmem:s26+$0x0];
	_ =	sdelay $0x4  }
0x41d: {  	[tilespmem:s1+$0x58] =	vst.add.f32.msk $0xffff, v1  }
.LBB3_21:
0x41e: {  	s28 =	sadd.s32 $0x1, s28  }
0x41f: {  	p2 =	seq.s32 s28, $0x0  }
.Ltmp23:
0x420: {  	_ = 	snop;
	(pc) =	sbr.rel @p2 .LBB3_22-.Ltmp23, $2  }
0x421: {  	_ =	sdelay $0x2  }
0x422: {  	s26 =	sadd.s32 $0x80, s26;
	s24 =	sadd.s32 $0x1, s24;
	s30 =	smov.u32 s31  }
.LBB3_16:
0x423: {  	v1 =	vld.msk [tilespmem:s24+$0x0], $0x1;
	_ =	sdelay $0x4  }
0x424: {  	(v2sf) =	vpush v1, $0x0;
	_ =	sdelay $0xe  }
0x425: {  	s31 =	spop (v2sf)  }
0x426: {  	p2 =	sne.s32 s30, s31  }
.Ltmp24:
0x427: {  	_ = 	snop;
	(pc) =	sbr.rel @!p2 .LBB3_17-.Ltmp24, $3  }
0x428: {  	_ =	sdelay $0x1  }
0x429: {  	s1 =	sshll.u32 s23, $0x7  }
0x42a: {  	s1 =	sshra.s32 s1, $0x2  }
0x42b: {  	p2 =	seq.s32 s30, s25  }
.Ltmp25:
0x42c: {  	_ = 	snop;
	(pc) =	sbr.rel @!p2 .LBB3_19-.Ltmp25, $1  }
0x42d: {  	_ =	sdelay $0x3  }
.Ltmp26:
0x42e: {  	s1 =	sadd.s32 $0x48, s1;
	(pc) =	sbr.rel .LBB3_20-.Ltmp26, $4  }
0x42f: {  	[spmem:s16] =	stream.linear.scatter [tilespmem:s1], [sflag:$0x1], $0x20, $0x38;
	[tilespmem:$0x1EC48] =	vst v63  }
0x430: {  	_ =	swait.ge [sflag:s3], $0x20  }
0x431: {  	[sflag:s3] =	ssyncset.done $0x0  }
0x432: {  	[sflag:s3] =	ssyncadd.s32 $0xFFFFFFE0  }
.LBB3_19:
0x433: {  	s2 =	sshll.u32 s29, $0x7  }
0x434: {  	s2 =	sshra.s32 s2, $0x2  }
0x435: {  	v1 =	vld [tilespmem:s2+$0x3068];
	_ =	sdelay $0x4  }
0x436: {  	[tilespmem:s1+$0x48] =	vst.add.f32.msk $0xffff, v1  }
0x437: {  	v1 =	vld [tilespmem:s2+$0x3078];
	_ =	sdelay $0x2  }
0x438: {  	p2 =	sgt.u32 s30, $0xC34FC  }
0x439: {  	s2 =	sand.u32 @!p2 $0xFFFF8, s30  }
0x43a: {  	s5 =	sadd.s32 $0x48, s1;
	[tilespmem:s1+$0x58] =	vst.add.f32.msk $0xffff, v1;
	s1 =	sadd.s32 @!p2 s4, s2;
	s2 =	sand.u32 @!p2 $0x7, s30  }
0x43b: {  	[hbm4b:s1+s2] =	stream.linear.scatter @!p2 [tilespmem:s5], [sflag:$0xC], $0x20, $0x38;
	[tilespmem:$0x1EC48] =	vst v63  }
0x43c: {  	s1 =	simm.s32 $0x0  }
0x43d: {  	s1 =	simm.s32 @!p2 $0x80  }
0x43e: {  	s0 =	sadd.s32 s1, s0  }
.LBB3_20:
0x43f: {  	s1 =	sadd.s32 $0x1, s23  }
0x440: {  	s2 =	smulhi.u32 $0xAAAAAAAB, s1;
	_ =	sdelay $0x1  }
0x441: {  	v1 =	vld [tilespmem:s26+$0xFFFFFFF0];
	s2 =	sshrl.u32 s2, $0x8  }
0x442: {  	s2 =	smul.u32 $0x180, s2;
	_ =	sdelay $0x1  }
0x443: {  	s23 =	ssub.s32 s1, s2  }
0x444: {  	s1 =	sshll.u32 s23, $0x5  }
0x445: {  	[tilespmem:s1+$0x48] =	vst v1  }
0x446: {  	v1 =	vld [tilespmem:s26+$0x0]  }
.Ltmp27:
0x447: {  	_ = 	snop;
	(pc) =	sbr.rel .LBB3_21-.Ltmp27, $2  }
0x448: {  	_ =	sdelay $0x2  }
0x449: {  	s29 =	sadd.s32 $0x1, s29;
	[tilespmem:s1+$0x58] =	vst v1  }
.LBB3_23:
.Ltmp28:
0x44a: {  	(pc) =	sbr.rel .LBB3_24-.Ltmp28, $4  }
0x44b: {  	_ = 	snop  }
0x44c: {  	s0 =	simm.s32 $0x2  }
0x44d: {  	_ =	swait.ge [sflag:s0], $0x0  }
0x44e: {  	s31 =	smov.u32 s30;
	[sflag:s0] =	ssyncset.done $0x0;
	s0 =	simm.s32 $0x0  }
.LBB3_26:
0x44f: {  	_ =	sfence.sel $0x180000  }
0x450: {  	s0 =	simm.s32 $0x9;
	[bflag:$0x0] =	sbarrier.arrive $0xFFFF  }
0x451: {  	s24 =	simm.s32 $0xA;
	[sflag:s0] =	ssyncpa.u1 $0x1  }
0x452: {  	s25 =	simm.s32 $0xB;
	[sflag:s24] =	ssyncpa.u1 $0x1  }
0x453: {  	s26 =	simm.s32 $0x2;
	[sflag:s25] =	ssyncpa.u1 $0x1  }
0x454: {  	[sflag:s26] =	ssyncpa.u1 $0x1  }
0x455: {  	v0 =	vld [tilespmem:$0x6088];
	_ =	sdelay $0x4  }
0x456: {  	(v2sf) =	vpush v0, $0x0  }
0x457: {  	(v2sf) =	vpush v0, $0x1;
	_ =	sdelay $0x1  }
0x458: {  	(v2sf) =	vpush v0, $0x2;
	_ =	sdelay $0xb  }
0x459: {  	s0 =	spop (v2sf)  }
0x45a: {  	s1 =	spop (v2sf)  }
0x45b: {  	s2 =	smov.u32 s0;
	p0 =	sne.s32 s0, s1  }
0x45c: {  	s3 =	spop (v2sf);
	s2 =	simm.s32 @!p0 $0xFFFFFFFF  }
0x45d: {  	v2 =	vimm.s32 $0x1;
	v3 =	vlaneseq.u32;
	p0 =	seq.s32 s3, $0xFFFFFFFF;
	v1 =	vmov s2  }
0x45e: {  	s14 =	stileid.u32;
	v0 =	vperm.xlane v0, v2;
	p1 =	sne.s32 @!p0 s0, s1;
	v1 =	vperm.xlane v1, v3  }
0x45f: {  	vm0 =	vcmask $0x3F04;
	s6 =	simm.s32 $0x6088;
	s0 =	simm.s32 @!p0 $0x1;
	p1 =	por !p1, p0  }
0x460: {  	s2 =	sshll.u32 s14, $0x1;
	s1 =	sshll.u32 @!p0 s3, $0x7;
	s0 =	simm.s32 @p1 $0x0;
	v0 =	vsel vm0, v1, v0  }
0x461: {  	s5 =	sor.u32 $0x400, s2;
	s1 =	sshra.s32 @!p0 s1, $0x2;
	s0 =	sor.u32 @!p0 s0, s2;
	[tilespmem:$0x6088] =	vst v0  }
0x462: {  	[spmem:s5] =	stream.linear.scatter [tilespmem:s6], [sflag:$0x1], $0x2, $0x38;
	[tilespmem:$0x1EC48] =	vst v63  }
0x463: {  	s1 =	sadd.s32 @!p0 $0x48, s1;
	s0 =	sshll.u32 @!p0 s0, $0x5  }
0x464: {  	[spmem:s0] =	stream.linear.scatter @!p0 [tilespmem:s1], [sflag:$0x1], $0x20, $0x38;
	[tilespmem:$0x1EC48] =	vst v63  }
0x465: {  	s0 =	simm.s32 @!p0 $0x22  }
0x466: {  	s28 =	simm.s32 $0x1;
	s0 =	simm.s32 @p0 $0x2  }
0x467: {  	_ =	swait.ge [sflag:s28], s0  }
0x468: {  	s0 =	ssub.s32 $0x0, s0;
	[sflag:s28] =	ssyncset.done $0x0  }
0x469: {  	p0 =	sne.s32 s14, $0x0;
	[sflag:s28] =	ssyncadd.s32 s0  }
.Ltmp29:
0x46a: {  	_ =	sfence.stream.spmem;
	(pc) =	sbr.rel @p0 .LBB3_43-.Ltmp29, $4  }
0x46b: {  	s29 =	simm.s32 $0x3;
	[bflag:$0x0] =	sbarrier.arrive $0xFFFF  }
0x46c: {  	s30 =	simm.s32 $0x4;
	[sflag:s29] =	ssyncpa.u1 $0x1  }
0x46d: {  	s31 =	simm.s32 $0x3C;
	[sflag:s30] =	ssyncpa.u1 $0x1  }
0x46e: {  	s15 =	rddreg [dreg:$0x4];
	[sflag:s31] =	ssyncpa.u1 $0x1  }
0x46f: {  	_ =	sfence.stream.spmem;
	s0 =	simm.s32 $0x5  }
0x470: {  	s1 =	simm.s32 $0x400;
	s2 =	simm.s32 $0x6098;
	[sflag:s0] =	ssyncpa.u1 $0x0  }
0x471: {  	[tilespmem:s2], [sflag:$0x5] =	stream.linear.gather [spmem:s1], $0x20, $0x38;
	[tilespmem:$0x1EC48] =	vst v63  }
0x472: {  	s26 =	simm.s32 $0x0;
	s28 =	simm.s32 $0x60B8  }
0x473: {  	[tilespmem:s28], [sflag:$0x5] =	stream.linear.gather [spmem:s26], $0x400, $0x38;
	[tilespmem:$0x1EC48] =	vst v63  }
0x474: {  	_ =	swait.ge [sflag:s0], $0x420  }
0x475: {  	[sflag:s0] =	ssyncset.done $0x0  }
0x476: {  	s29 =	simm.s32 $0x0;
	[sflag:s0] =	ssyncadd.s32 $0xFFFFFBE0  }
0x477: {  	v0 =	vld.msk [tilespmem:s29+$0x6098], $0x1;
	_ =	sdelay $0x1  }
0x478: {  	s30 =	simm.s32 $0x1  }
0x479: {  	v1 =	vld.msk [tilespmem:s30+$0x6098], $0x1;
	_ =	sdelay $0x1  }
0x47a: {  	(v2sf) =	vpush v0, $0x0;
	_ =	sdelay $0x2  }
0x47b: {  	(v2sf) =	vpush v1, $0x0;
	_ =	sdelay $0x2  }
0x47c: {  	s31 =	simm.s32 $0x2  }
0x47d: {  	v0 =	vld.msk [tilespmem:s31+$0x6098], $0x1;
	_ =	sdelay $0x2  }
0x47e: {  	s1 =	simm.s32 $0xFFFFFFFF;
	s2 =	simm.s32 $0xFFFFFFFF;
	s0 =	simm.s32 $0xC  }
.LBB3_28:
0x47f: {  	s3 =	smov.u32 s2;
	s5 =	smov.u32 s1  }
0x480: {  	s1 =	sshra.s32 s0, $0x2;
	p1 =	sne.s32 s0, $0x7C;
	s0 =	sadd.s32 $0x4, s0;
	(v2sf) =	vpush v0, $0x0  }
0x481: {  	v0 =	vld.msk [tilespmem:s1+$0x6098], $0x1  }
.Ltmp30:
0x482: {  	(pc) =	sbr.rel @p1 .LBB3_28-.Ltmp30, $4  }
0x483: {  	s2 =	spop (v2sf)  }
0x484: {  	p2 =	sne.s32 s5, $0xFFFFFFFF;
	s1 =	smov.u32 s2  }
0x485: {  	p3 =	seq.s32 s2, $0xFFFFFFFF;
	s1 =	smov.u32 @p2 s5  }
0x486: {  	s2 =	smov.u32 @p3 s3;
	s1 =	smov.u32 @p3 s5  }
0x487: {  	(v2sf) =	vpush v0, $0x0;
	_ =	sdelay $0x8  }
0x488: {  	s0 =	spop (v2sf)  }
0x489: {  	p1 =	sne.s32 s1, $0xFFFFFFFF;
	s3 =	smov.u32 s0  }
0x48a: {  	s9 =	simm.s32 $0x6;
	p2 =	seq.s32 s0, $0xFFFFFFFF;
	s3 =	smov.u32 @p1 s1  }
0x48b: {  	s10 =	simm.s32 $0x6068;
	s3 =	smov.u32 @p2 s1;
	s1 =	spop (v2sf)  }
0x48c: {  	s0 =	smov.u32 @p2 s2;
	p1 =	sne.s32 s3, $0xFFFFFFFF;
	s5 =	smov.u32 s1  }
.Ltmp31:
0x48d: {  	p2 =	seq.s32 s1, $0xFFFFFFFF;
	s5 =	smov.u32 @p1 s3;
	(pc) =	sbr.rel .LBB3_30-.Ltmp31, $4  }
0x48e: {  	s11 =	simm.s32 $0x0;
	s5 =	smov.u32 @p2 s3;
	s7 =	spop (v2sf)  }
0x48f: {  	[sflag:s9] =	ssyncpa.u1 $0x0;
	p1 =	sne.s32 s5, $0xFFFFFFFF;
	s8 =	smov.u32 s7  }
0x490: {  	s1 =	smov.u32 @p2 s0;
	p2 =	seq.s32 s7, $0xFFFFFFFF;
	s8 =	smov.u32 @p1 s5  }
0x491: {  	s3 =	simm.s32 $0x0;
	s7 =	smov.u32 @p2 s1;
	s8 =	smov.u32 @p2 s5  }
.LBB3_36:
0x492: {  	p1 =	sgt.u32 s12, $0xC34FC  }
0x493: {  	p2 =	seq.s32 @!p1 s12, s8  }
0x494: {  	p1 =	por p1, p2  }
0x495: {  	p2 =	sne.s32 @!p1 s12, s7  }
0x496: {  	p1 =	por p1, !p2  }
0x497: {  	s0 =	sshll.u32 @p1 s11, $0x7  }
0x498: {  	s0 =	sand.u32 @!p1 $0xFFFF8, s12  }
0x499: {  	s1 =	sand.u32 @!p1 $0x7, s12;
	s0 =	sadd.s32 @!p1 s4, s0  }
0x49a: {  	[tilespmem:s10], [sflag:$0x6] =	stream.linear.gather @!p1 [hbm4b:s0+s1], $0x20, $0x38;
	[tilespmem:$0x1EC48] =	vst v63  }
0x49b: {  	_ =	swait.ge @!p1 [sflag:s9], $0x20  }
0x49c: {  	[sflag:s9] =	ssyncset.done @!p1 $0x0  }
0x49d: {  	[sflag:s9] =	ssyncadd.s32 @!p1 $0xFFFFFFE0  }
0x49e: {  	v1 =	vld @!p1 [tilespmem:$0x6068];
	_ =	sdelay $0x2  }
0x49f: {  	s0 =	sshll.u32 @!p1 s11, $0x7  }
0x4a0: {  	s1 =	sshrl.u32 @!p1 s0, $0x2  }
0x4a1: {  	[tilespmem:s1+$0x60B8] =	vst.add.f32.msk @!p1 $0xffff, v1  }
0x4a2: {  	v1 =	vld @!p1 [tilespmem:$0x6078];
	_ =	sdelay $0x4  }
0x4a3: {  	[tilespmem:s1+$0x60C8] =	vst.add.f32.msk @!p1 $0xffff, v1  }
0x4a4: {  	s0 =	sshrl.u32 s0, $0x2;
	[tilespmem:s3+$0x6098] =	vst.msk $0x1, v0  }
0x4a5: {  	v0 =	vld [tilespmem:s0+$0x60B8];
	_ =	sdelay $0x2  }
0x4a6: {  	s31 =	sshll.u32 s3, $0x7  }
0x4a7: {  	s1 =	sshra.s32 s31, $0x2  }
0x4a8: {  	[tilespmem:s1+$0x60B8] =	vst v0  }
0x4a9: {  	v0 =	vld [tilespmem:s0+$0x60C8];
	_ =	sdelay $0x4  }
0x4aa: {  	s3 =	sadd.s32 $0x1, s3;
	[tilespmem:s1+$0x60C8] =	vst v0  }
.LBB3_37:
0x4ab: {  	s11 =	sadd.s32 $0x1, s11  }
0x4ac: {  	p1 =	sne.s32 s11, $0x20  }
.Ltmp32:
0x4ad: {  	_ = 	snop;
	(pc) =	sbr.rel @!p1 .LBB3_38-.Ltmp32, $1  }
0x4ae: {  	_ =	sdelay $0x3  }
.LBB3_30:
0x4af: {  	v0 =	vld.msk [tilespmem:s11+$0x6098], $0x1;
	_ =	sdelay $0x4  }
0x4b0: {  	(v2sf) =	vpush v0, $0x0;
	_ =	sdelay $0xe  }
0x4b1: {  	s12 =	spop (v2sf)  }
0x4b2: {  	p1 =	seq.s32 s12, $0xFFFFFFFF  }
.Ltmp33:
0x4b3: {  	_ = 	snop;
	(pc) =	sbr.rel @p1 .LBB3_37-.Ltmp33, $1  }
0x4b4: {  	_ =	sdelay $0x3  }
0x4b5: {  	p1 =	slt.s32 s3, $0x1  }
.Ltmp34:
0x4b6: {  	_ = 	snop;
	(pc) =	sbr.rel @p1 .LBB3_36-.Ltmp34, $1  }
0x4b7: {  	_ =	sdelay $0x3  }
0x4b8: {  	s0 =	simm.s32 $0x6098;
	p1 =	por $0x0, $0x0  }
0x4b9: {  	v1 =	vld.msk @!p1 [tilespmem:s0+$0x0], $0x1;
	_ =	sdelay $0x4  }
0x4ba: {  	(v2sf) =	vpush @!p1 v1, $0x0;
	_ =	sdelay $0xd  }
0x4bb: {  	p3 =	sne.s32 s3, $0x1  }
.Ltmp35:
0x4bc: {  	s1 =	spop @!p1 (v2sf);
	(pc) =	sbr.rel @!p3 .LBB3_34-.Ltmp35, $4  }
0x4bd: {  	p2 =	seq.s32 @!p1 s12, s1  }
0x4be: {  	s13 =	simm.s32 $0x0;
	p2 =	por !p2, p1  }
0x4bf: {  	s2 =	simm.s32 $0xFFFFFFFF;
	s13 =	simm.s32 @p2 $0xFFFFFFFF  }
0x4c0: {  	s1 =	simm.s32 $0x1;
	s13 =	smov.u32 @p1 s2  }
.LBB3_33:
0x4c1: {  	s2 =	smov.u32 s13;
	p1 =	sne.s32 s13, $0xFFFFFFFF  }
0x4c2: {  	s0 =	sadd.s32 $0x1, s0;
	s13 =	smov.u32 s1;
	s1 =	sadd.s32 $0x1, s1  }
0x4c3: {  	p2 =	sne.s32 s3, s1;
	v1 =	vld.msk @!p1 [tilespmem:s0+$0x0], $0x1;
	_ =	sdelay $0x4  }
0x4c4: {  	(v2sf) =	vpush @!p1 v1, $0x0;
	_ =	sdelay $0xe  }
.Ltmp36:
0x4c5: {  	s5 =	spop @!p1 (v2sf);
	(pc) =	sbr.rel @p2 .LBB3_33-.Ltmp36, $4  }
0x4c6: {  	p3 =	seq.s32 @!p1 s12, s5  }
0x4c7: {  	p3 =	por !p3, p1  }
0x4c8: {  	s13 =	simm.s32 @p3 $0xFFFFFFFF  }
0x4c9: {  	s13 =	smov.u32 @p1 s2  }
.LBB3_34:
0x4ca: {  	p1 =	seq.s32 s13, $0xFFFFFFFF  }
.Ltmp37:
0x4cb: {  	_ = 	snop;
	(pc) =	sbr.rel @p1 .LBB3_36-.Ltmp37, $1  }
0x4cc: {  	_ =	sdelay $0x3  }
0x4cd: {  	s0 =	sshll.u32 s11, $0x5  }
0x4ce: {  	s0 =	sand.u32 $0x3FFFFFE0, s0  }
0x4cf: {  	v0 =	vld [tilespmem:s0+$0x60B8];
	_ =	sdelay $0x2  }
0x4d0: {  	s1 =	sshll.u32 s13, $0x7  }
0x4d1: {  	s1 =	sshra.s32 s1, $0x2  }
0x4d2: {  	[tilespmem:s1+$0x60B8] =	vst.add.f32.msk $0xffff, v0  }
0x4d3: {  	v0 =	vld [tilespmem:s0+$0x60C8]  }
.Ltmp38:
0x4d4: {  	_ = 	snop;
	(pc) =	sbr.rel .LBB3_37-.Ltmp38, $2  }
0x4d5: {  	_ =	sdelay $0x2  }
0x4d6: {  	[tilespmem:s1+$0x60C8] =	vst.add.f32.msk $0xffff, v0  }
.LBB3_38:
0x4d7: {  	s0 =	simm.s32 $0x6;
	p1 =	seq.s32 s3, $0x0  }
0x4d8: {  	[sflag:s0] =	ssyncpa.u1 $0x1;
	v0 =	vimm.s32 @p1 $0xFFFFFFFF  }
0x4d9: {  	s9 =	sadd.s32 $0xFFFFFFFF, s3;
	[tilespmem:$0x64B8] =	vst @p1 v0  }
0x4da: {  	v0 =	vld.msk @!p1 [tilespmem:s9+$0x6098], $0x1;
	_ =	sdelay $0x1  }
0x4db: {  	v1 =	vld.msk @!p1 [tilespmem:$0x6098], $0x1;
	_ =	sdelay $0x2  }
0x4dc: {  	p2 =	seq.s32 @!p1 s9, $0x0;
	v0 =	vbroadcast @!p1 v0, $0x0  }
0x4dd: {  	vm0 =	vmmov @!p1 $0x1;
	p2 =	por !p2, p1  }
0x4de: {  	v1 =	vnsel @!p1 vm0, $0xFFFFFFFF, v1;
	vm0 =	vcmask @!p1 $0x308;
	v0 =	vpsel !p2, $0xFFFFFFFF, v0  }
0x4df: {  	p2 =	sne.s32 @!p1 s8, s7;
	v0 =	vsel @!p1 vm0, v1, v0  }
0x4e0: {  	s0 =	simm.s32 @!p1 $0x60B8;
	s1 =	simm.s32 @!p1 $0x0;
	p3 =	por !p2, p1;
	[tilespmem:$0x64B8] =	vst @!p1 v0  }
0x4e1: {  	[spmem:s1] =	stream.linear.scatter @!p1 [tilespmem:s0], [sflag:$0x1], $0x20, $0x38;
	[tilespmem:$0x1EC48] =	vst v63  }
0x4e2: {  	s0 =	sshll.u32 @!p3 s9, $0x7  }
0x4e3: {  	s0 =	sshra.s32 @!p3 s0, $0x2  }
0x4e4: {  	s1 =	simm.s32 @!p3 $0x20;
	s0 =	sadd.s32 @!p3 $0x60B8, s0  }
0x4e5: {  	[spmem:s1] =	stream.linear.scatter @!p3 [tilespmem:s0], [sflag:$0x1], $0x20, $0x38;
	[tilespmem:$0x1EC48] =	vst v63  }
0x4e6: {  	s0 =	simm.s32 @!p3 $0x1  }
0x4e7: {  	_ =	swait.ge @!p3 [sflag:s0], $0x40  }
0x4e8: {  	p1 =	por p2, p1;
	[sflag:s0] =	ssyncset.done @!p3 $0x0  }
0x4e9: {  	[sflag:s0] =	ssyncadd.s32 @!p3 $0xFFFFFFC0;
	s0 =	simm.s32 @!p1 $0x1  }
0x4ea: {  	_ =	swait.ge @!p1 [sflag:s0], $0x20  }
0x4eb: {  	s29 =	simm.s32 $0x64B8;
	[sflag:s0] =	ssyncset.done @!p1 $0x0  }
0x4ec: {  	s30 =	simm.s32 $0x400;
	s31 =	simm.s32 $0x1;
	[sflag:s0] =	ssyncadd.s32 @!p1 $0xFFFFFFE0  }
0x4ed: {  	[spmem:s30] =	stream.linear.scatter [tilespmem:s29], [sflag:$0x1], $0x10, $0x38;
	[tilespmem:$0x1EC48] =	vst v63  }
0x4ee: {  	_ =	swait.ge [sflag:s31], $0x10  }
0x4ef: {  	[sflag:s31] =	ssyncset.done $0x0  }
0x4f0: {  	p1 =	seq.s32 s15, $0x0;
	s8 =	rddreg [dreg:$0x1];
	[sflag:s31] =	ssyncadd.s32 $0xFFFFFFF0  }
0x4f1: {  	s1 =	sshll.u32 @p1 s8, $0xE;
	s7 =	rddreg [dreg:$0x2]  }
0x4f2: {  	s0 =	sadd.s32 @p1 $0x15C3C, s1;
	s1 =	sshll.u32 @p1 s7, $0x11  }
0x4f3: {  	_ =	sfence.stream.spmem;
	s0 =	sor.u32 @p1 s1, s0  }
0x4f4: {  	[sflag:s0] =	ssyncadd.remote.s32 @p1 $0x1;
	s0 =	simm.s32 @p1 $0x4  }
0x4f5: {  	s2 =	simm.s32 @!p1 $0x3C;
	s1 =	sand.u32 $0xFFFFFFFE, s8;
	_ =	swait.ge @p1 [sflag:s0], $0xA  }
0x4f6: {  	s5 =	simm.s32 @!p1 $0x0;
	s1 =	sadd.s32 @!p1 $0x4, s1;
	[sflag:s0] =	ssyncset.done @p1 $0x0  }
0x4f7: {  	s6 =	simm.s32 @!p1 $0x40;
	[sflag:s0] =	ssyncadd.s32 @p1 $0xFFFFFFF6;
	s0 =	sshll.u32 @!p1 s1, $0x1A  }
0x4f8: {  	s1 =	sshll.u32 @!p1 s1, $0xD;
	s0 =	sor.u32 @!p1 s0, s7;
	_ =	swait.eq @!p1 [sflag:s2], $0x1  }
0x4f9: {  	s1 =	sor.u32 @!p1 $0x1C04, s1;
	s2 =	simm.s32 @!p1 $0x1C03;
	s0 =	sor.u32 @!p1 $0x80004000, s0  }
0x4fa: {  	[spmem:s6], [sflag:s1] =	dma.general @!p1 [spmem:s5], [sflag:s2], length:$0x8, [dreg:$0x0], stride_count:$0x0, ici_dest:s0, dma_misc:DstOpCode:WRITE  }
0x4fb: {  	p2 =	slt.s32 s9, $0x2;
	s5 =	simm.s32 @!p1 $0x80;
	s6 =	simm.s32 @!p1 $0x82  }
0x4fc: {  	[spmem:s6], [sflag:s1] =	dma.general @!p1 [spmem:s5], [sflag:s2], length:$0x2, [dreg:$0x0], stride_count:$0x0, ici_dest:s0, dma_misc:DstOpCode:WRITE  }
.Ltmp39:
0x4fd: {  	s0 =	simm.s32 @!p1 $0x3;
	(pc) =	sbr.rel @p2 .LBB3_42-.Ltmp39, $4  }
0x4fe: {  	s1 =	sshll.u32 @!p1 s8, $0xE;
	_ =	swait.ge @!p1 [sflag:s0], $0xA  }
0x4ff: {  	s2 =	sshll.u32 @!p1 s7, $0x11;
	s1 =	sadd.s32 @!p1 $0x11C3C, s1;
	[sflag:s0] =	ssyncset.done @!p1 $0x0  }
0x500: {  	[sflag:s0] =	ssyncadd.s32 @!p1 $0xFFFFFFF6;
	s0 =	sor.u32 @!p1 s2, s1  }
0x501: {  	[sflag:s0] =	ssyncadd.remote.s32 @!p1 $0xFFFFFFFF;
	s0 =	simm.s32 $0x0  }
0x502: {  	s0 =	simm.s32 $0x6099  }
0x503: {  	v0 =	vld.msk [tilespmem:s0+$0x0], $0x1;
	_ =	sdelay $0x4  }
0x504: {  	(v2sf) =	vpush v0, $0x0;
	_ =	sdelay $0xc  }
0x505: {  	s1 =	sadd.s32 $0xFFFFFFFE, s3  }
0x506: {  	s1 =	sadd.s32 $0xFFFFFFFF, s1  }
0x507: {  	p2 =	sne.s32 s1, $0x0;
	s2 =	spop (v2sf)  }
.Ltmp40:
0x508: {  	p1 =	sgt.u32 s2, $0xC34FC;
	(pc) =	sbr.rel @!p2 .LBB3_41-.Ltmp40, $4  }
0x509: {  	s6 =	simm.s32 $0x0;
	s3 =	sand.u32 @!p1 $0xFFFF8, s2  }
0x50a: {  	s0 =	simm.s32 $0x60D8;
	s2 =	sand.u32 @!p1 $0x7, s2;
	s3 =	sadd.s32 @!p1 s4, s3  }
0x50b: {  	[hbm4b:s3+s2] =	stream.linear.scatter @!p1 [tilespmem:s0], [sflag:$0x5], $0x20, $0x38;
	[tilespmem:$0x1EC48] =	vst v63  }
0x50c: {  	s6 =	simm.s32 @!p1 $0x80;
	s2 =	simm.s32 $0x0;
	s3 =	simm.s32 $0x609A  }
.LBB3_40:
0x50d: {  	v0 =	vld.msk [tilespmem:s3+$0x0], $0x1;
	s1 =	sadd.s32 $0xFFFFFFFF, s1;
	s2 =	sadd.s32 s2, s6  }
0x50e: {  	p1 =	sne.s32 s1, $0x0;
	_ =	sdelay $0x3  }
0x50f: {  	(v2sf) =	vpush v0, $0x0;
	_ =	sdelay $0xe  }
.Ltmp41:
0x510: {  	s5 =	spop (v2sf);
	(pc) =	sbr.rel @p1 .LBB3_40-.Ltmp41, $4  }
0x511: {  	s6 =	simm.s32 $0x0;
	p2 =	sgt.u32 s5, $0xC34FC  }
0x512: {  	s0 =	sadd.s32 $0x20, s0;
	s6 =	simm.s32 @!p2 $0x80;
	s7 =	sand.u32 @!p2 $0xFFFF8, s5  }
0x513: {  	s3 =	sadd.s32 $0x1, s3;
	s5 =	sand.u32 @!p2 $0x7, s5;
	s7 =	sadd.s32 @!p2 s4, s7  }
0x514: {  	[hbm4b:s7+s5] =	stream.linear.scatter @!p2 [tilespmem:s0], [sflag:$0x5], $0x20, $0x38;
	[tilespmem:$0x1EC48] =	vst v63  }
.LBB3_41:
0x515: {  	s0 =	sadd.s32 s2, s6  }
0x516: {  	s0 =	sshrl.u32 s0, $0x2  }
.LBB3_42:
0x517: {  	s1 =	simm.s32 $0x5  }
0x518: {  	_ =	swait.ge [sflag:s1], s0  }
0x519: {  	s31 =	ssub.s32 $0x0, s0;
	[sflag:s1] =	ssyncset.done $0x0  }
0x51a: {  	[sflag:s1] =	ssyncadd.s32 s31  }
0x51b: {  	[sflag:s1] =	ssyncpa.u1 $0x1  }
.LBB3_43:
0x51c: {  	s0 =	sor.u32 s15, s14  }
0x51d: {  	p1 =	sne.s32 s0, $0x0  }
.Ltmp42:
0x51e: {  	_ = 	snop;
	(pc) =	sbr.rel @p1 .LBB3_58-.Ltmp42, $3  }
0x51f: {  	_ =	sdelay $0x1  }
0x520: {  	[bflag:$0x0] =	sbarrier.arrive $0xFFFF  }
0x521: {  	_ =	sfence  }
0x522: {  	s0 =	simm.s32 $0x7  }
0x523: {  	s1 =	simm.s32 $0x400;
	s2 =	simm.s32 $0x6098;
	[sflag:s0] =	ssyncpa.u1 $0x0  }
0x524: {  	[tilespmem:s2], [sflag:$0x7] =	stream.linear.gather [spmem:s1], $0x20, $0x38;
	[tilespmem:$0x1EC48] =	vst v63  }
0x525: {  	s30 =	simm.s32 $0x60B8;
	s1 =	simm.s32 $0x0  }
0x526: {  	[tilespmem:s30], [sflag:$0x7] =	stream.linear.gather [spmem:s1], $0x400, $0x38;
	[tilespmem:$0x1EC48] =	vst v63  }
.Ltmp43:
0x527: {  	_ = 	snop;
	(pc) =	sbr.rel .LBB3_45-.Ltmp43, $4  }
0x528: {  	_ =	swait.ge [sflag:s0], $0x420  }
0x529: {  	[sflag:s0] =	ssyncset.done $0x0  }
0x52a: {  	s31 =	simm.s32 $0x8;
	[sflag:s0] =	ssyncadd.s32 $0xFFFFFBE0  }
0x52b: {  	s2 =	simm.s32 $0x0;
	[sflag:s31] =	ssyncpa.u1 $0x0  }
.LBB3_51:
0x52c: {  	p1 =	slt.u32 s3, $0xC34FD  }
0x52d: {  	s0 =	sand.u32 @p1 $0xFFFF8, s3  }
0x52e: {  	s3 =	sand.u32 @p1 $0x7, s3;
	s5 =	simm.s32 @p1 $0x6068;
	s0 =	sadd.s32 @p1 s4, s0  }
0x52f: {  	[tilespmem:s5], [sflag:$0x8] =	stream.linear.gather @p1 [hbm4b:s0+s3], $0x20, $0x38;
	[tilespmem:$0x1EC48] =	vst v63  }
0x530: {  	s0 =	simm.s32 @p1 $0x8  }
0x531: {  	_ =	swait.ge @p1 [sflag:s0], $0x20  }
0x532: {  	[sflag:s0] =	ssyncset.done @p1 $0x0  }
0x533: {  	[sflag:s0] =	ssyncadd.s32 @p1 $0xFFFFFFE0  }
0x534: {  	v1 =	vld @p1 [tilespmem:$0x6068];
	_ =	sdelay $0x2  }
0x535: {  	s0 =	sshll.u32 @p1 s2, $0x7  }
0x536: {  	s3 =	sshrl.u32 @p1 s0, $0x2  }
0x537: {  	[tilespmem:s3+$0x60B8] =	vst.add.f32.msk @p1 $0xffff, v1  }
0x538: {  	v1 =	vld @p1 [tilespmem:$0x6078];
	_ =	sdelay $0x3  }
0x539: {  	s5 =	sshll.u32 @!p1 s2, $0x7  }
0x53a: {  	s5 =	smov.u32 @p1 s0;
	[tilespmem:s3+$0x60C8] =	vst.add.f32.msk @p1 $0xffff, v1  }
0x53b: {  	s0 =	sshrl.u32 s5, $0x2;
	[tilespmem:s1+$0x6098] =	vst.msk $0x1, v0  }
0x53c: {  	v0 =	vld [tilespmem:s0+$0x60B8];
	_ =	sdelay $0x2  }
0x53d: {  	s31 =	sshll.u32 s1, $0x7  }
0x53e: {  	s3 =	sshra.s32 s31, $0x2  }
0x53f: {  	[tilespmem:s3+$0x60B8] =	vst v0  }
0x540: {  	v0 =	vld [tilespmem:s0+$0x60C8];
	_ =	sdelay $0x4  }
0x541: {  	s1 =	sadd.s32 $0x1, s1;
	[tilespmem:s3+$0x60C8] =	vst v0  }
.LBB3_52:
0x542: {  	s2 =	sadd.s32 $0x1, s2  }
0x543: {  	p1 =	sne.s32 s2, $0x20  }
.Ltmp44:
0x544: {  	_ = 	snop;
	(pc) =	sbr.rel @!p1 .LBB3_53-.Ltmp44, $1  }
0x545: {  	_ =	sdelay $0x3  }
.LBB3_45:
0x546: {  	v0 =	vld.msk [tilespmem:s2+$0x6098], $0x1;
	_ =	sdelay $0x4  }
0x547: {  	(v2sf) =	vpush v0, $0x0;
	_ =	sdelay $0xe  }
0x548: {  	s3 =	spop (v2sf)  }
0x549: {  	p1 =	seq.s32 s3, $0xFFFFFFFF  }
.Ltmp45:
0x54a: {  	_ = 	snop;
	(pc) =	sbr.rel @p1 .LBB3_52-.Ltmp45, $1  }
0x54b: {  	_ =	sdelay $0x3  }
0x54c: {  	p1 =	slt.s32 s1, $0x1  }
.Ltmp46:
0x54d: {  	_ = 	snop;
	(pc) =	sbr.rel @p1 .LBB3_51-.Ltmp46, $1  }
0x54e: {  	_ =	sdelay $0x3  }
0x54f: {  	s0 =	simm.s32 $0x6098;
	p1 =	por $0x0, $0x0  }
0x550: {  	v1 =	vld.msk @!p1 [tilespmem:s0+$0x0], $0x1;
	_ =	sdelay $0x4  }
0x551: {  	(v2sf) =	vpush @!p1 v1, $0x0;
	_ =	sdelay $0xd  }
0x552: {  	p3 =	sne.s32 s1, $0x1  }
.Ltmp47:
0x553: {  	s5 =	spop @!p1 (v2sf);
	(pc) =	sbr.rel @!p3 .LBB3_49-.Ltmp47, $4  }
0x554: {  	p2 =	seq.s32 @!p1 s3, s5  }
0x555: {  	s5 =	simm.s32 $0x0;
	p2 =	por !p2, p1  }
0x556: {  	s7 =	simm.s32 $0xFFFFFFFF;
	s5 =	simm.s32 @p2 $0xFFFFFFFF  }
0x557: {  	s6 =	simm.s32 $0x1;
	s5 =	smov.u32 @p1 s7  }
.LBB3_48:
0x558: {  	s7 =	smov.u32 s5;
	p1 =	sne.s32 s5, $0xFFFFFFFF  }
0x559: {  	s0 =	sadd.s32 $0x1, s0;
	s5 =	smov.u32 s6;
	s6 =	sadd.s32 $0x1, s6  }
0x55a: {  	p2 =	sne.s32 s1, s6;
	v1 =	vld.msk @!p1 [tilespmem:s0+$0x0], $0x1;
	_ =	sdelay $0x4  }
0x55b: {  	(v2sf) =	vpush @!p1 v1, $0x0;
	_ =	sdelay $0xe  }
.Ltmp48:
0x55c: {  	s8 =	spop @!p1 (v2sf);
	(pc) =	sbr.rel @p2 .LBB3_48-.Ltmp48, $4  }
0x55d: {  	p3 =	seq.s32 @!p1 s3, s8  }
0x55e: {  	p3 =	por !p3, p1  }
0x55f: {  	s5 =	simm.s32 @p3 $0xFFFFFFFF  }
0x560: {  	s5 =	smov.u32 @p1 s7  }
.LBB3_49:
0x561: {  	p1 =	seq.s32 s5, $0xFFFFFFFF  }
.Ltmp49:
0x562: {  	_ = 	snop;
	(pc) =	sbr.rel @p1 .LBB3_51-.Ltmp49, $1  }
0x563: {  	_ =	sdelay $0x3  }
0x564: {  	s0 =	sshll.u32 s2, $0x5  }
0x565: {  	s0 =	sand.u32 $0x3FFFFFE0, s0  }
0x566: {  	v0 =	vld [tilespmem:s0+$0x60B8];
	_ =	sdelay $0x2  }
0x567: {  	s3 =	sshll.u32 s5, $0x7  }
0x568: {  	s3 =	sshra.s32 s3, $0x2  }
0x569: {  	[tilespmem:s3+$0x60B8] =	vst.add.f32.msk $0xffff, v0  }
0x56a: {  	v0 =	vld [tilespmem:s0+$0x60C8]  }
.Ltmp50:
0x56b: {  	_ = 	snop;
	(pc) =	sbr.rel .LBB3_52-.Ltmp50, $2  }
0x56c: {  	_ =	sdelay $0x2  }
0x56d: {  	[tilespmem:s3+$0x60C8] =	vst.add.f32.msk $0xffff, v0  }
.LBB3_53:
0x56e: {  	p1 =	slt.s32 s1, $0x1  }
.Ltmp51:
0x56f: {  	_ = 	snop;
	(pc) =	sbr.rel @p1 .LBB3_57-.Ltmp51, $3  }
0x570: {  	_ =	sdelay $0x1  }
0x571: {  	s0 =	simm.s32 $0x8  }
0x572: {  	s2 =	simm.s32 $0x0;
	[sflag:s0] =	ssyncpa.u1 $0x1  }
0x573: {  	s0 =	simm.s32 $0x6098  }
0x574: {  	v0 =	vld.msk [tilespmem:s0+$0x0], $0x1;
	_ =	sdelay $0x4  }
0x575: {  	(v2sf) =	vpush v0, $0x0;
	_ =	sdelay $0xe  }
0x576: {  	s1 =	sadd.s32 $0xFFFFFFFF, s1;
	s3 =	spop (v2sf)  }
0x577: {  	p2 =	sne.s32 s1, $0x0;
	p1 =	sgt.u32 s3, $0xC34FC  }
.Ltmp52:
0x578: {  	s5 =	sand.u32 @!p1 $0xFFFF8, s3;
	(pc) =	sbr.rel @!p2 .LBB3_56-.Ltmp52, $4  }
0x579: {  	s0 =	simm.s32 $0x60B8;
	s3 =	sand.u32 @!p1 $0x7, s3;
	s5 =	sadd.s32 @!p1 s4, s5  }
0x57a: {  	[hbm4b:s5+s3] =	stream.linear.scatter @!p1 [tilespmem:s0], [sflag:$0x7], $0x20, $0x38;
	[tilespmem:$0x1EC48] =	vst v63  }
0x57b: {  	s5 =	simm.s32 $0x0  }
0x57c: {  	s3 =	simm.s32 $0x6099;
	s5 =	simm.s32 @!p1 $0x80  }
.LBB3_55:
0x57d: {  	v0 =	vld.msk [tilespmem:s3+$0x0], $0x1;
	s1 =	sadd.s32 $0xFFFFFFFF, s1;
	s2 =	sadd.s32 s2, s5  }
0x57e: {  	p1 =	sne.s32 s1, $0x0;
	_ =	sdelay $0x3  }
0x57f: {  	(v2sf) =	vpush v0, $0x0;
	_ =	sdelay $0xe  }
.Ltmp53:
0x580: {  	s6 =	spop (v2sf);
	(pc) =	sbr.rel @p1 .LBB3_55-.Ltmp53, $4  }
0x581: {  	s5 =	simm.s32 $0x0;
	p2 =	sgt.u32 s6, $0xC34FC  }
0x582: {  	s0 =	sadd.s32 $0x20, s0;
	s5 =	simm.s32 @!p2 $0x80;
	s7 =	sand.u32 @!p2 $0xFFFF8, s6  }
0x583: {  	s3 =	sadd.s32 $0x1, s3;
	s6 =	sand.u32 @!p2 $0x7, s6;
	s7 =	sadd.s32 @!p2 s4, s7  }
0x584: {  	[hbm4b:s7+s6] =	stream.linear.scatter @!p2 [tilespmem:s0], [sflag:$0x7], $0x20, $0x38;
	[tilespmem:$0x1EC48] =	vst v63  }
.LBB3_56:
0x585: {  	s0 =	sadd.s32 s2, s5  }
0x586: {  	s2 =	sshrl.u32 s0, $0x2  }
.LBB3_57:
0x587: {  	s0 =	simm.s32 $0x7  }
0x588: {  	_ =	swait.ge [sflag:s0], s2  }
0x589: {  	s1 =	ssub.s32 $0x0, s2;
	[sflag:s0] =	ssyncset.done $0x0  }
0x58a: {  	[sflag:s0] =	ssyncadd.s32 s1  }
0x58b: {  	[sflag:s0] =	ssyncpa.u1 $0x1  }
.LBB3_58:
0x58c: {  	_ =	sfence;
	s0 =	simm.s32 $0x1  }
0x58d: {  	[sflag:s0] =	ssyncpa.u1 $0x1  }
0x58e: {  	_ =	strace $0x90000053  }
0x58f: {  	[bflag:$0x2] =	sbarrier.arrive $0xFFFF  }
0x590: {  	s0 =	rddreg [dreg:$0x3]  }
0x591: {  	s0 =	sadd.s32 @!p0 $0x100000, s0  }
0x592: {  	[sflag:s0] =	ssyncadd.tile.s32 @!p0 $0x1;
	_ =	shalt  }
.Lfunc_end3:
_tile_overlayer_lowered:
.L_overlay_start_3:
0x593: {  	(tag) =	ssettag $0x3  }
0x594: {  	s0 =	rddreg [dreg:$0x0];
	s2 =	stileid.u32  }
0x595: {  	s1 =	rddreg [dreg:$0x1];
	p0 =	sne.s32 s2, $0x0  }
0x596: {  	s3 =	rddreg [dreg:$0x2];
	[bflag:$0x3] =	sbarrier.arrive $0xFFFF;
	s2 =	simm.s32 @!p0 $0x1C01  }
0x597: {  	[timem:s3], [sflag:s2] =	dma.local @!p0 [hbm:s0], s1  }
0x598: {  	s0 =	simm.s32 @!p0 $0x1  }
0x599: {  	_ =	swait.ge @!p0 [sflag:s0], s1  }
0x59a: {  	s1 =	ssub.s32 @!p0 $0x0, s1;
	[sflag:s0] =	ssyncset.done @!p0 $0x0  }
0x59b: {  	[sflag:s0] =	ssyncadd.s32 @!p0 s1  }
0x59c: {  	[bflag:$0x3] =	sbarrier.arrive $0xFFFF  }
0x59d: {  	_ =	shalt  }

// kernel: scatter_offload_async_start.2
scs
__scs_entry_jumppad:
0x0: {  	(pc) =	sbr.rel $0x88, $3  }
0x1: {  	(tag) =	ssettag $0x0;
	lr =	simm.s32 $0x1  }
0x2: {  	[smem:$0x3F8D] =	sst lr;
	_ =	strace $0xD0000000  }
0x3: {  	_ = 	snop  }
0x4: {  	_ = 	snop  }
0x5: {  	_ = 	snop  }
0x6: {  	_ = 	snop  }
0x7: {  	_ = 	snop  }
__scs_overlays_trampoline_lowered:
0x8: {  	[smem:$0x3F9C] =	sst s0  }
0x9: {  	[smem:$0x3F9D] =	sst s1  }
0xa: {  	[smem:$0x3F9E] =	sst s2  }
0xb: {  	[smem:$0x3F9F] =	sst s3  }
0xc: {  	[smem:$0x3FA0] =	sst s4  }
0xd: {  	[smem:$0x3FA1] =	sst s5  }
0xe: {  	[smem:$0x3FA2] =	sst s6  }
0xf: {  	[smem:$0x3FA3] =	sst s7  }
0x10: {  	[smem:$0x3FA4] =	sst s8  }
0x11: {  	[smem:$0x3FA5] =	sst s9;
	s0 =	simm.s32 @!p0 $0x0  }
0x12: {  	s1 =	sld [smem:$0x3F8B];
	s0 =	simm.s32 @p0 $0x1  }
0x13: {  	[smem:$0x3FA6] =	sst s0;
	s0 =	simm.s32 @!p1 $0x0  }
0x14: {  	s2 =	sld [smem:$0x3F8A];
	s0 =	simm.s32 @p1 $0x1  }
0x15: {  	[smem:$0x3FA7] =	sst s0;
	s0 =	simm.s32 @!p2 $0x0  }
0x16: {  	s3 =	sld [smem:$0x3FDB];
	s0 =	simm.s32 @p2 $0x1  }
0x17: {  	s4 =	simm.s32 $0x1BF5;
	[smem:$0x3FA9] =	sst s0  }
0x18: {  	s0 =	sld [smem:$0x3F8C];
	_ =	swait.ge [sflag:s4], $0x0  }
0x19: {  	s7 =	sld [smem:$0x3F8D]  }
0x1a: {  	s8 =	sadd.s32 $0xFFFFE003, lr  }
0x1b: {  	s9 =	sadd.s32 $0xFFFFFEF7, lr;
	s5 =	simm.s32 $0xFFFFFFFF;
	p2 =	slt.u32 s8, $0xFFFFF086  }
0x1c: {  	p1 =	slt.u32 s9, $0xF7A;
	s5 =	simm.s32 @!p2 $0x0  }
0x1d: {  	s5 =	simm.s32 @p1 $0x1;
	p0 =	seq.s32 s7, s2  }
0x1e: {  	s7 =	smul.u32 @!p0 $0xF7A, s2;
	p2 =	seq.s32 @!p0 s5, $0x0  }
0x1f: {  	s9 =	smul.u32 $0xF7A, s1;
	s8 =	simm.s32 @!p0 $0x1BF5;
	p2 =	por !p2, p0  }
0x20: {  	[sflag:s8] =	ssyncset.s32 @!p0 $0xFFFFF086;
	s6 =	sadd.s32 @!p0 s3, s7;
	s7 =	simm.s32 @!p0 $0x108  }
0x21: {  	s3 =	sadd.s32 s3, s9;
	s6 =	sadd.s32 @!p0 $0x88, s6;
	s7 =	simm.s32 @p2 $0x1082  }
0x22: {  	[simem:s7], [sflag:s8] =	dma.local @!p0 [hbm:s6], $0xF7A  }
0x23: {  	s9 =	sor.u32 $0xD0000000, s2;
	s6 =	simm.s32 $0x108;
	_ =	swait.ge @!p0 [sflag:s8], $0x0  }
0x24: {  	s3 =	sadd.s32 $0x88, s3;
	s6 =	simm.s32 @!p1 $0x1082;
	[sflag:s4] =	ssyncset.s32 $0xFFFFF086  }
0x25: {  	[simem:s6], [sflag:s4] =	dma.local [hbm:s3], $0xF7A  }
0x26: {  	[smem:$0x3F8D] =	sst s1;
	(tag) =	ssettag s2;
	_ =	strace s9  }
0x27: {  	s1 =	sld [smem:$0x3F9D]  }
0x28: {  	s2 =	sld [smem:$0x3F9E]  }
0x29: {  	s4 =	sld [smem:$0x3FA0]  }
0x2a: {  	p0 =	seq.s32 s5, $0x0;
	s5 =	sld [smem:$0x3FA1]  }
0x2b: {  	s6 =	sld [smem:$0x3FA2]  }
0x2c: {  	s7 =	sld [smem:$0x3FA3]  }
0x2d: {  	s3 =	simm.s32 $0x108;
	s8 =	sld [smem:$0x3FA4]  }
0x2e: {  	s3 =	simm.s32 @!p0 $0x1082;
	s9 =	sld [smem:$0x3FA5]  }
0x2f: {  	lr =	sadd.s32 s0, s3;
	s0 =	sld [smem:$0x3F9C]  }
0x30: {  	s3 =	sld [smem:$0x3F9F]  }
0x31: {  	[smem:$0x3FA8] =	sst s10  }
0x32: {  	s10 =	sld [smem:$0x3FA6];
	_ =	sdelay $0x3  }
0x33: {  	p0 =	seq.s32 s10, $0x1;
	s10 =	sld [smem:$0x3FA8];
	_ =	sdelay $0x3  }
0x34: {  	[smem:$0x3FA8] =	sst s10  }
0x35: {  	s10 =	sld [smem:$0x3FA7];
	_ =	sdelay $0x3  }
0x36: {  	p1 =	seq.s32 s10, $0x1;
	s10 =	sld [smem:$0x3FA8];
	_ =	sdelay $0x3  }
0x37: {  	[smem:$0x3FA8] =	sst s10  }
0x38: {  	s10 =	sld [smem:$0x3FA9]  }
0x39: {  	_ = 	snop;
	(pc) =	sbr.ind lr, $3  }
0x3a: {  	_ = 	snop  }
0x3b: {  	_ = 	snop  }
0x3c: {  	p2 =	seq.s32 s10, $0x1;
	s10 =	sld [smem:$0x3FA8]  }
0x3d: {  	_ =	shalt  }
0x3e: {  	_ =	shalt  }
0x3f: {  	_ =	shalt  }
0x40: {  	_ =	shalt  }
0x41: {  	_ =	shalt  }
0x42: {  	_ =	shalt  }
0x43: {  	_ =	shalt  }
0x44: {  	_ =	shalt  }
0x45: {  	_ =	shalt  }
0x46: {  	_ =	shalt  }
0x47: {  	_ =	shalt  }
0x48: {  	_ =	shalt  }
0x49: {  	_ =	shalt  }
0x4a: {  	_ =	shalt  }
0x4b: {  	_ =	shalt  }
0x4c: {  	_ =	shalt  }
0x4d: {  	_ =	shalt  }
0x4e: {  	_ =	shalt  }
0x4f: {  	_ =	shalt  }
0x50: {  	_ =	shalt  }
0x51: {  	_ =	shalt  }
0x52: {  	_ =	shalt  }
0x53: {  	_ =	shalt  }
0x54: {  	_ =	shalt  }
0x55: {  	_ =	shalt  }
0x56: {  	_ =	shalt  }
0x57: {  	_ =	shalt  }
0x58: {  	_ =	shalt  }
0x59: {  	_ =	shalt  }
0x5a: {  	_ =	shalt  }
0x5b: {  	_ =	shalt  }
0x5c: {  	_ =	shalt  }
0x5d: {  	_ =	shalt  }
0x5e: {  	_ =	shalt  }
0x5f: {  	_ =	shalt  }
0x60: {  	_ =	shalt  }
0x61: {  	_ =	shalt  }
0x62: {  	_ =	shalt  }
0x63: {  	_ =	shalt  }
0x64: {  	_ =	shalt  }
0x65: {  	_ =	shalt  }
0x66: {  	_ =	shalt  }
0x67: {  	_ =	shalt  }
0x68: {  	_ =	shalt  }
0x69: {  	_ =	shalt  }
0x6a: {  	_ =	shalt  }
0x6b: {  	_ =	shalt  }
0x6c: {  	_ =	shalt  }
0x6d: {  	_ =	shalt  }
0x6e: {  	_ =	shalt  }
0x6f: {  	_ =	shalt  }
0x70: {  	_ =	shalt  }
0x71: {  	_ =	shalt  }
0x72: {  	_ =	shalt  }
0x73: {  	_ =	shalt  }
0x74: {  	_ =	shalt  }
0x75: {  	_ =	shalt  }
0x76: {  	_ =	shalt  }
0x77: {  	_ =	shalt  }
0x78: {  	_ =	shalt  }
0x79: {  	_ =	shalt  }
0x7a: {  	_ =	shalt  }
0x7b: {  	_ =	shalt  }
0x7c: {  	_ =	shalt  }
0x7d: {  	_ =	shalt  }
0x7e: {  	_ =	shalt  }
0x7f: {  	_ =	shalt  }
0x80: {  	_ =	shalt  }
0x81: {  	_ =	shalt  }
0x82: {  	_ =	shalt  }
0x83: {  	_ =	shalt  }
0x84: {  	_ =	shalt  }
0x85: {  	_ =	shalt  }
0x86: {  	_ =	shalt  }
0x87: {  	_ =	shalt  }
.Lfunc_end0:
.L_simem_size_0:
called_computation.2_lowered:
.L_overlay_start_0:
0x88: {  	s2 =	sld [smem:$0x3FD9]  }
0x89: {  	s3 =	sld [smem:$0x3FFE];
	_ =	sdelay $0x1  }
0x8a: {  	s1 =	srdreg.scid  }
0x8b: {  	s0 =	sand.u32 $0x1, s1  }
0x8c: {  	s17 =	sshll.u32 s0, $0xA;
	s2 =	sadd.s32 s3, s2  }
0x8d: {  	s2 =	sadd.s32 s2, s17  }
0x8e: {  	[smem:$0x3FB4] =	sst s2  }
0x8f: {  	_ = 	snop  }
0x90: {  	(tm) =	ssettm $0x1  }
0x91: {  	s18 =	sld [smem:$0x3FFB];
	_ =	sdelay $0x3  }
0x92: {  	_ =	strace s18  }
0x93: {  	s2 =	sld [smem:$0x3FFC];
	_ =	sdelay $0x3  }
0x94: {  	_ =	strace s2  }
0x95: {  	s2 =	sld [smem:$0x3FFD];
	_ =	sdelay $0x3  }
0x96: {  	_ =	strace s2  }
0x97: {  	_ =	strace $0x8FFFFFFF  }
0x98: {  	s19 =	sld [smem:$0x3FDB];
	_ =	sdelay $0x1  }
0x99: {  	s20 =	simm.s32 $_scs_section_size  }
0x9a: {  	s4 =	simm.s32 $_size__tile_overlayer_lowered;
	s5 =	simm.s32 $_tile_overlayer_lowered  }
0x9b: {  	s6 =	simm.s32 $0x1BFF;
	s21 =	sshll.u32 s5, $0x1;
	s3 =	sadd.s32 s20, s19  }
0x9c: {  	s22 =	simm.s32 $0x0;
	s4 =	sshll.u32 s4, $0x1;
	s5 =	sadd.s32 s21, s3  }
0x9d: {  	[timem:s22], [sflag:s6] =	dma.local [hbm:s5], s4  }
0x9e: {  	_ =	swait.ge [sflag:s6], s4  }
0x9f: {  	s4 =	ssub.s32 $0x0, s4;
	[sflag:s6] =	ssyncset.done $0x0  }
0xa0: {  	[sflag:s6] =	ssyncadd.s32 s4;
	_ =	sdelay $0x1  }
0xa1: {  	s23 =	simm.s32 $0x1B8B  }
0xa2: {  	_ =	swait.ge [sflag:s23], $0x1  }
0xa3: {  	[sflag:s23] =	ssyncset.done $0x0  }
0xa4: {  	[sflag:s23] =	ssyncadd.s32 $0xFFFFFFFF  }
0xa5: {  	s4 =	sld [smem:$0x0]  }
0xa6: {  	s5 =	sand.u32 $0xFFFFFFFE, s1  }
0xa7: {  	p0 =	sne.s32 s1, s5  }
0xa8: {  	s5 =	sshll.u32 @p0 s5, $0xE  }
0xa9: {  	s5 =	sadd.s32 @p0 $0x11B8D, s5;
	s6 =	sshll.u32 @p0 s4, $0x11  }
0xaa: {  	s5 =	sor.u32 @p0 s6, s5  }
0xab: {  	[sflag:s5] =	ssyncadd.remote.s32 @p0 $0x1;
	_ =	sdelay $0x1  }
0xac: {  	s5 =	simm.s32 @p0 $0x1B8D  }
0xad: {  	_ =	swait.eq @p0 [sflag:s5], $0x1  }
0xae: {  	[sflag:s5] =	ssyncadd.s32 @p0 $0xFFFFFFFF  }
0xaf: {  	s6 =	sshll.u32 @!p0 s1, $0xE  }
0xb0: {  	s6 =	sor.u32 @!p0 $0x4000, s6;
	s5 =	simm.s32 @!p0 $0x1B8D  }
0xb1: {  	s7 =	sshll.u32 @!p0 s4, $0x11;
	s6 =	sadd.s32 @!p0 $0x11B8D, s6;
	_ =	swait.eq @!p0 [sflag:s5], $0x1  }
0xb2: {  	[sflag:s5] =	ssyncadd.s32 @!p0 $0xFFFFFFFF;
	s5 =	sor.u32 @!p0 s7, s6  }
0xb3: {  	s25 =	simm.s32 $0x1B8E;
	s24 =	sld [smem:$0x3FFE];
	[sflag:s5] =	ssyncadd.remote.s32 @!p0 $0x1  }
0xb4: {  	s26 =	simm.s32 $execute0_lowered;
	[smem:$0x3FD2] =	sst s25  }
0xb5: {  	s6 =	sshll.u32 s26, $0x1;
	_ =	strace $0x80000058;
	[dreg:$0x1] =	wrdreg $0xFFFFFFFF  }
0xb6: {  	s28 =	simm.s32 $_size_execute0_lowered;
	s3 =	sadd.s32 s3, s6;
	[dreg:$0x0] =	wrdreg $0x0  }
0xb7: {  	s6 =	sshll.u32 s28, $0x1;
	[dreg:$0x2] =	wrdreg s3  }
0xb8: {  	[dreg:$0x3] =	wrdreg s6  }
0xb9: {  	[dreg:$0x4] =	wrdreg $0xC0  }
0xba: {  	_ =	task [dreg:s22], $0x5FFFF  }
0xbb: {  	[dreg:$0x1] =	wrdreg $0xFFFFFFFF  }
0xbc: {  	[dreg:$0x0] =	wrdreg $0x60  }
0xbd: {  	[dreg:$0x2] =	wrdreg s24  }
0xbe: {  	[dreg:$0x3] =	wrdreg s1  }
0xbf: {  	[dreg:$0x4] =	wrdreg s4  }
0xc0: {  	[dreg:$0x5] =	wrdreg $0x9  }
0xc1: {  	_ =	task.clear_ibuf [dreg:s22], $0x6FFFF;
	_ =	strace $0x90000058  }
0xc2: {  	s29 =	simm.s32 $0x9;
	_ =	strace $0x8000005A  }
0xc3: {  	_ =	swait.ge [sflag:s29], $0x1  }
0xc4: {  	[sflag:s29] =	ssyncadd.s32 $0xFFFFFFFF  }
0xc5: {  	_ =	strace $0x9000005A  }
0xc6: {  	_ =	sfence  }
0xc7: {  	s30 =	sld [smem:$0x0];
	_ =	sdelay $0x2  }
0xc8: {  	s31 =	sshll.u32 s1, $0xD;
	s1 =	sshrl.u32 s1, $0x2  }
0xc9: {  	s4 =	sand.u32 $0x4000, s31;
	s1 =	sadd.s32 s1, s30  }
0xca: {  	s0 =	sor.u32 s4, s0;
	s1 =	sshll.u32 s1, $0x11  }
0xcb: {  	s0 =	sor.u32 s1, s0  }
0xcc: {  	s0 =	sadd.s32 $0x8F2B, s0  }
0xcd: {  	[sflag:s0] =	ssyncadd.remote.s32 $0x1  }
0xce: {  	_ =	sfence.sel $0xFFFF  }
0xcf: {  	[dreg:$0x0] =	wrdreg $0xFFFFFFFF;
	(pc) =	sbr.abs _section_cstart, $3  }
0xd0: {  	[dreg:$0x1] =	wrdreg $0xFFFFFFFF  }
0xd1: {  	_ =	task.clear_ibuf [dreg:s22], $0x2FFFF;
	_ =	strace $0x9FFFFFFF  }
0xd2: {  	(tm) =	ssettm $0x7FFFFFFF  }
0xd3: {  	_ =	shalt  }
tec
execute0_lowered:
.L_overlay_start_1:
0x0: {  	(tag) =	ssettag $0x1  }
0x1: {  	s11 =	rddreg [dreg:$0x0]  }
0x2: {  	s2 =	rddreg [dreg:$0x1];
	_ =	strace $0x80000059;
	s12 =	simm.s32 $0x1  }
0x3: {  	v0 =	vimm.s32 $0x0;
	[sflag:s12] =	ssyncpa.u1 $0x0  }
0x4: {  	[tilespmem:$0x28] =	vst v0  }
0x5: {  	[tilespmem:$0x38] =	vst v0  }
0x6: {  	[tilespmem:$0x48] =	vst v0  }
0x7: {  	[tilespmem:$0x58] =	vst v0  }
0x8: {  	[tilespmem:$0x68] =	vst v0  }
0x9: {  	[tilespmem:$0x78] =	vst v0  }
0xa: {  	[tilespmem:$0x88] =	vst v0  }
0xb: {  	[tilespmem:$0x98] =	vst v0  }
0xc: {  	[tilespmem:$0xA8] =	vst v0  }
0xd: {  	[tilespmem:$0xB8] =	vst v0  }
0xe: {  	[tilespmem:$0xC8] =	vst v0  }
0xf: {  	[tilespmem:$0xD8] =	vst v0  }
0x10: {  	[tilespmem:$0xE8] =	vst v0  }
0x11: {  	[tilespmem:$0xF8] =	vst v0  }
0x12: {  	[tilespmem:$0x108] =	vst v0  }
0x13: {  	[tilespmem:$0x118] =	vst v0  }
0x14: {  	[tilespmem:$0x128] =	vst v0  }
0x15: {  	[tilespmem:$0x138] =	vst v0  }
0x16: {  	[tilespmem:$0x148] =	vst v0  }
0x17: {  	[tilespmem:$0x158] =	vst v0  }
0x18: {  	[tilespmem:$0x168] =	vst v0  }
0x19: {  	[tilespmem:$0x178] =	vst v0  }
0x1a: {  	[tilespmem:$0x188] =	vst v0  }
0x1b: {  	[tilespmem:$0x198] =	vst v0  }
0x1c: {  	[tilespmem:$0x1A8] =	vst v0  }
0x1d: {  	[tilespmem:$0x1B8] =	vst v0  }
0x1e: {  	[tilespmem:$0x1C8] =	vst v0  }
0x1f: {  	[tilespmem:$0x1D8] =	vst v0  }
0x20: {  	[tilespmem:$0x1E8] =	vst v0  }
0x21: {  	[tilespmem:$0x1F8] =	vst v0  }
0x22: {  	[tilespmem:$0x208] =	vst v0  }
0x23: {  	[tilespmem:$0x218] =	vst v0  }
0x24: {  	[tilespmem:$0x228] =	vst v0  }
0x25: {  	[tilespmem:$0x238] =	vst v0  }
0x26: {  	[tilespmem:$0x248] =	vst v0  }
0x27: {  	[tilespmem:$0x258] =	vst v0  }
0x28: {  	[tilespmem:$0x268] =	vst v0  }
0x29: {  	[tilespmem:$0x278] =	vst v0  }
0x2a: {  	[tilespmem:$0x288] =	vst v0  }
0x2b: {  	[tilespmem:$0x298] =	vst v0  }
0x2c: {  	[tilespmem:$0x2A8] =	vst v0  }
0x2d: {  	[tilespmem:$0x2B8] =	vst v0  }
0x2e: {  	[tilespmem:$0x2C8] =	vst v0  }
0x2f: {  	[tilespmem:$0x2D8] =	vst v0  }
0x30: {  	[tilespmem:$0x2E8] =	vst v0  }
0x31: {  	[tilespmem:$0x2F8] =	vst v0  }
0x32: {  	[tilespmem:$0x308] =	vst v0  }
0x33: {  	[tilespmem:$0x318] =	vst v0  }
0x34: {  	[tilespmem:$0x328] =	vst v0  }
0x35: {  	[tilespmem:$0x338] =	vst v0  }
0x36: {  	[tilespmem:$0x348] =	vst v0  }
0x37: {  	[tilespmem:$0x358] =	vst v0  }
0x38: {  	[tilespmem:$0x368] =	vst v0  }
0x39: {  	[tilespmem:$0x378] =	vst v0  }
0x3a: {  	[tilespmem:$0x388] =	vst v0  }
0x3b: {  	[tilespmem:$0x398] =	vst v0  }
0x3c: {  	[tilespmem:$0x3A8] =	vst v0  }
0x3d: {  	[tilespmem:$0x3B8] =	vst v0  }
0x3e: {  	[tilespmem:$0x3C8] =	vst v0  }
0x3f: {  	[tilespmem:$0x3D8] =	vst v0  }
0x40: {  	[tilespmem:$0x3E8] =	vst v0  }
0x41: {  	[tilespmem:$0x3F8] =	vst v0  }
0x42: {  	[tilespmem:$0x408] =	vst v0  }
0x43: {  	[tilespmem:$0x418] =	vst v0  }
0x44: {  	[tilespmem:$0x428] =	vst v0  }
0x45: {  	[tilespmem:$0x438] =	vst v0  }
0x46: {  	[tilespmem:$0x448] =	vst v0  }
0x47: {  	[tilespmem:$0x458] =	vst v0  }
0x48: {  	[tilespmem:$0x468] =	vst v0  }
0x49: {  	[tilespmem:$0x478] =	vst v0  }
0x4a: {  	[tilespmem:$0x488] =	vst v0  }
0x4b: {  	[tilespmem:$0x498] =	vst v0  }
0x4c: {  	[tilespmem:$0x4A8] =	vst v0  }
0x4d: {  	[tilespmem:$0x4B8] =	vst v0  }
0x4e: {  	[tilespmem:$0x4C8] =	vst v0  }
0x4f: {  	[tilespmem:$0x4D8] =	vst v0  }
0x50: {  	[tilespmem:$0x4E8] =	vst v0  }
0x51: {  	[tilespmem:$0x4F8] =	vst v0  }
0x52: {  	[tilespmem:$0x508] =	vst v0  }
0x53: {  	[tilespmem:$0x518] =	vst v0  }
0x54: {  	[tilespmem:$0x528] =	vst v0  }
0x55: {  	[tilespmem:$0x538] =	vst v0  }
0x56: {  	[tilespmem:$0x548] =	vst v0  }
0x57: {  	[tilespmem:$0x558] =	vst v0  }
0x58: {  	[tilespmem:$0x568] =	vst v0  }
0x59: {  	[tilespmem:$0x578] =	vst v0  }
0x5a: {  	[tilespmem:$0x588] =	vst v0  }
0x5b: {  	[tilespmem:$0x598] =	vst v0  }
0x5c: {  	[tilespmem:$0x5A8] =	vst v0  }
0x5d: {  	[tilespmem:$0x5B8] =	vst v0  }
0x5e: {  	[tilespmem:$0x5C8] =	vst v0  }
0x5f: {  	[tilespmem:$0x5D8] =	vst v0  }
0x60: {  	[tilespmem:$0x5E8] =	vst v0  }
0x61: {  	[tilespmem:$0x5F8] =	vst v0  }
0x62: {  	[tilespmem:$0x608] =	vst v0  }
0x63: {  	[tilespmem:$0x618] =	vst v0  }
0x64: {  	[tilespmem:$0x628] =	vst v0  }
0x65: {  	[tilespmem:$0x638] =	vst v0  }
0x66: {  	[tilespmem:$0x648] =	vst v0  }
0x67: {  	[tilespmem:$0x658] =	vst v0  }
0x68: {  	[tilespmem:$0x668] =	vst v0  }
0x69: {  	[tilespmem:$0x678] =	vst v0  }
0x6a: {  	[tilespmem:$0x688] =	vst v0  }
0x6b: {  	[tilespmem:$0x698] =	vst v0  }
0x6c: {  	[tilespmem:$0x6A8] =	vst v0  }
0x6d: {  	[tilespmem:$0x6B8] =	vst v0  }
0x6e: {  	[tilespmem:$0x6C8] =	vst v0  }
0x6f: {  	[tilespmem:$0x6D8] =	vst v0  }
0x70: {  	[tilespmem:$0x6E8] =	vst v0  }
0x71: {  	[tilespmem:$0x6F8] =	vst v0  }
0x72: {  	[tilespmem:$0x708] =	vst v0  }
0x73: {  	[tilespmem:$0x718] =	vst v0  }
0x74: {  	[tilespmem:$0x728] =	vst v0  }
0x75: {  	[tilespmem:$0x738] =	vst v0  }
0x76: {  	[tilespmem:$0x748] =	vst v0  }
0x77: {  	[tilespmem:$0x758] =	vst v0  }
0x78: {  	[tilespmem:$0x768] =	vst v0  }
0x79: {  	[tilespmem:$0x778] =	vst v0  }
0x7a: {  	[tilespmem:$0x788] =	vst v0  }
0x7b: {  	[tilespmem:$0x798] =	vst v0  }
0x7c: {  	[tilespmem:$0x7A8] =	vst v0  }
0x7d: {  	[tilespmem:$0x7B8] =	vst v0  }
0x7e: {  	[tilespmem:$0x7C8] =	vst v0  }
0x7f: {  	[tilespmem:$0x7D8] =	vst v0  }
0x80: {  	[tilespmem:$0x7E8] =	vst v0  }
0x81: {  	[tilespmem:$0x7F8] =	vst v0  }
0x82: {  	[tilespmem:$0x808] =	vst v0  }
0x83: {  	[tilespmem:$0x818] =	vst v0  }
0x84: {  	[tilespmem:$0x828] =	vst v0  }
0x85: {  	[tilespmem:$0x838] =	vst v0  }
0x86: {  	[tilespmem:$0x848] =	vst v0  }
0x87: {  	[tilespmem:$0x858] =	vst v0  }
0x88: {  	[tilespmem:$0x868] =	vst v0  }
0x89: {  	[tilespmem:$0x878] =	vst v0  }
0x8a: {  	[tilespmem:$0x888] =	vst v0  }
0x8b: {  	[tilespmem:$0x898] =	vst v0  }
0x8c: {  	[tilespmem:$0x8A8] =	vst v0  }
0x8d: {  	[tilespmem:$0x8B8] =	vst v0  }
0x8e: {  	[tilespmem:$0x8C8] =	vst v0  }
0x8f: {  	[tilespmem:$0x8D8] =	vst v0  }
0x90: {  	[tilespmem:$0x8E8] =	vst v0  }
0x91: {  	[tilespmem:$0x8F8] =	vst v0  }
0x92: {  	[tilespmem:$0x908] =	vst v0  }
0x93: {  	[tilespmem:$0x918] =	vst v0  }
0x94: {  	[tilespmem:$0x928] =	vst v0  }
0x95: {  	[tilespmem:$0x938] =	vst v0  }
0x96: {  	[tilespmem:$0x948] =	vst v0  }
0x97: {  	[tilespmem:$0x958] =	vst v0  }
0x98: {  	[tilespmem:$0x968] =	vst v0  }
0x99: {  	[tilespmem:$0x978] =	vst v0  }
0x9a: {  	[tilespmem:$0x988] =	vst v0  }
0x9b: {  	[tilespmem:$0x998] =	vst v0  }
0x9c: {  	[tilespmem:$0x9A8] =	vst v0  }
0x9d: {  	[tilespmem:$0x9B8] =	vst v0  }
0x9e: {  	[tilespmem:$0x9C8] =	vst v0  }
0x9f: {  	[tilespmem:$0x9D8] =	vst v0  }
0xa0: {  	[tilespmem:$0x9E8] =	vst v0  }
0xa1: {  	[tilespmem:$0x9F8] =	vst v0  }
0xa2: {  	[tilespmem:$0xA08] =	vst v0  }
0xa3: {  	[tilespmem:$0xA18] =	vst v0  }
0xa4: {  	[tilespmem:$0xA28] =	vst v0  }
0xa5: {  	[tilespmem:$0xA38] =	vst v0  }
0xa6: {  	[tilespmem:$0xA48] =	vst v0  }
0xa7: {  	[tilespmem:$0xA58] =	vst v0  }
0xa8: {  	[tilespmem:$0xA68] =	vst v0  }
0xa9: {  	[tilespmem:$0xA78] =	vst v0  }
0xaa: {  	[tilespmem:$0xA88] =	vst v0  }
0xab: {  	[tilespmem:$0xA98] =	vst v0  }
0xac: {  	[tilespmem:$0xAA8] =	vst v0  }
0xad: {  	[tilespmem:$0xAB8] =	vst v0  }
0xae: {  	[tilespmem:$0xAC8] =	vst v0  }
0xaf: {  	[tilespmem:$0xAD8] =	vst v0  }
0xb0: {  	[tilespmem:$0xAE8] =	vst v0  }
0xb1: {  	[tilespmem:$0xAF8] =	vst v0  }
0xb2: {  	[tilespmem:$0xB08] =	vst v0  }
0xb3: {  	[tilespmem:$0xB18] =	vst v0  }
0xb4: {  	[tilespmem:$0xB28] =	vst v0  }
0xb5: {  	[tilespmem:$0xB38] =	vst v0  }
0xb6: {  	[tilespmem:$0xB48] =	vst v0  }
0xb7: {  	[tilespmem:$0xB58] =	vst v0  }
0xb8: {  	[tilespmem:$0xB68] =	vst v0  }
0xb9: {  	[tilespmem:$0xB78] =	vst v0  }
0xba: {  	[tilespmem:$0xB88] =	vst v0  }
0xbb: {  	[tilespmem:$0xB98] =	vst v0  }
0xbc: {  	[tilespmem:$0xBA8] =	vst v0  }
0xbd: {  	[tilespmem:$0xBB8] =	vst v0  }
0xbe: {  	[tilespmem:$0xBC8] =	vst v0  }
0xbf: {  	[tilespmem:$0xBD8] =	vst v0  }
0xc0: {  	[tilespmem:$0xBE8] =	vst v0  }
0xc1: {  	[tilespmem:$0xBF8] =	vst v0  }
0xc2: {  	[tilespmem:$0xC08] =	vst v0  }
0xc3: {  	[tilespmem:$0xC18] =	vst v0  }
0xc4: {  	[tilespmem:$0xC28] =	vst v0  }
0xc5: {  	[tilespmem:$0xC38] =	vst v0  }
0xc6: {  	[tilespmem:$0xC48] =	vst v0  }
0xc7: {  	[tilespmem:$0xC58] =	vst v0  }
0xc8: {  	[tilespmem:$0xC68] =	vst v0  }
0xc9: {  	[tilespmem:$0xC78] =	vst v0  }
0xca: {  	[tilespmem:$0xC88] =	vst v0  }
0xcb: {  	[tilespmem:$0xC98] =	vst v0  }
0xcc: {  	[tilespmem:$0xCA8] =	vst v0  }
0xcd: {  	[tilespmem:$0xCB8] =	vst v0  }
0xce: {  	[tilespmem:$0xCC8] =	vst v0  }
0xcf: {  	[tilespmem:$0xCD8] =	vst v0  }
0xd0: {  	[tilespmem:$0xCE8] =	vst v0  }
0xd1: {  	[tilespmem:$0xCF8] =	vst v0  }
0xd2: {  	[tilespmem:$0xD08] =	vst v0  }
0xd3: {  	[tilespmem:$0xD18] =	vst v0  }
0xd4: {  	[tilespmem:$0xD28] =	vst v0  }
0xd5: {  	[tilespmem:$0xD38] =	vst v0  }
0xd6: {  	[tilespmem:$0xD48] =	vst v0  }
0xd7: {  	[tilespmem:$0xD58] =	vst v0  }
0xd8: {  	[tilespmem:$0xD68] =	vst v0  }
0xd9: {  	[tilespmem:$0xD78] =	vst v0  }
0xda: {  	[tilespmem:$0xD88] =	vst v0  }
0xdb: {  	[tilespmem:$0xD98] =	vst v0  }
0xdc: {  	[tilespmem:$0xDA8] =	vst v0  }
0xdd: {  	[tilespmem:$0xDB8] =	vst v0  }
0xde: {  	[tilespmem:$0xDC8] =	vst v0  }
0xdf: {  	[tilespmem:$0xDD8] =	vst v0  }
0xe0: {  	[tilespmem:$0xDE8] =	vst v0  }
0xe1: {  	[tilespmem:$0xDF8] =	vst v0  }
0xe2: {  	[tilespmem:$0xE08] =	vst v0  }
0xe3: {  	[tilespmem:$0xE18] =	vst v0  }
0xe4: {  	[tilespmem:$0xE28] =	vst v0  }
0xe5: {  	[tilespmem:$0xE38] =	vst v0  }
0xe6: {  	[tilespmem:$0xE48] =	vst v0  }
0xe7: {  	[tilespmem:$0xE58] =	vst v0  }
0xe8: {  	[tilespmem:$0xE68] =	vst v0  }
0xe9: {  	[tilespmem:$0xE78] =	vst v0  }
0xea: {  	[tilespmem:$0xE88] =	vst v0  }
0xeb: {  	[tilespmem:$0xE98] =	vst v0  }
0xec: {  	[tilespmem:$0xEA8] =	vst v0  }
0xed: {  	[tilespmem:$0xEB8] =	vst v0  }
0xee: {  	[tilespmem:$0xEC8] =	vst v0  }
0xef: {  	[tilespmem:$0xED8] =	vst v0  }
0xf0: {  	[tilespmem:$0xEE8] =	vst v0  }
0xf1: {  	[tilespmem:$0xEF8] =	vst v0  }
0xf2: {  	[tilespmem:$0xF08] =	vst v0  }
0xf3: {  	[tilespmem:$0xF18] =	vst v0  }
0xf4: {  	[tilespmem:$0xF28] =	vst v0  }
0xf5: {  	[tilespmem:$0xF38] =	vst v0  }
0xf6: {  	[tilespmem:$0xF48] =	vst v0  }
0xf7: {  	[tilespmem:$0xF58] =	vst v0  }
0xf8: {  	[tilespmem:$0xF68] =	vst v0  }
0xf9: {  	[tilespmem:$0xF78] =	vst v0  }
0xfa: {  	[tilespmem:$0xF88] =	vst v0  }
0xfb: {  	[tilespmem:$0xF98] =	vst v0  }
0xfc: {  	[tilespmem:$0xFA8] =	vst v0  }
0xfd: {  	[tilespmem:$0xFB8] =	vst v0  }
0xfe: {  	[tilespmem:$0xFC8] =	vst v0  }
0xff: {  	[tilespmem:$0xFD8] =	vst v0  }
0x100: {  	[tilespmem:$0xFE8] =	vst v0  }
0x101: {  	[tilespmem:$0xFF8] =	vst v0  }
0x102: {  	[tilespmem:$0x1028] =	vst v0  }
0x103: {  	[tilespmem:$0x10E8] =	vst v0  }
0x104: {  	[tilespmem:$0x1068] =	vst v0  }
0x105: {  	[tilespmem:$0x1B28] =	vst v0  }
0x106: {  	[tilespmem:$0x1B18] =	vst v0  }
0x107: {  	[tilespmem:$0x1B08] =	vst v0  }
0x108: {  	[tilespmem:$0x1AF8] =	vst v0  }
0x109: {  	[tilespmem:$0x1AE8] =	vst v0  }
0x10a: {  	[tilespmem:$0x1AD8] =	vst v0  }
0x10b: {  	[tilespmem:$0x1AC8] =	vst v0  }
0x10c: {  	[tilespmem:$0x1AB8] =	vst v0  }
0x10d: {  	[tilespmem:$0x1AA8] =	vst v0  }
0x10e: {  	[tilespmem:$0x1A98] =	vst v0  }
0x10f: {  	[tilespmem:$0x1A88] =	vst v0  }
0x110: {  	[tilespmem:$0x1A78] =	vst v0  }
0x111: {  	[tilespmem:$0x1A68] =	vst v0  }
0x112: {  	[tilespmem:$0x1A58] =	vst v0  }
0x113: {  	[tilespmem:$0x1A48] =	vst v0  }
0x114: {  	[tilespmem:$0x1A38] =	vst v0  }
0x115: {  	[tilespmem:$0x1A28] =	vst v0  }
0x116: {  	[tilespmem:$0x1A18] =	vst v0  }
0x117: {  	[tilespmem:$0x1A08] =	vst v0  }
0x118: {  	[tilespmem:$0x19F8] =	vst v0  }
0x119: {  	[tilespmem:$0x19E8] =	vst v0  }
0x11a: {  	[tilespmem:$0x19D8] =	vst v0  }
0x11b: {  	[tilespmem:$0x19C8] =	vst v0  }
0x11c: {  	[tilespmem:$0x19B8] =	vst v0  }
0x11d: {  	[tilespmem:$0x19A8] =	vst v0  }
0x11e: {  	[tilespmem:$0x1998] =	vst v0  }
0x11f: {  	[tilespmem:$0x1988] =	vst v0  }
0x120: {  	[tilespmem:$0x1978] =	vst v0  }
0x121: {  	[tilespmem:$0x1968] =	vst v0  }
0x122: {  	[tilespmem:$0x1958] =	vst v0  }
0x123: {  	[tilespmem:$0x1948] =	vst v0  }
0x124: {  	[tilespmem:$0x1938] =	vst v0  }
0x125: {  	[tilespmem:$0x1928] =	vst v0  }
0x126: {  	[tilespmem:$0x1918] =	vst v0  }
0x127: {  	[tilespmem:$0x1908] =	vst v0  }
0x128: {  	[tilespmem:$0x18F8] =	vst v0  }
0x129: {  	[tilespmem:$0x18E8] =	vst v0  }
0x12a: {  	[tilespmem:$0x18D8] =	vst v0  }
0x12b: {  	[tilespmem:$0x18C8] =	vst v0  }
0x12c: {  	[tilespmem:$0x18B8] =	vst v0  }
0x12d: {  	[tilespmem:$0x18A8] =	vst v0  }
0x12e: {  	[tilespmem:$0x1898] =	vst v0  }
0x12f: {  	[tilespmem:$0x1888] =	vst v0  }
0x130: {  	[tilespmem:$0x1878] =	vst v0  }
0x131: {  	[tilespmem:$0x1868] =	vst v0  }
0x132: {  	[tilespmem:$0x1858] =	vst v0  }
0x133: {  	[tilespmem:$0x1848] =	vst v0  }
0x134: {  	[tilespmem:$0x1838] =	vst v0  }
0x135: {  	[tilespmem:$0x1828] =	vst v0  }
0x136: {  	[tilespmem:$0x1818] =	vst v0  }
0x137: {  	[tilespmem:$0x1808] =	vst v0  }
0x138: {  	[tilespmem:$0x17F8] =	vst v0  }
0x139: {  	[tilespmem:$0x17E8] =	vst v0  }
0x13a: {  	[tilespmem:$0x17D8] =	vst v0  }
0x13b: {  	[tilespmem:$0x17C8] =	vst v0  }
0x13c: {  	[tilespmem:$0x17B8] =	vst v0  }
0x13d: {  	[tilespmem:$0x17A8] =	vst v0  }
0x13e: {  	[tilespmem:$0x1798] =	vst v0  }
0x13f: {  	[tilespmem:$0x1788] =	vst v0  }
0x140: {  	[tilespmem:$0x1778] =	vst v0  }
0x141: {  	[tilespmem:$0x1768] =	vst v0  }
0x142: {  	[tilespmem:$0x1758] =	vst v0  }
0x143: {  	[tilespmem:$0x1748] =	vst v0  }
0x144: {  	[tilespmem:$0x1738] =	vst v0  }
0x145: {  	[tilespmem:$0x1728] =	vst v0  }
0x146: {  	[tilespmem:$0x1718] =	vst v0  }
0x147: {  	[tilespmem:$0x1708] =	vst v0  }
0x148: {  	[tilespmem:$0x16F8] =	vst v0  }
0x149: {  	[tilespmem:$0x16E8] =	vst v0  }
0x14a: {  	[tilespmem:$0x16D8] =	vst v0  }
0x14b: {  	[tilespmem:$0x16C8] =	vst v0  }
0x14c: {  	[tilespmem:$0x16B8] =	vst v0  }
0x14d: {  	[tilespmem:$0x16A8] =	vst v0  }
0x14e: {  	[tilespmem:$0x1698] =	vst v0  }
0x14f: {  	[tilespmem:$0x1688] =	vst v0  }
0x150: {  	[tilespmem:$0x1678] =	vst v0  }
0x151: {  	[tilespmem:$0x1668] =	vst v0  }
0x152: {  	[tilespmem:$0x1658] =	vst v0  }
0x153: {  	[tilespmem:$0x1648] =	vst v0  }
0x154: {  	[tilespmem:$0x1638] =	vst v0  }
0x155: {  	[tilespmem:$0x1628] =	vst v0  }
0x156: {  	[tilespmem:$0x1618] =	vst v0  }
0x157: {  	[tilespmem:$0x1608] =	vst v0  }
0x158: {  	[tilespmem:$0x15F8] =	vst v0  }
0x159: {  	[tilespmem:$0x15E8] =	vst v0  }
0x15a: {  	[tilespmem:$0x15D8] =	vst v0  }
0x15b: {  	[tilespmem:$0x15C8] =	vst v0  }
0x15c: {  	[tilespmem:$0x15B8] =	vst v0  }
0x15d: {  	[tilespmem:$0x15A8] =	vst v0  }
0x15e: {  	[tilespmem:$0x1598] =	vst v0  }
0x15f: {  	[tilespmem:$0x1588] =	vst v0  }
0x160: {  	[tilespmem:$0x1578] =	vst v0  }
0x161: {  	[tilespmem:$0x1568] =	vst v0  }
0x162: {  	[tilespmem:$0x1558] =	vst v0  }
0x163: {  	[tilespmem:$0x1548] =	vst v0  }
0x164: {  	[tilespmem:$0x1538] =	vst v0  }
0x165: {  	[tilespmem:$0x1528] =	vst v0  }
0x166: {  	[tilespmem:$0x1518] =	vst v0  }
0x167: {  	[tilespmem:$0x1508] =	vst v0  }
0x168: {  	[tilespmem:$0x14F8] =	vst v0  }
0x169: {  	[tilespmem:$0x14E8] =	vst v0  }
0x16a: {  	[tilespmem:$0x14D8] =	vst v0  }
0x16b: {  	[tilespmem:$0x14C8] =	vst v0  }
0x16c: {  	[tilespmem:$0x14B8] =	vst v0  }
0x16d: {  	[tilespmem:$0x14A8] =	vst v0  }
0x16e: {  	[tilespmem:$0x1498] =	vst v0  }
0x16f: {  	[tilespmem:$0x1488] =	vst v0  }
0x170: {  	[tilespmem:$0x1478] =	vst v0  }
0x171: {  	[tilespmem:$0x1468] =	vst v0  }
0x172: {  	[tilespmem:$0x1458] =	vst v0  }
0x173: {  	[tilespmem:$0x1448] =	vst v0  }
0x174: {  	[tilespmem:$0x1438] =	vst v0  }
0x175: {  	[tilespmem:$0x1428] =	vst v0  }
0x176: {  	[tilespmem:$0x1418] =	vst v0  }
0x177: {  	[tilespmem:$0x1408] =	vst v0  }
0x178: {  	[tilespmem:$0x13F8] =	vst v0  }
0x179: {  	[tilespmem:$0x13E8] =	vst v0  }
0x17a: {  	[tilespmem:$0x13D8] =	vst v0  }
0x17b: {  	[tilespmem:$0x13C8] =	vst v0  }
0x17c: {  	[tilespmem:$0x13B8] =	vst v0  }
0x17d: {  	[tilespmem:$0x13A8] =	vst v0  }
0x17e: {  	[tilespmem:$0x1398] =	vst v0  }
0x17f: {  	[tilespmem:$0x1388] =	vst v0  }
0x180: {  	[tilespmem:$0x1378] =	vst v0  }
0x181: {  	[tilespmem:$0x1368] =	vst v0  }
0x182: {  	[tilespmem:$0x1358] =	vst v0  }
0x183: {  	[tilespmem:$0x1348] =	vst v0  }
0x184: {  	[tilespmem:$0x1338] =	vst v0  }
0x185: {  	[tilespmem:$0x1328] =	vst v0  }
0x186: {  	[tilespmem:$0x1318] =	vst v0  }
0x187: {  	[tilespmem:$0x1308] =	vst v0  }
0x188: {  	[tilespmem:$0x12F8] =	vst v0  }
0x189: {  	[tilespmem:$0x12E8] =	vst v0  }
0x18a: {  	[tilespmem:$0x12D8] =	vst v0  }
0x18b: {  	[tilespmem:$0x12C8] =	vst v0  }
0x18c: {  	[tilespmem:$0x12B8] =	vst v0  }
0x18d: {  	[tilespmem:$0x12A8] =	vst v0  }
0x18e: {  	[tilespmem:$0x1298] =	vst v0  }
0x18f: {  	[tilespmem:$0x1288] =	vst v0  }
0x190: {  	[tilespmem:$0x1278] =	vst v0  }
0x191: {  	[tilespmem:$0x1268] =	vst v0  }
0x192: {  	[tilespmem:$0x1258] =	vst v0  }
0x193: {  	[tilespmem:$0x1248] =	vst v0  }
0x194: {  	[tilespmem:$0x1238] =	vst v0  }
0x195: {  	[tilespmem:$0x1228] =	vst v0  }
0x196: {  	[tilespmem:$0x1218] =	vst v0  }
0x197: {  	[tilespmem:$0x1208] =	vst v0  }
0x198: {  	[tilespmem:$0x11F8] =	vst v0  }
0x199: {  	[tilespmem:$0x11E8] =	vst v0  }
0x19a: {  	[tilespmem:$0x11D8] =	vst v0  }
0x19b: {  	[tilespmem:$0x11C8] =	vst v0  }
0x19c: {  	[tilespmem:$0x11B8] =	vst v0  }
0x19d: {  	[tilespmem:$0x11A8] =	vst v0  }
0x19e: {  	[tilespmem:$0x1198] =	vst v0  }
0x19f: {  	[tilespmem:$0x1188] =	vst v0  }
0x1a0: {  	[tilespmem:$0x1178] =	vst v0  }
0x1a1: {  	[tilespmem:$0x1168] =	vst v0  }
0x1a2: {  	[tilespmem:$0x1158] =	vst v0  }
0x1a3: {  	[tilespmem:$0x1148] =	vst v0  }
0x1a4: {  	[tilespmem:$0x1138] =	vst v0  }
0x1a5: {  	[tilespmem:$0x1128] =	vst v0  }
0x1a6: {  	[tilespmem:$0x1118] =	vst v0  }
0x1a7: {  	s4 =	stileid.u32;
	[tilespmem:$0x1108] =	vst v0  }
0x1a8: {  	s0 =	smul.u32 $0x73, s4;
	[tilespmem:$0x10F8] =	vst v0  }
0x1a9: {  	s1 =	smin.u32 s4, $0xC;
	[tilespmem:$0x10C8] =	vst v0  }
0x1aa: {  	[tilespmem:$0x10D8] =	vst v0;
	s0 =	sadd.s32 s1, s0  }
0x1ab: {  	p0 =	slt.u32 s4, $0xC;
	[tilespmem:$0x10B8] =	vst v0;
	s1 =	simm.s32 $0xC3C0;
	s6 =	smul.u32 $0x1B0, s0  }
0x1ac: {  	s1 =	simm.s32 @!p0 $0xC210;
	[tilespmem:$0x1038] =	vst v0  }
0x1ad: {  	[tilespmem:$0x10A8] =	vst v0;
	s0 =	sadd.s32 s1, s6  }
0x1ae: {  	s3 =	simm.s32 $0x2;
	s8 =	simm.s32 $0x9;
	[tilespmem:$0x1098] =	vst v0;
	s7 =	smin.u32 s0, $0xC3500  }
0x1af: {  	s10 =	simm.s32 $0xA;
	s30 =	simm.s32 $0xB;
	[tilespmem:$0x1088] =	vst v0;
	s0 =	ssub.s32 s7, s6  }
0x1b0: {  	s16 =	simm.s32 $0x0;
	p4 =	por $0x0, $0x0;
	[tilespmem:$0x1078] =	vst v0;
	p0 =	sgt.s32 s0, $0x0  }
0x1b1: {  	s17 =	simm.s32 $0xC;
	s21 =	simm.s32 $0x0;
	[tilespmem:$0x1058] =	vst v0;
	s0 =	simm.s32 @!p0 $0x0  }
0x1b2: {  	s18 =	simm.s32 $0x0;
	s2 =	sand.u32 $0x1, s2;
	[tilespmem:$0x1048] =	vst v0;
	s29 =	smulhi.u32 $0x4BDA12F7, s0  }
0x1b3: {  	s20 =	simm.s32 $0x0;
	s31 =	sshll.u32 s4, $0x5;
	[tilespmem:$0x1018] =	vst v0;
	[dreg:$0x5] =	wrdreg s2  }
0x1b4: {  	s2 =	smul.u32 $0x186A0, s2;
	[tilespmem:$0x1008] =	vst v0;
	[sflag:s3] =	ssyncpa.u1 $0x0;
	s1 =	sshrl.u32 s29, $0x7  }
0x1b5: {  	v0 =	vimm.s32 $0xFFFFFFFF;
	s3 =	sadd.s32 $0x965400, s11;
	[dreg:$0x4] =	wrdreg s31;
	s5 =	smul.u32 $0x1B0, s1  }
.Ltmp0:
0x1b6: {  	[tilespmem:$0x3648] =	vst v0;
	[sflag:s8] =	ssyncpa.u1 $0x0;
	s2 =	sadd.s32 s2, s11;
	(pc) =	sbr.rel .LBB2_1-.Ltmp0, $4  }
0x1b7: {  	[sflag:s10] =	ssyncpa.u1 $0x0;
	s11 =	sadd.s32 $0x26F5E00, s11;
	p0 =	sne.s32 s0, s5  }
0x1b8: {  	[sflag:s30] =	ssyncpa.u1 $0x0;
	s14 =	sadd.s32 $0x934600, s2;
	s12 =	simm.s32 @!p0 $0x0  }
0x1b9: {  	s15 =	sadd.s32 $0x6600, s2;
	s19 =	smov.u32 s6;
	s12 =	sadd.s32 s12, s1  }
0x1ba: {  	v0 =	vlaneseq.u32;
	[dreg:$0x6] =	wrdreg s6;
	p0 =	por $0x1, $0x1;
	s4 =	sadd.s32 $0x1, s12  }
.LBB2_18:
0x1bb: {  	s0 =	simm.s32 $0x2  }
0x1bc: {  	_ =	swait.ge [sflag:s0], $0x0  }
0x1bd: {  	[sflag:s0] =	ssyncset.done $0x0;
	s0 =	simm.s32 $0x0  }
.LBB2_19:
0x1be: {  	_ =	swait.ge [sflag:s17], s0  }
0x1bf: {  	s31 =	ssub.s32 $0x0, s0;
	v1 =	vmov s23;
	vm0 =	veq.s32 v0, $0x0;
	[sflag:s17] =	ssyncset.done $0x0  }
0x1c0: {  	vm15 =	veq.s32 v0, $0x2;
	v1 =	vsel vm0, s28, v1;
	[sflag:s17] =	ssyncadd.s32 s31  }
0x1c1: {  	v1 =	vsel vm15, s21, v1;
	[sflag:s17] =	ssyncpa.u1 $0x1  }
0x1c2: {  	[tilespmem:$0x3648] =	vst v1  }
.LBB2_20:
0x1c3: {  	s0 =	sadd.s32 $0x1B0, s19  }
0x1c4: {  	s1 =	smov.u32 s6;
	p1 =	slt.s32 s0, s7  }
0x1c5: {  	s1 =	smov.u32 @p1 s0;
	p1 =	sne.s32 s20, s4  }
.Ltmp1:
0x1c6: {  	_ = 	snop;
	(pc) =	sbr.rel @!p1 .LBB2_21-.Ltmp1, $4  }
0x1c7: {  	_ = 	snop  }
0x1c8: {  	s21 =	smov.u32 s18  }
0x1c9: {  	s31 =	sadd.s32 $0x1, s20;
	s18 =	smov.u32 s19;
	p0 =	por !p0, !p0  }
0x1ca: {  	p4 =	por !p4, !p4;
	s20 =	smov.u32 s31;
	s19 =	smov.u32 s1  }
.LBB2_1:
0x1cb: {  	p2 =	sge.u32 s20, s12  }
0x1cc: {  	s0 =	smulhi.u32 @!p2 $0xAAAAAAAB, s20  }
0x1cd: {  	s1 =	smov.u32 s19;
	p3 =	sgt.s32 @!p2 s19, $0xC3350  }
0x1ce: {  	s2 =	sshra.s32 @!p2 s19, $0x1F;
	p3 =	por !p3, p2;
	s0 =	sshrl.u32 @!p2 s0, $0x1  }
0x1cf: {  	s2 =	sand.u32 @!p2 s2, s19;
	s1 =	simm.s32 @p3 $0xC3350;
	s0 =	smul.u32 @!p2 $0x3, s0  }
0x1d0: {  	s1 =	ssub.s32 @!p2 s1, s2  }
0x1d1: {  	s23 =	sadd.s32 $0xFFFFFFFF, s20;
	s1 =	sadd.s32 @!p2 $0xFFF3CCB0, s1;
	s0 =	ssub.s32 @!p2 s20, s0  }
0x1d2: {  	s2 =	sshll.u32 @!p2 s1, $0x2;
	p3 =	sgt.s32 @!p2 s1, $0x1AF;
	s0 =	smul.u32 @!p2 $0x6C0, s0  }
0x1d3: {  	s5 =	sand.u32 @!p2 $0x7, s19;
	s1 =	ssub.s32 @!p2 $0x6C0, s2;
	p3 =	por !p3, p2  }
0x1d4: {  	s2 =	sshrl.u32 @!p2 s19, $0x3;
	s1 =	sshrl.u32 @!p2 s1, $0x2;
	s0 =	sshrl.u32 @!p2 s0, $0x2  }
0x1d5: {  	s2 =	sadd.s32 @!p2 s2, s14;
	s1 =	simm.s32 @!p3 $0x0;
	s0 =	sadd.s32 @!p2 $0x3888, s0  }
0x1d6: {  	[tilespmem:s0], [sflag:$0xA] =	stream.linear.gather @!p2 [hbm4b:s2+s5], s1, $0x38;
	[tilespmem:$0x1F0F8] =	vst v63  }
0x1d7: {  	p2 =	sge.u32 s23, s12  }
0x1d8: {  	p3 =	sgt.s32 @!p2 s18, $0xC3350  }
0x1d9: {  	s0 =	smov.u32 s18;
	s1 =	sshra.s32 @!p2 s18, $0x1F;
	p3 =	por !p3, p2  }
0x1da: {  	s1 =	sand.u32 @!p2 s1, s18;
	s0 =	simm.s32 @p3 $0xC3350  }
0x1db: {  	s0 =	ssub.s32 @!p2 s0, s1  }
0x1dc: {  	s0 =	sadd.s32 @!p2 $0xFFF3CCB0, s0  }
0x1dd: {  	s1 =	sshll.u32 @!p2 s0, $0x2  }
0x1de: {  	p3 =	sgt.s32 @!p2 s0, $0x1AF;
	s0 =	ssub.s32 @!p2 $0x6C0, s1  }
0x1df: {  	s22 =	ssub.s32 @!p2 $0xC3500, s18;
	p3 =	por !p3, p2;
	s0 =	sshrl.u32 @!p2 s0, $0x2  }
0x1e0: {  	s1 =	sand.u32 @!p2 $0x1, s23;
	s0 =	simm.s32 @!p3 $0x0;
	p3 =	slt.s32 @!p2 s22, $0x1  }
0x1e1: {  	s2 =	simm.s32 @!p2 $0xA;
	s1 =	smul.u32 @!p2 $0x6C0, s1;
	p3 =	por p2, p3  }
.Ltmp2:
0x1e2: {  	_ =	swait.ge @!p2 [sflag:s2], s0;
	(pc) =	sbr.rel @p3 .LBB2_7-.Ltmp2, $4  }
0x1e3: {  	s5 =	ssub.s32 @!p2 $0x0, s0;
	[sflag:s2] =	ssyncset.done @!p2 $0x0  }
0x1e4: {  	s1 =	sshrl.u32 @!p2 s1, $0x2;
	[sflag:s2] =	ssyncadd.s32 @!p2 s5;
	s2 =	sshrl.u32 @!p2 s18, $0x3  }
0x1e5: {  	s1 =	sadd.s32 @!p2 $0x3D98, s1;
	s5 =	sand.u32 @!p2 $0x7, s18;
	s2 =	sadd.s32 @!p2 s2, s15  }
0x1e6: {  	[tilespmem:s1], [sflag:$0xB] =	stream.linear.gather @!p2 [hbm4b:s2+s5], s0, $0x38;
	[tilespmem:$0x1F0F8] =	vst v63  }
0x1e7: {  	s0 =	smulhi.u32 $0xAAAAAAAB, s23;
	_ =	sdelay $0x1  }
0x1e8: {  	s0 =	sshrl.u32 s0, $0x1  }
0x1e9: {  	s0 =	smul.u32 $0x3, s0;
	_ =	sdelay $0x1  }
0x1ea: {  	s0 =	ssub.s32 s23, s0  }
0x1eb: {  	s1 =	simm.s32 $0x1;
	s0 =	smul.u32 $0x6C0, s0  }
.Ltmp3:
0x1ec: {  	s1 =	simm.s32 @!p0 $0x0;
	(pc) =	sbr.rel .LBB2_4-.Ltmp3, $4  }
0x1ed: {  	s1 =	smul.u32 $0x36000, s1  }
0x1ee: {  	p3 =	slt.s32 @!p2 s22, $0x1B0;
	s0 =	sshrl.u32 s0, $0x2  }
0x1ef: {  	p2 =	por !p3, p2;
	s1 =	sshrl.u32 s1, $0x2;
	s0 =	sadd.s32 $0x3888, s0  }
0x1f0: {  	s24 =	simm.s32 $0x0;
	s22 =	simm.s32 @p2 $0x1B0;
	s23 =	sadd.s32 $0x40F8, s1;
	v1 =	vmov s0  }
.LBB2_3:
0x1f1: {  	p2 =	sge.s32 s24, s22  }
.Ltmp4:
0x1f2: {  	_ = 	snop;
	(pc) =	sbr.rel @p2 .LBB2_7-.Ltmp4, $2  }
0x1f3: {  	_ =	sdelay $0x2  }
0x1f4: {  	s23 =	sadd.s32 $0x800, s23  }
.LBB2_4:
0x1f5: {  	p2 =	sle.s32 s22, s24  }
.Ltmp5:
0x1f6: {  	_ = 	snop;
	(pc) =	sbr.rel @p2 .LBB2_3-.Ltmp5, $2  }
0x1f7: {  	_ =	sdelay $0x2  }
0x1f8: {  	s0 =	smov.u32 s24;
	s24 =	sadd.s32 $0x10, s24  }
0x1f9: {  	s1 =	ssub.s32 s22, s0  }
0x1fa: {  	p2 =	slt.s32 s1, $0x10  }
0x1fb: {  	s1 =	simm.s32 @!p2 $0x10  }
0x1fc: {  	v2 =	vmov s1  }
0x1fd: {  	vm0 =	vgt.s32 v2, v0;
	_ =	sdelay $0x5  }
0x1fe: {  	v2 =	vld.idx.msk [tilespmem:v1+s0+$0x0 ss:$0x1], vm0;
	_ =	sdelay $0x2  }
0x1ff: {  	p2 =	slt.s32 s24, s22;
	s1 =	smov.u32 s22  }
0x200: {  	s2 =	smov.u32 s23;
	s25 =	simm.s32 $0x0;
	s1 =	smov.u32 @p2 s24  }
.LBB2_6:
0x201: {  	(v2sf) =	vpush v2, s25;
	_ =	sdelay $0xc  }
0x202: {  	s25 =	sadd.s32 $0x1, s25  }
0x203: {  	s31 =	sadd.s32 s25, s0  }
0x204: {  	p2 =	slt.s32 s31, s1;
	s5 =	spop (v2sf)  }
.Ltmp6:
0x205: {  	s5 =	sshll.u32 s5, $0x4;
	(pc) =	sbr.rel @p2 .LBB2_6-.Ltmp6, $4  }
0x206: {  	s5 =	sand.u32 $0x1FFFFFF0, s5  }
0x207: {  	s5 =	sadd.s32 s11, s5  }
0x208: {  	[tilespmem:s2], [sflag:$0x9] =	stream.linear.gather [hbm4b:s5+s16], $0x4, $0x38;
	[tilespmem:$0x1F0F8] =	vst v63  }
0x209: {  	s2 =	sadd.s32 $0x80, s2  }
.Ltmp7:
0x20a: {  	_ = 	snop;
	(pc) =	sbr.rel .LBB2_3-.Ltmp7, $1  }
0x20b: {  	_ =	sdelay $0x3  }
.LBB2_7:
0x20c: {  	p2 =	slt.u32 s20, $0x2  }
.Ltmp8:
0x20d: {  	_ = 	snop;
	(pc) =	sbr.rel @p2 .LBB2_20-.Ltmp8, $1  }
0x20e: {  	_ =	sdelay $0x3  }
0x20f: {  	p2 =	sgt.s32 s21, $0xC3350  }
0x210: {  	s0 =	smov.u32 s21;
	s1 =	sshra.s32 s21, $0x1F;
	s2 =	ssub.s32 $0xC3500, s21  }
0x211: {  	s0 =	simm.s32 @!p2 $0xC3350;
	s1 =	sand.u32 s1, s21;
	p2 =	slt.s32 s2, $0x1B0  }
0x212: {  	s0 =	ssub.s32 s0, s1;
	s2 =	simm.s32 @!p2 $0x1B0  }
0x213: {  	s0 =	sadd.s32 $0xFFF3CCB0, s0;
	s24 =	sshll.u32 s2, $0x2  }
0x214: {  	s28 =	simm.s32 $0x9;
	s25 =	sshll.u32 s0, $0x2;
	s1 =	sand.u32 $0x3FFFFFFC, s24  }
0x215: {  	p2 =	sgt.s32 s0, $0x1AF;
	s26 =	ssub.s32 $0x6C0, s25;
	_ =	swait.ge [sflag:s28], s1  }
0x216: {  	s1 =	ssub.s32 $0x0, s1;
	[sflag:s28] =	ssyncset.done $0x0;
	s0 =	sshrl.u32 s26, $0x2  }
0x217: {  	s30 =	simm.s32 $0xB;
	[sflag:s28] =	ssyncadd.s32 s1;
	s0 =	simm.s32 @p2 $0x0  }
0x218: {  	_ =	swait.ge [sflag:s30], s0  }
0x219: {  	s0 =	ssub.s32 $0x0, s0;
	[sflag:s30] =	ssyncset.done $0x0  }
0x21a: {  	[sflag:s30] =	ssyncadd.s32 s0  }
0x21b: {  	v1 =	vld [tilespmem:$0x3648];
	_ =	sdelay $0x4  }
0x21c: {  	(v2sf) =	vpush v1, $0x0  }
0x21d: {  	(v2sf) =	vpush v1, $0x1  }
0x21e: {  	(v2sf) =	vpush v1, $0x2;
	_ =	sdelay $0x3  }
0x21f: {  	s0 =	sadd.s32 $0x1B0, s21  }
0x220: {  	s1 =	ssub.s32 $0x186A00, s21;
	p2 =	slt.s32 s7, s0  }
0x221: {  	s0 =	smov.u32 @p2 s7;
	p2 =	sgt.s32 s1, $0x0  }
0x222: {  	s25 =	ssub.s32 s0, s21;
	s1 =	simm.s32 @!p2 $0x0  }
0x223: {  	p2 =	slt.s32 s1, s25  }
0x224: {  	s25 =	smov.u32 @p2 s1  }
0x225: {  	s24 =	simm.s32 $0x1;
	p2 =	slt.s32 s25, $0x1  }
.Ltmp9:
0x226: {  	s24 =	simm.s32 @!p4 $0x0;
	(pc) =	sbr.rel @p2 .LBB2_12-.Ltmp9, $4  }
0x227: {  	s31 =	smul.u32 $0x6C0, s24  }
0x228: {  	s26 =	spop (v2sf)  }
0x229: {  	s0 =	sshrl.u32 s31, $0x2;
	s29 =	spop (v2sf)  }
0x22a: {  	s22 =	sadd.s32 $0x3D98, s0;
	s21 =	spop (v2sf)  }
0x22b: {  	s0 =	smin.u32 s25, $0x10  }
0x22c: {  	v1 =	vmov s0  }
0x22d: {  	p3 =	sgt.s32 s25, $0x10;
	vm1 =	vgt.u32 v1, v0  }
.Ltmp10:
0x22e: {  	_ = 	snop;
	(pc) =	sbr.rel @!p3 .LBB2_11-.Ltmp10, $2  }
0x22f: {  	_ =	sdelay $0x2  }
0x230: {  	s23 =	simm.s32 $0x10;
	s28 =	sadd.s32 $0xFFFFFFF0, s25;
	s0 =	smov.u32 s22;
	vm0 =	vmmov vm1  }
.LBB2_10:
0x231: {  	s1 =	smin.u32 s28, $0x10;
	s23 =	sadd.s32 $0x10, s23;
	v1 =	vld.msk [tilespmem:s0+$0x0 ss:$0x1], vm1  }
0x232: {  	v2 =	vmov s1;
	p3 =	slt.s32 s23, s25  }
0x233: {  	vm1 =	vgt.u32 v2, v0  }
.Ltmp11:
0x234: {  	(pc) =	sbr.rel @p3 .LBB2_10-.Ltmp11, $3  }
0x235: {  	_ =	sdelay $0x1  }
0x236: {  	v1 =	vshll.u32 v1, $0x4  }
0x237: {  	s28 =	sadd.s32 $0xFFFFFFF0, s28;
	[tilespmem:s0+$0x0] =	vst.msk vm0, v1;
	s0 =	sadd.s32 $0x10, s0;
	vm0 =	vmmov vm1  }
.LBB2_11:
0x238: {  	_ =	sdelay $0x4  }
0x239: {  	v1 =	vld.msk [tilespmem:s0+$0x0 ss:$0x1], vm1;
	_ =	sdelay $0x4  }
0x23a: {  	v1 =	vshll.u32 v1, $0x4  }
0x23b: {  	[tilespmem:s0+$0x0] =	vst.msk vm0, v1  }
.LBB2_12:
0x23c: {  	s0 =	sand.u32 $0x1, s20  }
0x23d: {  	s0 =	smul.u32 $0x1B0, s0  }
0x23e: {  	p3 =	sne.s32 s29, $0xFFFFFFFF  }
0x23f: {  	v1 =	vld.msk @!p3 [tilespmem:s0+$0x3D98], $0x1;
	_ =	sdelay $0x4  }
0x240: {  	(v2sf) =	vpush @!p3 v1, $0x0;
	_ =	sdelay $0xc  }
.Ltmp12:
0x241: {  	_ = 	snop;
	(pc) =	sbr.rel @p2 .LBB2_18-.Ltmp12, $4  }
0x242: {  	_ = 	snop  }
0x243: {  	s28 =	spop @!p3 (v2sf)  }
0x244: {  	s21 =	simm.s32 @!p3 $0x0;
	s23 =	smov.u32 s28  }
0x245: {  	[sflag:s17] =	ssyncpa.u1 $0x0;
	s28 =	smov.u32 @p3 s26;
	s23 =	smov.u32 @p3 s29  }
0x246: {  	v1 =	vld.msk [tilespmem:s22+$0x0], $0x1;
	_ =	sdelay $0x4  }
0x247: {  	(v2sf) =	vpush v1, $0x0;
	_ =	sdelay $0xe  }
0x248: {  	s0 =	simm.s32 @!p4 $0x0;
	s26 =	smul.u32 $0x36000, s24;
	s31 =	spop (v2sf)  }
0x249: {  	s29 =	ssub.s32 $0x0, s25;
	s0 =	simm.s32 @p4 $0x1;
	p2 =	seq.s32 s28, s31  }
0x24a: {  	s1 =	smov.u32 s28;
	[smem:$0x7FD] =	sst s0;
	p3 =	sgt.s32 @!p2 s28, $0x0  }
0x24b: {  	s0 =	sshrl.u32 s26, $0x2;
	s26 =	sadd.s32 $0x1, s29;
	p3 =	por !p3, p2  }
0x24c: {  	s1 =	simm.s32 @p3 $0x0;
	p3 =	seq.s32 s26, $0x0  }
.Ltmp13:
0x24d: {  	_ = 	snop;
	(pc) =	sbr.rel @p3 .LBB2_15-.Ltmp13, $4  }
0x24e: {  	s6 =	smov.u32 s4;
	s25 =	simm.s32 $0x0  }
0x24f: {  	s24 =	sadd.s32 $0x40F8, s0;
	s0 =	simm.s32 @!p2 $0x1;
	s2 =	smin.u32 @!p2 s1, $0xC34FF  }
0x250: {  	s30 =	sadd.s32 $0x1, s22;
	s0 =	smov.u32 @p2 s25;
	s5 =	sand.u32 @!p2 $0xFFFF8, s2  }
0x251: {  	s1 =	simm.s32 @!p2 $0x1B38;
	s2 =	sand.u32 @!p2 $0x7, s2;
	s5 =	sadd.s32 @!p2 s3, s5  }
.LBB2_14:
0x252: {  	s4 =	smov.u32 s0  }
0x253: {  	[tilespmem:s1], [sflag:$0x2] =	stream.linear.gather @!p2 [hbm4b:s5+s2], $0x4, $0x38;
	[tilespmem:$0x1F0F8] =	vst v63  }
0x254: {  	s26 =	sadd.s32 $0x1, s26;
	s2 =	smov.u32 s31;
	v1 =	vld.msk [tilespmem:s30+$0x0], $0x1  }
0x255: {  	p3 =	seq.s32 s26, $0x0;
	_ =	sdelay $0x3  }
0x256: {  	(v2sf) =	vpush v1, $0x0;
	_ =	sdelay $0xe  }
0x257: {  	s31 =	spop (v2sf)  }
0x258: {  	p2 =	seq.s32 s2, s31  }
0x259: {  	p4 =	sgt.s32 @!p2 s2, $0x0;
	s1 =	sshll.u32 @!p2 s0, $0x6;
	s0 =	sadd.s32 @!p2 $0x1, s0  }
.Ltmp14:
0x25a: {  	p4 =	por !p4, p2;
	s1 =	sshra.s32 @!p2 s1, $0x2;
	(pc) =	sbr.rel @!p3 .LBB2_14-.Ltmp14, $4  }
0x25b: {  	s0 =	smov.u32 @p2 s4;
	s2 =	simm.s32 @p4 $0x0;
	s1 =	sadd.s32 @!p2 $0x1B38, s1  }
0x25c: {  	s2 =	smin.u32 @!p2 s2, $0xC34FF  }
0x25d: {  	s4 =	sand.u32 @!p2 $0xFFFF8, s2;
	s2 =	sand.u32 @!p2 $0x7, s2  }
0x25e: {  	s30 =	sadd.s32 $0x1, s30;
	s5 =	sadd.s32 @!p2 s3, s4  }
.LBB2_15:
0x25f: {  	[tilespmem:s1], [sflag:$0x2] =	stream.linear.gather @!p2 [hbm4b:s5+s2], $0x4, $0x38;
	[tilespmem:$0x1F0F8] =	vst v63  }
0x260: {  	s0 =	sshll.u32 s0, $0x2  }
0x261: {  	s31 =	simm.s32 $0x2;
	s0 =	sand.u32 $0x3FFFFFFC, s0  }
0x262: {  	_ =	swait.ge [sflag:s31], s0  }
0x263: {  	s0 =	ssub.s32 $0x0, s0;
	[sflag:s31] =	ssyncset.done $0x0  }
0x264: {  	[sflag:s31] =	ssyncadd.s32 s0  }
0x265: {  	v1 =	vld.msk [tilespmem:s22+$0x0], $0x1;
	_ =	sdelay $0x4  }
0x266: {  	(v2sf) =	vpush v1, $0x0;
	_ =	sdelay $0xe  }
0x267: {  	s26 =	spop (v2sf)  }
0x268: {  	p2 =	sne.s32 s28, s26  }
0x269: {  	p4 =	sne.s32 @p2 s28, s23  }
0x26a: {  	p3 =	por !p4, !p2  }
0x26b: {  	s0 =	simm.s32 @!p3 $0x0  }
0x26c: {  	v1 =	vld.msk @!p3 [tilespmem:s0+$0x1B38], $0xf  }
0x26d: {  	p5 =	sgt.u32 @!p3 s28, $0xC34FF  }
0x26e: {  	s1 =	sshll.u32 @!p3 s21, $0x6;
	p6 =	por @p2 p5, !p4  }
0x26f: {  	s1 =	sshra.s32 @!p3 s1, $0x2;
	p1 =	por p6, !p2;
	p6 =	por p4, !p2  }
0x270: {  	s2 =	sadd.s32 @!p3 $0x28, s1;
	s4 =	sand.u32 @!p1 $0xFFFF8, s28;
	s5 =	sshll.u32 @!p6 s21, $0x6  }
0x271: {  	s28 =	sand.u32 @!p1 $0x7, s28;
	[tilespmem:s1+$0x28] =	vst.add.f32.msk @!p3 $0xf, v1;
	s1 =	sadd.s32 @!p1 s3, s4;
	s4 =	sshra.s32 @!p6 s5, $0x2  }
0x272: {  	[hbm4b:s1+s28] =	stream.linear.scatter @!p1 [tilespmem:s2], [sflag:$0xC], $0x4, $0x38;
	[tilespmem:$0x1F0F8] =	vst v63  }
0x273: {  	s0 =	rddreg [dreg:$0x4];
	s1 =	sadd.s32 @!p6 $0x28, s4;
	s2 =	simm.s32 @!p6 $0x1  }
0x274: {  	[spmem:s0] =	stream.linear.scatter @!p6 [tilespmem:s1], [sflag:$0x1], $0x4, $0x38;
	[tilespmem:$0x1F0F8] =	vst v63  }
0x275: {  	s0 =	sadd.s32 @p2 $0x1, s21;
	_ =	swait.ge @!p6 [sflag:s2], $0x4  }
0x276: {  	s1 =	sshrl.u32 @p2 s0, $0x4;
	[sflag:s2] =	ssyncset.done @!p6 $0x0  }
0x277: {  	s1 =	smulhi.u32 @p2 $0x97B425F, s1;
	[sflag:s2] =	ssyncadd.s32 @!p6 $0xFFFFFFFC  }
0x278: {  	s28 =	sadd.s32 $0x1, s29;
	v1 =	vld.msk @p2 [tilespmem:s24+$0x0], $0xf  }
0x279: {  	p1 =	por @p2 !p5, !p4;
	p4 =	seq.s32 s28, $0x0;
	s1 =	smul.u32 @p2 $0x1B0, s1  }
.Ltmp15:
0x27a: {  	p1 =	por !p1, !p2;
	s2 =	simm.s32 @!p3 $0x0;
	(pc) =	sbr.rel @p4 .LBB2_17-.Ltmp15, $4  }
0x27b: {  	s4 =	sshll.u32 @!p2 s21, $0x6;
	s2 =	simm.s32 @!p1 $0x10;
	s0 =	ssub.s32 @p2 s0, s1  }
0x27c: {  	s29 =	simm.s32 $0x0;
	s2 =	sadd.s32 @!p3 $0x0, s2;
	s5 =	sshll.u32 @p2 s0, $0x4  }
0x27d: {  	s30 =	sshra.s32 @!p2 s4, $0x2;
	s1 =	simm.s32 @p2 $0x1;
	s2 =	smov.u32 @p3 s25;
	[tilespmem:s5+$0x28] =	vst.msk @p2 $0xf, v1  }
0x27e: {  	s21 =	smov.u32 @p2 s0;
	s29 =	smov.u32 @p2 s2;
	s25 =	smov.u32 @p2 s1;
	v1 =	vld.msk @!p2 [tilespmem:s24+$0x0], $0xf  }
.LBB2_16:
0x27f: {  	_ =	sdelay $0x3  }
0x280: {  	s22 =	sadd.s32 $0x1, s22;
	[tilespmem:s30+$0x28] =	vst.add.f32.msk @!p2 $0xf, v1  }
0x281: {  	v1 =	vld.msk [tilespmem:s22+$0x0], $0x1;
	_ =	sdelay $0x4  }
0x282: {  	(v2sf) =	vpush v1, $0x0;
	_ =	sdelay $0xe  }
0x283: {  	s0 =	smov.u32 s26;
	s26 =	spop (v2sf)  }
0x284: {  	p2 =	sne.s32 s0, s26  }
0x285: {  	p5 =	sne.s32 @p2 s0, s23  }
0x286: {  	s4 =	sshll.u32 @!p2 s21, $0x6;
	p4 =	por !p5, !p2  }
0x287: {  	s30 =	sshra.s32 @!p2 s4, $0x2;
	s4 =	sshll.u32 @!p4 s25, $0x6  }
0x288: {  	s4 =	sshra.s32 @!p4 s4, $0x2  }
0x289: {  	p1 =	sgt.u32 @!p4 s0, $0xC34FF;
	v1 =	vld.msk @!p4 [tilespmem:s4+$0x1B38], $0xf  }
0x28a: {  	s31 =	sshll.u32 @!p4 s21, $0x6;
	p6 =	por @p2 p1, !p5;
	p1 =	por @p2 !p1, !p5  }
0x28b: {  	s8 =	simm.s32 @!p4 $0x0;
	s31 =	sshra.s32 @!p4 s31, $0x2;
	p1 =	por !p1, !p2  }
0x28c: {  	p5 =	por p5, !p2;
	s8 =	simm.s32 @!p1 $0x10;
	p1 =	por p6, !p2  }
0x28d: {  	s4 =	sadd.s32 @!p4 $0x28, s31;
	s13 =	sshll.u32 @!p5 s21, $0x6;
	s10 =	sand.u32 @!p1 $0xFFFF8, s0  }
0x28e: {  	s13 =	sshra.s32 @!p5 s13, $0x2;
	s0 =	sand.u32 @!p1 $0x7, s0;
	s10 =	sadd.s32 @!p1 s3, s10;
	[tilespmem:s31+$0x28] =	vst.add.f32.msk @!p4 $0xf, v1  }
0x28f: {  	[hbm4b:s10+s0] =	stream.linear.scatter @!p1 [tilespmem:s4], [sflag:$0xC], $0x4, $0x38;
	[tilespmem:$0x1F0F8] =	vst v63  }
0x290: {  	s1 =	rddreg [dreg:$0x4];
	s0 =	sadd.s32 @!p5 $0x28, s13;
	s4 =	simm.s32 @!p5 $0x1  }
0x291: {  	[spmem:s1] =	stream.linear.scatter @!p5 [tilespmem:s0], [sflag:$0x1], $0x4, $0x38;
	[tilespmem:$0x1F0F8] =	vst v63  }
0x292: {  	s2 =	sadd.s32 @p2 $0x1, s21;
	_ =	swait.ge @!p5 [sflag:s4], $0x4  }
0x293: {  	s5 =	sshrl.u32 @p2 s2, $0x4;
	[sflag:s4] =	ssyncset.done @!p5 $0x0  }
0x294: {  	s24 =	sadd.s32 $0x80, s24;
	s5 =	smulhi.u32 @p2 $0x97B425F, s5;
	[sflag:s4] =	ssyncadd.s32 @!p5 $0xFFFFFFFC  }
0x295: {  	s28 =	sadd.s32 $0x1, s28;
	v1 =	vld.msk @p2 [tilespmem:s24+$0x0], $0xf  }
0x296: {  	p3 =	seq.s32 s28, $0x0;
	s5 =	smul.u32 @p2 $0x1B0, s5  }
.Ltmp16:
0x297: {  	_ = 	snop;
	(pc) =	sbr.rel @!p3 .LBB2_16-.Ltmp16, $4  }
0x298: {  	s2 =	ssub.s32 @p2 s2, s5  }
0x299: {  	s8 =	sadd.s32 @!p4 s8, s29;
	s5 =	sshll.u32 @p2 s2, $0x4  }
0x29a: {  	s9 =	sadd.s32 @p2 $0x1, s25;
	s8 =	smov.u32 @p4 s29;
	[tilespmem:s5+$0x28] =	vst.msk @p2 $0xf, v1  }
0x29b: {  	s25 =	smov.u32 @p2 s9;
	s21 =	smov.u32 @p2 s2;
	s29 =	smov.u32 @p2 s8;
	v1 =	vld.msk @!p2 [tilespmem:s24+$0x0], $0xf  }
.LBB2_17:
.Ltmp17:
0x29c: {  	_ = 	snop;
	(pc) =	sbr.rel .LBB2_19-.Ltmp17, $3  }
0x29d: {  	s1 =	sld [smem:$0x7FD];
	_ =	sdelay $0x1  }
0x29e: {  	s0 =	sshrl.u32 s29, $0x2;
	s28 =	smov.u32 s26  }
0x29f: {  	s4 =	smov.u32 s6;
	s6 =	rddreg [dreg:$0x6];
	p4 =	seq.s32 s1, $0x1;
	[tilespmem:s30+$0x28] =	vst.add.f32.msk @!p2 $0xf, v1  }
.LBB2_21:
0x2a0: {  	_ =	sfence.sel $0x180000  }
0x2a1: {  	s0 =	simm.s32 $0x9;
	[bflag:$0x0] =	sbarrier.arrive $0xFFFF  }
0x2a2: {  	s24 =	simm.s32 $0xA;
	[sflag:s0] =	ssyncpa.u1 $0x1  }
0x2a3: {  	s25 =	simm.s32 $0xB;
	[sflag:s24] =	ssyncpa.u1 $0x1  }
0x2a4: {  	s26 =	simm.s32 $0x2;
	[sflag:s25] =	ssyncpa.u1 $0x1  }
0x2a5: {  	[sflag:s26] =	ssyncpa.u1 $0x1  }
0x2a6: {  	v0 =	vld [tilespmem:$0x3648];
	_ =	sdelay $0x4  }
0x2a7: {  	(v2sf) =	vpush v0, $0x0  }
0x2a8: {  	(v2sf) =	vpush v0, $0x1;
	_ =	sdelay $0x1  }
0x2a9: {  	(v2sf) =	vpush v0, $0x2;
	_ =	sdelay $0xb  }
0x2aa: {  	s0 =	spop (v2sf)  }
0x2ab: {  	s1 =	spop (v2sf)  }
0x2ac: {  	s2 =	smov.u32 s0;
	p0 =	sne.s32 s0, s1  }
0x2ad: {  	s4 =	spop (v2sf);
	s2 =	simm.s32 @!p0 $0xFFFFFFFF  }
0x2ae: {  	v2 =	vimm.s32 $0x1;
	v3 =	vlaneseq.u32;
	p0 =	seq.s32 s4, $0xFFFFFFFF;
	v1 =	vmov s2  }
0x2af: {  	s16 =	stileid.u32;
	v0 =	vperm.xlane v0, v2;
	p1 =	sne.s32 @!p0 s0, s1;
	v1 =	vperm.xlane v1, v3  }
0x2b0: {  	vm0 =	vcmask $0x3F04;
	s6 =	simm.s32 $0x3648;
	s0 =	simm.s32 @!p0 $0x1;
	p1 =	por !p1, p0  }
0x2b1: {  	s2 =	sshll.u32 s16, $0x1;
	s1 =	sshll.u32 @!p0 s4, $0x6;
	s0 =	simm.s32 @p1 $0x0;
	v0 =	vsel vm0, v1, v0  }
0x2b2: {  	s5 =	sor.u32 $0x200, s2;
	s1 =	sshra.s32 @!p0 s1, $0x2;
	s0 =	sor.u32 @!p0 s0, s2;
	[tilespmem:$0x3648] =	vst v0  }
0x2b3: {  	[spmem:s5] =	stream.linear.scatter [tilespmem:s6], [sflag:$0x1], $0x2, $0x38;
	[tilespmem:$0x1F0F8] =	vst v63  }
0x2b4: {  	s1 =	sadd.s32 @!p0 $0x28, s1;
	s0 =	sshll.u32 @!p0 s0, $0x4  }
0x2b5: {  	[spmem:s0] =	stream.linear.scatter @!p0 [tilespmem:s1], [sflag:$0x1], $0x10, $0x38;
	[tilespmem:$0x1F0F8] =	vst v63  }
0x2b6: {  	s0 =	simm.s32 @!p0 $0x12  }
0x2b7: {  	s28 =	simm.s32 $0x1;
	s0 =	simm.s32 @p0 $0x2  }
0x2b8: {  	_ =	swait.ge [sflag:s28], s0  }
0x2b9: {  	s0 =	ssub.s32 $0x0, s0;
	[sflag:s28] =	ssyncset.done $0x0  }
0x2ba: {  	p0 =	sne.s32 s16, $0x0;
	[sflag:s28] =	ssyncadd.s32 s0  }
.Ltmp18:
0x2bb: {  	_ =	sfence.stream.spmem;
	(pc) =	sbr.rel @p0 .LBB2_38-.Ltmp18, $4  }
0x2bc: {  	s29 =	simm.s32 $0x3;
	[bflag:$0x0] =	sbarrier.arrive $0xFFFF  }
0x2bd: {  	s30 =	simm.s32 $0x4;
	[sflag:s29] =	ssyncpa.u1 $0x1  }
0x2be: {  	s31 =	simm.s32 $0x3C;
	[sflag:s30] =	ssyncpa.u1 $0x1  }
0x2bf: {  	s17 =	rddreg [dreg:$0x5];
	[sflag:s31] =	ssyncpa.u1 $0x1  }
0x2c0: {  	_ =	sfence.stream.spmem;
	s0 =	simm.s32 $0x5  }
0x2c1: {  	s1 =	simm.s32 $0x200;
	s2 =	simm.s32 $0x3658;
	[sflag:s0] =	ssyncpa.u1 $0x0  }
0x2c2: {  	[tilespmem:s2], [sflag:$0x5] =	stream.linear.gather [spmem:s1], $0x20, $0x38;
	[tilespmem:$0x1F0F8] =	vst v63  }
0x2c3: {  	s26 =	simm.s32 $0x0;
	s28 =	simm.s32 $0x3678  }
0x2c4: {  	[tilespmem:s28], [sflag:$0x5] =	stream.linear.gather [spmem:s26], $0x200, $0x38;
	[tilespmem:$0x1F0F8] =	vst v63  }
0x2c5: {  	_ =	swait.ge [sflag:s0], $0x220  }
0x2c6: {  	[sflag:s0] =	ssyncset.done $0x0  }
0x2c7: {  	s29 =	simm.s32 $0x0;
	[sflag:s0] =	ssyncadd.s32 $0xFFFFFDE0  }
0x2c8: {  	v0 =	vld.msk [tilespmem:s29+$0x3658], $0x1;
	_ =	sdelay $0x1  }
0x2c9: {  	s30 =	simm.s32 $0x1  }
0x2ca: {  	v1 =	vld.msk [tilespmem:s30+$0x3658], $0x1;
	_ =	sdelay $0x1  }
0x2cb: {  	(v2sf) =	vpush v0, $0x0;
	_ =	sdelay $0x2  }
0x2cc: {  	(v2sf) =	vpush v1, $0x0;
	_ =	sdelay $0x2  }
0x2cd: {  	s31 =	simm.s32 $0x2  }
0x2ce: {  	v0 =	vld.msk [tilespmem:s31+$0x3658], $0x1;
	_ =	sdelay $0x2  }
0x2cf: {  	s6 =	simm.s32 $0xFFFFFFFF;
	s1 =	simm.s32 $0xFFFFFFFF;
	s0 =	simm.s32 $0xC  }
.LBB2_23:
0x2d0: {  	s2 =	smov.u32 s6;
	s4 =	smov.u32 s1  }
0x2d1: {  	s1 =	sshra.s32 s0, $0x2;
	p1 =	sne.s32 s0, $0x7C;
	s0 =	sadd.s32 $0x4, s0;
	(v2sf) =	vpush v0, $0x0  }
0x2d2: {  	v0 =	vld.msk [tilespmem:s1+$0x3658], $0x1  }
.Ltmp19:
0x2d3: {  	(pc) =	sbr.rel @p1 .LBB2_23-.Ltmp19, $4  }
0x2d4: {  	s6 =	spop (v2sf)  }
0x2d5: {  	p2 =	sne.s32 s4, $0xFFFFFFFF;
	s1 =	smov.u32 s6  }
0x2d6: {  	p3 =	seq.s32 s6, $0xFFFFFFFF;
	s1 =	smov.u32 @p2 s4  }
0x2d7: {  	s6 =	smov.u32 @p3 s2;
	s1 =	smov.u32 @p3 s4  }
0x2d8: {  	(v2sf) =	vpush v0, $0x0;
	_ =	sdelay $0x8  }
0x2d9: {  	s0 =	spop (v2sf)  }
0x2da: {  	p1 =	sne.s32 s1, $0xFFFFFFFF;
	s2 =	smov.u32 s0  }
0x2db: {  	s9 =	simm.s32 $0x6;
	p2 =	seq.s32 s0, $0xFFFFFFFF;
	s2 =	smov.u32 @p1 s1  }
0x2dc: {  	s10 =	simm.s32 $0x3638;
	s2 =	smov.u32 @p2 s1;
	s1 =	spop (v2sf)  }
0x2dd: {  	s0 =	smov.u32 @p2 s6;
	p1 =	sne.s32 s2, $0xFFFFFFFF;
	s4 =	smov.u32 s1  }
.Ltmp20:
0x2de: {  	p2 =	seq.s32 s1, $0xFFFFFFFF;
	s4 =	smov.u32 @p1 s2;
	(pc) =	sbr.rel .LBB2_25-.Ltmp20, $4  }
0x2df: {  	s11 =	simm.s32 $0x0;
	s4 =	smov.u32 @p2 s2;
	s7 =	spop (v2sf)  }
0x2e0: {  	[sflag:s9] =	ssyncpa.u1 $0x0;
	p1 =	sne.s32 s4, $0xFFFFFFFF;
	s8 =	smov.u32 s7  }
0x2e1: {  	s1 =	smov.u32 @p2 s0;
	p2 =	seq.s32 s7, $0xFFFFFFFF;
	s8 =	smov.u32 @p1 s4  }
0x2e2: {  	s6 =	simm.s32 $0x0;
	s7 =	smov.u32 @p2 s1;
	s8 =	smov.u32 @p2 s4  }
.LBB2_30:
0x2e3: {  	p1 =	sgt.u32 s12, $0xC34FF  }
0x2e4: {  	p2 =	seq.s32 @!p1 s12, s8  }
0x2e5: {  	p1 =	por p1, p2  }
0x2e6: {  	p2 =	sne.s32 @!p1 s12, s7  }
0x2e7: {  	p1 =	por p1, !p2  }
0x2e8: {  	s0 =	sshll.u32 @p1 s11, $0x6  }
0x2e9: {  	s0 =	sand.u32 @!p1 $0xFFFF8, s12  }
0x2ea: {  	s1 =	sand.u32 @!p1 $0x7, s12;
	s0 =	sadd.s32 @!p1 s3, s0  }
0x2eb: {  	[tilespmem:s10], [sflag:$0x6] =	stream.linear.gather @!p1 [hbm4b:s0+s1], $0x4, $0x38;
	[tilespmem:$0x1F0F8] =	vst v63  }
0x2ec: {  	_ =	swait.ge @!p1 [sflag:s9], $0x4  }
0x2ed: {  	[sflag:s9] =	ssyncset.done @!p1 $0x0  }
0x2ee: {  	[sflag:s9] =	ssyncadd.s32 @!p1 $0xFFFFFFFC  }
0x2ef: {  	v1 =	vld @!p1 [tilespmem:$0x3638];
	_ =	sdelay $0x2  }
0x2f0: {  	s0 =	sshll.u32 @!p1 s11, $0x6  }
0x2f1: {  	s1 =	sshrl.u32 @!p1 s0, $0x2  }
0x2f2: {  	[tilespmem:s1+$0x3678] =	vst.add.f32.msk @!p1 $0xffff, v1  }
0x2f3: {  	s0 =	sshrl.u32 s0, $0x2;
	[tilespmem:s6+$0x3658] =	vst.msk $0x1, v0  }
0x2f4: {  	v0 =	vld [tilespmem:s0+$0x3678];
	_ =	sdelay $0x2  }
0x2f5: {  	s31 =	sshll.u32 s6, $0x6  }
0x2f6: {  	s0 =	sshra.s32 s31, $0x2  }
0x2f7: {  	s6 =	sadd.s32 $0x1, s6;
	[tilespmem:s0+$0x3678] =	vst v0  }
.LBB2_32:
0x2f8: {  	s11 =	sadd.s32 $0x1, s11  }
0x2f9: {  	p1 =	sne.s32 s11, $0x20  }
.Ltmp21:
0x2fa: {  	_ = 	snop;
	(pc) =	sbr.rel @!p1 .LBB2_33-.Ltmp21, $1  }
0x2fb: {  	_ =	sdelay $0x3  }
.LBB2_25:
0x2fc: {  	v0 =	vld.msk [tilespmem:s11+$0x3658], $0x1;
	_ =	sdelay $0x4  }
0x2fd: {  	(v2sf) =	vpush v0, $0x0;
	_ =	sdelay $0xe  }
0x2fe: {  	s12 =	spop (v2sf)  }
0x2ff: {  	p1 =	seq.s32 s12, $0xFFFFFFFF  }
.Ltmp22:
0x300: {  	_ = 	snop;
	(pc) =	sbr.rel @p1 .LBB2_32-.Ltmp22, $1  }
0x301: {  	_ =	sdelay $0x3  }
0x302: {  	p1 =	slt.s32 s6, $0x1  }
.Ltmp23:
0x303: {  	_ = 	snop;
	(pc) =	sbr.rel @p1 .LBB2_30-.Ltmp23, $1  }
0x304: {  	_ =	sdelay $0x3  }
0x305: {  	s13 =	simm.s32 $0x3658;
	p1 =	por $0x0, $0x0  }
0x306: {  	v1 =	vld.msk @!p1 [tilespmem:s13+$0x0], $0x1;
	_ =	sdelay $0x4  }
0x307: {  	(v2sf) =	vpush @!p1 v1, $0x0;
	_ =	sdelay $0xd  }
0x308: {  	p3 =	sne.s32 s6, $0x1  }
.Ltmp24:
0x309: {  	s0 =	spop @!p1 (v2sf);
	(pc) =	sbr.rel @!p3 .LBB2_29-.Ltmp24, $4  }
0x30a: {  	p2 =	seq.s32 @!p1 s12, s0  }
0x30b: {  	s14 =	simm.s32 $0x0;
	p2 =	por !p2, p1  }
0x30c: {  	s0 =	simm.s32 $0xFFFFFFFF;
	s14 =	simm.s32 @p2 $0xFFFFFFFF  }
0x30d: {  	s15 =	simm.s32 $0x1;
	s14 =	smov.u32 @p1 s0  }
.LBB2_28:
0x30e: {  	s0 =	smov.u32 s14;
	p1 =	sne.s32 s14, $0xFFFFFFFF  }
0x30f: {  	s13 =	sadd.s32 $0x1, s13;
	s14 =	smov.u32 s15;
	s15 =	sadd.s32 $0x1, s15  }
0x310: {  	p2 =	sne.s32 s6, s15;
	v1 =	vld.msk @!p1 [tilespmem:s13+$0x0], $0x1;
	_ =	sdelay $0x4  }
0x311: {  	(v2sf) =	vpush @!p1 v1, $0x0;
	_ =	sdelay $0xe  }
.Ltmp25:
0x312: {  	s1 =	spop @!p1 (v2sf);
	(pc) =	sbr.rel @p2 .LBB2_28-.Ltmp25, $4  }
0x313: {  	p3 =	seq.s32 @!p1 s12, s1  }
0x314: {  	p3 =	por !p3, p1  }
0x315: {  	s14 =	simm.s32 @p3 $0xFFFFFFFF  }
0x316: {  	s14 =	smov.u32 @p1 s0  }
.LBB2_29:
0x317: {  	p1 =	sne.s32 s14, $0xFFFFFFFF  }
.Ltmp26:
0x318: {  	_ = 	snop;
	(pc) =	sbr.rel @!p1 .LBB2_30-.Ltmp26, $1  }
0x319: {  	_ =	sdelay $0x3  }
0x31a: {  	s0 =	sshll.u32 s11, $0x4  }
0x31b: {  	s0 =	sand.u32 $0x3FFFFFF0, s0  }
0x31c: {  	v0 =	vld [tilespmem:s0+$0x3678]  }
.Ltmp27:
0x31d: {  	_ = 	snop;
	(pc) =	sbr.rel .LBB2_32-.Ltmp27, $4  }
0x31e: {  	_ = 	snop  }
0x31f: {  	s31 =	sshll.u32 s14, $0x6  }
0x320: {  	s0 =	sshra.s32 s31, $0x2  }
0x321: {  	[tilespmem:s0+$0x3678] =	vst.add.f32.msk $0xffff, v0  }
.LBB2_33:
0x322: {  	s0 =	simm.s32 $0x6;
	p1 =	seq.s32 s6, $0x0  }
0x323: {  	[sflag:s0] =	ssyncpa.u1 $0x1;
	v0 =	vimm.s32 @p1 $0xFFFFFFFF  }
0x324: {  	s9 =	sadd.s32 $0xFFFFFFFF, s6;
	[tilespmem:$0x3878] =	vst @p1 v0  }
0x325: {  	v0 =	vld.msk @!p1 [tilespmem:s9+$0x3658], $0x1;
	_ =	sdelay $0x1  }
0x326: {  	v1 =	vld.msk @!p1 [tilespmem:$0x3658], $0x1;
	_ =	sdelay $0x2  }
0x327: {  	p2 =	seq.s32 @!p1 s9, $0x0;
	v0 =	vbroadcast @!p1 v0, $0x0  }
0x328: {  	vm0 =	vmmov @!p1 $0x1;
	p2 =	por !p2, p1  }
0x329: {  	v1 =	vnsel @!p1 vm0, $0xFFFFFFFF, v1;
	vm0 =	vcmask @!p1 $0x308;
	v0 =	vpsel !p2, $0xFFFFFFFF, v0  }
0x32a: {  	p2 =	sne.s32 @!p1 s8, s7;
	v0 =	vsel @!p1 vm0, v1, v0  }
0x32b: {  	s0 =	simm.s32 @!p1 $0x3678;
	s1 =	simm.s32 @!p1 $0x0;
	p3 =	por !p2, p1;
	[tilespmem:$0x3878] =	vst @!p1 v0  }
0x32c: {  	[spmem:s1] =	stream.linear.scatter @!p1 [tilespmem:s0], [sflag:$0x1], $0x10, $0x38;
	[tilespmem:$0x1F0F8] =	vst v63  }
0x32d: {  	s0 =	sshll.u32 @!p3 s9, $0x6  }
0x32e: {  	s0 =	sshra.s32 @!p3 s0, $0x2  }
0x32f: {  	s1 =	simm.s32 @!p3 $0x10;
	s0 =	sadd.s32 @!p3 $0x3678, s0  }
0x330: {  	[spmem:s1] =	stream.linear.scatter @!p3 [tilespmem:s0], [sflag:$0x1], $0x10, $0x38;
	[tilespmem:$0x1F0F8] =	vst v63  }
0x331: {  	s0 =	simm.s32 @!p3 $0x1  }
0x332: {  	_ =	swait.ge @!p3 [sflag:s0], $0x20  }
0x333: {  	p1 =	por p2, p1;
	[sflag:s0] =	ssyncset.done @!p3 $0x0  }
0x334: {  	[sflag:s0] =	ssyncadd.s32 @!p3 $0xFFFFFFE0;
	s0 =	simm.s32 @!p1 $0x1  }
0x335: {  	_ =	swait.ge @!p1 [sflag:s0], $0x10  }
0x336: {  	s29 =	simm.s32 $0x3878;
	[sflag:s0] =	ssyncset.done @!p1 $0x0  }
0x337: {  	s30 =	simm.s32 $0x200;
	s31 =	simm.s32 $0x1;
	[sflag:s0] =	ssyncadd.s32 @!p1 $0xFFFFFFF0  }
0x338: {  	[spmem:s30] =	stream.linear.scatter [tilespmem:s29], [sflag:$0x1], $0x10, $0x38;
	[tilespmem:$0x1F0F8] =	vst v63  }
0x339: {  	_ =	swait.ge [sflag:s31], $0x10  }
0x33a: {  	[sflag:s31] =	ssyncset.done $0x0  }
0x33b: {  	p1 =	seq.s32 s17, $0x0;
	s8 =	rddreg [dreg:$0x1];
	[sflag:s31] =	ssyncadd.s32 $0xFFFFFFF0  }
0x33c: {  	s1 =	sshll.u32 @p1 s8, $0xE;
	s7 =	rddreg [dreg:$0x2]  }
0x33d: {  	s0 =	sadd.s32 @p1 $0x15C3C, s1;
	s1 =	sshll.u32 @p1 s7, $0x11  }
0x33e: {  	_ =	sfence.stream.spmem;
	s0 =	sor.u32 @p1 s1, s0  }
0x33f: {  	[sflag:s0] =	ssyncadd.remote.s32 @p1 $0x1;
	s0 =	simm.s32 @p1 $0x4  }
0x340: {  	s2 =	simm.s32 @!p1 $0x3C;
	s1 =	sand.u32 $0xFFFFFFFE, s8;
	_ =	swait.ge @p1 [sflag:s0], $0x6  }
0x341: {  	s4 =	simm.s32 @!p1 $0x0;
	s1 =	sadd.s32 @!p1 $0x4, s1;
	[sflag:s0] =	ssyncset.done @p1 $0x0  }
0x342: {  	s5 =	simm.s32 @!p1 $0x20;
	[sflag:s0] =	ssyncadd.s32 @p1 $0xFFFFFFFA;
	s0 =	sshll.u32 @!p1 s1, $0x1A  }
0x343: {  	s1 =	sshll.u32 @!p1 s1, $0xD;
	s0 =	sor.u32 @!p1 s0, s7;
	_ =	swait.eq @!p1 [sflag:s2], $0x1  }
0x344: {  	s1 =	sor.u32 @!p1 $0x1C04, s1;
	s2 =	simm.s32 @!p1 $0x1C03;
	s0 =	sor.u32 @!p1 $0x80004000, s0  }
0x345: {  	[spmem:s5], [sflag:s1] =	dma.general @!p1 [spmem:s4], [sflag:s2], length:$0x4, [dreg:$0x0], stride_count:$0x0, ici_dest:s0, dma_misc:DstOpCode:WRITE  }
0x346: {  	p2 =	slt.s32 s9, $0x2;
	s4 =	simm.s32 @!p1 $0x40;
	s5 =	simm.s32 @!p1 $0x42  }
0x347: {  	[spmem:s5], [sflag:s1] =	dma.general @!p1 [spmem:s4], [sflag:s2], length:$0x2, [dreg:$0x0], stride_count:$0x0, ici_dest:s0, dma_misc:DstOpCode:WRITE  }
.Ltmp28:
0x348: {  	s0 =	simm.s32 @!p1 $0x3;
	(pc) =	sbr.rel @p2 .LBB2_37-.Ltmp28, $4  }
0x349: {  	s1 =	sshll.u32 @!p1 s8, $0xE;
	_ =	swait.ge @!p1 [sflag:s0], $0x6  }
0x34a: {  	s2 =	sshll.u32 @!p1 s7, $0x11;
	s1 =	sadd.s32 @!p1 $0x11C3C, s1;
	[sflag:s0] =	ssyncset.done @!p1 $0x0  }
0x34b: {  	[sflag:s0] =	ssyncadd.s32 @!p1 $0xFFFFFFFA;
	s0 =	sor.u32 @!p1 s2, s1  }
0x34c: {  	[sflag:s0] =	ssyncadd.remote.s32 @!p1 $0xFFFFFFFF;
	s0 =	simm.s32 $0x0  }
0x34d: {  	s0 =	simm.s32 $0x3659  }
0x34e: {  	v0 =	vld.msk [tilespmem:s0+$0x0], $0x1;
	_ =	sdelay $0x4  }
0x34f: {  	(v2sf) =	vpush v0, $0x0;
	_ =	sdelay $0xd  }
0x350: {  	s2 =	sadd.s32 $0xFFFFFFFE, s6  }
0x351: {  	s2 =	sadd.s32 $0xFFFFFFFF, s2;
	s0 =	spop (v2sf)  }
0x352: {  	p2 =	sne.s32 s2, $0x0;
	p1 =	sgt.u32 s0, $0xC34FF  }
.Ltmp29:
0x353: {  	s4 =	sand.u32 @!p1 $0xFFFF8, s0;
	(pc) =	sbr.rel @!p2 .LBB2_36-.Ltmp29, $4  }
0x354: {  	s1 =	simm.s32 $0x3688;
	s0 =	sand.u32 @!p1 $0x7, s0;
	s4 =	sadd.s32 @!p1 s3, s4  }
0x355: {  	[hbm4b:s4+s0] =	stream.linear.scatter @!p1 [tilespmem:s1], [sflag:$0x5], $0x4, $0x38;
	[tilespmem:$0x1F0F8] =	vst v63  }
0x356: {  	s0 =	simm.s32 $0x0  }
0x357: {  	s6 =	simm.s32 $0x0;
	s7 =	simm.s32 $0x365A;
	s0 =	simm.s32 @!p1 $0x10  }
.LBB2_35:
0x358: {  	v0 =	vld.msk [tilespmem:s7+$0x0], $0x1;
	s2 =	sadd.s32 $0xFFFFFFFF, s2;
	s6 =	sadd.s32 s6, s0  }
0x359: {  	p1 =	sne.s32 s2, $0x0;
	_ =	sdelay $0x3  }
0x35a: {  	(v2sf) =	vpush v0, $0x0;
	_ =	sdelay $0xe  }
.Ltmp30:
0x35b: {  	s4 =	spop (v2sf);
	(pc) =	sbr.rel @p1 .LBB2_35-.Ltmp30, $4  }
0x35c: {  	s0 =	simm.s32 $0x0;
	p2 =	sgt.u32 s4, $0xC34FF  }
0x35d: {  	s1 =	sadd.s32 $0x10, s1;
	s0 =	simm.s32 @!p2 $0x10;
	s5 =	sand.u32 @!p2 $0xFFFF8, s4  }
0x35e: {  	s7 =	sadd.s32 $0x1, s7;
	s4 =	sand.u32 @!p2 $0x7, s4;
	s5 =	sadd.s32 @!p2 s3, s5  }
0x35f: {  	[hbm4b:s5+s4] =	stream.linear.scatter @!p2 [tilespmem:s1], [sflag:$0x5], $0x4, $0x38;
	[tilespmem:$0x1F0F8] =	vst v63  }
.LBB2_36:
0x360: {  	s0 =	sadd.s32 s6, s0  }
0x361: {  	s0 =	sshrl.u32 s0, $0x2  }
.LBB2_37:
0x362: {  	s1 =	simm.s32 $0x5  }
0x363: {  	_ =	swait.ge [sflag:s1], s0  }
0x364: {  	s31 =	ssub.s32 $0x0, s0;
	[sflag:s1] =	ssyncset.done $0x0  }
0x365: {  	[sflag:s1] =	ssyncadd.s32 s31  }
0x366: {  	[sflag:s1] =	ssyncpa.u1 $0x1  }
.LBB2_38:
0x367: {  	s0 =	sor.u32 s17, s16  }
0x368: {  	p1 =	sne.s32 s0, $0x0  }
.Ltmp31:
0x369: {  	_ = 	snop;
	(pc) =	sbr.rel @p1 .LBB2_53-.Ltmp31, $3  }
0x36a: {  	_ =	sdelay $0x1  }
0x36b: {  	[bflag:$0x0] =	sbarrier.arrive $0xFFFF  }
0x36c: {  	_ =	sfence  }
0x36d: {  	s0 =	simm.s32 $0x7  }
0x36e: {  	s1 =	simm.s32 $0x200;
	s2 =	simm.s32 $0x3658;
	[sflag:s0] =	ssyncpa.u1 $0x0  }
0x36f: {  	[tilespmem:s2], [sflag:$0x7] =	stream.linear.gather [spmem:s1], $0x20, $0x38;
	[tilespmem:$0x1F0F8] =	vst v63  }
0x370: {  	s30 =	simm.s32 $0x3678;
	s1 =	simm.s32 $0x0  }
0x371: {  	[tilespmem:s30], [sflag:$0x7] =	stream.linear.gather [spmem:s1], $0x200, $0x38;
	[tilespmem:$0x1F0F8] =	vst v63  }
.Ltmp32:
0x372: {  	_ = 	snop;
	(pc) =	sbr.rel .LBB2_40-.Ltmp32, $4  }
0x373: {  	_ =	swait.ge [sflag:s0], $0x220  }
0x374: {  	[sflag:s0] =	ssyncset.done $0x0  }
0x375: {  	s31 =	simm.s32 $0x8;
	[sflag:s0] =	ssyncadd.s32 $0xFFFFFDE0  }
0x376: {  	s2 =	simm.s32 $0x0;
	[sflag:s31] =	ssyncpa.u1 $0x0  }
.LBB2_45:
0x377: {  	p1 =	slt.u32 s4, $0xC3500  }
0x378: {  	s0 =	sand.u32 @p1 $0xFFFF8, s4  }
0x379: {  	s4 =	sand.u32 @p1 $0x7, s4;
	s5 =	simm.s32 @p1 $0x3638;
	s0 =	sadd.s32 @p1 s3, s0  }
0x37a: {  	[tilespmem:s5], [sflag:$0x8] =	stream.linear.gather @p1 [hbm4b:s0+s4], $0x4, $0x38;
	[tilespmem:$0x1F0F8] =	vst v63  }
0x37b: {  	s0 =	simm.s32 @p1 $0x8  }
0x37c: {  	_ =	swait.ge @p1 [sflag:s0], $0x4  }
0x37d: {  	[sflag:s0] =	ssyncset.done @p1 $0x0  }
0x37e: {  	[sflag:s0] =	ssyncadd.s32 @p1 $0xFFFFFFFC  }
0x37f: {  	v1 =	vld @p1 [tilespmem:$0x3638];
	_ =	sdelay $0x2  }
0x380: {  	s0 =	sshll.u32 @p1 s2, $0x6  }
0x381: {  	s5 =	sshll.u32 @!p1 s2, $0x6;
	s4 =	sshrl.u32 @p1 s0, $0x2  }
0x382: {  	s5 =	smov.u32 @p1 s0;
	[tilespmem:s4+$0x3678] =	vst.add.f32.msk @p1 $0xffff, v1  }
0x383: {  	s0 =	sshrl.u32 s5, $0x2;
	[tilespmem:s1+$0x3658] =	vst.msk $0x1, v0  }
0x384: {  	v0 =	vld [tilespmem:s0+$0x3678];
	_ =	sdelay $0x2  }
0x385: {  	s31 =	sshll.u32 s1, $0x6  }
0x386: {  	s0 =	sshra.s32 s31, $0x2  }
0x387: {  	s1 =	sadd.s32 $0x1, s1;
	[tilespmem:s0+$0x3678] =	vst v0  }
.LBB2_47:
0x388: {  	s2 =	sadd.s32 $0x1, s2  }
0x389: {  	p1 =	sne.s32 s2, $0x20  }
.Ltmp33:
0x38a: {  	_ = 	snop;
	(pc) =	sbr.rel @!p1 .LBB2_48-.Ltmp33, $1  }
0x38b: {  	_ =	sdelay $0x3  }
.LBB2_40:
0x38c: {  	v0 =	vld.msk [tilespmem:s2+$0x3658], $0x1;
	_ =	sdelay $0x4  }
0x38d: {  	(v2sf) =	vpush v0, $0x0;
	_ =	sdelay $0xe  }
0x38e: {  	s4 =	spop (v2sf)  }
0x38f: {  	p1 =	seq.s32 s4, $0xFFFFFFFF  }
.Ltmp34:
0x390: {  	_ = 	snop;
	(pc) =	sbr.rel @p1 .LBB2_47-.Ltmp34, $1  }
0x391: {  	_ =	sdelay $0x3  }
0x392: {  	p1 =	slt.s32 s1, $0x1  }
.Ltmp35:
0x393: {  	_ = 	snop;
	(pc) =	sbr.rel @p1 .LBB2_45-.Ltmp35, $1  }
0x394: {  	_ =	sdelay $0x3  }
0x395: {  	s5 =	simm.s32 $0x3658;
	p1 =	por $0x0, $0x0  }
0x396: {  	v1 =	vld.msk @!p1 [tilespmem:s5+$0x0], $0x1;
	_ =	sdelay $0x4  }
0x397: {  	(v2sf) =	vpush @!p1 v1, $0x0;
	_ =	sdelay $0xd  }
0x398: {  	p3 =	sne.s32 s1, $0x1  }
.Ltmp36:
0x399: {  	s0 =	spop @!p1 (v2sf);
	(pc) =	sbr.rel @!p3 .LBB2_44-.Ltmp36, $4  }
0x39a: {  	p2 =	seq.s32 @!p1 s4, s0  }
0x39b: {  	s6 =	simm.s32 $0x0;
	p2 =	por !p2, p1  }
0x39c: {  	s0 =	simm.s32 $0xFFFFFFFF;
	s6 =	simm.s32 @p2 $0xFFFFFFFF  }
0x39d: {  	s7 =	simm.s32 $0x1;
	s6 =	smov.u32 @p1 s0  }
.LBB2_43:
0x39e: {  	s0 =	smov.u32 s6;
	p1 =	sne.s32 s6, $0xFFFFFFFF  }
0x39f: {  	s5 =	sadd.s32 $0x1, s5;
	s6 =	smov.u32 s7;
	s7 =	sadd.s32 $0x1, s7  }
0x3a0: {  	p2 =	sne.s32 s1, s7;
	v1 =	vld.msk @!p1 [tilespmem:s5+$0x0], $0x1;
	_ =	sdelay $0x4  }
0x3a1: {  	(v2sf) =	vpush @!p1 v1, $0x0;
	_ =	sdelay $0xe  }
.Ltmp37:
0x3a2: {  	s8 =	spop @!p1 (v2sf);
	(pc) =	sbr.rel @p2 .LBB2_43-.Ltmp37, $4  }
0x3a3: {  	p3 =	seq.s32 @!p1 s4, s8  }
0x3a4: {  	p3 =	por !p3, p1  }
0x3a5: {  	s6 =	simm.s32 @p3 $0xFFFFFFFF  }
0x3a6: {  	s6 =	smov.u32 @p1 s0  }
.LBB2_44:
0x3a7: {  	p1 =	sne.s32 s6, $0xFFFFFFFF  }
.Ltmp38:
0x3a8: {  	_ = 	snop;
	(pc) =	sbr.rel @!p1 .LBB2_45-.Ltmp38, $1  }
0x3a9: {  	_ =	sdelay $0x3  }
0x3aa: {  	s0 =	sshll.u32 s2, $0x4  }
0x3ab: {  	s0 =	sand.u32 $0x3FFFFFF0, s0  }
0x3ac: {  	v0 =	vld [tilespmem:s0+$0x3678]  }
.Ltmp39:
0x3ad: {  	_ = 	snop;
	(pc) =	sbr.rel .LBB2_47-.Ltmp39, $4  }
0x3ae: {  	_ = 	snop  }
0x3af: {  	s31 =	sshll.u32 s6, $0x6  }
0x3b0: {  	s0 =	sshra.s32 s31, $0x2  }
0x3b1: {  	[tilespmem:s0+$0x3678] =	vst.add.f32.msk $0xffff, v0  }
.LBB2_48:
0x3b2: {  	p1 =	slt.s32 s1, $0x1  }
.Ltmp40:
0x3b3: {  	_ = 	snop;
	(pc) =	sbr.rel @p1 .LBB2_52-.Ltmp40, $3  }
0x3b4: {  	_ =	sdelay $0x1  }
0x3b5: {  	s0 =	simm.s32 $0x8  }
0x3b6: {  	s2 =	simm.s32 $0x0;
	[sflag:s0] =	ssyncpa.u1 $0x1  }
0x3b7: {  	s0 =	simm.s32 $0x3658  }
0x3b8: {  	v0 =	vld.msk [tilespmem:s0+$0x0], $0x1;
	_ =	sdelay $0x4  }
0x3b9: {  	(v2sf) =	vpush v0, $0x0;
	_ =	sdelay $0xe  }
0x3ba: {  	s1 =	sadd.s32 $0xFFFFFFFF, s1;
	s0 =	spop (v2sf)  }
0x3bb: {  	p2 =	sne.s32 s1, $0x0;
	p1 =	sgt.u32 s0, $0xC34FF  }
.Ltmp41:
0x3bc: {  	s5 =	sand.u32 @!p1 $0xFFFF8, s0;
	(pc) =	sbr.rel @!p2 .LBB2_51-.Ltmp41, $4  }
0x3bd: {  	s4 =	simm.s32 $0x3678;
	s0 =	sand.u32 @!p1 $0x7, s0;
	s5 =	sadd.s32 @!p1 s3, s5  }
0x3be: {  	[hbm4b:s5+s0] =	stream.linear.scatter @!p1 [tilespmem:s4], [sflag:$0x7], $0x4, $0x38;
	[tilespmem:$0x1F0F8] =	vst v63  }
0x3bf: {  	s0 =	simm.s32 $0x0  }
0x3c0: {  	s5 =	simm.s32 $0x3659;
	s0 =	simm.s32 @!p1 $0x10  }
.LBB2_50:
0x3c1: {  	v0 =	vld.msk [tilespmem:s5+$0x0], $0x1;
	s1 =	sadd.s32 $0xFFFFFFFF, s1;
	s2 =	sadd.s32 s2, s0  }
0x3c2: {  	p1 =	sne.s32 s1, $0x0;
	_ =	sdelay $0x3  }
0x3c3: {  	(v2sf) =	vpush v0, $0x0;
	_ =	sdelay $0xe  }
.Ltmp42:
0x3c4: {  	s6 =	spop (v2sf);
	(pc) =	sbr.rel @p1 .LBB2_50-.Ltmp42, $4  }
0x3c5: {  	s0 =	simm.s32 $0x0;
	p2 =	sgt.u32 s6, $0xC34FF  }
0x3c6: {  	s4 =	sadd.s32 $0x10, s4;
	s0 =	simm.s32 @!p2 $0x10;
	s7 =	sand.u32 @!p2 $0xFFFF8, s6  }
0x3c7: {  	s5 =	sadd.s32 $0x1, s5;
	s6 =	sand.u32 @!p2 $0x7, s6;
	s7 =	sadd.s32 @!p2 s3, s7  }
0x3c8: {  	[hbm4b:s7+s6] =	stream.linear.scatter @!p2 [tilespmem:s4], [sflag:$0x7], $0x4, $0x38;
	[tilespmem:$0x1F0F8] =	vst v63  }
.LBB2_51:
0x3c9: {  	s0 =	sadd.s32 s2, s0  }
0x3ca: {  	s2 =	sshrl.u32 s0, $0x2  }
.LBB2_52:
0x3cb: {  	s0 =	simm.s32 $0x7  }
0x3cc: {  	_ =	swait.ge [sflag:s0], s2  }
0x3cd: {  	s1 =	ssub.s32 $0x0, s2;
	[sflag:s0] =	ssyncset.done $0x0  }
0x3ce: {  	[sflag:s0] =	ssyncadd.s32 s1  }
0x3cf: {  	[sflag:s0] =	ssyncpa.u1 $0x1  }
.LBB2_53:
0x3d0: {  	_ =	sfence;
	s0 =	simm.s32 $0x1  }
0x3d1: {  	[sflag:s0] =	ssyncpa.u1 $0x1  }
0x3d2: {  	_ =	strace $0x90000059  }
0x3d3: {  	[bflag:$0x2] =	sbarrier.arrive $0xFFFF  }
0x3d4: {  	s0 =	rddreg [dreg:$0x3]  }
0x3d5: {  	s0 =	sadd.s32 @!p0 $0x100000, s0  }
0x3d6: {  	[sflag:s0] =	ssyncadd.tile.s32 @!p0 $0x1;
	_ =	shalt  }
.Lfunc_end2:
_tile_overlayer_lowered:
.L_overlay_start_2:
0x3d7: {  	(tag) =	ssettag $0x2  }
0x3d8: {  	s0 =	rddreg [dreg:$0x0];
	s2 =	stileid.u32  }
0x3d9: {  	s1 =	rddreg [dreg:$0x1];
	p0 =	sne.s32 s2, $0x0  }
0x3da: {  	s3 =	rddreg [dreg:$0x2];
	[bflag:$0x3] =	sbarrier.arrive $0xFFFF;
	s2 =	simm.s32 @!p0 $0x1C01  }
0x3db: {  	[timem:s3], [sflag:s2] =	dma.local @!p0 [hbm:s0], s1  }
0x3dc: {  	s0 =	simm.s32 @!p0 $0x1  }
0x3dd: {  	_ =	swait.ge @!p0 [sflag:s0], s1  }
0x3de: {  	s1 =	ssub.s32 @!p0 $0x0, s1;
	[sflag:s0] =	ssyncset.done @!p0 $0x0  }
0x3df: {  	[sflag:s0] =	ssyncadd.s32 @!p0 s1  }
0x3e0: {  	[bflag:$0x3] =	sbarrier.arrive $0xFFFF  }
0x3e1: {  	_ =	shalt  }

// kernel: scatter_offload_async_start.3
scs
__scs_entry_jumppad:
0x0: {  	(pc) =	sbr.rel $0x88, $3  }
0x1: {  	(tag) =	ssettag $0x0;
	lr =	simm.s32 $0x1  }
0x2: {  	[smem:$0x3F8D] =	sst lr;
	_ =	strace $0xD0000000  }
0x3: {  	_ = 	snop  }
0x4: {  	_ = 	snop  }
0x5: {  	_ = 	snop  }
0x6: {  	_ = 	snop  }
0x7: {  	_ = 	snop  }
__scs_overlays_trampoline_lowered:
0x8: {  	[smem:$0x3F9C] =	sst s0  }
0x9: {  	[smem:$0x3F9D] =	sst s1  }
0xa: {  	[smem:$0x3F9E] =	sst s2  }
0xb: {  	[smem:$0x3F9F] =	sst s3  }
0xc: {  	[smem:$0x3FA0] =	sst s4  }
0xd: {  	[smem:$0x3FA1] =	sst s5  }
0xe: {  	[smem:$0x3FA2] =	sst s6  }
0xf: {  	[smem:$0x3FA3] =	sst s7  }
0x10: {  	[smem:$0x3FA4] =	sst s8  }
0x11: {  	[smem:$0x3FA5] =	sst s9;
	s0 =	simm.s32 @!p0 $0x0  }
0x12: {  	s1 =	sld [smem:$0x3F8B];
	s0 =	simm.s32 @p0 $0x1  }
0x13: {  	[smem:$0x3FA6] =	sst s0;
	s0 =	simm.s32 @!p1 $0x0  }
0x14: {  	s2 =	sld [smem:$0x3F8A];
	s0 =	simm.s32 @p1 $0x1  }
0x15: {  	[smem:$0x3FA7] =	sst s0;
	s0 =	simm.s32 @!p2 $0x0  }
0x16: {  	s3 =	sld [smem:$0x3FDB];
	s0 =	simm.s32 @p2 $0x1  }
0x17: {  	s4 =	simm.s32 $0x1BF5;
	[smem:$0x3FA9] =	sst s0  }
0x18: {  	s0 =	sld [smem:$0x3F8C];
	_ =	swait.ge [sflag:s4], $0x0  }
0x19: {  	s7 =	sld [smem:$0x3F8D]  }
0x1a: {  	s8 =	sadd.s32 $0xFFFFE003, lr  }
0x1b: {  	s9 =	sadd.s32 $0xFFFFFEF7, lr;
	s5 =	simm.s32 $0xFFFFFFFF;
	p2 =	slt.u32 s8, $0xFFFFF086  }
0x1c: {  	p1 =	slt.u32 s9, $0xF7A;
	s5 =	simm.s32 @!p2 $0x0  }
0x1d: {  	s5 =	simm.s32 @p1 $0x1;
	p0 =	seq.s32 s7, s2  }
0x1e: {  	s7 =	smul.u32 @!p0 $0xF7A, s2;
	p2 =	seq.s32 @!p0 s5, $0x0  }
0x1f: {  	s9 =	smul.u32 $0xF7A, s1;
	s8 =	simm.s32 @!p0 $0x1BF5;
	p2 =	por !p2, p0  }
0x20: {  	[sflag:s8] =	ssyncset.s32 @!p0 $0xFFFFF086;
	s6 =	sadd.s32 @!p0 s3, s7;
	s7 =	simm.s32 @!p0 $0x108  }
0x21: {  	s3 =	sadd.s32 s3, s9;
	s6 =	sadd.s32 @!p0 $0x88, s6;
	s7 =	simm.s32 @p2 $0x1082  }
0x22: {  	[simem:s7], [sflag:s8] =	dma.local @!p0 [hbm:s6], $0xF7A  }
0x23: {  	s9 =	sor.u32 $0xD0000000, s2;
	s6 =	simm.s32 $0x108;
	_ =	swait.ge @!p0 [sflag:s8], $0x0  }
0x24: {  	s3 =	sadd.s32 $0x88, s3;
	s6 =	simm.s32 @!p1 $0x1082;
	[sflag:s4] =	ssyncset.s32 $0xFFFFF086  }
0x25: {  	[simem:s6], [sflag:s4] =	dma.local [hbm:s3], $0xF7A  }
0x26: {  	[smem:$0x3F8D] =	sst s1;
	(tag) =	ssettag s2;
	_ =	strace s9  }
0x27: {  	s1 =	sld [smem:$0x3F9D]  }
0x28: {  	s2 =	sld [smem:$0x3F9E]  }
0x29: {  	s4 =	sld [smem:$0x3FA0]  }
0x2a: {  	p0 =	seq.s32 s5, $0x0;
	s5 =	sld [smem:$0x3FA1]  }
0x2b: {  	s6 =	sld [smem:$0x3FA2]  }
0x2c: {  	s7 =	sld [smem:$0x3FA3]  }
0x2d: {  	s3 =	simm.s32 $0x108;
	s8 =	sld [smem:$0x3FA4]  }
0x2e: {  	s3 =	simm.s32 @!p0 $0x1082;
	s9 =	sld [smem:$0x3FA5]  }
0x2f: {  	lr =	sadd.s32 s0, s3;
	s0 =	sld [smem:$0x3F9C]  }
0x30: {  	s3 =	sld [smem:$0x3F9F]  }
0x31: {  	[smem:$0x3FA8] =	sst s10  }
0x32: {  	s10 =	sld [smem:$0x3FA6];
	_ =	sdelay $0x3  }
0x33: {  	p0 =	seq.s32 s10, $0x1;
	s10 =	sld [smem:$0x3FA8];
	_ =	sdelay $0x3  }
0x34: {  	[smem:$0x3FA8] =	sst s10  }
0x35: {  	s10 =	sld [smem:$0x3FA7];
	_ =	sdelay $0x3  }
0x36: {  	p1 =	seq.s32 s10, $0x1;
	s10 =	sld [smem:$0x3FA8];
	_ =	sdelay $0x3  }
0x37: {  	[smem:$0x3FA8] =	sst s10  }
0x38: {  	s10 =	sld [smem:$0x3FA9]  }
0x39: {  	_ = 	snop;
	(pc) =	sbr.ind lr, $3  }
0x3a: {  	_ = 	snop  }
0x3b: {  	_ = 	snop  }
0x3c: {  	p2 =	seq.s32 s10, $0x1;
	s10 =	sld [smem:$0x3FA8]  }
0x3d: {  	_ =	shalt  }
0x3e: {  	_ =	shalt  }
0x3f: {  	_ =	shalt  }
0x40: {  	_ =	shalt  }
0x41: {  	_ =	shalt  }
0x42: {  	_ =	shalt  }
0x43: {  	_ =	shalt  }
0x44: {  	_ =	shalt  }
0x45: {  	_ =	shalt  }
0x46: {  	_ =	shalt  }
0x47: {  	_ =	shalt  }
0x48: {  	_ =	shalt  }
0x49: {  	_ =	shalt  }
0x4a: {  	_ =	shalt  }
0x4b: {  	_ =	shalt  }
0x4c: {  	_ =	shalt  }
0x4d: {  	_ =	shalt  }
0x4e: {  	_ =	shalt  }
0x4f: {  	_ =	shalt  }
0x50: {  	_ =	shalt  }
0x51: {  	_ =	shalt  }
0x52: {  	_ =	shalt  }
0x53: {  	_ =	shalt  }
0x54: {  	_ =	shalt  }
0x55: {  	_ =	shalt  }
0x56: {  	_ =	shalt  }
0x57: {  	_ =	shalt  }
0x58: {  	_ =	shalt  }
0x59: {  	_ =	shalt  }
0x5a: {  	_ =	shalt  }
0x5b: {  	_ =	shalt  }
0x5c: {  	_ =	shalt  }
0x5d: {  	_ =	shalt  }
0x5e: {  	_ =	shalt  }
0x5f: {  	_ =	shalt  }
0x60: {  	_ =	shalt  }
0x61: {  	_ =	shalt  }
0x62: {  	_ =	shalt  }
0x63: {  	_ =	shalt  }
0x64: {  	_ =	shalt  }
0x65: {  	_ =	shalt  }
0x66: {  	_ =	shalt  }
0x67: {  	_ =	shalt  }
0x68: {  	_ =	shalt  }
0x69: {  	_ =	shalt  }
0x6a: {  	_ =	shalt  }
0x6b: {  	_ =	shalt  }
0x6c: {  	_ =	shalt  }
0x6d: {  	_ =	shalt  }
0x6e: {  	_ =	shalt  }
0x6f: {  	_ =	shalt  }
0x70: {  	_ =	shalt  }
0x71: {  	_ =	shalt  }
0x72: {  	_ =	shalt  }
0x73: {  	_ =	shalt  }
0x74: {  	_ =	shalt  }
0x75: {  	_ =	shalt  }
0x76: {  	_ =	shalt  }
0x77: {  	_ =	shalt  }
0x78: {  	_ =	shalt  }
0x79: {  	_ =	shalt  }
0x7a: {  	_ =	shalt  }
0x7b: {  	_ =	shalt  }
0x7c: {  	_ =	shalt  }
0x7d: {  	_ =	shalt  }
0x7e: {  	_ =	shalt  }
0x7f: {  	_ =	shalt  }
0x80: {  	_ =	shalt  }
0x81: {  	_ =	shalt  }
0x82: {  	_ =	shalt  }
0x83: {  	_ =	shalt  }
0x84: {  	_ =	shalt  }
0x85: {  	_ =	shalt  }
0x86: {  	_ =	shalt  }
0x87: {  	_ =	shalt  }
.Lfunc_end0:
.L_simem_size_0:
called_computation.3_lowered:
.L_overlay_start_0:
0x88: {  	s2 =	sld [smem:$0x3FD9]  }
0x89: {  	s3 =	sld [smem:$0x3FFE];
	_ =	sdelay $0x1  }
0x8a: {  	s1 =	srdreg.scid  }
0x8b: {  	s0 =	sand.u32 $0x1, s1  }
0x8c: {  	s17 =	sshll.u32 s0, $0xA;
	s2 =	sadd.s32 s3, s2  }
0x8d: {  	s2 =	sadd.s32 s2, s17  }
0x8e: {  	[smem:$0x3FB4] =	sst s2  }
0x8f: {  	_ = 	snop  }
0x90: {  	(tm) =	ssettm $0x1  }
0x91: {  	s18 =	sld [smem:$0x3FFB];
	_ =	sdelay $0x3  }
0x92: {  	_ =	strace s18  }
0x93: {  	s2 =	sld [smem:$0x3FFC];
	_ =	sdelay $0x3  }
0x94: {  	_ =	strace s2  }
0x95: {  	s2 =	sld [smem:$0x3FFD];
	_ =	sdelay $0x3  }
0x96: {  	_ =	strace s2  }
0x97: {  	_ =	strace $0x8FFFFFFF  }
0x98: {  	s19 =	sld [smem:$0x3FDB];
	_ =	sdelay $0x1  }
0x99: {  	s20 =	simm.s32 $_scs_section_size  }
0x9a: {  	s4 =	simm.s32 $_size__tile_overlayer_lowered;
	s5 =	simm.s32 $_tile_overlayer_lowered  }
0x9b: {  	s6 =	simm.s32 $0x1BFF;
	s21 =	sshll.u32 s5, $0x1;
	s3 =	sadd.s32 s20, s19  }
0x9c: {  	s22 =	simm.s32 $0x0;
	s4 =	sshll.u32 s4, $0x1;
	s5 =	sadd.s32 s21, s3  }
0x9d: {  	[timem:s22], [sflag:s6] =	dma.local [hbm:s5], s4  }
0x9e: {  	_ =	swait.ge [sflag:s6], s4  }
0x9f: {  	s4 =	ssub.s32 $0x0, s4;
	[sflag:s6] =	ssyncset.done $0x0  }
0xa0: {  	[sflag:s6] =	ssyncadd.s32 s4;
	_ =	sdelay $0x1  }
0xa1: {  	s23 =	simm.s32 $0x1B8B  }
0xa2: {  	_ =	swait.ge [sflag:s23], $0x1  }
0xa3: {  	[sflag:s23] =	ssyncset.done $0x0  }
0xa4: {  	[sflag:s23] =	ssyncadd.s32 $0xFFFFFFFF  }
0xa5: {  	s4 =	sld [smem:$0x0]  }
0xa6: {  	s5 =	sand.u32 $0xFFFFFFFE, s1  }
0xa7: {  	p0 =	sne.s32 s1, s5  }
0xa8: {  	s5 =	sshll.u32 @p0 s5, $0xE  }
0xa9: {  	s5 =	sadd.s32 @p0 $0x11B8D, s5;
	s6 =	sshll.u32 @p0 s4, $0x11  }
0xaa: {  	s5 =	sor.u32 @p0 s6, s5  }
0xab: {  	[sflag:s5] =	ssyncadd.remote.s32 @p0 $0x1;
	_ =	sdelay $0x1  }
0xac: {  	s5 =	simm.s32 @p0 $0x1B8D  }
0xad: {  	_ =	swait.eq @p0 [sflag:s5], $0x1  }
0xae: {  	[sflag:s5] =	ssyncadd.s32 @p0 $0xFFFFFFFF  }
0xaf: {  	s6 =	sshll.u32 @!p0 s1, $0xE  }
0xb0: {  	s6 =	sor.u32 @!p0 $0x4000, s6;
	s5 =	simm.s32 @!p0 $0x1B8D  }
0xb1: {  	s7 =	sshll.u32 @!p0 s4, $0x11;
	s6 =	sadd.s32 @!p0 $0x11B8D, s6;
	_ =	swait.eq @!p0 [sflag:s5], $0x1  }
0xb2: {  	[sflag:s5] =	ssyncadd.s32 @!p0 $0xFFFFFFFF;
	s5 =	sor.u32 @!p0 s7, s6  }
0xb3: {  	s25 =	simm.s32 $0x1B8E;
	s24 =	sld [smem:$0x3FFE];
	[sflag:s5] =	ssyncadd.remote.s32 @!p0 $0x1  }
0xb4: {  	s26 =	simm.s32 $execute0_lowered;
	[smem:$0x3FD2] =	sst s25  }
0xb5: {  	s6 =	sshll.u32 s26, $0x1;
	_ =	strace $0x8000005B;
	[dreg:$0x1] =	wrdreg $0xFFFFFFFF  }
0xb6: {  	s28 =	simm.s32 $_size_execute0_lowered;
	s3 =	sadd.s32 s3, s6;
	[dreg:$0x0] =	wrdreg $0x0  }
0xb7: {  	s6 =	sshll.u32 s28, $0x1;
	[dreg:$0x2] =	wrdreg s3  }
0xb8: {  	[dreg:$0x3] =	wrdreg s6  }
0xb9: {  	[dreg:$0x4] =	wrdreg $0xC0  }
0xba: {  	_ =	task [dreg:s22], $0x5FFFF  }
0xbb: {  	[dreg:$0x1] =	wrdreg $0xFFFFFFFF  }
0xbc: {  	[dreg:$0x0] =	wrdreg $0x60  }
0xbd: {  	[dreg:$0x2] =	wrdreg s24  }
0xbe: {  	[dreg:$0x3] =	wrdreg s1  }
0xbf: {  	[dreg:$0x4] =	wrdreg s4  }
0xc0: {  	[dreg:$0x5] =	wrdreg $0xA  }
0xc1: {  	_ =	task.clear_ibuf [dreg:s22], $0x6FFFF;
	_ =	strace $0x9000005B  }
0xc2: {  	s29 =	simm.s32 $0xA;
	_ =	strace $0x8000005D  }
0xc3: {  	_ =	swait.ge [sflag:s29], $0x1  }
0xc4: {  	[sflag:s29] =	ssyncadd.s32 $0xFFFFFFFF  }
0xc5: {  	_ =	strace $0x9000005D  }
0xc6: {  	_ =	sfence  }
0xc7: {  	s30 =	sld [smem:$0x0];
	_ =	sdelay $0x2  }
0xc8: {  	s31 =	sshll.u32 s1, $0xD;
	s1 =	sshrl.u32 s1, $0x2  }
0xc9: {  	s4 =	sand.u32 $0x4000, s31;
	s1 =	sadd.s32 s1, s30  }
0xca: {  	s0 =	sor.u32 s4, s0;
	s1 =	sshll.u32 s1, $0x11  }
0xcb: {  	s0 =	sor.u32 s1, s0  }
0xcc: {  	s0 =	sadd.s32 $0x8F2B, s0  }
0xcd: {  	[sflag:s0] =	ssyncadd.remote.s32 $0x1  }
0xce: {  	_ =	sfence.sel $0xFFFF  }
0xcf: {  	[dreg:$0x0] =	wrdreg $0xFFFFFFFF;
	(pc) =	sbr.abs _section_cstart, $3  }
0xd0: {  	[dreg:$0x1] =	wrdreg $0xFFFFFFFF  }
0xd1: {  	_ =	task.clear_ibuf [dreg:s22], $0x2FFFF;
	_ =	strace $0x9FFFFFFF  }
0xd2: {  	(tm) =	ssettm $0x7FFFFFFF  }
0xd3: {  	_ =	shalt  }
tec
execute0_lowered:
.L_overlay_start_1:
0x0: {  	(tag) =	ssettag $0x1  }
0x1: {  	s7 =	rddreg [dreg:$0x0]  }
0x2: {  	s2 =	rddreg [dreg:$0x1];
	_ =	strace $0x8000005C;
	s3 =	simm.s32 $0x1  }
0x3: {  	v0 =	vimm.s32 $0x0;
	[sflag:s3] =	ssyncpa.u1 $0x0  }
0x4: {  	[tilespmem:$0x48] =	vst v0  }
0x5: {  	[tilespmem:$0x58] =	vst v0  }
0x6: {  	[tilespmem:$0x68] =	vst v0  }
0x7: {  	[tilespmem:$0x78] =	vst v0  }
0x8: {  	[tilespmem:$0x88] =	vst v0  }
0x9: {  	[tilespmem:$0x98] =	vst v0  }
0xa: {  	[tilespmem:$0xA8] =	vst v0  }
0xb: {  	[tilespmem:$0xB8] =	vst v0  }
0xc: {  	[tilespmem:$0xC8] =	vst v0  }
0xd: {  	[tilespmem:$0xD8] =	vst v0  }
0xe: {  	[tilespmem:$0xE8] =	vst v0  }
0xf: {  	[tilespmem:$0xF8] =	vst v0  }
0x10: {  	[tilespmem:$0x108] =	vst v0  }
0x11: {  	[tilespmem:$0x118] =	vst v0  }
0x12: {  	[tilespmem:$0x128] =	vst v0  }
0x13: {  	[tilespmem:$0x138] =	vst v0  }
0x14: {  	[tilespmem:$0x148] =	vst v0  }
0x15: {  	[tilespmem:$0x158] =	vst v0  }
0x16: {  	[tilespmem:$0x168] =	vst v0  }
0x17: {  	[tilespmem:$0x178] =	vst v0  }
0x18: {  	[tilespmem:$0x188] =	vst v0  }
0x19: {  	[tilespmem:$0x198] =	vst v0  }
0x1a: {  	[tilespmem:$0x1A8] =	vst v0  }
0x1b: {  	[tilespmem:$0x1B8] =	vst v0  }
0x1c: {  	[tilespmem:$0x1C8] =	vst v0  }
0x1d: {  	[tilespmem:$0x1D8] =	vst v0  }
0x1e: {  	[tilespmem:$0x1E8] =	vst v0  }
0x1f: {  	[tilespmem:$0x1F8] =	vst v0  }
0x20: {  	[tilespmem:$0x208] =	vst v0  }
0x21: {  	[tilespmem:$0x218] =	vst v0  }
0x22: {  	[tilespmem:$0x228] =	vst v0  }
0x23: {  	[tilespmem:$0x238] =	vst v0  }
0x24: {  	[tilespmem:$0x248] =	vst v0  }
0x25: {  	[tilespmem:$0x258] =	vst v0  }
0x26: {  	[tilespmem:$0x268] =	vst v0  }
0x27: {  	[tilespmem:$0x278] =	vst v0  }
0x28: {  	[tilespmem:$0x288] =	vst v0  }
0x29: {  	[tilespmem:$0x298] =	vst v0  }
0x2a: {  	[tilespmem:$0x2A8] =	vst v0  }
0x2b: {  	[tilespmem:$0x2B8] =	vst v0  }
0x2c: {  	[tilespmem:$0x2C8] =	vst v0  }
0x2d: {  	[tilespmem:$0x2D8] =	vst v0  }
0x2e: {  	[tilespmem:$0x2E8] =	vst v0  }
0x2f: {  	[tilespmem:$0x2F8] =	vst v0  }
0x30: {  	[tilespmem:$0x308] =	vst v0  }
0x31: {  	[tilespmem:$0x318] =	vst v0  }
0x32: {  	[tilespmem:$0x328] =	vst v0  }
0x33: {  	[tilespmem:$0x338] =	vst v0  }
0x34: {  	[tilespmem:$0x348] =	vst v0  }
0x35: {  	[tilespmem:$0x358] =	vst v0  }
0x36: {  	[tilespmem:$0x368] =	vst v0  }
0x37: {  	[tilespmem:$0x378] =	vst v0  }
0x38: {  	[tilespmem:$0x388] =	vst v0  }
0x39: {  	[tilespmem:$0x398] =	vst v0  }
0x3a: {  	[tilespmem:$0x3A8] =	vst v0  }
0x3b: {  	[tilespmem:$0x3B8] =	vst v0  }
0x3c: {  	[tilespmem:$0x3C8] =	vst v0  }
0x3d: {  	[tilespmem:$0x3D8] =	vst v0  }
0x3e: {  	[tilespmem:$0x3E8] =	vst v0  }
0x3f: {  	[tilespmem:$0x3F8] =	vst v0  }
0x40: {  	[tilespmem:$0x408] =	vst v0  }
0x41: {  	[tilespmem:$0x418] =	vst v0  }
0x42: {  	[tilespmem:$0x428] =	vst v0  }
0x43: {  	[tilespmem:$0x438] =	vst v0  }
0x44: {  	[tilespmem:$0x448] =	vst v0  }
0x45: {  	[tilespmem:$0x458] =	vst v0  }
0x46: {  	[tilespmem:$0x468] =	vst v0  }
0x47: {  	[tilespmem:$0x478] =	vst v0  }
0x48: {  	[tilespmem:$0x488] =	vst v0  }
0x49: {  	[tilespmem:$0x498] =	vst v0  }
0x4a: {  	[tilespmem:$0x4A8] =	vst v0  }
0x4b: {  	[tilespmem:$0x4B8] =	vst v0  }
0x4c: {  	[tilespmem:$0x4C8] =	vst v0  }
0x4d: {  	[tilespmem:$0x4D8] =	vst v0  }
0x4e: {  	[tilespmem:$0x4E8] =	vst v0  }
0x4f: {  	[tilespmem:$0x4F8] =	vst v0  }
0x50: {  	[tilespmem:$0x508] =	vst v0  }
0x51: {  	[tilespmem:$0x518] =	vst v0  }
0x52: {  	[tilespmem:$0x528] =	vst v0  }
0x53: {  	[tilespmem:$0x538] =	vst v0  }
0x54: {  	[tilespmem:$0x548] =	vst v0  }
0x55: {  	[tilespmem:$0x558] =	vst v0  }
0x56: {  	[tilespmem:$0x568] =	vst v0  }
0x57: {  	[tilespmem:$0x578] =	vst v0  }
0x58: {  	[tilespmem:$0x588] =	vst v0  }
0x59: {  	[tilespmem:$0x598] =	vst v0  }
0x5a: {  	[tilespmem:$0x5A8] =	vst v0  }
0x5b: {  	[tilespmem:$0x5B8] =	vst v0  }
0x5c: {  	[tilespmem:$0x5C8] =	vst v0  }
0x5d: {  	[tilespmem:$0x5D8] =	vst v0  }
0x5e: {  	[tilespmem:$0x5E8] =	vst v0  }
0x5f: {  	[tilespmem:$0x5F8] =	vst v0  }
0x60: {  	[tilespmem:$0x608] =	vst v0  }
0x61: {  	[tilespmem:$0x618] =	vst v0  }
0x62: {  	[tilespmem:$0x628] =	vst v0  }
0x63: {  	[tilespmem:$0x638] =	vst v0  }
0x64: {  	[tilespmem:$0x648] =	vst v0  }
0x65: {  	[tilespmem:$0x658] =	vst v0  }
0x66: {  	[tilespmem:$0x668] =	vst v0  }
0x67: {  	[tilespmem:$0x678] =	vst v0  }
0x68: {  	[tilespmem:$0x688] =	vst v0  }
0x69: {  	[tilespmem:$0x698] =	vst v0  }
0x6a: {  	[tilespmem:$0x6A8] =	vst v0  }
0x6b: {  	[tilespmem:$0x6B8] =	vst v0  }
0x6c: {  	[tilespmem:$0x6C8] =	vst v0  }
0x6d: {  	[tilespmem:$0x6D8] =	vst v0  }
0x6e: {  	[tilespmem:$0x6E8] =	vst v0  }
0x6f: {  	[tilespmem:$0x6F8] =	vst v0  }
0x70: {  	[tilespmem:$0x708] =	vst v0  }
0x71: {  	[tilespmem:$0x718] =	vst v0  }
0x72: {  	[tilespmem:$0x728] =	vst v0  }
0x73: {  	[tilespmem:$0x738] =	vst v0  }
0x74: {  	[tilespmem:$0x748] =	vst v0  }
0x75: {  	[tilespmem:$0x758] =	vst v0  }
0x76: {  	[tilespmem:$0x768] =	vst v0  }
0x77: {  	[tilespmem:$0x778] =	vst v0  }
0x78: {  	[tilespmem:$0x788] =	vst v0  }
0x79: {  	[tilespmem:$0x798] =	vst v0  }
0x7a: {  	[tilespmem:$0x7A8] =	vst v0  }
0x7b: {  	[tilespmem:$0x7B8] =	vst v0  }
0x7c: {  	[tilespmem:$0x7C8] =	vst v0  }
0x7d: {  	[tilespmem:$0x7D8] =	vst v0  }
0x7e: {  	[tilespmem:$0x7E8] =	vst v0  }
0x7f: {  	[tilespmem:$0x7F8] =	vst v0  }
0x80: {  	[tilespmem:$0x808] =	vst v0  }
0x81: {  	[tilespmem:$0x818] =	vst v0  }
0x82: {  	[tilespmem:$0x828] =	vst v0  }
0x83: {  	[tilespmem:$0x838] =	vst v0  }
0x84: {  	[tilespmem:$0x848] =	vst v0  }
0x85: {  	[tilespmem:$0x858] =	vst v0  }
0x86: {  	[tilespmem:$0x868] =	vst v0  }
0x87: {  	[tilespmem:$0x878] =	vst v0  }
0x88: {  	[tilespmem:$0x888] =	vst v0  }
0x89: {  	[tilespmem:$0x898] =	vst v0  }
0x8a: {  	[tilespmem:$0x8A8] =	vst v0  }
0x8b: {  	[tilespmem:$0x8B8] =	vst v0  }
0x8c: {  	[tilespmem:$0x8C8] =	vst v0  }
0x8d: {  	[tilespmem:$0x8D8] =	vst v0  }
0x8e: {  	[tilespmem:$0x8E8] =	vst v0  }
0x8f: {  	[tilespmem:$0x8F8] =	vst v0  }
0x90: {  	[tilespmem:$0x908] =	vst v0  }
0x91: {  	[tilespmem:$0x918] =	vst v0  }
0x92: {  	[tilespmem:$0x928] =	vst v0  }
0x93: {  	[tilespmem:$0x938] =	vst v0  }
0x94: {  	[tilespmem:$0x948] =	vst v0  }
0x95: {  	[tilespmem:$0x958] =	vst v0  }
0x96: {  	[tilespmem:$0x968] =	vst v0  }
0x97: {  	[tilespmem:$0x978] =	vst v0  }
0x98: {  	[tilespmem:$0x988] =	vst v0  }
0x99: {  	[tilespmem:$0x998] =	vst v0  }
0x9a: {  	[tilespmem:$0x9A8] =	vst v0  }
0x9b: {  	[tilespmem:$0x9B8] =	vst v0  }
0x9c: {  	[tilespmem:$0x9C8] =	vst v0  }
0x9d: {  	[tilespmem:$0x9D8] =	vst v0  }
0x9e: {  	[tilespmem:$0x9E8] =	vst v0  }
0x9f: {  	[tilespmem:$0x9F8] =	vst v0  }
0xa0: {  	[tilespmem:$0xA08] =	vst v0  }
0xa1: {  	[tilespmem:$0xA18] =	vst v0  }
0xa2: {  	[tilespmem:$0xA28] =	vst v0  }
0xa3: {  	[tilespmem:$0xA38] =	vst v0  }
0xa4: {  	[tilespmem:$0xA48] =	vst v0  }
0xa5: {  	[tilespmem:$0xA58] =	vst v0  }
0xa6: {  	[tilespmem:$0xA68] =	vst v0  }
0xa7: {  	[tilespmem:$0xA78] =	vst v0  }
0xa8: {  	[tilespmem:$0xA88] =	vst v0  }
0xa9: {  	[tilespmem:$0xA98] =	vst v0  }
0xaa: {  	[tilespmem:$0xAA8] =	vst v0  }
0xab: {  	[tilespmem:$0xAB8] =	vst v0  }
0xac: {  	[tilespmem:$0xAC8] =	vst v0  }
0xad: {  	[tilespmem:$0xAD8] =	vst v0  }
0xae: {  	[tilespmem:$0xAE8] =	vst v0  }
0xaf: {  	[tilespmem:$0xAF8] =	vst v0  }
0xb0: {  	[tilespmem:$0xB08] =	vst v0  }
0xb1: {  	[tilespmem:$0xB18] =	vst v0  }
0xb2: {  	[tilespmem:$0xB28] =	vst v0  }
0xb3: {  	[tilespmem:$0xB38] =	vst v0  }
0xb4: {  	[tilespmem:$0xB48] =	vst v0  }
0xb5: {  	[tilespmem:$0xB58] =	vst v0  }
0xb6: {  	[tilespmem:$0xB68] =	vst v0  }
0xb7: {  	[tilespmem:$0xB78] =	vst v0  }
0xb8: {  	[tilespmem:$0xB88] =	vst v0  }
0xb9: {  	[tilespmem:$0xB98] =	vst v0  }
0xba: {  	[tilespmem:$0xBA8] =	vst v0  }
0xbb: {  	[tilespmem:$0xBB8] =	vst v0  }
0xbc: {  	[tilespmem:$0xBC8] =	vst v0  }
0xbd: {  	[tilespmem:$0xBD8] =	vst v0  }
0xbe: {  	[tilespmem:$0xBE8] =	vst v0  }
0xbf: {  	[tilespmem:$0xBF8] =	vst v0  }
0xc0: {  	[tilespmem:$0xC08] =	vst v0  }
0xc1: {  	[tilespmem:$0xC18] =	vst v0  }
0xc2: {  	[tilespmem:$0xC28] =	vst v0  }
0xc3: {  	[tilespmem:$0xC38] =	vst v0  }
0xc4: {  	[tilespmem:$0xC48] =	vst v0  }
0xc5: {  	[tilespmem:$0xC58] =	vst v0  }
0xc6: {  	[tilespmem:$0xC68] =	vst v0  }
0xc7: {  	[tilespmem:$0xC78] =	vst v0  }
0xc8: {  	[tilespmem:$0xC88] =	vst v0  }
0xc9: {  	[tilespmem:$0xC98] =	vst v0  }
0xca: {  	[tilespmem:$0xCA8] =	vst v0  }
0xcb: {  	[tilespmem:$0xCB8] =	vst v0  }
0xcc: {  	[tilespmem:$0xCC8] =	vst v0  }
0xcd: {  	[tilespmem:$0xCD8] =	vst v0  }
0xce: {  	[tilespmem:$0xCE8] =	vst v0  }
0xcf: {  	[tilespmem:$0xCF8] =	vst v0  }
0xd0: {  	[tilespmem:$0xD08] =	vst v0  }
0xd1: {  	[tilespmem:$0xD18] =	vst v0  }
0xd2: {  	[tilespmem:$0xD28] =	vst v0  }
0xd3: {  	[tilespmem:$0xD38] =	vst v0  }
0xd4: {  	[tilespmem:$0xD48] =	vst v0  }
0xd5: {  	[tilespmem:$0xD58] =	vst v0  }
0xd6: {  	[tilespmem:$0xD68] =	vst v0  }
0xd7: {  	[tilespmem:$0xD78] =	vst v0  }
0xd8: {  	[tilespmem:$0xD88] =	vst v0  }
0xd9: {  	[tilespmem:$0xD98] =	vst v0  }
0xda: {  	[tilespmem:$0xDA8] =	vst v0  }
0xdb: {  	[tilespmem:$0xDB8] =	vst v0  }
0xdc: {  	[tilespmem:$0xDC8] =	vst v0  }
0xdd: {  	[tilespmem:$0xDD8] =	vst v0  }
0xde: {  	[tilespmem:$0xDE8] =	vst v0  }
0xdf: {  	[tilespmem:$0xDF8] =	vst v0  }
0xe0: {  	[tilespmem:$0xE08] =	vst v0  }
0xe1: {  	[tilespmem:$0xE18] =	vst v0  }
0xe2: {  	[tilespmem:$0xE28] =	vst v0  }
0xe3: {  	[tilespmem:$0xE38] =	vst v0  }
0xe4: {  	[tilespmem:$0xE48] =	vst v0  }
0xe5: {  	[tilespmem:$0xE58] =	vst v0  }
0xe6: {  	[tilespmem:$0xE68] =	vst v0  }
0xe7: {  	[tilespmem:$0xE78] =	vst v0  }
0xe8: {  	[tilespmem:$0xE88] =	vst v0  }
0xe9: {  	[tilespmem:$0xE98] =	vst v0  }
0xea: {  	[tilespmem:$0xEA8] =	vst v0  }
0xeb: {  	[tilespmem:$0xEB8] =	vst v0  }
0xec: {  	[tilespmem:$0xEC8] =	vst v0  }
0xed: {  	[tilespmem:$0xED8] =	vst v0  }
0xee: {  	[tilespmem:$0xEE8] =	vst v0  }
0xef: {  	[tilespmem:$0xEF8] =	vst v0  }
0xf0: {  	[tilespmem:$0xF08] =	vst v0  }
0xf1: {  	[tilespmem:$0xF18] =	vst v0  }
0xf2: {  	[tilespmem:$0xF28] =	vst v0  }
0xf3: {  	[tilespmem:$0xF38] =	vst v0  }
0xf4: {  	[tilespmem:$0xF48] =	vst v0  }
0xf5: {  	[tilespmem:$0xF58] =	vst v0  }
0xf6: {  	[tilespmem:$0xF68] =	vst v0  }
0xf7: {  	[tilespmem:$0xF78] =	vst v0  }
0xf8: {  	[tilespmem:$0xF88] =	vst v0  }
0xf9: {  	[tilespmem:$0xF98] =	vst v0  }
0xfa: {  	[tilespmem:$0xFA8] =	vst v0  }
0xfb: {  	[tilespmem:$0xFB8] =	vst v0  }
0xfc: {  	[tilespmem:$0xFC8] =	vst v0  }
0xfd: {  	[tilespmem:$0xFD8] =	vst v0  }
0xfe: {  	[tilespmem:$0xFE8] =	vst v0  }
0xff: {  	[tilespmem:$0xFF8] =	vst v0  }
0x100: {  	[tilespmem:$0x1008] =	vst v0  }
0x101: {  	[tilespmem:$0x1018] =	vst v0  }
0x102: {  	[tilespmem:$0x1028] =	vst v0  }
0x103: {  	[tilespmem:$0x1168] =	vst v0  }
0x104: {  	[tilespmem:$0x1038] =	vst v0  }
0x105: {  	[tilespmem:$0x1048] =	vst v0  }
0x106: {  	[tilespmem:$0x1058] =	vst v0  }
0x107: {  	[tilespmem:$0x1068] =	vst v0  }
0x108: {  	[tilespmem:$0x1078] =	vst v0  }
0x109: {  	[tilespmem:$0x1088] =	vst v0  }
0x10a: {  	[tilespmem:$0x1098] =	vst v0  }
0x10b: {  	[tilespmem:$0x10A8] =	vst v0  }
0x10c: {  	[tilespmem:$0x10B8] =	vst v0  }
0x10d: {  	[tilespmem:$0x10C8] =	vst v0  }
0x10e: {  	[tilespmem:$0x10D8] =	vst v0  }
0x10f: {  	[tilespmem:$0x10E8] =	vst v0  }
0x110: {  	[tilespmem:$0x10F8] =	vst v0  }
0x111: {  	[tilespmem:$0x1108] =	vst v0  }
0x112: {  	[tilespmem:$0x1118] =	vst v0  }
0x113: {  	[tilespmem:$0x1128] =	vst v0  }
0x114: {  	[tilespmem:$0x1138] =	vst v0  }
0x115: {  	[tilespmem:$0x1148] =	vst v0  }
0x116: {  	[tilespmem:$0x1158] =	vst v0  }
0x117: {  	[tilespmem:$0x1178] =	vst v0  }
0x118: {  	[tilespmem:$0x1188] =	vst v0  }
0x119: {  	[tilespmem:$0x1198] =	vst v0  }
0x11a: {  	[tilespmem:$0x11A8] =	vst v0  }
0x11b: {  	[tilespmem:$0x11B8] =	vst v0  }
0x11c: {  	[tilespmem:$0x11C8] =	vst v0  }
0x11d: {  	[tilespmem:$0x11D8] =	vst v0  }
0x11e: {  	[tilespmem:$0x11E8] =	vst v0  }
0x11f: {  	[tilespmem:$0x11F8] =	vst v0  }
0x120: {  	[tilespmem:$0x1208] =	vst v0  }
0x121: {  	[tilespmem:$0x1218] =	vst v0  }
0x122: {  	[tilespmem:$0x1228] =	vst v0  }
0x123: {  	[tilespmem:$0x1238] =	vst v0  }
0x124: {  	[tilespmem:$0x1248] =	vst v0  }
0x125: {  	[tilespmem:$0x1258] =	vst v0  }
0x126: {  	[tilespmem:$0x1268] =	vst v0  }
0x127: {  	[tilespmem:$0x1278] =	vst v0  }
0x128: {  	[tilespmem:$0x1288] =	vst v0  }
0x129: {  	[tilespmem:$0x1298] =	vst v0  }
0x12a: {  	[tilespmem:$0x12A8] =	vst v0  }
0x12b: {  	[tilespmem:$0x12B8] =	vst v0  }
0x12c: {  	[tilespmem:$0x12C8] =	vst v0  }
0x12d: {  	[tilespmem:$0x12D8] =	vst v0  }
0x12e: {  	[tilespmem:$0x12E8] =	vst v0  }
0x12f: {  	[tilespmem:$0x12F8] =	vst v0  }
0x130: {  	[tilespmem:$0x1308] =	vst v0  }
0x131: {  	[tilespmem:$0x1318] =	vst v0  }
0x132: {  	[tilespmem:$0x1328] =	vst v0  }
0x133: {  	[tilespmem:$0x1338] =	vst v0  }
0x134: {  	[tilespmem:$0x1348] =	vst v0  }
0x135: {  	[tilespmem:$0x1358] =	vst v0  }
0x136: {  	[tilespmem:$0x1368] =	vst v0  }
0x137: {  	[tilespmem:$0x1378] =	vst v0  }
0x138: {  	[tilespmem:$0x1388] =	vst v0  }
0x139: {  	[tilespmem:$0x1398] =	vst v0  }
0x13a: {  	[tilespmem:$0x13A8] =	vst v0  }
0x13b: {  	[tilespmem:$0x13B8] =	vst v0  }
0x13c: {  	[tilespmem:$0x13C8] =	vst v0  }
0x13d: {  	[tilespmem:$0x13D8] =	vst v0  }
0x13e: {  	[tilespmem:$0x13E8] =	vst v0  }
0x13f: {  	[tilespmem:$0x13F8] =	vst v0  }
0x140: {  	[tilespmem:$0x1408] =	vst v0  }
0x141: {  	[tilespmem:$0x1418] =	vst v0  }
0x142: {  	[tilespmem:$0x1428] =	vst v0  }
0x143: {  	[tilespmem:$0x1438] =	vst v0  }
0x144: {  	[tilespmem:$0x1448] =	vst v0  }
0x145: {  	[tilespmem:$0x1458] =	vst v0  }
0x146: {  	[tilespmem:$0x1468] =	vst v0  }
0x147: {  	[tilespmem:$0x1478] =	vst v0  }
0x148: {  	[tilespmem:$0x1488] =	vst v0  }
0x149: {  	[tilespmem:$0x1498] =	vst v0  }
0x14a: {  	[tilespmem:$0x14A8] =	vst v0  }
0x14b: {  	[tilespmem:$0x14B8] =	vst v0  }
0x14c: {  	[tilespmem:$0x14C8] =	vst v0  }
0x14d: {  	[tilespmem:$0x14D8] =	vst v0  }
0x14e: {  	[tilespmem:$0x14E8] =	vst v0  }
0x14f: {  	[tilespmem:$0x14F8] =	vst v0  }
0x150: {  	[tilespmem:$0x1508] =	vst v0  }
0x151: {  	[tilespmem:$0x1518] =	vst v0  }
0x152: {  	[tilespmem:$0x1528] =	vst v0  }
0x153: {  	[tilespmem:$0x1538] =	vst v0  }
0x154: {  	[tilespmem:$0x1548] =	vst v0  }
0x155: {  	[tilespmem:$0x1558] =	vst v0  }
0x156: {  	[tilespmem:$0x1568] =	vst v0  }
0x157: {  	[tilespmem:$0x1578] =	vst v0  }
0x158: {  	[tilespmem:$0x1588] =	vst v0  }
0x159: {  	[tilespmem:$0x1598] =	vst v0  }
0x15a: {  	[tilespmem:$0x15A8] =	vst v0  }
0x15b: {  	[tilespmem:$0x15B8] =	vst v0  }
0x15c: {  	[tilespmem:$0x15C8] =	vst v0  }
0x15d: {  	[tilespmem:$0x15D8] =	vst v0  }
0x15e: {  	[tilespmem:$0x15E8] =	vst v0  }
0x15f: {  	[tilespmem:$0x15F8] =	vst v0  }
0x160: {  	[tilespmem:$0x1608] =	vst v0  }
0x161: {  	[tilespmem:$0x1618] =	vst v0  }
0x162: {  	[tilespmem:$0x1628] =	vst v0  }
0x163: {  	[tilespmem:$0x1638] =	vst v0  }
0x164: {  	[tilespmem:$0x1648] =	vst v0  }
0x165: {  	[tilespmem:$0x1658] =	vst v0  }
0x166: {  	[tilespmem:$0x1668] =	vst v0  }
0x167: {  	[tilespmem:$0x1678] =	vst v0  }
0x168: {  	[tilespmem:$0x1688] =	vst v0  }
0x169: {  	[tilespmem:$0x1698] =	vst v0  }
0x16a: {  	[tilespmem:$0x16A8] =	vst v0  }
0x16b: {  	[tilespmem:$0x16B8] =	vst v0  }
0x16c: {  	[tilespmem:$0x16C8] =	vst v0  }
0x16d: {  	[tilespmem:$0x16D8] =	vst v0  }
0x16e: {  	[tilespmem:$0x16E8] =	vst v0  }
0x16f: {  	[tilespmem:$0x16F8] =	vst v0  }
0x170: {  	[tilespmem:$0x1708] =	vst v0  }
0x171: {  	[tilespmem:$0x1718] =	vst v0  }
0x172: {  	[tilespmem:$0x1728] =	vst v0  }
0x173: {  	[tilespmem:$0x1738] =	vst v0  }
0x174: {  	[tilespmem:$0x1748] =	vst v0  }
0x175: {  	[tilespmem:$0x1758] =	vst v0  }
0x176: {  	[tilespmem:$0x1768] =	vst v0  }
0x177: {  	[tilespmem:$0x1778] =	vst v0  }
0x178: {  	[tilespmem:$0x1788] =	vst v0  }
0x179: {  	[tilespmem:$0x1798] =	vst v0  }
0x17a: {  	[tilespmem:$0x17A8] =	vst v0  }
0x17b: {  	[tilespmem:$0x17B8] =	vst v0  }
0x17c: {  	[tilespmem:$0x17C8] =	vst v0  }
0x17d: {  	[tilespmem:$0x17D8] =	vst v0  }
0x17e: {  	[tilespmem:$0x17E8] =	vst v0  }
0x17f: {  	[tilespmem:$0x17F8] =	vst v0  }
0x180: {  	[tilespmem:$0x1808] =	vst v0  }
0x181: {  	[tilespmem:$0x1818] =	vst v0  }
0x182: {  	[tilespmem:$0x1828] =	vst v0  }
0x183: {  	[tilespmem:$0x1838] =	vst v0  }
0x184: {  	[tilespmem:$0x1848] =	vst v0  }
0x185: {  	[tilespmem:$0x1858] =	vst v0  }
0x186: {  	[tilespmem:$0x1868] =	vst v0  }
0x187: {  	[tilespmem:$0x1878] =	vst v0  }
0x188: {  	[tilespmem:$0x1888] =	vst v0  }
0x189: {  	[tilespmem:$0x1898] =	vst v0  }
0x18a: {  	[tilespmem:$0x18A8] =	vst v0  }
0x18b: {  	[tilespmem:$0x18B8] =	vst v0  }
0x18c: {  	[tilespmem:$0x18C8] =	vst v0  }
0x18d: {  	[tilespmem:$0x18D8] =	vst v0  }
0x18e: {  	[tilespmem:$0x18E8] =	vst v0  }
0x18f: {  	[tilespmem:$0x18F8] =	vst v0  }
0x190: {  	[tilespmem:$0x1908] =	vst v0  }
0x191: {  	[tilespmem:$0x1918] =	vst v0  }
0x192: {  	[tilespmem:$0x1928] =	vst v0  }
0x193: {  	[tilespmem:$0x1938] =	vst v0  }
0x194: {  	[tilespmem:$0x1948] =	vst v0  }
0x195: {  	[tilespmem:$0x1958] =	vst v0  }
0x196: {  	[tilespmem:$0x1968] =	vst v0  }
0x197: {  	[tilespmem:$0x1978] =	vst v0  }
0x198: {  	[tilespmem:$0x1988] =	vst v0  }
0x199: {  	[tilespmem:$0x1998] =	vst v0  }
0x19a: {  	[tilespmem:$0x19A8] =	vst v0  }
0x19b: {  	[tilespmem:$0x19B8] =	vst v0  }
0x19c: {  	[tilespmem:$0x19C8] =	vst v0  }
0x19d: {  	[tilespmem:$0x19D8] =	vst v0  }
0x19e: {  	[tilespmem:$0x19E8] =	vst v0  }
0x19f: {  	[tilespmem:$0x19F8] =	vst v0  }
0x1a0: {  	[tilespmem:$0x1A08] =	vst v0  }
0x1a1: {  	[tilespmem:$0x1A18] =	vst v0  }
0x1a2: {  	[tilespmem:$0x1A28] =	vst v0  }
0x1a3: {  	[tilespmem:$0x1A38] =	vst v0  }
0x1a4: {  	[tilespmem:$0x1A48] =	vst v0  }
0x1a5: {  	[tilespmem:$0x1A58] =	vst v0  }
0x1a6: {  	[tilespmem:$0x1A68] =	vst v0  }
0x1a7: {  	[tilespmem:$0x1A78] =	vst v0  }
0x1a8: {  	[tilespmem:$0x1A88] =	vst v0  }
0x1a9: {  	[tilespmem:$0x1A98] =	vst v0  }
0x1aa: {  	[tilespmem:$0x1AA8] =	vst v0  }
0x1ab: {  	[tilespmem:$0x1AB8] =	vst v0  }
0x1ac: {  	[tilespmem:$0x1AC8] =	vst v0  }
0x1ad: {  	[tilespmem:$0x1AD8] =	vst v0  }
0x1ae: {  	[tilespmem:$0x1AE8] =	vst v0  }
0x1af: {  	[tilespmem:$0x1AF8] =	vst v0  }
0x1b0: {  	[tilespmem:$0x1B08] =	vst v0  }
0x1b1: {  	[tilespmem:$0x1B18] =	vst v0  }
0x1b2: {  	[tilespmem:$0x1B28] =	vst v0  }
0x1b3: {  	[tilespmem:$0x1B38] =	vst v0  }
0x1b4: {  	[tilespmem:$0x1B48] =	vst v0  }
0x1b5: {  	[tilespmem:$0x1B58] =	vst v0  }
0x1b6: {  	[tilespmem:$0x1B68] =	vst v0  }
0x1b7: {  	[tilespmem:$0x1B78] =	vst v0  }
0x1b8: {  	[tilespmem:$0x1B88] =	vst v0  }
0x1b9: {  	[tilespmem:$0x1B98] =	vst v0  }
0x1ba: {  	[tilespmem:$0x1BA8] =	vst v0  }
0x1bb: {  	[tilespmem:$0x1BB8] =	vst v0  }
0x1bc: {  	[tilespmem:$0x1BC8] =	vst v0  }
0x1bd: {  	[tilespmem:$0x1BD8] =	vst v0  }
0x1be: {  	[tilespmem:$0x1BE8] =	vst v0  }
0x1bf: {  	[tilespmem:$0x1BF8] =	vst v0  }
0x1c0: {  	[tilespmem:$0x1C08] =	vst v0  }
0x1c1: {  	[tilespmem:$0x1C18] =	vst v0  }
0x1c2: {  	[tilespmem:$0x1C28] =	vst v0  }
0x1c3: {  	[tilespmem:$0x1C38] =	vst v0  }
0x1c4: {  	[tilespmem:$0x1C48] =	vst v0  }
0x1c5: {  	[tilespmem:$0x1C58] =	vst v0  }
0x1c6: {  	[tilespmem:$0x1C68] =	vst v0  }
0x1c7: {  	[tilespmem:$0x1C78] =	vst v0  }
0x1c8: {  	[tilespmem:$0x1C88] =	vst v0  }
0x1c9: {  	[tilespmem:$0x1C98] =	vst v0  }
0x1ca: {  	[tilespmem:$0x1CA8] =	vst v0  }
0x1cb: {  	[tilespmem:$0x1CB8] =	vst v0  }
0x1cc: {  	[tilespmem:$0x1CC8] =	vst v0  }
0x1cd: {  	[tilespmem:$0x1CD8] =	vst v0  }
0x1ce: {  	[tilespmem:$0x1CE8] =	vst v0  }
0x1cf: {  	[tilespmem:$0x1CF8] =	vst v0  }
0x1d0: {  	[tilespmem:$0x1D08] =	vst v0  }
0x1d1: {  	[tilespmem:$0x1D18] =	vst v0  }
0x1d2: {  	[tilespmem:$0x1D28] =	vst v0  }
0x1d3: {  	[tilespmem:$0x1D38] =	vst v0  }
0x1d4: {  	[tilespmem:$0x1D48] =	vst v0  }
0x1d5: {  	[tilespmem:$0x1D58] =	vst v0  }
0x1d6: {  	[tilespmem:$0x1D68] =	vst v0  }
0x1d7: {  	[tilespmem:$0x1D78] =	vst v0  }
0x1d8: {  	[tilespmem:$0x1D88] =	vst v0  }
0x1d9: {  	[tilespmem:$0x1D98] =	vst v0  }
0x1da: {  	[tilespmem:$0x1DA8] =	vst v0  }
0x1db: {  	[tilespmem:$0x1DB8] =	vst v0  }
0x1dc: {  	[tilespmem:$0x1DC8] =	vst v0  }
0x1dd: {  	[tilespmem:$0x1DD8] =	vst v0  }
0x1de: {  	[tilespmem:$0x1DE8] =	vst v0  }
0x1df: {  	[tilespmem:$0x1DF8] =	vst v0  }
0x1e0: {  	[tilespmem:$0x1E08] =	vst v0  }
0x1e1: {  	[tilespmem:$0x1E18] =	vst v0  }
0x1e2: {  	[tilespmem:$0x1E28] =	vst v0  }
0x1e3: {  	[tilespmem:$0x1E38] =	vst v0  }
0x1e4: {  	[tilespmem:$0x1E48] =	vst v0  }
0x1e5: {  	[tilespmem:$0x1E58] =	vst v0  }
0x1e6: {  	[tilespmem:$0x1E68] =	vst v0  }
0x1e7: {  	[tilespmem:$0x1E78] =	vst v0  }
0x1e8: {  	[tilespmem:$0x1E88] =	vst v0  }
0x1e9: {  	[tilespmem:$0x1E98] =	vst v0  }
0x1ea: {  	[tilespmem:$0x1EA8] =	vst v0  }
0x1eb: {  	[tilespmem:$0x1EB8] =	vst v0  }
0x1ec: {  	[tilespmem:$0x1EC8] =	vst v0  }
0x1ed: {  	[tilespmem:$0x1ED8] =	vst v0  }
0x1ee: {  	[tilespmem:$0x1EE8] =	vst v0  }
0x1ef: {  	[tilespmem:$0x1EF8] =	vst v0  }
0x1f0: {  	[tilespmem:$0x1F08] =	vst v0  }
0x1f1: {  	[tilespmem:$0x1F18] =	vst v0  }
0x1f2: {  	[tilespmem:$0x1F28] =	vst v0  }
0x1f3: {  	[tilespmem:$0x1F38] =	vst v0  }
0x1f4: {  	[tilespmem:$0x1F48] =	vst v0  }
0x1f5: {  	[tilespmem:$0x1F58] =	vst v0  }
0x1f6: {  	[tilespmem:$0x1F68] =	vst v0  }
0x1f7: {  	[tilespmem:$0x1F78] =	vst v0  }
0x1f8: {  	[tilespmem:$0x1F88] =	vst v0  }
0x1f9: {  	[tilespmem:$0x1F98] =	vst v0  }
0x1fa: {  	[tilespmem:$0x1FA8] =	vst v0  }
0x1fb: {  	[tilespmem:$0x1FB8] =	vst v0  }
0x1fc: {  	[tilespmem:$0x1FC8] =	vst v0  }
0x1fd: {  	[tilespmem:$0x1FD8] =	vst v0  }
0x1fe: {  	[tilespmem:$0x1FE8] =	vst v0  }
0x1ff: {  	[tilespmem:$0x1FF8] =	vst v0  }
0x200: {  	[tilespmem:$0x2008] =	vst v0  }
0x201: {  	[tilespmem:$0x2018] =	vst v0  }
0x202: {  	[tilespmem:$0x2028] =	vst v0  }
0x203: {  	[tilespmem:$0x2038] =	vst v0  }
0x204: {  	[tilespmem:$0x2048] =	vst v0  }
0x205: {  	[tilespmem:$0x2058] =	vst v0  }
0x206: {  	[tilespmem:$0x2068] =	vst v0  }
0x207: {  	[tilespmem:$0x2078] =	vst v0  }
0x208: {  	[tilespmem:$0x2088] =	vst v0  }
0x209: {  	[tilespmem:$0x2098] =	vst v0  }
0x20a: {  	[tilespmem:$0x20A8] =	vst v0  }
0x20b: {  	[tilespmem:$0x20B8] =	vst v0  }
0x20c: {  	[tilespmem:$0x20C8] =	vst v0  }
0x20d: {  	[tilespmem:$0x20D8] =	vst v0  }
0x20e: {  	[tilespmem:$0x20E8] =	vst v0  }
0x20f: {  	[tilespmem:$0x20F8] =	vst v0  }
0x210: {  	[tilespmem:$0x2108] =	vst v0  }
0x211: {  	[tilespmem:$0x2118] =	vst v0  }
0x212: {  	[tilespmem:$0x2128] =	vst v0  }
0x213: {  	[tilespmem:$0x2138] =	vst v0  }
0x214: {  	[tilespmem:$0x2148] =	vst v0  }
0x215: {  	[tilespmem:$0x2158] =	vst v0  }
0x216: {  	[tilespmem:$0x2168] =	vst v0  }
0x217: {  	[tilespmem:$0x2218] =	vst v0  }
0x218: {  	[tilespmem:$0x3058] =	vst v0  }
0x219: {  	[tilespmem:$0x3048] =	vst v0  }
0x21a: {  	[tilespmem:$0x3038] =	vst v0  }
0x21b: {  	[tilespmem:$0x3028] =	vst v0  }
0x21c: {  	[tilespmem:$0x3018] =	vst v0  }
0x21d: {  	[tilespmem:$0x3008] =	vst v0  }
0x21e: {  	[tilespmem:$0x2FF8] =	vst v0  }
0x21f: {  	[tilespmem:$0x2FE8] =	vst v0  }
0x220: {  	[tilespmem:$0x2FD8] =	vst v0  }
0x221: {  	[tilespmem:$0x2FC8] =	vst v0  }
0x222: {  	[tilespmem:$0x2FB8] =	vst v0  }
0x223: {  	[tilespmem:$0x2FA8] =	vst v0  }
0x224: {  	[tilespmem:$0x2F98] =	vst v0  }
0x225: {  	[tilespmem:$0x2F88] =	vst v0  }
0x226: {  	[tilespmem:$0x2F78] =	vst v0  }
0x227: {  	[tilespmem:$0x2F68] =	vst v0  }
0x228: {  	[tilespmem:$0x2F58] =	vst v0  }
0x229: {  	[tilespmem:$0x2F48] =	vst v0  }
0x22a: {  	[tilespmem:$0x2F38] =	vst v0  }
0x22b: {  	[tilespmem:$0x2F28] =	vst v0  }
0x22c: {  	[tilespmem:$0x2F18] =	vst v0  }
0x22d: {  	[tilespmem:$0x2F08] =	vst v0  }
0x22e: {  	[tilespmem:$0x2EF8] =	vst v0  }
0x22f: {  	[tilespmem:$0x2EE8] =	vst v0  }
0x230: {  	[tilespmem:$0x2ED8] =	vst v0  }
0x231: {  	[tilespmem:$0x2EC8] =	vst v0  }
0x232: {  	[tilespmem:$0x2EB8] =	vst v0  }
0x233: {  	[tilespmem:$0x2EA8] =	vst v0  }
0x234: {  	[tilespmem:$0x2E98] =	vst v0  }
0x235: {  	[tilespmem:$0x2E88] =	vst v0  }
0x236: {  	[tilespmem:$0x2E78] =	vst v0  }
0x237: {  	[tilespmem:$0x2E68] =	vst v0  }
0x238: {  	[tilespmem:$0x2E58] =	vst v0  }
0x239: {  	[tilespmem:$0x2E48] =	vst v0  }
0x23a: {  	[tilespmem:$0x2E38] =	vst v0  }
0x23b: {  	[tilespmem:$0x2E28] =	vst v0  }
0x23c: {  	[tilespmem:$0x2E18] =	vst v0  }
0x23d: {  	[tilespmem:$0x2E08] =	vst v0  }
0x23e: {  	[tilespmem:$0x2DF8] =	vst v0  }
0x23f: {  	[tilespmem:$0x2DE8] =	vst v0  }
0x240: {  	[tilespmem:$0x2DD8] =	vst v0  }
0x241: {  	[tilespmem:$0x2DC8] =	vst v0  }
0x242: {  	[tilespmem:$0x2DB8] =	vst v0  }
0x243: {  	[tilespmem:$0x2DA8] =	vst v0  }
0x244: {  	[tilespmem:$0x2D98] =	vst v0  }
0x245: {  	[tilespmem:$0x2D88] =	vst v0  }
0x246: {  	[tilespmem:$0x2D78] =	vst v0  }
0x247: {  	[tilespmem:$0x2D68] =	vst v0  }
0x248: {  	[tilespmem:$0x2D58] =	vst v0  }
0x249: {  	[tilespmem:$0x2D48] =	vst v0  }
0x24a: {  	[tilespmem:$0x2D38] =	vst v0  }
0x24b: {  	[tilespmem:$0x2D28] =	vst v0  }
0x24c: {  	[tilespmem:$0x2D18] =	vst v0  }
0x24d: {  	[tilespmem:$0x2D08] =	vst v0  }
0x24e: {  	[tilespmem:$0x2CF8] =	vst v0  }
0x24f: {  	[tilespmem:$0x2CE8] =	vst v0  }
0x250: {  	[tilespmem:$0x2CD8] =	vst v0  }
0x251: {  	[tilespmem:$0x2CC8] =	vst v0  }
0x252: {  	[tilespmem:$0x2CB8] =	vst v0  }
0x253: {  	[tilespmem:$0x2CA8] =	vst v0  }
0x254: {  	[tilespmem:$0x2C98] =	vst v0  }
0x255: {  	[tilespmem:$0x2C88] =	vst v0  }
0x256: {  	[tilespmem:$0x2C78] =	vst v0  }
0x257: {  	[tilespmem:$0x2C68] =	vst v0  }
0x258: {  	[tilespmem:$0x2C58] =	vst v0  }
0x259: {  	[tilespmem:$0x2C48] =	vst v0  }
0x25a: {  	[tilespmem:$0x2C38] =	vst v0  }
0x25b: {  	[tilespmem:$0x2C28] =	vst v0  }
0x25c: {  	[tilespmem:$0x2C18] =	vst v0  }
0x25d: {  	[tilespmem:$0x2C08] =	vst v0  }
0x25e: {  	[tilespmem:$0x2BF8] =	vst v0  }
0x25f: {  	[tilespmem:$0x2BE8] =	vst v0  }
0x260: {  	[tilespmem:$0x2BD8] =	vst v0  }
0x261: {  	[tilespmem:$0x2BC8] =	vst v0  }
0x262: {  	[tilespmem:$0x2BB8] =	vst v0  }
0x263: {  	[tilespmem:$0x2BA8] =	vst v0  }
0x264: {  	[tilespmem:$0x2B98] =	vst v0  }
0x265: {  	[tilespmem:$0x2B88] =	vst v0  }
0x266: {  	[tilespmem:$0x2B78] =	vst v0  }
0x267: {  	[tilespmem:$0x2B68] =	vst v0  }
0x268: {  	[tilespmem:$0x2B58] =	vst v0  }
0x269: {  	[tilespmem:$0x2B48] =	vst v0  }
0x26a: {  	[tilespmem:$0x2B38] =	vst v0  }
0x26b: {  	[tilespmem:$0x2B28] =	vst v0  }
0x26c: {  	[tilespmem:$0x2B18] =	vst v0  }
0x26d: {  	[tilespmem:$0x2B08] =	vst v0  }
0x26e: {  	[tilespmem:$0x2AF8] =	vst v0  }
0x26f: {  	[tilespmem:$0x2AE8] =	vst v0  }
0x270: {  	[tilespmem:$0x2AD8] =	vst v0  }
0x271: {  	[tilespmem:$0x2AC8] =	vst v0  }
0x272: {  	[tilespmem:$0x2AB8] =	vst v0  }
0x273: {  	[tilespmem:$0x2AA8] =	vst v0  }
0x274: {  	[tilespmem:$0x2A98] =	vst v0  }
0x275: {  	[tilespmem:$0x2A88] =	vst v0  }
0x276: {  	[tilespmem:$0x2A78] =	vst v0  }
0x277: {  	[tilespmem:$0x2A68] =	vst v0  }
0x278: {  	[tilespmem:$0x2A58] =	vst v0  }
0x279: {  	[tilespmem:$0x2A48] =	vst v0  }
0x27a: {  	[tilespmem:$0x2A38] =	vst v0  }
0x27b: {  	[tilespmem:$0x2A28] =	vst v0  }
0x27c: {  	[tilespmem:$0x2A18] =	vst v0  }
0x27d: {  	[tilespmem:$0x2A08] =	vst v0  }
0x27e: {  	[tilespmem:$0x29F8] =	vst v0  }
0x27f: {  	[tilespmem:$0x29E8] =	vst v0  }
0x280: {  	[tilespmem:$0x29D8] =	vst v0  }
0x281: {  	[tilespmem:$0x29C8] =	vst v0  }
0x282: {  	[tilespmem:$0x29B8] =	vst v0  }
0x283: {  	[tilespmem:$0x29A8] =	vst v0  }
0x284: {  	[tilespmem:$0x2998] =	vst v0  }
0x285: {  	[tilespmem:$0x2988] =	vst v0  }
0x286: {  	[tilespmem:$0x2978] =	vst v0  }
0x287: {  	[tilespmem:$0x2968] =	vst v0  }
0x288: {  	[tilespmem:$0x2958] =	vst v0  }
0x289: {  	[tilespmem:$0x2948] =	vst v0  }
0x28a: {  	[tilespmem:$0x2938] =	vst v0  }
0x28b: {  	[tilespmem:$0x2928] =	vst v0  }
0x28c: {  	[tilespmem:$0x2918] =	vst v0  }
0x28d: {  	[tilespmem:$0x2908] =	vst v0  }
0x28e: {  	[tilespmem:$0x28F8] =	vst v0  }
0x28f: {  	[tilespmem:$0x28E8] =	vst v0  }
0x290: {  	[tilespmem:$0x28D8] =	vst v0  }
0x291: {  	[tilespmem:$0x28C8] =	vst v0  }
0x292: {  	[tilespmem:$0x28B8] =	vst v0  }
0x293: {  	[tilespmem:$0x28A8] =	vst v0  }
0x294: {  	[tilespmem:$0x2898] =	vst v0  }
0x295: {  	[tilespmem:$0x2888] =	vst v0  }
0x296: {  	[tilespmem:$0x2878] =	vst v0  }
0x297: {  	[tilespmem:$0x2868] =	vst v0  }
0x298: {  	[tilespmem:$0x2858] =	vst v0  }
0x299: {  	[tilespmem:$0x2848] =	vst v0  }
0x29a: {  	[tilespmem:$0x2838] =	vst v0  }
0x29b: {  	[tilespmem:$0x2828] =	vst v0  }
0x29c: {  	[tilespmem:$0x2818] =	vst v0  }
0x29d: {  	[tilespmem:$0x2808] =	vst v0  }
0x29e: {  	[tilespmem:$0x27F8] =	vst v0  }
0x29f: {  	[tilespmem:$0x27E8] =	vst v0  }
0x2a0: {  	[tilespmem:$0x27D8] =	vst v0  }
0x2a1: {  	[tilespmem:$0x27C8] =	vst v0  }
0x2a2: {  	[tilespmem:$0x27B8] =	vst v0  }
0x2a3: {  	[tilespmem:$0x27A8] =	vst v0  }
0x2a4: {  	[tilespmem:$0x2798] =	vst v0  }
0x2a5: {  	[tilespmem:$0x2788] =	vst v0  }
0x2a6: {  	[tilespmem:$0x2778] =	vst v0  }
0x2a7: {  	[tilespmem:$0x2768] =	vst v0  }
0x2a8: {  	[tilespmem:$0x2758] =	vst v0  }
0x2a9: {  	[tilespmem:$0x2748] =	vst v0  }
0x2aa: {  	[tilespmem:$0x2738] =	vst v0  }
0x2ab: {  	[tilespmem:$0x2728] =	vst v0  }
0x2ac: {  	[tilespmem:$0x2718] =	vst v0  }
0x2ad: {  	[tilespmem:$0x2708] =	vst v0  }
0x2ae: {  	[tilespmem:$0x26F8] =	vst v0  }
0x2af: {  	[tilespmem:$0x26E8] =	vst v0  }
0x2b0: {  	[tilespmem:$0x26D8] =	vst v0  }
0x2b1: {  	[tilespmem:$0x26C8] =	vst v0  }
0x2b2: {  	[tilespmem:$0x26B8] =	vst v0  }
0x2b3: {  	[tilespmem:$0x26A8] =	vst v0  }
0x2b4: {  	[tilespmem:$0x2698] =	vst v0  }
0x2b5: {  	[tilespmem:$0x2688] =	vst v0  }
0x2b6: {  	[tilespmem:$0x2678] =	vst v0  }
0x2b7: {  	[tilespmem:$0x2668] =	vst v0  }
0x2b8: {  	[tilespmem:$0x2658] =	vst v0  }
0x2b9: {  	[tilespmem:$0x2648] =	vst v0  }
0x2ba: {  	[tilespmem:$0x2638] =	vst v0  }
0x2bb: {  	[tilespmem:$0x2628] =	vst v0  }
0x2bc: {  	[tilespmem:$0x2618] =	vst v0  }
0x2bd: {  	[tilespmem:$0x2608] =	vst v0  }
0x2be: {  	[tilespmem:$0x25F8] =	vst v0  }
0x2bf: {  	[tilespmem:$0x25E8] =	vst v0  }
0x2c0: {  	[tilespmem:$0x25D8] =	vst v0  }
0x2c1: {  	[tilespmem:$0x25C8] =	vst v0  }
0x2c2: {  	[tilespmem:$0x25B8] =	vst v0  }
0x2c3: {  	[tilespmem:$0x25A8] =	vst v0  }
0x2c4: {  	[tilespmem:$0x2598] =	vst v0  }
0x2c5: {  	[tilespmem:$0x2588] =	vst v0  }
0x2c6: {  	[tilespmem:$0x2578] =	vst v0  }
0x2c7: {  	[tilespmem:$0x2568] =	vst v0  }
0x2c8: {  	[tilespmem:$0x2558] =	vst v0  }
0x2c9: {  	[tilespmem:$0x2548] =	vst v0  }
0x2ca: {  	[tilespmem:$0x2538] =	vst v0  }
0x2cb: {  	[tilespmem:$0x2528] =	vst v0  }
0x2cc: {  	[tilespmem:$0x2518] =	vst v0  }
0x2cd: {  	[tilespmem:$0x2508] =	vst v0  }
0x2ce: {  	[tilespmem:$0x24F8] =	vst v0  }
0x2cf: {  	[tilespmem:$0x24E8] =	vst v0  }
0x2d0: {  	[tilespmem:$0x24D8] =	vst v0  }
0x2d1: {  	[tilespmem:$0x24C8] =	vst v0  }
0x2d2: {  	[tilespmem:$0x24B8] =	vst v0  }
0x2d3: {  	[tilespmem:$0x24A8] =	vst v0  }
0x2d4: {  	[tilespmem:$0x2498] =	vst v0  }
0x2d5: {  	[tilespmem:$0x2488] =	vst v0  }
0x2d6: {  	[tilespmem:$0x2478] =	vst v0  }
0x2d7: {  	[tilespmem:$0x2468] =	vst v0  }
0x2d8: {  	[tilespmem:$0x2458] =	vst v0  }
0x2d9: {  	[tilespmem:$0x2448] =	vst v0  }
0x2da: {  	[tilespmem:$0x2438] =	vst v0  }
0x2db: {  	[tilespmem:$0x2428] =	vst v0  }
0x2dc: {  	[tilespmem:$0x2418] =	vst v0  }
0x2dd: {  	[tilespmem:$0x2408] =	vst v0  }
0x2de: {  	[tilespmem:$0x23F8] =	vst v0  }
0x2df: {  	[tilespmem:$0x23E8] =	vst v0  }
0x2e0: {  	[tilespmem:$0x23D8] =	vst v0  }
0x2e1: {  	[tilespmem:$0x23C8] =	vst v0  }
0x2e2: {  	[tilespmem:$0x23B8] =	vst v0  }
0x2e3: {  	[tilespmem:$0x23A8] =	vst v0  }
0x2e4: {  	[tilespmem:$0x2398] =	vst v0  }
0x2e5: {  	[tilespmem:$0x2388] =	vst v0  }
0x2e6: {  	[tilespmem:$0x2378] =	vst v0  }
0x2e7: {  	[tilespmem:$0x2368] =	vst v0  }
0x2e8: {  	[tilespmem:$0x2358] =	vst v0  }
0x2e9: {  	[tilespmem:$0x2348] =	vst v0  }
0x2ea: {  	[tilespmem:$0x2338] =	vst v0  }
0x2eb: {  	[tilespmem:$0x2328] =	vst v0  }
0x2ec: {  	[tilespmem:$0x2318] =	vst v0  }
0x2ed: {  	[tilespmem:$0x2308] =	vst v0  }
0x2ee: {  	[tilespmem:$0x22F8] =	vst v0  }
0x2ef: {  	[tilespmem:$0x22E8] =	vst v0  }
0x2f0: {  	[tilespmem:$0x22D8] =	vst v0  }
0x2f1: {  	[tilespmem:$0x22C8] =	vst v0  }
0x2f2: {  	[tilespmem:$0x22B8] =	vst v0  }
0x2f3: {  	[tilespmem:$0x22A8] =	vst v0  }
0x2f4: {  	[tilespmem:$0x2298] =	vst v0  }
0x2f5: {  	[tilespmem:$0x2288] =	vst v0  }
0x2f6: {  	[tilespmem:$0x2278] =	vst v0  }
0x2f7: {  	s10 =	stileid.u32;
	[tilespmem:$0x2268] =	vst v0  }
0x2f8: {  	s0 =	smul.u32 $0x82, s10;
	[tilespmem:$0x2258] =	vst v0  }
0x2f9: {  	s1 =	smin.u32 s10, $0x4;
	[tilespmem:$0x2248] =	vst v0  }
0x2fa: {  	[tilespmem:$0x2238] =	vst v0;
	s0 =	sadd.s32 s1, s0  }
0x2fb: {  	p0 =	slt.u32 s10, $0x4;
	[tilespmem:$0x2228] =	vst v0;
	s1 =	simm.s32 $0xC480;
	s8 =	smul.u32 $0x180, s0  }
0x2fc: {  	s1 =	simm.s32 @!p0 $0xC300;
	[tilespmem:$0x21F8] =	vst v0  }
0x2fd: {  	[tilespmem:$0x2208] =	vst v0;
	s0 =	sadd.s32 s1, s8  }
0x2fe: {  	s4 =	simm.s32 $0x2;
	[tilespmem:$0x21E8] =	vst v0;
	s9 =	smin.u32 s0, $0xC3500  }
0x2ff: {  	s31 =	simm.s32 $0x9;
	s5 =	simm.s32 $0xA;
	[tilespmem:$0x2188] =	vst v0;
	s0 =	ssub.s32 s9, s8  }
0x300: {  	s12 =	simm.s32 $0xB;
	s18 =	simm.s32 $0x0;
	[tilespmem:$0x21D8] =	vst v0;
	p0 =	sgt.s32 s0, $0x0  }
0x301: {  	p1 =	por $0x0, $0x0;
	s19 =	simm.s32 $0xC;
	[tilespmem:$0x21C8] =	vst v0;
	s0 =	simm.s32 @!p0 $0x0  }
0x302: {  	s23 =	simm.s32 $0x0;
	s20 =	simm.s32 $0x0;
	[tilespmem:$0x21B8] =	vst v0;
	s30 =	smulhi.u32 $0x2AAAAAAB, s0  }
0x303: {  	s22 =	simm.s32 $0x0;
	s2 =	sand.u32 $0x1, s2;
	s16 =	sshll.u32 s10, $0x6;
	[tilespmem:$0x21A8] =	vst v0  }
0x304: {  	s1 =	sshrl.u32 s30, $0x6;
	[tilespmem:$0x2198] =	vst v0;
	[dreg:$0x4] =	wrdreg s2;
	s2 =	smul.u32 $0x186A0, s2  }
0x305: {  	[tilespmem:$0x2178] =	vst v0;
	[sflag:s4] =	ssyncpa.u1 $0x0;
	v0 =	vimm.s32 $0xFFFFFFFF;
	s4 =	sadd.s32 $0x319E00, s7;
	s6 =	smul.u32 $0x180, s1  }
.Ltmp0:
0x306: {  	[tilespmem:$0x6088] =	vst v0;
	[sflag:s31] =	ssyncpa.u1 $0x0;
	s2 =	sadd.s32 s2, s7;
	(pc) =	sbr.rel .LBB2_1-.Ltmp0, $4  }
0x307: {  	[sflag:s5] =	ssyncpa.u1 $0x0;
	p0 =	sne.s32 s0, s6;
	s0 =	simm.s32 $0x1  }
0x308: {  	s7 =	sadd.s32 $0x57C9E00, s7;
	[sflag:s12] =	ssyncpa.u1 $0x0;
	s0 =	simm.s32 @!p0 $0x0  }
0x309: {  	s14 =	sadd.s32 $0x934600, s2;
	s15 =	sadd.s32 $0x6600, s2;
	s13 =	sadd.s32 s0, s1  }
0x30a: {  	v0 =	vlaneseq.u32;
	s21 =	smov.u32 s8;
	p0 =	por $0x1, $0x1;
	s17 =	sadd.s32 $0x1, s13  }
.LBB2_22:
0x30b: {  	s0 =	sshrl.u32 s0, $0x2  }
.LBB2_24:
0x30c: {  	_ =	swait.ge [sflag:s19], s0  }
0x30d: {  	s30 =	ssub.s32 $0x0, s0;
	v1 =	vmov s25;
	vm0 =	veq.s32 v0, $0x0;
	[sflag:s19] =	ssyncset.done $0x0  }
0x30e: {  	vm15 =	veq.s32 v0, $0x2;
	v1 =	vsel vm0, s31, v1;
	[sflag:s19] =	ssyncadd.s32 s30  }
0x30f: {  	v1 =	vsel vm15, s23, v1;
	[sflag:s19] =	ssyncpa.u1 $0x1  }
0x310: {  	[tilespmem:$0x6088] =	vst v1  }
.LBB2_25:
0x311: {  	s0 =	sadd.s32 $0x180, s21  }
0x312: {  	s1 =	smov.u32 s8;
	p2 =	slt.s32 s0, s9  }
0x313: {  	s1 =	smov.u32 @p2 s0;
	p2 =	sne.s32 s22, s17  }
.Ltmp1:
0x314: {  	_ = 	snop;
	(pc) =	sbr.rel @!p2 .LBB2_26-.Ltmp1, $4  }
0x315: {  	_ = 	snop  }
0x316: {  	s23 =	smov.u32 s20  }
0x317: {  	s31 =	sadd.s32 $0x1, s22;
	s20 =	smov.u32 s21;
	p0 =	por !p0, !p0  }
0x318: {  	p1 =	por !p1, !p1;
	s22 =	smov.u32 s31;
	s21 =	smov.u32 s1  }
.LBB2_1:
0x319: {  	p2 =	sge.u32 s22, s13  }
0x31a: {  	s0 =	smulhi.u32 @!p2 $0xAAAAAAAB, s22  }
0x31b: {  	s1 =	smov.u32 s21;
	p3 =	sgt.s32 @!p2 s21, $0xC3380  }
0x31c: {  	s2 =	sshra.s32 @!p2 s21, $0x1F;
	p3 =	por !p3, p2;
	s0 =	sshrl.u32 @!p2 s0, $0x1  }
0x31d: {  	s2 =	sand.u32 @!p2 s2, s21;
	s1 =	simm.s32 @p3 $0xC3380;
	s0 =	smul.u32 @!p2 $0x3, s0  }
0x31e: {  	s1 =	ssub.s32 @!p2 s1, s2  }
0x31f: {  	s1 =	sadd.s32 @!p2 $0xFFF3CC80, s1;
	s0 =	ssub.s32 @!p2 s22, s0  }
0x320: {  	s2 =	sshll.u32 @!p2 s1, $0x2;
	p3 =	sgt.s32 @!p2 s1, $0x17F;
	s0 =	smul.u32 @!p2 $0x600, s0  }
0x321: {  	s5 =	sand.u32 @!p2 $0x7, s21;
	s1 =	ssub.s32 @!p2 $0x600, s2;
	p3 =	por !p3, p2  }
0x322: {  	s2 =	sshrl.u32 @!p2 s21, $0x3;
	s1 =	sshrl.u32 @!p2 s1, $0x2;
	s0 =	sshrl.u32 @!p2 s0, $0x2  }
0x323: {  	s2 =	sadd.s32 @!p2 s2, s14;
	s1 =	simm.s32 @!p3 $0x0;
	s0 =	sadd.s32 @!p2 $0x64C8, s0  }
0x324: {  	[tilespmem:s0], [sflag:$0xA] =	stream.linear.gather @!p2 [hbm4b:s2+s5], s1, $0x38;
	[tilespmem:$0x1EC48] =	vst v63  }
0x325: {  	s1 =	sadd.s32 $0xFFFFFFFF, s22  }
0x326: {  	p2 =	sge.u32 s1, s13  }
0x327: {  	p3 =	sgt.s32 @!p2 s20, $0xC3380  }
0x328: {  	s0 =	smov.u32 s20;
	s2 =	sshra.s32 @!p2 s20, $0x1F;
	p3 =	por !p3, p2  }
0x329: {  	s2 =	sand.u32 @!p2 s2, s20;
	s0 =	simm.s32 @p3 $0xC3380  }
0x32a: {  	s0 =	ssub.s32 @!p2 s0, s2  }
0x32b: {  	s0 =	sadd.s32 @!p2 $0xFFF3CC80, s0  }
0x32c: {  	s2 =	sshll.u32 @!p2 s0, $0x2  }
0x32d: {  	p3 =	sgt.s32 @!p2 s0, $0x17F;
	s0 =	ssub.s32 @!p2 $0x600, s2  }
0x32e: {  	p3 =	por !p3, p2;
	s0 =	sshrl.u32 @!p2 s0, $0x2  }
0x32f: {  	s5 =	simm.s32 @!p2 $0xA;
	s2 =	sand.u32 @!p2 $0x1, s1;
	s0 =	simm.s32 @!p3 $0x0  }
0x330: {  	s2 =	smul.u32 @!p2 $0x600, s2;
	_ =	swait.ge @!p2 [sflag:s5], s0  }
0x331: {  	s6 =	ssub.s32 @!p2 $0x0, s0;
	[sflag:s5] =	ssyncset.done @!p2 $0x0  }
0x332: {  	s2 =	sshrl.u32 @!p2 s2, $0x2;
	[sflag:s5] =	ssyncadd.s32 @!p2 s6;
	s5 =	sshrl.u32 @!p2 s20, $0x3  }
0x333: {  	s2 =	sadd.s32 @!p2 $0x6948, s2;
	s6 =	sand.u32 @!p2 $0x7, s20;
	s5 =	sadd.s32 @!p2 s5, s15  }
0x334: {  	[tilespmem:s2], [sflag:$0xB] =	stream.linear.gather @!p2 [hbm4b:s5+s6], s0, $0x38;
	[tilespmem:$0x1EC48] =	vst v63  }
0x335: {  	s0 =	ssub.s32 @!p2 $0xC3500, s20  }
0x336: {  	p3 =	slt.s32 @!p2 s0, $0x1  }
0x337: {  	p3 =	por p2, p3  }
.Ltmp2:
0x338: {  	_ = 	snop;
	(pc) =	sbr.rel @p3 .LBB2_7-.Ltmp2, $1  }
0x339: {  	_ =	sdelay $0x3  }
0x33a: {  	s2 =	smulhi.u32 $0xAAAAAAAB, s1;
	_ =	sdelay $0x1  }
0x33b: {  	s2 =	sshrl.u32 s2, $0x1  }
0x33c: {  	s2 =	smul.u32 $0x3, s2;
	_ =	sdelay $0x1  }
0x33d: {  	s29 =	ssub.s32 s1, s2  }
0x33e: {  	s5 =	simm.s32 $0x1;
	s1 =	smul.u32 $0x600, s29  }
.Ltmp3:
0x33f: {  	s5 =	simm.s32 @!p0 $0x0;
	(pc) =	sbr.rel .LBB2_4-.Ltmp3, $4  }
0x340: {  	s30 =	smul.u32 $0x30000, s5  }
0x341: {  	p3 =	slt.s32 @!p2 s0, $0x180;
	s1 =	sshrl.u32 s1, $0x2  }
0x342: {  	p2 =	por !p3, p2;
	s2 =	sshrl.u32 s30, $0x2;
	s31 =	sadd.s32 $0x64C8, s1  }
0x343: {  	s24 =	simm.s32 $0x0;
	s0 =	simm.s32 @p2 $0x180;
	s1 =	sadd.s32 $0x6C48, s2;
	v1 =	vmov s31  }
.LBB2_3:
0x344: {  	p2 =	sge.s32 s24, s0  }
.Ltmp4:
0x345: {  	_ = 	snop;
	(pc) =	sbr.rel @p2 .LBB2_7-.Ltmp4, $2  }
0x346: {  	_ =	sdelay $0x2  }
0x347: {  	s1 =	sadd.s32 $0x800, s1  }
.LBB2_4:
0x348: {  	p2 =	sle.s32 s0, s24  }
.Ltmp5:
0x349: {  	_ = 	snop;
	(pc) =	sbr.rel @p2 .LBB2_3-.Ltmp5, $2  }
0x34a: {  	_ =	sdelay $0x2  }
0x34b: {  	s2 =	smov.u32 s24;
	s24 =	sadd.s32 $0x10, s24  }
0x34c: {  	s5 =	ssub.s32 s0, s2  }
0x34d: {  	p2 =	slt.s32 s5, $0x10  }
0x34e: {  	s5 =	simm.s32 @!p2 $0x10  }
0x34f: {  	v2 =	vmov s5  }
0x350: {  	vm0 =	vgt.s32 v2, v0;
	_ =	sdelay $0x5  }
0x351: {  	v2 =	vld.idx.msk [tilespmem:v1+s2+$0x0 ss:$0x1], vm0;
	_ =	sdelay $0x2  }
0x352: {  	s6 =	smov.u32 s0;
	p2 =	slt.s32 s24, s0  }
0x353: {  	s25 =	simm.s32 $0x0;
	s6 =	smov.u32 @p2 s24;
	s5 =	smov.u32 s1  }
.LBB2_6:
0x354: {  	(v2sf) =	vpush v2, s25;
	_ =	sdelay $0xc  }
0x355: {  	s25 =	sadd.s32 $0x1, s25  }
0x356: {  	s31 =	sadd.s32 s25, s2  }
0x357: {  	p2 =	slt.s32 s31, s6;
	s10 =	spop (v2sf)  }
.Ltmp6:
0x358: {  	s10 =	sshll.u32 s10, $0x4;
	(pc) =	sbr.rel @p2 .LBB2_6-.Ltmp6, $4  }
0x359: {  	s10 =	sand.u32 $0x1FFFFFF0, s10  }
0x35a: {  	s10 =	sadd.s32 s7, s10  }
0x35b: {  	[tilespmem:s5], [sflag:$0x9] =	stream.linear.gather [hbm4b:s10+s18], $0x20, $0x38;
	[tilespmem:$0x1EC48] =	vst v63  }
0x35c: {  	s5 =	sadd.s32 $0x80, s5  }
.Ltmp7:
0x35d: {  	_ = 	snop;
	(pc) =	sbr.rel .LBB2_3-.Ltmp7, $1  }
0x35e: {  	_ =	sdelay $0x3  }
.LBB2_7:
0x35f: {  	p2 =	slt.u32 s22, $0x2  }
.Ltmp8:
0x360: {  	_ = 	snop;
	(pc) =	sbr.rel @p2 .LBB2_25-.Ltmp8, $1  }
0x361: {  	_ =	sdelay $0x3  }
0x362: {  	p2 =	sgt.s32 s23, $0xC3380  }
0x363: {  	s0 =	smov.u32 s23;
	s1 =	sshra.s32 s23, $0x1F;
	s2 =	ssub.s32 $0xC3500, s23  }
0x364: {  	s0 =	simm.s32 @!p2 $0xC3380;
	s1 =	sand.u32 s1, s23;
	p2 =	slt.s32 s2, $0x180  }
0x365: {  	s0 =	ssub.s32 s0, s1;
	s2 =	simm.s32 @!p2 $0x180  }
0x366: {  	s0 =	sadd.s32 $0xFFF3CC80, s0;
	s11 =	sshll.u32 s2, $0x5  }
0x367: {  	s26 =	simm.s32 $0x9;
	s24 =	sshll.u32 s0, $0x2;
	s1 =	sand.u32 $0x3FFFFFE0, s11  }
0x368: {  	p2 =	sgt.s32 s0, $0x17F;
	s25 =	ssub.s32 $0x600, s24;
	_ =	swait.ge [sflag:s26], s1  }
0x369: {  	s1 =	ssub.s32 $0x0, s1;
	[sflag:s26] =	ssyncset.done $0x0;
	s0 =	sshrl.u32 s25, $0x2  }
0x36a: {  	[sflag:s26] =	ssyncadd.s32 s1;
	s0 =	simm.s32 @p2 $0x0  }
0x36b: {  	_ =	swait.ge [sflag:s12], s0  }
0x36c: {  	s0 =	ssub.s32 $0x0, s0;
	[sflag:s12] =	ssyncset.done $0x0  }
0x36d: {  	[sflag:s12] =	ssyncadd.s32 s0  }
0x36e: {  	v1 =	vld [tilespmem:$0x6088];
	_ =	sdelay $0x4  }
0x36f: {  	(v2sf) =	vpush v1, $0x0  }
0x370: {  	(v2sf) =	vpush v1, $0x1  }
0x371: {  	(v2sf) =	vpush v1, $0x2;
	_ =	sdelay $0x3  }
0x372: {  	s0 =	sadd.s32 $0x180, s23  }
0x373: {  	s1 =	ssub.s32 $0x186A00, s23;
	p2 =	slt.s32 s9, s0  }
0x374: {  	s0 =	smov.u32 @p2 s9;
	p2 =	sgt.s32 s1, $0x0  }
0x375: {  	s28 =	ssub.s32 s0, s23;
	s1 =	simm.s32 @!p2 $0x0  }
0x376: {  	p2 =	slt.s32 s1, s28  }
0x377: {  	s28 =	smov.u32 @p2 s1  }
0x378: {  	s26 =	simm.s32 $0x1;
	p2 =	slt.s32 s28, $0x1  }
.Ltmp9:
0x379: {  	s26 =	simm.s32 @!p1 $0x0;
	(pc) =	sbr.rel @p2 .LBB2_12-.Ltmp9, $4  }
0x37a: {  	s30 =	smul.u32 $0x600, s26  }
0x37b: {  	s0 =	spop (v2sf)  }
0x37c: {  	s31 =	sshrl.u32 s30, $0x2;
	s29 =	spop (v2sf)  }
0x37d: {  	s24 =	sadd.s32 $0x6948, s31;
	s23 =	spop (v2sf)  }
0x37e: {  	s1 =	smin.u32 s28, $0x10  }
0x37f: {  	v1 =	vmov s1  }
0x380: {  	p3 =	sgt.s32 s28, $0x10;
	vm1 =	vgt.u32 v1, v0  }
.Ltmp10:
0x381: {  	_ = 	snop;
	(pc) =	sbr.rel @!p3 .LBB2_11-.Ltmp10, $2  }
0x382: {  	_ =	sdelay $0x2  }
0x383: {  	s2 =	simm.s32 $0x10;
	s25 =	sadd.s32 $0xFFFFFFF0, s28;
	s1 =	smov.u32 s24;
	vm0 =	vmmov vm1  }
.LBB2_10:
0x384: {  	s5 =	smin.u32 s25, $0x10;
	s2 =	sadd.s32 $0x10, s2;
	v1 =	vld.msk [tilespmem:s1+$0x0 ss:$0x1], vm1  }
0x385: {  	v2 =	vmov s5;
	p3 =	slt.s32 s2, s28  }
0x386: {  	vm1 =	vgt.u32 v2, v0  }
.Ltmp11:
0x387: {  	(pc) =	sbr.rel @p3 .LBB2_10-.Ltmp11, $3  }
0x388: {  	_ =	sdelay $0x1  }
0x389: {  	v1 =	vshll.u32 v1, $0x4  }
0x38a: {  	s25 =	sadd.s32 $0xFFFFFFF0, s25;
	[tilespmem:s1+$0x0] =	vst.msk vm0, v1;
	s1 =	sadd.s32 $0x10, s1;
	vm0 =	vmmov vm1  }
.LBB2_11:
0x38b: {  	_ =	sdelay $0x4  }
0x38c: {  	v1 =	vld.msk [tilespmem:s1+$0x0 ss:$0x1], vm1;
	_ =	sdelay $0x4  }
0x38d: {  	v1 =	vshll.u32 v1, $0x4  }
0x38e: {  	[tilespmem:s1+$0x0] =	vst.msk vm0, v1  }
.LBB2_12:
0x38f: {  	s1 =	sand.u32 $0x1, s22  }
0x390: {  	s1 =	smul.u32 $0x180, s1  }
0x391: {  	p3 =	sne.s32 s29, $0xFFFFFFFF  }
0x392: {  	v1 =	vld.msk @!p3 [tilespmem:s1+$0x6948], $0x1;
	_ =	sdelay $0x4  }
0x393: {  	(v2sf) =	vpush @!p3 v1, $0x0;
	_ =	sdelay $0xc  }
.Ltmp12:
0x394: {  	_ = 	snop;
	(pc) =	sbr.rel @p2 .LBB2_23-.Ltmp12, $4  }
0x395: {  	_ = 	snop  }
0x396: {  	s30 =	spop @!p3 (v2sf)  }
0x397: {  	s23 =	simm.s32 @!p3 $0x0;
	s25 =	smov.u32 s30  }
0x398: {  	[sflag:s19] =	ssyncpa.u1 $0x0;
	s30 =	smov.u32 @p3 s0;
	s25 =	smov.u32 @p3 s29  }
0x399: {  	v1 =	vld.msk [tilespmem:s24+$0x0], $0x1;
	_ =	sdelay $0x4  }
0x39a: {  	(v2sf) =	vpush v1, $0x0;
	_ =	sdelay $0xe  }
0x39b: {  	s0 =	smul.u32 $0x30000, s26;
	s1 =	spop (v2sf)  }
0x39c: {  	s28 =	ssub.s32 $0x0, s28;
	p2 =	seq.s32 s30, s1  }
0x39d: {  	s31 =	sadd.s32 $0x1, s28;
	s0 =	sshrl.u32 s0, $0x2;
	p3 =	sgt.s32 @!p2 s30, $0x0  }
0x39e: {  	s26 =	sadd.s32 $0x6C58, s0;
	s0 =	smov.u32 s30;
	p3 =	por !p3, p2  }
0x39f: {  	s0 =	simm.s32 @p3 $0x0;
	p3 =	seq.s32 s31, $0x0  }
.Ltmp13:
0x3a0: {  	_ = 	snop;
	(pc) =	sbr.rel @p3 .LBB2_15-.Ltmp13, $4  }
0x3a1: {  	_ = 	snop  }
0x3a2: {  	s29 =	simm.s32 $0x0;
	s2 =	simm.s32 @!p2 $0x1;
	s0 =	smin.u32 @!p2 s0, $0xC34FC  }
0x3a3: {  	s6 =	simm.s32 @!p2 $0x3068;
	s2 =	smov.u32 @p2 s29;
	s10 =	sand.u32 @!p2 $0xFFFF8, s0  }
0x3a4: {  	s5 =	sand.u32 @!p2 $0x7, s0;
	s0 =	sadd.s32 $0x1, s24;
	s10 =	sadd.s32 @!p2 s4, s10  }
.LBB2_14:
0x3a5: {  	s11 =	smov.u32 s2  }
0x3a6: {  	[tilespmem:s6], [sflag:$0x2] =	stream.linear.gather @!p2 [hbm4b:s10+s5], $0x20, $0x38;
	[tilespmem:$0x1EC48] =	vst v63  }
0x3a7: {  	s31 =	sadd.s32 $0x1, s31;
	s5 =	smov.u32 s1;
	v1 =	vld.msk [tilespmem:s0+$0x0], $0x1  }
0x3a8: {  	p3 =	seq.s32 s31, $0x0;
	_ =	sdelay $0x3  }
0x3a9: {  	(v2sf) =	vpush v1, $0x0;
	_ =	sdelay $0xe  }
0x3aa: {  	s1 =	spop (v2sf)  }
0x3ab: {  	p2 =	seq.s32 s5, s1  }
0x3ac: {  	p4 =	sgt.s32 @!p2 s5, $0x0;
	s6 =	sshll.u32 @!p2 s2, $0x7;
	s2 =	sadd.s32 @!p2 $0x1, s2  }
.Ltmp14:
0x3ad: {  	p4 =	por !p4, p2;
	s6 =	sshra.s32 @!p2 s6, $0x2;
	(pc) =	sbr.rel @!p3 .LBB2_14-.Ltmp14, $4  }
0x3ae: {  	s2 =	smov.u32 @p2 s11;
	s5 =	simm.s32 @p4 $0x0;
	s6 =	sadd.s32 @!p2 $0x3068, s6  }
0x3af: {  	s5 =	smin.u32 @!p2 s5, $0xC34FC  }
0x3b0: {  	s10 =	sand.u32 @!p2 $0xFFFF8, s5;
	s5 =	sand.u32 @!p2 $0x7, s5  }
0x3b1: {  	s0 =	sadd.s32 $0x1, s0;
	s10 =	sadd.s32 @!p2 s4, s10  }
.LBB2_15:
0x3b2: {  	[tilespmem:s6], [sflag:$0x2] =	stream.linear.gather @!p2 [hbm4b:s10+s5], $0x20, $0x38;
	[tilespmem:$0x1EC48] =	vst v63  }
.Ltmp15:
0x3b3: {  	s0 =	sshll.u32 s2, $0x5;
	(pc) =	sbr.rel .LBB2_16-.Ltmp15, $4  }
0x3b4: {  	s1 =	simm.s32 $0x2;
	s0 =	sand.u32 $0x3FFFFFE0, s0  }
0x3b5: {  	_ =	swait.ge [sflag:s1], s0  }
0x3b6: {  	s0 =	ssub.s32 $0x0, s0;
	[sflag:s1] =	ssyncset.done $0x0  }
0x3b7: {  	[sflag:s1] =	ssyncadd.s32 s0;
	s0 =	simm.s32 $0x0  }
.LBB2_17:
0x3b8: {  	v1 =	vld [tilespmem:s26+$0xFFFFFFF0];
	_ =	sdelay $0x4  }
0x3b9: {  	[tilespmem:s1+$0x48] =	vst.add.f32.msk $0xffff, v1  }
0x3ba: {  	v1 =	vld [tilespmem:s26+$0x0];
	_ =	sdelay $0x4  }
0x3bb: {  	[tilespmem:s1+$0x58] =	vst.add.f32.msk $0xffff, v1  }
.LBB2_21:
0x3bc: {  	s28 =	sadd.s32 $0x1, s28  }
0x3bd: {  	p2 =	seq.s32 s28, $0x0  }
.Ltmp16:
0x3be: {  	_ = 	snop;
	(pc) =	sbr.rel @p2 .LBB2_22-.Ltmp16, $2  }
0x3bf: {  	_ =	sdelay $0x2  }
0x3c0: {  	s26 =	sadd.s32 $0x80, s26;
	s24 =	sadd.s32 $0x1, s24;
	s30 =	smov.u32 s31  }
.LBB2_16:
0x3c1: {  	v1 =	vld.msk [tilespmem:s24+$0x0], $0x1;
	_ =	sdelay $0x4  }
0x3c2: {  	(v2sf) =	vpush v1, $0x0;
	_ =	sdelay $0xe  }
0x3c3: {  	s31 =	spop (v2sf)  }
0x3c4: {  	p2 =	sne.s32 s30, s31  }
.Ltmp17:
0x3c5: {  	_ = 	snop;
	(pc) =	sbr.rel @!p2 .LBB2_17-.Ltmp17, $3  }
0x3c6: {  	_ =	sdelay $0x1  }
0x3c7: {  	s1 =	sshll.u32 s23, $0x7  }
0x3c8: {  	s1 =	sshra.s32 s1, $0x2  }
0x3c9: {  	p2 =	seq.s32 s30, s25  }
.Ltmp18:
0x3ca: {  	_ = 	snop;
	(pc) =	sbr.rel @!p2 .LBB2_19-.Ltmp18, $1  }
0x3cb: {  	_ =	sdelay $0x3  }
.Ltmp19:
0x3cc: {  	s1 =	sadd.s32 $0x48, s1;
	(pc) =	sbr.rel .LBB2_20-.Ltmp19, $4  }
0x3cd: {  	[spmem:s16] =	stream.linear.scatter [tilespmem:s1], [sflag:$0x1], $0x20, $0x38;
	[tilespmem:$0x1EC48] =	vst v63  }
0x3ce: {  	_ =	swait.ge [sflag:s3], $0x20  }
0x3cf: {  	[sflag:s3] =	ssyncset.done $0x0  }
0x3d0: {  	[sflag:s3] =	ssyncadd.s32 $0xFFFFFFE0  }
.LBB2_19:
0x3d1: {  	s2 =	sshll.u32 s29, $0x7  }
0x3d2: {  	s2 =	sshra.s32 s2, $0x2  }
0x3d3: {  	v1 =	vld [tilespmem:s2+$0x3068];
	_ =	sdelay $0x4  }
0x3d4: {  	[tilespmem:s1+$0x48] =	vst.add.f32.msk $0xffff, v1  }
0x3d5: {  	v1 =	vld [tilespmem:s2+$0x3078];
	_ =	sdelay $0x2  }
0x3d6: {  	p2 =	sgt.u32 s30, $0xC34FC  }
0x3d7: {  	s2 =	sand.u32 @!p2 $0xFFFF8, s30  }
0x3d8: {  	s5 =	sadd.s32 $0x48, s1;
	[tilespmem:s1+$0x58] =	vst.add.f32.msk $0xffff, v1;
	s1 =	sadd.s32 @!p2 s4, s2;
	s2 =	sand.u32 @!p2 $0x7, s30  }
0x3d9: {  	[hbm4b:s1+s2] =	stream.linear.scatter @!p2 [tilespmem:s5], [sflag:$0xC], $0x20, $0x38;
	[tilespmem:$0x1EC48] =	vst v63  }
0x3da: {  	s1 =	simm.s32 $0x0  }
0x3db: {  	s1 =	simm.s32 @!p2 $0x80  }
0x3dc: {  	s0 =	sadd.s32 s1, s0  }
.LBB2_20:
0x3dd: {  	s1 =	sadd.s32 $0x1, s23  }
0x3de: {  	s2 =	smulhi.u32 $0xAAAAAAAB, s1;
	_ =	sdelay $0x1  }
0x3df: {  	v1 =	vld [tilespmem:s26+$0xFFFFFFF0];
	s2 =	sshrl.u32 s2, $0x8  }
0x3e0: {  	s2 =	smul.u32 $0x180, s2;
	_ =	sdelay $0x1  }
0x3e1: {  	s23 =	ssub.s32 s1, s2  }
0x3e2: {  	s1 =	sshll.u32 s23, $0x5  }
0x3e3: {  	[tilespmem:s1+$0x48] =	vst v1  }
0x3e4: {  	v1 =	vld [tilespmem:s26+$0x0]  }
.Ltmp20:
0x3e5: {  	_ = 	snop;
	(pc) =	sbr.rel .LBB2_21-.Ltmp20, $2  }
0x3e6: {  	_ =	sdelay $0x2  }
0x3e7: {  	s29 =	sadd.s32 $0x1, s29;
	[tilespmem:s1+$0x58] =	vst v1  }
.LBB2_23:
.Ltmp21:
0x3e8: {  	(pc) =	sbr.rel .LBB2_24-.Ltmp21, $4  }
0x3e9: {  	_ = 	snop  }
0x3ea: {  	s0 =	simm.s32 $0x2  }
0x3eb: {  	_ =	swait.ge [sflag:s0], $0x0  }
0x3ec: {  	s31 =	smov.u32 s30;
	[sflag:s0] =	ssyncset.done $0x0;
	s0 =	simm.s32 $0x0  }
.LBB2_26:
0x3ed: {  	_ =	sfence.sel $0x180000  }
0x3ee: {  	s0 =	simm.s32 $0x9;
	[bflag:$0x0] =	sbarrier.arrive $0xFFFF  }
0x3ef: {  	s24 =	simm.s32 $0xA;
	[sflag:s0] =	ssyncpa.u1 $0x1  }
0x3f0: {  	s25 =	simm.s32 $0xB;
	[sflag:s24] =	ssyncpa.u1 $0x1  }
0x3f1: {  	s26 =	simm.s32 $0x2;
	[sflag:s25] =	ssyncpa.u1 $0x1  }
0x3f2: {  	[sflag:s26] =	ssyncpa.u1 $0x1  }
0x3f3: {  	v0 =	vld [tilespmem:$0x6088];
	_ =	sdelay $0x4  }
0x3f4: {  	(v2sf) =	vpush v0, $0x0  }
0x3f5: {  	(v2sf) =	vpush v0, $0x1;
	_ =	sdelay $0x1  }
0x3f6: {  	(v2sf) =	vpush v0, $0x2;
	_ =	sdelay $0xb  }
0x3f7: {  	s0 =	spop (v2sf)  }
0x3f8: {  	s1 =	spop (v2sf)  }
0x3f9: {  	s2 =	smov.u32 s0;
	p0 =	sne.s32 s0, s1  }
0x3fa: {  	s3 =	spop (v2sf);
	s2 =	simm.s32 @!p0 $0xFFFFFFFF  }
0x3fb: {  	v2 =	vimm.s32 $0x1;
	v3 =	vlaneseq.u32;
	p0 =	seq.s32 s3, $0xFFFFFFFF;
	v1 =	vmov s2  }
0x3fc: {  	s14 =	stileid.u32;
	v0 =	vperm.xlane v0, v2;
	p1 =	sne.s32 @!p0 s0, s1;
	v1 =	vperm.xlane v1, v3  }
0x3fd: {  	vm0 =	vcmask $0x3F04;
	s6 =	simm.s32 $0x6088;
	s0 =	simm.s32 @!p0 $0x1;
	p1 =	por !p1, p0  }
0x3fe: {  	s2 =	sshll.u32 s14, $0x1;
	s1 =	sshll.u32 @!p0 s3, $0x7;
	s0 =	simm.s32 @p1 $0x0;
	v0 =	vsel vm0, v1, v0  }
0x3ff: {  	s5 =	sor.u32 $0x400, s2;
	s1 =	sshra.s32 @!p0 s1, $0x2;
	s0 =	sor.u32 @!p0 s0, s2;
	[tilespmem:$0x6088] =	vst v0  }
0x400: {  	[spmem:s5] =	stream.linear.scatter [tilespmem:s6], [sflag:$0x1], $0x2, $0x38;
	[tilespmem:$0x1EC48] =	vst v63  }
0x401: {  	s1 =	sadd.s32 @!p0 $0x48, s1;
	s0 =	sshll.u32 @!p0 s0, $0x5  }
0x402: {  	[spmem:s0] =	stream.linear.scatter @!p0 [tilespmem:s1], [sflag:$0x1], $0x20, $0x38;
	[tilespmem:$0x1EC48] =	vst v63  }
0x403: {  	s0 =	simm.s32 @!p0 $0x22  }
0x404: {  	s28 =	simm.s32 $0x1;
	s0 =	simm.s32 @p0 $0x2  }
0x405: {  	_ =	swait.ge [sflag:s28], s0  }
0x406: {  	s0 =	ssub.s32 $0x0, s0;
	[sflag:s28] =	ssyncset.done $0x0  }
0x407: {  	p0 =	sne.s32 s14, $0x0;
	[sflag:s28] =	ssyncadd.s32 s0  }
.Ltmp22:
0x408: {  	_ =	sfence.stream.spmem;
	(pc) =	sbr.rel @p0 .LBB2_43-.Ltmp22, $4  }
0x409: {  	s29 =	simm.s32 $0x3;
	[bflag:$0x0] =	sbarrier.arrive $0xFFFF  }
0x40a: {  	s30 =	simm.s32 $0x4;
	[sflag:s29] =	ssyncpa.u1 $0x1  }
0x40b: {  	s31 =	simm.s32 $0x3C;
	[sflag:s30] =	ssyncpa.u1 $0x1  }
0x40c: {  	s15 =	rddreg [dreg:$0x4];
	[sflag:s31] =	ssyncpa.u1 $0x1  }
0x40d: {  	_ =	sfence.stream.spmem;
	s0 =	simm.s32 $0x5  }
0x40e: {  	s1 =	simm.s32 $0x400;
	s2 =	simm.s32 $0x6098;
	[sflag:s0] =	ssyncpa.u1 $0x0  }
0x40f: {  	[tilespmem:s2], [sflag:$0x5] =	stream.linear.gather [spmem:s1], $0x20, $0x38;
	[tilespmem:$0x1EC48] =	vst v63  }
0x410: {  	s26 =	simm.s32 $0x0;
	s28 =	simm.s32 $0x60B8  }
0x411: {  	[tilespmem:s28], [sflag:$0x5] =	stream.linear.gather [spmem:s26], $0x400, $0x38;
	[tilespmem:$0x1EC48] =	vst v63  }
0x412: {  	_ =	swait.ge [sflag:s0], $0x420  }
0x413: {  	[sflag:s0] =	ssyncset.done $0x0  }
0x414: {  	s29 =	simm.s32 $0x0;
	[sflag:s0] =	ssyncadd.s32 $0xFFFFFBE0  }
0x415: {  	v0 =	vld.msk [tilespmem:s29+$0x6098], $0x1;
	_ =	sdelay $0x1  }
0x416: {  	s30 =	simm.s32 $0x1  }
0x417: {  	v1 =	vld.msk [tilespmem:s30+$0x6098], $0x1;
	_ =	sdelay $0x1  }
0x418: {  	(v2sf) =	vpush v0, $0x0;
	_ =	sdelay $0x2  }
0x419: {  	(v2sf) =	vpush v1, $0x0;
	_ =	sdelay $0x2  }
0x41a: {  	s31 =	simm.s32 $0x2  }
0x41b: {  	v0 =	vld.msk [tilespmem:s31+$0x6098], $0x1;
	_ =	sdelay $0x2  }
0x41c: {  	s1 =	simm.s32 $0xFFFFFFFF;
	s2 =	simm.s32 $0xFFFFFFFF;
	s0 =	simm.s32 $0xC  }
.LBB2_28:
0x41d: {  	s3 =	smov.u32 s2;
	s5 =	smov.u32 s1  }
0x41e: {  	s1 =	sshra.s32 s0, $0x2;
	p1 =	sne.s32 s0, $0x7C;
	s0 =	sadd.s32 $0x4, s0;
	(v2sf) =	vpush v0, $0x0  }
0x41f: {  	v0 =	vld.msk [tilespmem:s1+$0x6098], $0x1  }
.Ltmp23:
0x420: {  	(pc) =	sbr.rel @p1 .LBB2_28-.Ltmp23, $4  }
0x421: {  	s2 =	spop (v2sf)  }
0x422: {  	p2 =	sne.s32 s5, $0xFFFFFFFF;
	s1 =	smov.u32 s2  }
0x423: {  	p3 =	seq.s32 s2, $0xFFFFFFFF;
	s1 =	smov.u32 @p2 s5  }
0x424: {  	s2 =	smov.u32 @p3 s3;
	s1 =	smov.u32 @p3 s5  }
0x425: {  	(v2sf) =	vpush v0, $0x0;
	_ =	sdelay $0x8  }
0x426: {  	s0 =	spop (v2sf)  }
0x427: {  	p1 =	sne.s32 s1, $0xFFFFFFFF;
	s3 =	smov.u32 s0  }
0x428: {  	s9 =	simm.s32 $0x6;
	p2 =	seq.s32 s0, $0xFFFFFFFF;
	s3 =	smov.u32 @p1 s1  }
0x429: {  	s10 =	simm.s32 $0x6068;
	s3 =	smov.u32 @p2 s1;
	s1 =	spop (v2sf)  }
0x42a: {  	s0 =	smov.u32 @p2 s2;
	p1 =	sne.s32 s3, $0xFFFFFFFF;
	s5 =	smov.u32 s1  }
.Ltmp24:
0x42b: {  	p2 =	seq.s32 s1, $0xFFFFFFFF;
	s5 =	smov.u32 @p1 s3;
	(pc) =	sbr.rel .LBB2_30-.Ltmp24, $4  }
0x42c: {  	s11 =	simm.s32 $0x0;
	s5 =	smov.u32 @p2 s3;
	s7 =	spop (v2sf)  }
0x42d: {  	[sflag:s9] =	ssyncpa.u1 $0x0;
	p1 =	sne.s32 s5, $0xFFFFFFFF;
	s8 =	smov.u32 s7  }
0x42e: {  	s1 =	smov.u32 @p2 s0;
	p2 =	seq.s32 s7, $0xFFFFFFFF;
	s8 =	smov.u32 @p1 s5  }
0x42f: {  	s3 =	simm.s32 $0x0;
	s7 =	smov.u32 @p2 s1;
	s8 =	smov.u32 @p2 s5  }
.LBB2_36:
0x430: {  	p1 =	sgt.u32 s12, $0xC34FC  }
0x431: {  	p2 =	seq.s32 @!p1 s12, s8  }
0x432: {  	p1 =	por p1, p2  }
0x433: {  	p2 =	sne.s32 @!p1 s12, s7  }
0x434: {  	p1 =	por p1, !p2  }
0x435: {  	s0 =	sshll.u32 @p1 s11, $0x7  }
0x436: {  	s0 =	sand.u32 @!p1 $0xFFFF8, s12  }
0x437: {  	s1 =	sand.u32 @!p1 $0x7, s12;
	s0 =	sadd.s32 @!p1 s4, s0  }
0x438: {  	[tilespmem:s10], [sflag:$0x6] =	stream.linear.gather @!p1 [hbm4b:s0+s1], $0x20, $0x38;
	[tilespmem:$0x1EC48] =	vst v63  }
0x439: {  	_ =	swait.ge @!p1 [sflag:s9], $0x20  }
0x43a: {  	[sflag:s9] =	ssyncset.done @!p1 $0x0  }
0x43b: {  	[sflag:s9] =	ssyncadd.s32 @!p1 $0xFFFFFFE0  }
0x43c: {  	v1 =	vld @!p1 [tilespmem:$0x6068];
	_ =	sdelay $0x2  }
0x43d: {  	s0 =	sshll.u32 @!p1 s11, $0x7  }
0x43e: {  	s1 =	sshrl.u32 @!p1 s0, $0x2  }
0x43f: {  	[tilespmem:s1+$0x60B8] =	vst.add.f32.msk @!p1 $0xffff, v1  }
0x440: {  	v1 =	vld @!p1 [tilespmem:$0x6078];
	_ =	sdelay $0x4  }
0x441: {  	[tilespmem:s1+$0x60C8] =	vst.add.f32.msk @!p1 $0xffff, v1  }
0x442: {  	s0 =	sshrl.u32 s0, $0x2;
	[tilespmem:s3+$0x6098] =	vst.msk $0x1, v0  }
0x443: {  	v0 =	vld [tilespmem:s0+$0x60B8];
	_ =	sdelay $0x2  }
0x444: {  	s31 =	sshll.u32 s3, $0x7  }
0x445: {  	s1 =	sshra.s32 s31, $0x2  }
0x446: {  	[tilespmem:s1+$0x60B8] =	vst v0  }
0x447: {  	v0 =	vld [tilespmem:s0+$0x60C8];
	_ =	sdelay $0x4  }
0x448: {  	s3 =	sadd.s32 $0x1, s3;
	[tilespmem:s1+$0x60C8] =	vst v0  }
.LBB2_37:
0x449: {  	s11 =	sadd.s32 $0x1, s11  }
0x44a: {  	p1 =	sne.s32 s11, $0x20  }
.Ltmp25:
0x44b: {  	_ = 	snop;
	(pc) =	sbr.rel @!p1 .LBB2_38-.Ltmp25, $1  }
0x44c: {  	_ =	sdelay $0x3  }
.LBB2_30:
0x44d: {  	v0 =	vld.msk [tilespmem:s11+$0x6098], $0x1;
	_ =	sdelay $0x4  }
0x44e: {  	(v2sf) =	vpush v0, $0x0;
	_ =	sdelay $0xe  }
0x44f: {  	s12 =	spop (v2sf)  }
0x450: {  	p1 =	seq.s32 s12, $0xFFFFFFFF  }
.Ltmp26:
0x451: {  	_ = 	snop;
	(pc) =	sbr.rel @p1 .LBB2_37-.Ltmp26, $1  }
0x452: {  	_ =	sdelay $0x3  }
0x453: {  	p1 =	slt.s32 s3, $0x1  }
.Ltmp27:
0x454: {  	_ = 	snop;
	(pc) =	sbr.rel @p1 .LBB2_36-.Ltmp27, $1  }
0x455: {  	_ =	sdelay $0x3  }
0x456: {  	s0 =	simm.s32 $0x6098;
	p1 =	por $0x0, $0x0  }
0x457: {  	v1 =	vld.msk @!p1 [tilespmem:s0+$0x0], $0x1;
	_ =	sdelay $0x4  }
0x458: {  	(v2sf) =	vpush @!p1 v1, $0x0;
	_ =	sdelay $0xd  }
0x459: {  	p3 =	sne.s32 s3, $0x1  }
.Ltmp28:
0x45a: {  	s1 =	spop @!p1 (v2sf);
	(pc) =	sbr.rel @!p3 .LBB2_34-.Ltmp28, $4  }
0x45b: {  	p2 =	seq.s32 @!p1 s12, s1  }
0x45c: {  	s13 =	simm.s32 $0x0;
	p2 =	por !p2, p1  }
0x45d: {  	s2 =	simm.s32 $0xFFFFFFFF;
	s13 =	simm.s32 @p2 $0xFFFFFFFF  }
0x45e: {  	s1 =	simm.s32 $0x1;
	s13 =	smov.u32 @p1 s2  }
.LBB2_33:
0x45f: {  	s2 =	smov.u32 s13;
	p1 =	sne.s32 s13, $0xFFFFFFFF  }
0x460: {  	s0 =	sadd.s32 $0x1, s0;
	s13 =	smov.u32 s1;
	s1 =	sadd.s32 $0x1, s1  }
0x461: {  	p2 =	sne.s32 s3, s1;
	v1 =	vld.msk @!p1 [tilespmem:s0+$0x0], $0x1;
	_ =	sdelay $0x4  }
0x462: {  	(v2sf) =	vpush @!p1 v1, $0x0;
	_ =	sdelay $0xe  }
.Ltmp29:
0x463: {  	s5 =	spop @!p1 (v2sf);
	(pc) =	sbr.rel @p2 .LBB2_33-.Ltmp29, $4  }
0x464: {  	p3 =	seq.s32 @!p1 s12, s5  }
0x465: {  	p3 =	por !p3, p1  }
0x466: {  	s13 =	simm.s32 @p3 $0xFFFFFFFF  }
0x467: {  	s13 =	smov.u32 @p1 s2  }
.LBB2_34:
0x468: {  	p1 =	seq.s32 s13, $0xFFFFFFFF  }
.Ltmp30:
0x469: {  	_ = 	snop;
	(pc) =	sbr.rel @p1 .LBB2_36-.Ltmp30, $1  }
0x46a: {  	_ =	sdelay $0x3  }
0x46b: {  	s0 =	sshll.u32 s11, $0x5  }
0x46c: {  	s0 =	sand.u32 $0x3FFFFFE0, s0  }
0x46d: {  	v0 =	vld [tilespmem:s0+$0x60B8];
	_ =	sdelay $0x2  }
0x46e: {  	s1 =	sshll.u32 s13, $0x7  }
0x46f: {  	s1 =	sshra.s32 s1, $0x2  }
0x470: {  	[tilespmem:s1+$0x60B8] =	vst.add.f32.msk $0xffff, v0  }
0x471: {  	v0 =	vld [tilespmem:s0+$0x60C8]  }
.Ltmp31:
0x472: {  	_ = 	snop;
	(pc) =	sbr.rel .LBB2_37-.Ltmp31, $2  }
0x473: {  	_ =	sdelay $0x2  }
0x474: {  	[tilespmem:s1+$0x60C8] =	vst.add.f32.msk $0xffff, v0  }
.LBB2_38:
0x475: {  	s0 =	simm.s32 $0x6;
	p1 =	seq.s32 s3, $0x0  }
0x476: {  	[sflag:s0] =	ssyncpa.u1 $0x1;
	v0 =	vimm.s32 @p1 $0xFFFFFFFF  }
0x477: {  	s9 =	sadd.s32 $0xFFFFFFFF, s3;
	[tilespmem:$0x64B8] =	vst @p1 v0  }
0x478: {  	v0 =	vld.msk @!p1 [tilespmem:s9+$0x6098], $0x1;
	_ =	sdelay $0x1  }
0x479: {  	v1 =	vld.msk @!p1 [tilespmem:$0x6098], $0x1;
	_ =	sdelay $0x2  }
0x47a: {  	p2 =	seq.s32 @!p1 s9, $0x0;
	v0 =	vbroadcast @!p1 v0, $0x0  }
0x47b: {  	vm0 =	vmmov @!p1 $0x1;
	p2 =	por !p2, p1  }
0x47c: {  	v1 =	vnsel @!p1 vm0, $0xFFFFFFFF, v1;
	vm0 =	vcmask @!p1 $0x308;
	v0 =	vpsel !p2, $0xFFFFFFFF, v0  }
0x47d: {  	p2 =	sne.s32 @!p1 s8, s7;
	v0 =	vsel @!p1 vm0, v1, v0  }
0x47e: {  	s0 =	simm.s32 @!p1 $0x60B8;
	s1 =	simm.s32 @!p1 $0x0;
	p3 =	por !p2, p1;
	[tilespmem:$0x64B8] =	vst @!p1 v0  }
0x47f: {  	[spmem:s1] =	stream.linear.scatter @!p1 [tilespmem:s0], [sflag:$0x1], $0x20, $0x38;
	[tilespmem:$0x1EC48] =	vst v63  }
0x480: {  	s0 =	sshll.u32 @!p3 s9, $0x7  }
0x481: {  	s0 =	sshra.s32 @!p3 s0, $0x2  }
0x482: {  	s1 =	simm.s32 @!p3 $0x20;
	s0 =	sadd.s32 @!p3 $0x60B8, s0  }
0x483: {  	[spmem:s1] =	stream.linear.scatter @!p3 [tilespmem:s0], [sflag:$0x1], $0x20, $0x38;
	[tilespmem:$0x1EC48] =	vst v63  }
0x484: {  	s0 =	simm.s32 @!p3 $0x1  }
0x485: {  	_ =	swait.ge @!p3 [sflag:s0], $0x40  }
0x486: {  	p1 =	por p2, p1;
	[sflag:s0] =	ssyncset.done @!p3 $0x0  }
0x487: {  	[sflag:s0] =	ssyncadd.s32 @!p3 $0xFFFFFFC0;
	s0 =	simm.s32 @!p1 $0x1  }
0x488: {  	_ =	swait.ge @!p1 [sflag:s0], $0x20  }
0x489: {  	s29 =	simm.s32 $0x64B8;
	[sflag:s0] =	ssyncset.done @!p1 $0x0  }
0x48a: {  	s30 =	simm.s32 $0x400;
	s31 =	simm.s32 $0x1;
	[sflag:s0] =	ssyncadd.s32 @!p1 $0xFFFFFFE0  }
0x48b: {  	[spmem:s30] =	stream.linear.scatter [tilespmem:s29], [sflag:$0x1], $0x10, $0x38;
	[tilespmem:$0x1EC48] =	vst v63  }
0x48c: {  	_ =	swait.ge [sflag:s31], $0x10  }
0x48d: {  	[sflag:s31] =	ssyncset.done $0x0  }
0x48e: {  	p1 =	seq.s32 s15, $0x0;
	s8 =	rddreg [dreg:$0x1];
	[sflag:s31] =	ssyncadd.s32 $0xFFFFFFF0  }
0x48f: {  	s1 =	sshll.u32 @p1 s8, $0xE;
	s7 =	rddreg [dreg:$0x2]  }
0x490: {  	s0 =	sadd.s32 @p1 $0x15C3C, s1;
	s1 =	sshll.u32 @p1 s7, $0x11  }
0x491: {  	_ =	sfence.stream.spmem;
	s0 =	sor.u32 @p1 s1, s0  }
0x492: {  	[sflag:s0] =	ssyncadd.remote.s32 @p1 $0x1;
	s0 =	simm.s32 @p1 $0x4  }
0x493: {  	s2 =	simm.s32 @!p1 $0x3C;
	s1 =	sand.u32 $0xFFFFFFFE, s8;
	_ =	swait.ge @p1 [sflag:s0], $0xA  }
0x494: {  	s5 =	simm.s32 @!p1 $0x0;
	s1 =	sadd.s32 @!p1 $0x4, s1;
	[sflag:s0] =	ssyncset.done @p1 $0x0  }
0x495: {  	s6 =	simm.s32 @!p1 $0x40;
	[sflag:s0] =	ssyncadd.s32 @p1 $0xFFFFFFF6;
	s0 =	sshll.u32 @!p1 s1, $0x1A  }
0x496: {  	s1 =	sshll.u32 @!p1 s1, $0xD;
	s0 =	sor.u32 @!p1 s0, s7;
	_ =	swait.eq @!p1 [sflag:s2], $0x1  }
0x497: {  	s1 =	sor.u32 @!p1 $0x1C04, s1;
	s2 =	simm.s32 @!p1 $0x1C03;
	s0 =	sor.u32 @!p1 $0x80004000, s0  }
0x498: {  	[spmem:s6], [sflag:s1] =	dma.general @!p1 [spmem:s5], [sflag:s2], length:$0x8, [dreg:$0x0], stride_count:$0x0, ici_dest:s0, dma_misc:DstOpCode:WRITE  }
0x499: {  	p2 =	slt.s32 s9, $0x2;
	s5 =	simm.s32 @!p1 $0x80;
	s6 =	simm.s32 @!p1 $0x82  }
0x49a: {  	[spmem:s6], [sflag:s1] =	dma.general @!p1 [spmem:s5], [sflag:s2], length:$0x2, [dreg:$0x0], stride_count:$0x0, ici_dest:s0, dma_misc:DstOpCode:WRITE  }
.Ltmp32:
0x49b: {  	s0 =	simm.s32 @!p1 $0x3;
	(pc) =	sbr.rel @p2 .LBB2_42-.Ltmp32, $4  }
0x49c: {  	s1 =	sshll.u32 @!p1 s8, $0xE;
	_ =	swait.ge @!p1 [sflag:s0], $0xA  }
0x49d: {  	s2 =	sshll.u32 @!p1 s7, $0x11;
	s1 =	sadd.s32 @!p1 $0x11C3C, s1;
	[sflag:s0] =	ssyncset.done @!p1 $0x0  }
0x49e: {  	[sflag:s0] =	ssyncadd.s32 @!p1 $0xFFFFFFF6;
	s0 =	sor.u32 @!p1 s2, s1  }
0x49f: {  	[sflag:s0] =	ssyncadd.remote.s32 @!p1 $0xFFFFFFFF;
	s0 =	simm.s32 $0x0  }
0x4a0: {  	s0 =	simm.s32 $0x6099  }
0x4a1: {  	v0 =	vld.msk [tilespmem:s0+$0x0], $0x1;
	_ =	sdelay $0x4  }
0x4a2: {  	(v2sf) =	vpush v0, $0x0;
	_ =	sdelay $0xc  }
0x4a3: {  	s1 =	sadd.s32 $0xFFFFFFFE, s3  }
0x4a4: {  	s1 =	sadd.s32 $0xFFFFFFFF, s1  }
0x4a5: {  	p2 =	sne.s32 s1, $0x0;
	s2 =	spop (v2sf)  }
.Ltmp33:
0x4a6: {  	p1 =	sgt.u32 s2, $0xC34FC;
	(pc) =	sbr.rel @!p2 .LBB2_41-.Ltmp33, $4  }
0x4a7: {  	s6 =	simm.s32 $0x0;
	s3 =	sand.u32 @!p1 $0xFFFF8, s2  }
0x4a8: {  	s0 =	simm.s32 $0x60D8;
	s2 =	sand.u32 @!p1 $0x7, s2;
	s3 =	sadd.s32 @!p1 s4, s3  }
0x4a9: {  	[hbm4b:s3+s2] =	stream.linear.scatter @!p1 [tilespmem:s0], [sflag:$0x5], $0x20, $0x38;
	[tilespmem:$0x1EC48] =	vst v63  }
0x4aa: {  	s6 =	simm.s32 @!p1 $0x80;
	s2 =	simm.s32 $0x0;
	s3 =	simm.s32 $0x609A  }
.LBB2_40:
0x4ab: {  	v0 =	vld.msk [tilespmem:s3+$0x0], $0x1;
	s1 =	sadd.s32 $0xFFFFFFFF, s1;
	s2 =	sadd.s32 s2, s6  }
0x4ac: {  	p1 =	sne.s32 s1, $0x0;
	_ =	sdelay $0x3  }
0x4ad: {  	(v2sf) =	vpush v0, $0x0;
	_ =	sdelay $0xe  }
.Ltmp34:
0x4ae: {  	s5 =	spop (v2sf);
	(pc) =	sbr.rel @p1 .LBB2_40-.Ltmp34, $4  }
0x4af: {  	s6 =	simm.s32 $0x0;
	p2 =	sgt.u32 s5, $0xC34FC  }
0x4b0: {  	s0 =	sadd.s32 $0x20, s0;
	s6 =	simm.s32 @!p2 $0x80;
	s7 =	sand.u32 @!p2 $0xFFFF8, s5  }
0x4b1: {  	s3 =	sadd.s32 $0x1, s3;
	s5 =	sand.u32 @!p2 $0x7, s5;
	s7 =	sadd.s32 @!p2 s4, s7  }
0x4b2: {  	[hbm4b:s7+s5] =	stream.linear.scatter @!p2 [tilespmem:s0], [sflag:$0x5], $0x20, $0x38;
	[tilespmem:$0x1EC48] =	vst v63  }
.LBB2_41:
0x4b3: {  	s0 =	sadd.s32 s2, s6  }
0x4b4: {  	s0 =	sshrl.u32 s0, $0x2  }
.LBB2_42:
0x4b5: {  	s1 =	simm.s32 $0x5  }
0x4b6: {  	_ =	swait.ge [sflag:s1], s0  }
0x4b7: {  	s31 =	ssub.s32 $0x0, s0;
	[sflag:s1] =	ssyncset.done $0x0  }
0x4b8: {  	[sflag:s1] =	ssyncadd.s32 s31  }
0x4b9: {  	[sflag:s1] =	ssyncpa.u1 $0x1  }
.LBB2_43:
0x4ba: {  	s0 =	sor.u32 s15, s14  }
0x4bb: {  	p1 =	sne.s32 s0, $0x0  }
.Ltmp35:
0x4bc: {  	_ = 	snop;
	(pc) =	sbr.rel @p1 .LBB2_58-.Ltmp35, $3  }
0x4bd: {  	_ =	sdelay $0x1  }
0x4be: {  	[bflag:$0x0] =	sbarrier.arrive $0xFFFF  }
0x4bf: {  	_ =	sfence  }
0x4c0: {  	s0 =	simm.s32 $0x7  }
0x4c1: {  	s1 =	simm.s32 $0x400;
	s2 =	simm.s32 $0x6098;
	[sflag:s0] =	ssyncpa.u1 $0x0  }
0x4c2: {  	[tilespmem:s2], [sflag:$0x7] =	stream.linear.gather [spmem:s1], $0x20, $0x38;
	[tilespmem:$0x1EC48] =	vst v63  }
0x4c3: {  	s30 =	simm.s32 $0x60B8;
	s1 =	simm.s32 $0x0  }
0x4c4: {  	[tilespmem:s30], [sflag:$0x7] =	stream.linear.gather [spmem:s1], $0x400, $0x38;
	[tilespmem:$0x1EC48] =	vst v63  }
.Ltmp36:
0x4c5: {  	_ = 	snop;
	(pc) =	sbr.rel .LBB2_45-.Ltmp36, $4  }
0x4c6: {  	_ =	swait.ge [sflag:s0], $0x420  }
0x4c7: {  	[sflag:s0] =	ssyncset.done $0x0  }
0x4c8: {  	s31 =	simm.s32 $0x8;
	[sflag:s0] =	ssyncadd.s32 $0xFFFFFBE0  }
0x4c9: {  	s2 =	simm.s32 $0x0;
	[sflag:s31] =	ssyncpa.u1 $0x0  }
.LBB2_51:
0x4ca: {  	p1 =	slt.u32 s3, $0xC34FD  }
0x4cb: {  	s0 =	sand.u32 @p1 $0xFFFF8, s3  }
0x4cc: {  	s3 =	sand.u32 @p1 $0x7, s3;
	s5 =	simm.s32 @p1 $0x6068;
	s0 =	sadd.s32 @p1 s4, s0  }
0x4cd: {  	[tilespmem:s5], [sflag:$0x8] =	stream.linear.gather @p1 [hbm4b:s0+s3], $0x20, $0x38;
	[tilespmem:$0x1EC48] =	vst v63  }
0x4ce: {  	s0 =	simm.s32 @p1 $0x8  }
0x4cf: {  	_ =	swait.ge @p1 [sflag:s0], $0x20  }
0x4d0: {  	[sflag:s0] =	ssyncset.done @p1 $0x0  }
0x4d1: {  	[sflag:s0] =	ssyncadd.s32 @p1 $0xFFFFFFE0  }
0x4d2: {  	v1 =	vld @p1 [tilespmem:$0x6068];
	_ =	sdelay $0x2  }
0x4d3: {  	s0 =	sshll.u32 @p1 s2, $0x7  }
0x4d4: {  	s3 =	sshrl.u32 @p1 s0, $0x2  }
0x4d5: {  	[tilespmem:s3+$0x60B8] =	vst.add.f32.msk @p1 $0xffff, v1  }
0x4d6: {  	v1 =	vld @p1 [tilespmem:$0x6078];
	_ =	sdelay $0x3  }
0x4d7: {  	s5 =	sshll.u32 @!p1 s2, $0x7  }
0x4d8: {  	s5 =	smov.u32 @p1 s0;
	[tilespmem:s3+$0x60C8] =	vst.add.f32.msk @p1 $0xffff, v1  }
0x4d9: {  	s0 =	sshrl.u32 s5, $0x2;
	[tilespmem:s1+$0x6098] =	vst.msk $0x1, v0  }
0x4da: {  	v0 =	vld [tilespmem:s0+$0x60B8];
	_ =	sdelay $0x2  }
0x4db: {  	s31 =	sshll.u32 s1, $0x7  }
0x4dc: {  	s3 =	sshra.s32 s31, $0x2  }
0x4dd: {  	[tilespmem:s3+$0x60B8] =	vst v0  }
0x4de: {  	v0 =	vld [tilespmem:s0+$0x60C8];
	_ =	sdelay $0x4  }
0x4df: {  	s1 =	sadd.s32 $0x1, s1;
	[tilespmem:s3+$0x60C8] =	vst v0  }
.LBB2_52:
0x4e0: {  	s2 =	sadd.s32 $0x1, s2  }
0x4e1: {  	p1 =	sne.s32 s2, $0x20  }
.Ltmp37:
0x4e2: {  	_ = 	snop;
	(pc) =	sbr.rel @!p1 .LBB2_53-.Ltmp37, $1  }
0x4e3: {  	_ =	sdelay $0x3  }
.LBB2_45:
0x4e4: {  	v0 =	vld.msk [tilespmem:s2+$0x6098], $0x1;
	_ =	sdelay $0x4  }
0x4e5: {  	(v2sf) =	vpush v0, $0x0;
	_ =	sdelay $0xe  }
0x4e6: {  	s3 =	spop (v2sf)  }
0x4e7: {  	p1 =	seq.s32 s3, $0xFFFFFFFF  }
.Ltmp38:
0x4e8: {  	_ = 	snop;
	(pc) =	sbr.rel @p1 .LBB2_52-.Ltmp38, $1  }
0x4e9: {  	_ =	sdelay $0x3  }
0x4ea: {  	p1 =	slt.s32 s1, $0x1  }
.Ltmp39:
0x4eb: {  	_ = 	snop;
	(pc) =	sbr.rel @p1 .LBB2_51-.Ltmp39, $1  }
0x4ec: {  	_ =	sdelay $0x3  }
0x4ed: {  	s0 =	simm.s32 $0x6098;
	p1 =	por $0x0, $0x0  }
0x4ee: {  	v1 =	vld.msk @!p1 [tilespmem:s0+$0x0], $0x1;
	_ =	sdelay $0x4  }
0x4ef: {  	(v2sf) =	vpush @!p1 v1, $0x0;
	_ =	sdelay $0xd  }
0x4f0: {  	p3 =	sne.s32 s1, $0x1  }
.Ltmp40:
0x4f1: {  	s5 =	spop @!p1 (v2sf);
	(pc) =	sbr.rel @!p3 .LBB2_49-.Ltmp40, $4  }
0x4f2: {  	p2 =	seq.s32 @!p1 s3, s5  }
0x4f3: {  	s5 =	simm.s32 $0x0;
	p2 =	por !p2, p1  }
0x4f4: {  	s7 =	simm.s32 $0xFFFFFFFF;
	s5 =	simm.s32 @p2 $0xFFFFFFFF  }
0x4f5: {  	s6 =	simm.s32 $0x1;
	s5 =	smov.u32 @p1 s7  }
.LBB2_48:
0x4f6: {  	s7 =	smov.u32 s5;
	p1 =	sne.s32 s5, $0xFFFFFFFF  }
0x4f7: {  	s0 =	sadd.s32 $0x1, s0;
	s5 =	smov.u32 s6;
	s6 =	sadd.s32 $0x1, s6  }
0x4f8: {  	p2 =	sne.s32 s1, s6;
	v1 =	vld.msk @!p1 [tilespmem:s0+$0x0], $0x1;
	_ =	sdelay $0x4  }
0x4f9: {  	(v2sf) =	vpush @!p1 v1, $0x0;
	_ =	sdelay $0xe  }
.Ltmp41:
0x4fa: {  	s8 =	spop @!p1 (v2sf);
	(pc) =	sbr.rel @p2 .LBB2_48-.Ltmp41, $4  }
0x4fb: {  	p3 =	seq.s32 @!p1 s3, s8  }
0x4fc: {  	p3 =	por !p3, p1  }
0x4fd: {  	s5 =	simm.s32 @p3 $0xFFFFFFFF  }
0x4fe: {  	s5 =	smov.u32 @p1 s7  }
.LBB2_49:
0x4ff: {  	p1 =	seq.s32 s5, $0xFFFFFFFF  }
.Ltmp42:
0x500: {  	_ = 	snop;
	(pc) =	sbr.rel @p1 .LBB2_51-.Ltmp42, $1  }
0x501: {  	_ =	sdelay $0x3  }
0x502: {  	s0 =	sshll.u32 s2, $0x5  }
0x503: {  	s0 =	sand.u32 $0x3FFFFFE0, s0  }
0x504: {  	v0 =	vld [tilespmem:s0+$0x60B8];
	_ =	sdelay $0x2  }
0x505: {  	s3 =	sshll.u32 s5, $0x7  }
0x506: {  	s3 =	sshra.s32 s3, $0x2  }
0x507: {  	[tilespmem:s3+$0x60B8] =	vst.add.f32.msk $0xffff, v0  }
0x508: {  	v0 =	vld [tilespmem:s0+$0x60C8]  }
.Ltmp43:
0x509: {  	_ = 	snop;
	(pc) =	sbr.rel .LBB2_52-.Ltmp43, $2  }
0x50a: {  	_ =	sdelay $0x2  }
0x50b: {  	[tilespmem:s3+$0x60C8] =	vst.add.f32.msk $0xffff, v0  }
.LBB2_53:
0x50c: {  	p1 =	slt.s32 s1, $0x1  }
.Ltmp44:
0x50d: {  	_ = 	snop;
	(pc) =	sbr.rel @p1 .LBB2_57-.Ltmp44, $3  }
0x50e: {  	_ =	sdelay $0x1  }
0x50f: {  	s0 =	simm.s32 $0x8  }
0x510: {  	s2 =	simm.s32 $0x0;
	[sflag:s0] =	ssyncpa.u1 $0x1  }
0x511: {  	s0 =	simm.s32 $0x6098  }
0x512: {  	v0 =	vld.msk [tilespmem:s0+$0x0], $0x1;
	_ =	sdelay $0x4  }
0x513: {  	(v2sf) =	vpush v0, $0x0;
	_ =	sdelay $0xe  }
0x514: {  	s1 =	sadd.s32 $0xFFFFFFFF, s1;
	s3 =	spop (v2sf)  }
0x515: {  	p2 =	sne.s32 s1, $0x0;
	p1 =	sgt.u32 s3, $0xC34FC  }
.Ltmp45:
0x516: {  	s5 =	sand.u32 @!p1 $0xFFFF8, s3;
	(pc) =	sbr.rel @!p2 .LBB2_56-.Ltmp45, $4  }
0x517: {  	s0 =	simm.s32 $0x60B8;
	s3 =	sand.u32 @!p1 $0x7, s3;
	s5 =	sadd.s32 @!p1 s4, s5  }
0x518: {  	[hbm4b:s5+s3] =	stream.linear.scatter @!p1 [tilespmem:s0], [sflag:$0x7], $0x20, $0x38;
	[tilespmem:$0x1EC48] =	vst v63  }
0x519: {  	s5 =	simm.s32 $0x0  }
0x51a: {  	s3 =	simm.s32 $0x6099;
	s5 =	simm.s32 @!p1 $0x80  }
.LBB2_55:
0x51b: {  	v0 =	vld.msk [tilespmem:s3+$0x0], $0x1;
	s1 =	sadd.s32 $0xFFFFFFFF, s1;
	s2 =	sadd.s32 s2, s5  }
0x51c: {  	p1 =	sne.s32 s1, $0x0;
	_ =	sdelay $0x3  }
0x51d: {  	(v2sf) =	vpush v0, $0x0;
	_ =	sdelay $0xe  }
.Ltmp46:
0x51e: {  	s6 =	spop (v2sf);
	(pc) =	sbr.rel @p1 .LBB2_55-.Ltmp46, $4  }
0x51f: {  	s5 =	simm.s32 $0x0;
	p2 =	sgt.u32 s6, $0xC34FC  }
0x520: {  	s0 =	sadd.s32 $0x20, s0;
	s5 =	simm.s32 @!p2 $0x80;
	s7 =	sand.u32 @!p2 $0xFFFF8, s6  }
0x521: {  	s3 =	sadd.s32 $0x1, s3;
	s6 =	sand.u32 @!p2 $0x7, s6;
	s7 =	sadd.s32 @!p2 s4, s7  }
0x522: {  	[hbm4b:s7+s6] =	stream.linear.scatter @!p2 [tilespmem:s0], [sflag:$0x7], $0x20, $0x38;
	[tilespmem:$0x1EC48] =	vst v63  }
.LBB2_56:
0x523: {  	s0 =	sadd.s32 s2, s5  }
0x524: {  	s2 =	sshrl.u32 s0, $0x2  }
.LBB2_57:
0x525: {  	s0 =	simm.s32 $0x7  }
0x526: {  	_ =	swait.ge [sflag:s0], s2  }
0x527: {  	s1 =	ssub.s32 $0x0, s2;
	[sflag:s0] =	ssyncset.done $0x0  }
0x528: {  	[sflag:s0] =	ssyncadd.s32 s1  }
0x529: {  	[sflag:s0] =	ssyncpa.u1 $0x1  }
.LBB2_58:
0x52a: {  	_ =	sfence;
	s0 =	simm.s32 $0x1  }
0x52b: {  	[sflag:s0] =	ssyncpa.u1 $0x1  }
0x52c: {  	_ =	strace $0x9000005C  }
0x52d: {  	[bflag:$0x2] =	sbarrier.arrive $0xFFFF  }
0x52e: {  	s0 =	rddreg [dreg:$0x3]  }
0x52f: {  	s0 =	sadd.s32 @!p0 $0x100000, s0  }
0x530: {  	[sflag:s0] =	ssyncadd.tile.s32 @!p0 $0x1;
	_ =	shalt  }
.Lfunc_end2:
_tile_overlayer_lowered:
.L_overlay_start_2:
0x531: {  	(tag) =	ssettag $0x2  }
0x532: {  	s0 =	rddreg [dreg:$0x0];
	s2 =	stileid.u32  }
0x533: {  	s1 =	rddreg [dreg:$0x1];
	p0 =	sne.s32 s2, $0x0  }
0x534: {  	s3 =	rddreg [dreg:$0x2];
	[bflag:$0x3] =	sbarrier.arrive $0xFFFF;
	s2 =	simm.s32 @!p0 $0x1C01  }
0x535: {  	[timem:s3], [sflag:s2] =	dma.local @!p0 [hbm:s0], s1  }
0x536: {  	s0 =	simm.s32 @!p0 $0x1  }
0x537: {  	_ =	swait.ge @!p0 [sflag:s0], s1  }
0x538: {  	s1 =	ssub.s32 @!p0 $0x0, s1;
	[sflag:s0] =	ssyncset.done @!p0 $0x0  }
0x539: {  	[sflag:s0] =	ssyncadd.s32 @!p0 s1  }
0x53a: {  	[bflag:$0x3] =	sbarrier.arrive $0xFFFF  }
0x53b: {  	_ =	shalt  }

// kernel: scatter_offload_async_start
scs
__scs_entry_jumppad:
0x0: {  	(pc) =	sbr.rel $0x88, $3  }
0x1: {  	(tag) =	ssettag $0x0;
	lr =	simm.s32 $0x1  }
0x2: {  	[smem:$0x3F8D] =	sst lr;
	_ =	strace $0xD0000000  }
0x3: {  	_ = 	snop  }
0x4: {  	_ = 	snop  }
0x5: {  	_ = 	snop  }
0x6: {  	_ = 	snop  }
0x7: {  	_ = 	snop  }
__scs_overlays_trampoline_lowered:
0x8: {  	[smem:$0x3F9C] =	sst s0  }
0x9: {  	[smem:$0x3F9D] =	sst s1  }
0xa: {  	[smem:$0x3F9E] =	sst s2  }
0xb: {  	[smem:$0x3F9F] =	sst s3  }
0xc: {  	[smem:$0x3FA0] =	sst s4  }
0xd: {  	[smem:$0x3FA1] =	sst s5  }
0xe: {  	[smem:$0x3FA2] =	sst s6  }
0xf: {  	[smem:$0x3FA3] =	sst s7  }
0x10: {  	[smem:$0x3FA4] =	sst s8  }
0x11: {  	[smem:$0x3FA5] =	sst s9;
	s0 =	simm.s32 @!p0 $0x0  }
0x12: {  	s1 =	sld [smem:$0x3F8B];
	s0 =	simm.s32 @p0 $0x1  }
0x13: {  	[smem:$0x3FA6] =	sst s0;
	s0 =	simm.s32 @!p1 $0x0  }
0x14: {  	s2 =	sld [smem:$0x3F8A];
	s0 =	simm.s32 @p1 $0x1  }
0x15: {  	[smem:$0x3FA7] =	sst s0;
	s0 =	simm.s32 @!p2 $0x0  }
0x16: {  	s3 =	sld [smem:$0x3FDB];
	s0 =	simm.s32 @p2 $0x1  }
0x17: {  	s4 =	simm.s32 $0x1BF5;
	[smem:$0x3FA9] =	sst s0  }
0x18: {  	s0 =	sld [smem:$0x3F8C];
	_ =	swait.ge [sflag:s4], $0x0  }
0x19: {  	s7 =	sld [smem:$0x3F8D]  }
0x1a: {  	s8 =	sadd.s32 $0xFFFFE003, lr  }
0x1b: {  	s9 =	sadd.s32 $0xFFFFFEF7, lr;
	s5 =	simm.s32 $0xFFFFFFFF;
	p2 =	slt.u32 s8, $0xFFFFF086  }
0x1c: {  	p1 =	slt.u32 s9, $0xF7A;
	s5 =	simm.s32 @!p2 $0x0  }
0x1d: {  	s5 =	simm.s32 @p1 $0x1;
	p0 =	seq.s32 s7, s2  }
0x1e: {  	s7 =	smul.u32 @!p0 $0xF7A, s2;
	p2 =	seq.s32 @!p0 s5, $0x0  }
0x1f: {  	s9 =	smul.u32 $0xF7A, s1;
	s8 =	simm.s32 @!p0 $0x1BF5;
	p2 =	por !p2, p0  }
0x20: {  	[sflag:s8] =	ssyncset.s32 @!p0 $0xFFFFF086;
	s6 =	sadd.s32 @!p0 s3, s7;
	s7 =	simm.s32 @!p0 $0x108  }
0x21: {  	s3 =	sadd.s32 s3, s9;
	s6 =	sadd.s32 @!p0 $0x88, s6;
	s7 =	simm.s32 @p2 $0x1082  }
0x22: {  	[simem:s7], [sflag:s8] =	dma.local @!p0 [hbm:s6], $0xF7A  }
0x23: {  	s9 =	sor.u32 $0xD0000000, s2;
	s6 =	simm.s32 $0x108;
	_ =	swait.ge @!p0 [sflag:s8], $0x0  }
0x24: {  	s3 =	sadd.s32 $0x88, s3;
	s6 =	simm.s32 @!p1 $0x1082;
	[sflag:s4] =	ssyncset.s32 $0xFFFFF086  }
0x25: {  	[simem:s6], [sflag:s4] =	dma.local [hbm:s3], $0xF7A  }
0x26: {  	[smem:$0x3F8D] =	sst s1;
	(tag) =	ssettag s2;
	_ =	strace s9  }
0x27: {  	s1 =	sld [smem:$0x3F9D]  }
0x28: {  	s2 =	sld [smem:$0x3F9E]  }
0x29: {  	s4 =	sld [smem:$0x3FA0]  }
0x2a: {  	p0 =	seq.s32 s5, $0x0;
	s5 =	sld [smem:$0x3FA1]  }
0x2b: {  	s6 =	sld [smem:$0x3FA2]  }
0x2c: {  	s7 =	sld [smem:$0x3FA3]  }
0x2d: {  	s3 =	simm.s32 $0x108;
	s8 =	sld [smem:$0x3FA4]  }
0x2e: {  	s3 =	simm.s32 @!p0 $0x1082;
	s9 =	sld [smem:$0x3FA5]  }
0x2f: {  	lr =	sadd.s32 s0, s3;
	s0 =	sld [smem:$0x3F9C]  }
0x30: {  	s3 =	sld [smem:$0x3F9F]  }
0x31: {  	[smem:$0x3FA8] =	sst s10  }
0x32: {  	s10 =	sld [smem:$0x3FA6];
	_ =	sdelay $0x3  }
0x33: {  	p0 =	seq.s32 s10, $0x1;
	s10 =	sld [smem:$0x3FA8];
	_ =	sdelay $0x3  }
0x34: {  	[smem:$0x3FA8] =	sst s10  }
0x35: {  	s10 =	sld [smem:$0x3FA7];
	_ =	sdelay $0x3  }
0x36: {  	p1 =	seq.s32 s10, $0x1;
	s10 =	sld [smem:$0x3FA8];
	_ =	sdelay $0x3  }
0x37: {  	[smem:$0x3FA8] =	sst s10  }
0x38: {  	s10 =	sld [smem:$0x3FA9]  }
0x39: {  	_ = 	snop;
	(pc) =	sbr.ind lr, $3  }
0x3a: {  	_ = 	snop  }
0x3b: {  	_ = 	snop  }
0x3c: {  	p2 =	seq.s32 s10, $0x1;
	s10 =	sld [smem:$0x3FA8]  }
0x3d: {  	_ =	shalt  }
0x3e: {  	_ =	shalt  }
0x3f: {  	_ =	shalt  }
0x40: {  	_ =	shalt  }
0x41: {  	_ =	shalt  }
0x42: {  	_ =	shalt  }
0x43: {  	_ =	shalt  }
0x44: {  	_ =	shalt  }
0x45: {  	_ =	shalt  }
0x46: {  	_ =	shalt  }
0x47: {  	_ =	shalt  }
0x48: {  	_ =	shalt  }
0x49: {  	_ =	shalt  }
0x4a: {  	_ =	shalt  }
0x4b: {  	_ =	shalt  }
0x4c: {  	_ =	shalt  }
0x4d: {  	_ =	shalt  }
0x4e: {  	_ =	shalt  }
0x4f: {  	_ =	shalt  }
0x50: {  	_ =	shalt  }
0x51: {  	_ =	shalt  }
0x52: {  	_ =	shalt  }
0x53: {  	_ =	shalt  }
0x54: {  	_ =	shalt  }
0x55: {  	_ =	shalt  }
0x56: {  	_ =	shalt  }
0x57: {  	_ =	shalt  }
0x58: {  	_ =	shalt  }
0x59: {  	_ =	shalt  }
0x5a: {  	_ =	shalt  }
0x5b: {  	_ =	shalt  }
0x5c: {  	_ =	shalt  }
0x5d: {  	_ =	shalt  }
0x5e: {  	_ =	shalt  }
0x5f: {  	_ =	shalt  }
0x60: {  	_ =	shalt  }
0x61: {  	_ =	shalt  }
0x62: {  	_ =	shalt  }
0x63: {  	_ =	shalt  }
0x64: {  	_ =	shalt  }
0x65: {  	_ =	shalt  }
0x66: {  	_ =	shalt  }
0x67: {  	_ =	shalt  }
0x68: {  	_ =	shalt  }
0x69: {  	_ =	shalt  }
0x6a: {  	_ =	shalt  }
0x6b: {  	_ =	shalt  }
0x6c: {  	_ =	shalt  }
0x6d: {  	_ =	shalt  }
0x6e: {  	_ =	shalt  }
0x6f: {  	_ =	shalt  }
0x70: {  	_ =	shalt  }
0x71: {  	_ =	shalt  }
0x72: {  	_ =	shalt  }
0x73: {  	_ =	shalt  }
0x74: {  	_ =	shalt  }
0x75: {  	_ =	shalt  }
0x76: {  	_ =	shalt  }
0x77: {  	_ =	shalt  }
0x78: {  	_ =	shalt  }
0x79: {  	_ =	shalt  }
0x7a: {  	_ =	shalt  }
0x7b: {  	_ =	shalt  }
0x7c: {  	_ =	shalt  }
0x7d: {  	_ =	shalt  }
0x7e: {  	_ =	shalt  }
0x7f: {  	_ =	shalt  }
0x80: {  	_ =	shalt  }
0x81: {  	_ =	shalt  }
0x82: {  	_ =	shalt  }
0x83: {  	_ =	shalt  }
0x84: {  	_ =	shalt  }
0x85: {  	_ =	shalt  }
0x86: {  	_ =	shalt  }
0x87: {  	_ =	shalt  }
.Lfunc_end0:
.L_simem_size_0:
called_computation_lowered:
.L_overlay_start_0:
0x88: {  	s2 =	sld [smem:$0x3FD9]  }
0x89: {  	s3 =	sld [smem:$0x3FFE];
	_ =	sdelay $0x1  }
0x8a: {  	s1 =	srdreg.scid  }
0x8b: {  	s0 =	sand.u32 $0x1, s1  }
0x8c: {  	s12 =	sshll.u32 s0, $0xA;
	s2 =	sadd.s32 s3, s2  }
0x8d: {  	s2 =	sadd.s32 s2, s12  }
0x8e: {  	[smem:$0x3FB4] =	sst s2  }
0x8f: {  	_ = 	snop  }
0x90: {  	(tm) =	ssettm $0x1  }
0x91: {  	s13 =	sld [smem:$0x3FFB];
	_ =	sdelay $0x3  }
0x92: {  	_ =	strace s13  }
0x93: {  	s2 =	sld [smem:$0x3FFC];
	_ =	sdelay $0x3  }
0x94: {  	_ =	strace s2  }
0x95: {  	s2 =	sld [smem:$0x3FFD];
	_ =	sdelay $0x3  }
0x96: {  	_ =	strace s2  }
0x97: {  	_ =	strace $0x8FFFFFFF  }
0x98: {  	s14 =	sld [smem:$0x3FDB];
	_ =	sdelay $0x1  }
0x99: {  	s15 =	simm.s32 $_scs_section_size  }
0x9a: {  	s4 =	simm.s32 $_size__tile_overlayer_lowered;
	s5 =	simm.s32 $_tile_overlayer_lowered  }
0x9b: {  	s19 =	simm.s32 $0x1BFF;
	s17 =	sshll.u32 s5, $0x1;
	s6 =	sadd.s32 s15, s14  }
0x9c: {  	s20 =	simm.s32 $0x0;
	s16 =	sshll.u32 s4, $0x1;
	s18 =	sadd.s32 s17, s6  }
0x9d: {  	[timem:s20], [sflag:s19] =	dma.local [hbm:s18], s16  }
0x9e: {  	_ =	swait.ge [sflag:s19], s16  }
0x9f: {  	s3 =	ssub.s32 $0x0, s16;
	[sflag:s19] =	ssyncset.done $0x0  }
0xa0: {  	[sflag:s19] =	ssyncadd.s32 s3;
	_ =	sdelay $0x1  }
0xa1: {  	s21 =	simm.s32 $0x1B8B  }
0xa2: {  	_ =	swait.ge [sflag:s21], $0x1  }
0xa3: {  	[sflag:s21] =	ssyncset.done $0x0  }
0xa4: {  	[sflag:s21] =	ssyncadd.s32 $0xFFFFFFFF  }
0xa5: {  	s3 =	sld [smem:$0x0]  }
0xa6: {  	s4 =	sand.u32 $0xFFFFFFFE, s1  }
0xa7: {  	p0 =	sne.s32 s1, s4  }
0xa8: {  	s4 =	sshll.u32 @p0 s4, $0xE  }
0xa9: {  	s5 =	sadd.s32 @p0 $0x11B8D, s4;
	s7 =	sshll.u32 @p0 s3, $0x11  }
0xaa: {  	s5 =	sor.u32 @p0 s7, s5  }
0xab: {  	[sflag:s5] =	ssyncadd.remote.s32 @p0 $0x1;
	_ =	sdelay $0x1  }
0xac: {  	s5 =	simm.s32 @p0 $0x1B8D  }
0xad: {  	_ =	swait.eq @p0 [sflag:s5], $0x1  }
0xae: {  	[sflag:s5] =	ssyncadd.s32 @p0 $0xFFFFFFFF  }
0xaf: {  	s7 =	sshll.u32 @!p0 s1, $0xE  }
0xb0: {  	s7 =	sor.u32 @!p0 $0x4000, s7;
	s5 =	simm.s32 @!p0 $0x1B8D  }
0xb1: {  	s9 =	sshll.u32 @!p0 s3, $0x11;
	s8 =	sadd.s32 @!p0 $0x11B8D, s7;
	_ =	swait.eq @!p0 [sflag:s5], $0x1  }
0xb2: {  	[sflag:s5] =	ssyncadd.s32 @!p0 $0xFFFFFFFF;
	s5 =	sor.u32 @!p0 s9, s8  }
0xb3: {  	s23 =	simm.s32 $0x1B8E;
	s22 =	sld [smem:$0x3FFE];
	[sflag:s5] =	ssyncadd.remote.s32 @!p0 $0x1  }
0xb4: {  	s24 =	simm.s32 $execute0_lowered;
	[smem:$0x3FD2] =	sst s23  }
0xb5: {  	s8 =	sshll.u32 s24, $0x1;
	_ =	strace $0x80000049;
	[dreg:$0x1] =	wrdreg $0xFFFFFFFF  }
0xb6: {  	s25 =	simm.s32 $_size_execute0_lowered;
	s8 =	sadd.s32 s6, s8;
	[dreg:$0x0] =	wrdreg $0x0  }
0xb7: {  	s9 =	sshll.u32 s25, $0x1;
	[dreg:$0x2] =	wrdreg s8  }
0xb8: {  	[dreg:$0x3] =	wrdreg s9  }
0xb9: {  	[dreg:$0x4] =	wrdreg $0xC0  }
0xba: {  	s26 =	simm.s32 $execute1_lowered;
	_ =	task [dreg:s20], $0x5FFFF  }
0xbb: {  	s8 =	sshll.u32 s26, $0x1;
	[dreg:$0x1] =	wrdreg $0xFFFFFFFF  }
0xbc: {  	s6 =	sadd.s32 s6, s8;
	[dreg:$0x0] =	wrdreg $0x60  }
0xbd: {  	[dreg:$0x2] =	wrdreg s6  }
0xbe: {  	[dreg:$0x3] =	wrdreg s22  }
0xbf: {  	[dreg:$0x4] =	wrdreg $0x9  }
0xc0: {  	_ =	task.clear_ibuf [dreg:s20], $0x5FFFF;
	_ =	strace $0x90000049  }
0xc1: {  	s28 =	simm.s32 $0x9;
	_ =	strace $0x8000004B  }
0xc2: {  	_ =	swait.ge [sflag:s28], $0x1  }
0xc3: {  	[sflag:s28] =	ssyncadd.s32 $0xFFFFFFFF  }
0xc4: {  	_ =	strace $0x9000004B  }
0xc5: {  	s6 =	sld [smem:$0x0];
	_ =	sdelay $0x3  }
0xc6: {  	s4 =	sadd.s32 @p0 $0x11BF3, s4;
	s8 =	sshll.u32 @p0 s6, $0x11  }
0xc7: {  	s4 =	sor.u32 @p0 s8, s4  }
0xc8: {  	[sflag:s4] =	ssyncadd.remote.s32 @p0 $0x1;
	_ =	sdelay $0x1  }
0xc9: {  	s4 =	simm.s32 @p0 $0x1BF3  }
0xca: {  	_ =	swait.eq @p0 [sflag:s4], $0x1  }
0xcb: {  	[sflag:s4] =	ssyncadd.s32 @p0 $0xFFFFFFFF;
	_ =	sdelay $0x1  }
0xcc: {  	s4 =	simm.s32 @!p0 $0x1BF3  }
0xcd: {  	s7 =	sadd.s32 @!p0 $0x11BF3, s7;
	s6 =	sshll.u32 @!p0 s6, $0x11;
	_ =	swait.eq @!p0 [sflag:s4], $0x1  }
0xce: {  	[sflag:s4] =	ssyncadd.s32 @!p0 $0xFFFFFFFF;
	s4 =	sor.u32 @!p0 s6, s7  }
0xcf: {  	[sflag:s4] =	ssyncadd.remote.s32 @!p0 $0x1  }
0xd0: {  	_ =	strace $0x8000004C;
	[dreg:$0x1] =	wrdreg $0xFFFFFFFF  }
0xd1: {  	[dreg:$0x0] =	wrdreg $0x2030  }
0xd2: {  	[dreg:$0x2] =	wrdreg s22  }
0xd3: {  	[dreg:$0x3] =	wrdreg s1  }
0xd4: {  	[dreg:$0x4] =	wrdreg s3  }
0xd5: {  	[dreg:$0x5] =	wrdreg $0xA  }
0xd6: {  	_ =	task.clear_ibuf [dreg:s20], $0x6FFFF;
	_ =	strace $0x9000004C  }
0xd7: {  	s29 =	simm.s32 $0xA;
	_ =	strace $0x8000004E  }
0xd8: {  	_ =	swait.ge [sflag:s29], $0x1  }
0xd9: {  	[sflag:s29] =	ssyncadd.s32 $0xFFFFFFFF  }
0xda: {  	_ =	strace $0x9000004E  }
0xdb: {  	_ =	sfence  }
0xdc: {  	s30 =	sld [smem:$0x0];
	_ =	sdelay $0x2  }
0xdd: {  	s31 =	sshll.u32 s1, $0xD;
	s1 =	sshrl.u32 s1, $0x2  }
0xde: {  	s4 =	sand.u32 $0x4000, s31;
	s1 =	sadd.s32 s1, s30  }
0xdf: {  	s0 =	sor.u32 s4, s0;
	s1 =	sshll.u32 s1, $0x11  }
0xe0: {  	s0 =	sor.u32 s1, s0  }
0xe1: {  	s0 =	sadd.s32 $0x8F2B, s0  }
0xe2: {  	[sflag:s0] =	ssyncadd.remote.s32 $0x1  }
0xe3: {  	_ =	sfence.sel $0xFFFF  }
0xe4: {  	[dreg:$0x0] =	wrdreg $0xFFFFFFFF;
	(pc) =	sbr.abs _section_cstart, $3  }
0xe5: {  	[dreg:$0x1] =	wrdreg $0xFFFFFFFF  }
0xe6: {  	_ =	task.clear_ibuf [dreg:s20], $0x2FFFF;
	_ =	strace $0x9FFFFFFF  }
0xe7: {  	(tm) =	ssettm $0x7FFFFFFF  }
tec
execute0_lowered:
.L_overlay_start_1:
0x0: {  	(tag) =	ssettag $0x1  }
0x1: {  	s2 =	rddreg [dreg:$0x0]  }
0x2: {  	s5 =	rddreg [dreg:$0x1]  }
0x3: {  	s0 =	rddreg [dreg:$0x2];
	s3 =	stileid.u32;
	[bflag:$0x3] =	sbarrier.arrive $0xFFFF  }
0x4: {  	s1 =	simm.s32 $_size_execute1_lowered;
	s29 =	srdreg.scid;
	s31 =	simm.s32 $0x2  }
0x5: {  	s13 =	simm.s32 $0x0;
	s8 =	simm.s32 $0x20;
	p0 =	sne.s32 s3, $0x0  }
0x6: {  	s1 =	sshll.u32 s1, $0x1;
	s4 =	simm.s32 @!p0 $0x1C3F;
	s6 =	simm.s32 @!p0 $0x4060  }
0x7: {  	[timem:s6], [sflag:s4] =	dma.local @!p0 [hbm:s2], s1  }
0x8: {  	s9 =	simm.s32 $0x80;
	s11 =	simm.s32 $0x0;
	s2 =	sshll.u32 s29, $0x9  }
.Ltmp0:
0x9: {  	s3 =	sshll.u32 s3, $0xA;
	s30 =	sand.u32 $0x200, s2;
	(pc) =	sbr.rel .LBB2_1-.Ltmp0, $4  }
0xa: {  	s12 =	simm.s32 $0x0;
	_ =	strace $0x8000004A;
	s3 =	sor.u32 s3, s30  }
0xb: {  	s4 =	simm.s32 $0x1;
	s2 =	sadd.s32 $0x965400, s5;
	s7 =	ssub.s32 $0xC200, s3  }
0xc: {  	s5 =	sadd.s32 $0xA28A00, s5;
	[sflag:s4] =	ssyncpa.u1 $0x0;
	s6 =	sshrl.u32 s7, $0xE  }
0xd: {  	[sflag:s31] =	ssyncpa.u1 $0x0;
	s10 =	smov.u32 s3;
	s7 =	sadd.s32 $0x2, s6  }
.LBB2_5:
0xe: {  	_ =	sdelay $0x3  }
0xf: {  	[tilespmem:v1+s16+$0x0 ss:$0x1] =	vst.idx.msk $0xffff, v2  }
.LBB2_6:
0x10: {  	s16 =	sand.u32 $0x1FFFFFF, s11  }
0x11: {  	s17 =	smulhi.u32 $0x14F8B59, s16;
	_ =	sdelay $0x1  }
0x12: {  	s17 =	sshrl.u32 s17, $0x8  }
0x13: {  	s17 =	smul.u32 $0xC350, s17;
	_ =	sdelay $0x1  }
0x14: {  	s16 =	ssub.s32 s16, s17  }
0x15: {  	s16 =	sshll.u32 s16, $0x4  }
0x16: {  	s16 =	sadd.s32 s5, s16  }
0x17: {  	[hbm4b:s16+s8] =	stream.strided.scatter [tilespmem:s15], [sflag:$0x2], s14, s9, s8, $0x38;
	[tilespmem:$0x10000] =	vst v63  }
.LBB2_7:
0x18: {  	p1 =	slt.u32 s12, $0x2  }
0x19: {  	p2 =	sgt.s32 @!p1 s13, $0xC150  }
0x1a: {  	s14 =	smov.u32 s13;
	s15 =	sshra.s32 @!p1 s13, $0x1F;
	p2 =	por !p2, p1  }
0x1b: {  	s13 =	sand.u32 @!p1 s15, s13;
	s14 =	simm.s32 @p2 $0xC150  }
0x1c: {  	s13 =	ssub.s32 @!p1 s14, s13  }
0x1d: {  	s13 =	sadd.s32 @!p1 $0xFFFF3EB0, s13  }
0x1e: {  	s14 =	sshll.u32 @!p1 s13, $0x7  }
0x1f: {  	p2 =	sgt.s32 @!p1 s13, $0x1FF;
	s13 =	ssub.s32 @!p1 $0x10000, s14  }
0x20: {  	s15 =	sadd.s32 $0x4000, s10;
	p2 =	por !p2, p1;
	s13 =	sshrl.u32 @!p1 s13, $0x2  }
0x21: {  	s13 =	simm.s32 @!p2 $0x0;
	p2 =	sgt.s32 s15, $0xC34F  }
0x22: {  	s15 =	smov.u32 @p2 s3;
	p2 =	sne.s32 s12, s7  }
.Ltmp1:
0x23: {  	_ = 	snop;
	(pc) =	sbr.rel @!p2 .LBB2_8-.Ltmp1, $4  }
0x24: {  	s14 =	simm.s32 @!p1 $0x2  }
0x25: {  	_ =	swait.ge @!p1 [sflag:s14], s13;
	s16 =	ssub.s32 @!p1 $0x0, s13  }
0x26: {  	s13 =	smov.u32 s11;
	s12 =	sadd.s32 $0x1, s12;
	[sflag:s14] =	ssyncset.done @!p1 $0x0  }
0x27: {  	s11 =	smov.u32 s10;
	s10 =	smov.u32 s15;
	[sflag:s14] =	ssyncadd.s32 @!p1 s16  }
.LBB2_1:
0x28: {  	p1 =	sgt.u32 s12, s6  }
0x29: {  	s15 =	smov.u32 s10;
	p2 =	sgt.s32 @!p1 s10, $0xC150  }
0x2a: {  	s14 =	sand.u32 @!p1 $0x1FFFFFF, s10;
	s16 =	sshra.s32 @!p1 s10, $0x1F;
	p2 =	por !p2, p1  }
0x2b: {  	s17 =	smulhi.u32 @!p1 $0x14F8B59, s14;
	s16 =	sand.u32 @!p1 s16, s10;
	s15 =	simm.s32 @p2 $0xC150  }
0x2c: {  	s15 =	ssub.s32 @!p1 s15, s16  }
0x2d: {  	s16 =	sshrl.u32 @!p1 s17, $0x8;
	s15 =	sadd.s32 @!p1 $0xFFFF3EB0, s15  }
0x2e: {  	s17 =	sxor.u32 @!p1 $0xFFFFFFFF, s12;
	s16 =	smul.u32 @!p1 $0xC350, s16;
	s18 =	sshll.u32 @!p1 s15, $0x7  }
0x2f: {  	s17 =	sshll.u32 @!p1 s17, $0xE;
	p2 =	sgt.s32 @!p1 s15, $0x1FF;
	s15 =	ssub.s32 @!p1 $0x10000, s18  }
0x30: {  	s14 =	ssub.s32 @!p1 s14, s16;
	p2 =	por !p2, p1;
	s16 =	sand.u32 @!p1 $0x4000, s17  }
0x31: {  	s17 =	simm.s32 @!p1 $0x20;
	s15 =	sshrl.u32 @!p1 s15, $0x2;
	s14 =	sshll.u32 @!p1 s14, $0x4  }
0x32: {  	s18 =	simm.s32 @!p1 $0x80;
	s15 =	simm.s32 @!p2 $0x0;
	s14 =	sadd.s32 @!p1 s2, s14  }
0x33: {  	[tilespmem:s16], [sflag:$0x1] =	stream.strided.gather @!p1 [hbm4b:s14+s17], s15, s18, s17, $0x38;
	[tilespmem:$0x10000] =	vst v63  }
0x34: {  	p1 =	seq.s32 s12, $0x0  }
0x35: {  	p2 =	sge.u32 @!p1 s12, s7  }
0x36: {  	p1 =	por p1, p2  }
.Ltmp2:
0x37: {  	_ = 	snop;
	(pc) =	sbr.rel @p1 .LBB2_7-.Ltmp2, $1  }
0x38: {  	_ =	sdelay $0x3  }
0x39: {  	p1 =	sgt.s32 s11, $0xC150;
	s14 =	smov.u32 s11;
	s15 =	sshra.s32 s11, $0x1F  }
0x3a: {  	s14 =	simm.s32 @!p1 $0xC150;
	s15 =	sand.u32 s15, s11  }
0x3b: {  	s14 =	ssub.s32 s14, s15  }
0x3c: {  	s14 =	sadd.s32 $0xFFFF3EB0, s14  }
0x3d: {  	s31 =	sshll.u32 s14, $0x7  }
0x3e: {  	s15 =	ssub.s32 $0x10000, s31  }
0x3f: {  	p1 =	sgt.s32 s14, $0x1FF;
	s14 =	sshrl.u32 s15, $0x2;
	s15 =	sadd.s32 $0x200, s11  }
0x40: {  	s14 =	simm.s32 @p1 $0x0;
	p1 =	slt.s32 s15, $0xC350  }
0x41: {  	s15 =	simm.s32 @!p1 $0xC350  }
0x42: {  	s17 =	ssub.s32 s15, s11  }
0x43: {  	p1 =	slt.s32 s17, $0x1  }
.Ltmp3:
0x44: {  	_ = 	snop;
	(pc) =	sbr.rel @p1 .LBB2_6-.Ltmp3, $4  }
0x45: {  	_ = 	snop  }
0x46: {  	s16 =	sshll.u32 s12, $0xE;
	_ =	swait.ge [sflag:s4], s14  }
0x47: {  	s16 =	sand.u32 $0x4000, s16;
	s18 =	ssub.s32 $0x0, s14;
	[sflag:s4] =	ssyncset.done $0x0  }
0x48: {  	s15 =	sor.u32 $0x8000, s16;
	[sflag:s4] =	ssyncadd.s32 s18  }
0x49: {  	v0 =	vmov s16;
	_ =	sdelay $0x2  }
0x4a: {  	s31 =	simm.s32 $0x0;
	p1 =	sne.s32 s17, $0x1  }
.Ltmp4:
0x4b: {  	s16 =	sand.u32 $0x3FE0, s31;
	(pc) =	sbr.rel @!p1 .LBB2_5-.Ltmp4, $2  }
0x4c: {  	v1 =	vmov s15;
	v2 =	vld.idx.msk [tilespmem:v0+s16+$0x0 ss:$0x1], $0xffff;
	_ =	sdelay $0x2  }
0x4d: {  	s17 =	sadd.s32 $0xFFFFFFFF, s17;
	s18 =	simm.s32 $0x20  }
.LBB2_4:
0x4e: {  	s19 =	sand.u32 $0x3FE0, s18;
	p1 =	sne.s32 s17, $0x1;
	s17 =	sadd.s32 $0xFFFFFFFF, s17  }
.Ltmp5:
0x4f: {  	[tilespmem:v1+s16+$0x0 ss:$0x1] =	vst.idx.msk $0xffff, v2;
	v2 =	vld.idx.msk [tilespmem:v0+s19+$0x0 ss:$0x1], $0xffff;
	s16 =	smov.u32 s19;
	(pc) =	sbr.rel @p1 .LBB2_4-.Ltmp5, $2  }
0x50: {  	_ =	sdelay $0x2  }
0x51: {  	s18 =	sadd.s32 $0x20, s18  }
.Ltmp6:
0x52: {  	_ = 	snop;
	(pc) =	sbr.rel .LBB2_5-.Ltmp6, $1  }
0x53: {  	_ =	sdelay $0x3  }
.LBB2_8:
0x54: {  	_ =	sfence.sel $0x180000  }
0x55: {  	s2 =	simm.s32 $0x1;
	[bflag:$0x0] =	sbarrier.arrive $0xFFFF  }
0x56: {  	s31 =	simm.s32 $0x2;
	[sflag:s2] =	ssyncpa.u1 $0x1  }
0x57: {  	[sflag:s31] =	ssyncpa.u1 $0x1  }
0x58: {  	_ =	strace $0x9000004A  }
0x59: {  	s0 =	sadd.s32 @!p0 $0x100000, s0;
	[bflag:$0x2] =	sbarrier.arrive $0xFFFF  }
0x5a: {  	[sflag:s0] =	ssyncadd.tile.s32 @!p0 $0x1;
	s0 =	simm.s32 @!p0 $0x3F  }
0x5b: {  	_ =	swait.ge @!p0 [sflag:s0], s1  }
0x5c: {  	s1 =	ssub.s32 @!p0 $0x0, s1;
	[sflag:s0] =	ssyncset.done @!p0 $0x0  }
0x5d: {  	[sflag:s0] =	ssyncadd.s32 @!p0 s1  }
0x5e: {  	[bflag:$0x3] =	sbarrier.arrive $0xFFFF  }
0x5f: {  	_ =	shalt  }
.Lfunc_end2:
execute1_lowered:
.L_overlay_start_2:
0x60: {  	(tag) =	ssettag $0x2  }
0x61: {  	s11 =	rddreg [dreg:$0x0]  }
0x62: {  	s2 =	rddreg [dreg:$0x1];
	_ =	strace $0x8000004D;
	s12 =	simm.s32 $0x1  }
0x63: {  	v0 =	vimm.s32 $0x0;
	[sflag:s12] =	ssyncpa.u1 $0x0  }
0x64: {  	[tilespmem:$0x28] =	vst v0  }
0x65: {  	[tilespmem:$0x38] =	vst v0  }
0x66: {  	[tilespmem:$0x48] =	vst v0  }
0x67: {  	[tilespmem:$0x58] =	vst v0  }
0x68: {  	[tilespmem:$0x68] =	vst v0  }
0x69: {  	[tilespmem:$0x78] =	vst v0  }
0x6a: {  	[tilespmem:$0x88] =	vst v0  }
0x6b: {  	[tilespmem:$0x98] =	vst v0  }
0x6c: {  	[tilespmem:$0xA8] =	vst v0  }
0x6d: {  	[tilespmem:$0xB8] =	vst v0  }
0x6e: {  	[tilespmem:$0xC8] =	vst v0  }
0x6f: {  	[tilespmem:$0xD8] =	vst v0  }
0x70: {  	[tilespmem:$0xE8] =	vst v0  }
0x71: {  	[tilespmem:$0xF8] =	vst v0  }
0x72: {  	[tilespmem:$0x108] =	vst v0  }
0x73: {  	[tilespmem:$0x118] =	vst v0  }
0x74: {  	[tilespmem:$0x128] =	vst v0  }
0x75: {  	[tilespmem:$0x138] =	vst v0  }
0x76: {  	[tilespmem:$0x148] =	vst v0  }
0x77: {  	[tilespmem:$0x158] =	vst v0  }
0x78: {  	[tilespmem:$0x168] =	vst v0  }
0x79: {  	[tilespmem:$0x178] =	vst v0  }
0x7a: {  	[tilespmem:$0x188] =	vst v0  }
0x7b: {  	[tilespmem:$0x198] =	vst v0  }
0x7c: {  	[tilespmem:$0x1A8] =	vst v0  }
0x7d: {  	[tilespmem:$0x1B8] =	vst v0  }
0x7e: {  	[tilespmem:$0x1C8] =	vst v0  }
0x7f: {  	[tilespmem:$0x1D8] =	vst v0  }
0x80: {  	[tilespmem:$0x1E8] =	vst v0  }
0x81: {  	[tilespmem:$0x1F8] =	vst v0  }
0x82: {  	[tilespmem:$0x208] =	vst v0  }
0x83: {  	[tilespmem:$0x218] =	vst v0  }
0x84: {  	[tilespmem:$0x228] =	vst v0  }
0x85: {  	[tilespmem:$0x238] =	vst v0  }
0x86: {  	[tilespmem:$0x248] =	vst v0  }
0x87: {  	[tilespmem:$0x258] =	vst v0  }
0x88: {  	[tilespmem:$0x268] =	vst v0  }
0x89: {  	[tilespmem:$0x278] =	vst v0  }
0x8a: {  	[tilespmem:$0x288] =	vst v0  }
0x8b: {  	[tilespmem:$0x298] =	vst v0  }
0x8c: {  	[tilespmem:$0x2A8] =	vst v0  }
0x8d: {  	[tilespmem:$0x2B8] =	vst v0  }
0x8e: {  	[tilespmem:$0x2C8] =	vst v0  }
0x8f: {  	[tilespmem:$0x2D8] =	vst v0  }
0x90: {  	[tilespmem:$0x2E8] =	vst v0  }
0x91: {  	[tilespmem:$0x2F8] =	vst v0  }
0x92: {  	[tilespmem:$0x308] =	vst v0  }
0x93: {  	[tilespmem:$0x318] =	vst v0  }
0x94: {  	[tilespmem:$0x328] =	vst v0  }
0x95: {  	[tilespmem:$0x338] =	vst v0  }
0x96: {  	[tilespmem:$0x348] =	vst v0  }
0x97: {  	[tilespmem:$0x358] =	vst v0  }
0x98: {  	[tilespmem:$0x368] =	vst v0  }
0x99: {  	[tilespmem:$0x378] =	vst v0  }
0x9a: {  	[tilespmem:$0x388] =	vst v0  }
0x9b: {  	[tilespmem:$0x398] =	vst v0  }
0x9c: {  	[tilespmem:$0x3A8] =	vst v0  }
0x9d: {  	[tilespmem:$0x3B8] =	vst v0  }
0x9e: {  	[tilespmem:$0x3C8] =	vst v0  }
0x9f: {  	[tilespmem:$0x3D8] =	vst v0  }
0xa0: {  	[tilespmem:$0x3E8] =	vst v0  }
0xa1: {  	[tilespmem:$0x3F8] =	vst v0  }
0xa2: {  	[tilespmem:$0x408] =	vst v0  }
0xa3: {  	[tilespmem:$0x418] =	vst v0  }
0xa4: {  	[tilespmem:$0x428] =	vst v0  }
0xa5: {  	[tilespmem:$0x438] =	vst v0  }
0xa6: {  	[tilespmem:$0x448] =	vst v0  }
0xa7: {  	[tilespmem:$0x458] =	vst v0  }
0xa8: {  	[tilespmem:$0x468] =	vst v0  }
0xa9: {  	[tilespmem:$0x478] =	vst v0  }
0xaa: {  	[tilespmem:$0x488] =	vst v0  }
0xab: {  	[tilespmem:$0x498] =	vst v0  }
0xac: {  	[tilespmem:$0x4A8] =	vst v0  }
0xad: {  	[tilespmem:$0x4B8] =	vst v0  }
0xae: {  	[tilespmem:$0x4C8] =	vst v0  }
0xaf: {  	[tilespmem:$0x4D8] =	vst v0  }
0xb0: {  	[tilespmem:$0x4E8] =	vst v0  }
0xb1: {  	[tilespmem:$0x4F8] =	vst v0  }
0xb2: {  	[tilespmem:$0x508] =	vst v0  }
0xb3: {  	[tilespmem:$0x518] =	vst v0  }
0xb4: {  	[tilespmem:$0x528] =	vst v0  }
0xb5: {  	[tilespmem:$0x538] =	vst v0  }
0xb6: {  	[tilespmem:$0x548] =	vst v0  }
0xb7: {  	[tilespmem:$0x558] =	vst v0  }
0xb8: {  	[tilespmem:$0x568] =	vst v0  }
0xb9: {  	[tilespmem:$0x578] =	vst v0  }
0xba: {  	[tilespmem:$0x588] =	vst v0  }
0xbb: {  	[tilespmem:$0x598] =	vst v0  }
0xbc: {  	[tilespmem:$0x5A8] =	vst v0  }
0xbd: {  	[tilespmem:$0x5B8] =	vst v0  }
0xbe: {  	[tilespmem:$0x5C8] =	vst v0  }
0xbf: {  	[tilespmem:$0x5D8] =	vst v0  }
0xc0: {  	[tilespmem:$0x5E8] =	vst v0  }
0xc1: {  	[tilespmem:$0x5F8] =	vst v0  }
0xc2: {  	[tilespmem:$0x608] =	vst v0  }
0xc3: {  	[tilespmem:$0x618] =	vst v0  }
0xc4: {  	[tilespmem:$0x628] =	vst v0  }
0xc5: {  	[tilespmem:$0x638] =	vst v0  }
0xc6: {  	[tilespmem:$0x648] =	vst v0  }
0xc7: {  	[tilespmem:$0x658] =	vst v0  }
0xc8: {  	[tilespmem:$0x668] =	vst v0  }
0xc9: {  	[tilespmem:$0x678] =	vst v0  }
0xca: {  	[tilespmem:$0x688] =	vst v0  }
0xcb: {  	[tilespmem:$0x698] =	vst v0  }
0xcc: {  	[tilespmem:$0x6A8] =	vst v0  }
0xcd: {  	[tilespmem:$0x6B8] =	vst v0  }
0xce: {  	[tilespmem:$0x6C8] =	vst v0  }
0xcf: {  	[tilespmem:$0x6D8] =	vst v0  }
0xd0: {  	[tilespmem:$0x6E8] =	vst v0  }
0xd1: {  	[tilespmem:$0x6F8] =	vst v0  }
0xd2: {  	[tilespmem:$0x708] =	vst v0  }
0xd3: {  	[tilespmem:$0x718] =	vst v0  }
0xd4: {  	[tilespmem:$0x728] =	vst v0  }
0xd5: {  	[tilespmem:$0x738] =	vst v0  }
0xd6: {  	[tilespmem:$0x748] =	vst v0  }
0xd7: {  	[tilespmem:$0x758] =	vst v0  }
0xd8: {  	[tilespmem:$0x768] =	vst v0  }
0xd9: {  	[tilespmem:$0x778] =	vst v0  }
0xda: {  	[tilespmem:$0x788] =	vst v0  }
0xdb: {  	[tilespmem:$0x798] =	vst v0  }
0xdc: {  	[tilespmem:$0x7A8] =	vst v0  }
0xdd: {  	[tilespmem:$0x7B8] =	vst v0  }
0xde: {  	[tilespmem:$0x7C8] =	vst v0  }
0xdf: {  	[tilespmem:$0x7D8] =	vst v0  }
0xe0: {  	[tilespmem:$0x7E8] =	vst v0  }
0xe1: {  	[tilespmem:$0x7F8] =	vst v0  }
0xe2: {  	[tilespmem:$0x808] =	vst v0  }
0xe3: {  	[tilespmem:$0x818] =	vst v0  }
0xe4: {  	[tilespmem:$0x828] =	vst v0  }
0xe5: {  	[tilespmem:$0x838] =	vst v0  }
0xe6: {  	[tilespmem:$0x848] =	vst v0  }
0xe7: {  	[tilespmem:$0x858] =	vst v0  }
0xe8: {  	[tilespmem:$0x868] =	vst v0  }
0xe9: {  	[tilespmem:$0x878] =	vst v0  }
0xea: {  	[tilespmem:$0x888] =	vst v0  }
0xeb: {  	[tilespmem:$0x898] =	vst v0  }
0xec: {  	[tilespmem:$0x8A8] =	vst v0  }
0xed: {  	[tilespmem:$0x8B8] =	vst v0  }
0xee: {  	[tilespmem:$0x8C8] =	vst v0  }
0xef: {  	[tilespmem:$0x8D8] =	vst v0  }
0xf0: {  	[tilespmem:$0x8E8] =	vst v0  }
0xf1: {  	[tilespmem:$0x8F8] =	vst v0  }
0xf2: {  	[tilespmem:$0x908] =	vst v0  }
0xf3: {  	[tilespmem:$0x918] =	vst v0  }
0xf4: {  	[tilespmem:$0x928] =	vst v0  }
0xf5: {  	[tilespmem:$0x938] =	vst v0  }
0xf6: {  	[tilespmem:$0x948] =	vst v0  }
0xf7: {  	[tilespmem:$0x958] =	vst v0  }
0xf8: {  	[tilespmem:$0x968] =	vst v0  }
0xf9: {  	[tilespmem:$0x978] =	vst v0  }
0xfa: {  	[tilespmem:$0x988] =	vst v0  }
0xfb: {  	[tilespmem:$0x998] =	vst v0  }
0xfc: {  	[tilespmem:$0x9A8] =	vst v0  }
0xfd: {  	[tilespmem:$0x9B8] =	vst v0  }
0xfe: {  	[tilespmem:$0x9C8] =	vst v0  }
0xff: {  	[tilespmem:$0x9D8] =	vst v0  }
0x100: {  	[tilespmem:$0x9E8] =	vst v0  }
0x101: {  	[tilespmem:$0x9F8] =	vst v0  }
0x102: {  	[tilespmem:$0xA08] =	vst v0  }
0x103: {  	[tilespmem:$0xA18] =	vst v0  }
0x104: {  	[tilespmem:$0xA28] =	vst v0  }
0x105: {  	[tilespmem:$0xA38] =	vst v0  }
0x106: {  	[tilespmem:$0xA48] =	vst v0  }
0x107: {  	[tilespmem:$0xA58] =	vst v0  }
0x108: {  	[tilespmem:$0xA68] =	vst v0  }
0x109: {  	[tilespmem:$0xA78] =	vst v0  }
0x10a: {  	[tilespmem:$0xA88] =	vst v0  }
0x10b: {  	[tilespmem:$0xA98] =	vst v0  }
0x10c: {  	[tilespmem:$0xAA8] =	vst v0  }
0x10d: {  	[tilespmem:$0xAB8] =	vst v0  }
0x10e: {  	[tilespmem:$0xAC8] =	vst v0  }
0x10f: {  	[tilespmem:$0xAD8] =	vst v0  }
0x110: {  	[tilespmem:$0xAE8] =	vst v0  }
0x111: {  	[tilespmem:$0xAF8] =	vst v0  }
0x112: {  	[tilespmem:$0xB08] =	vst v0  }
0x113: {  	[tilespmem:$0xB18] =	vst v0  }
0x114: {  	[tilespmem:$0xB28] =	vst v0  }
0x115: {  	[tilespmem:$0xB38] =	vst v0  }
0x116: {  	[tilespmem:$0xB48] =	vst v0  }
0x117: {  	[tilespmem:$0xB58] =	vst v0  }
0x118: {  	[tilespmem:$0xB68] =	vst v0  }
0x119: {  	[tilespmem:$0xB78] =	vst v0  }
0x11a: {  	[tilespmem:$0xB88] =	vst v0  }
0x11b: {  	[tilespmem:$0xB98] =	vst v0  }
0x11c: {  	[tilespmem:$0xBA8] =	vst v0  }
0x11d: {  	[tilespmem:$0xBB8] =	vst v0  }
0x11e: {  	[tilespmem:$0xBC8] =	vst v0  }
0x11f: {  	[tilespmem:$0xBD8] =	vst v0  }
0x120: {  	[tilespmem:$0xBE8] =	vst v0  }
0x121: {  	[tilespmem:$0xBF8] =	vst v0  }
0x122: {  	[tilespmem:$0xC08] =	vst v0  }
0x123: {  	[tilespmem:$0xC18] =	vst v0  }
0x124: {  	[tilespmem:$0xC28] =	vst v0  }
0x125: {  	[tilespmem:$0xC38] =	vst v0  }
0x126: {  	[tilespmem:$0xC48] =	vst v0  }
0x127: {  	[tilespmem:$0xC58] =	vst v0  }
0x128: {  	[tilespmem:$0xC68] =	vst v0  }
0x129: {  	[tilespmem:$0xC78] =	vst v0  }
0x12a: {  	[tilespmem:$0xC88] =	vst v0  }
0x12b: {  	[tilespmem:$0xC98] =	vst v0  }
0x12c: {  	[tilespmem:$0xCA8] =	vst v0  }
0x12d: {  	[tilespmem:$0xCB8] =	vst v0  }
0x12e: {  	[tilespmem:$0xCC8] =	vst v0  }
0x12f: {  	[tilespmem:$0xCD8] =	vst v0  }
0x130: {  	[tilespmem:$0xCE8] =	vst v0  }
0x131: {  	[tilespmem:$0xCF8] =	vst v0  }
0x132: {  	[tilespmem:$0xD08] =	vst v0  }
0x133: {  	[tilespmem:$0xD18] =	vst v0  }
0x134: {  	[tilespmem:$0xD28] =	vst v0  }
0x135: {  	[tilespmem:$0xD38] =	vst v0  }
0x136: {  	[tilespmem:$0xD48] =	vst v0  }
0x137: {  	[tilespmem:$0xD58] =	vst v0  }
0x138: {  	[tilespmem:$0xD68] =	vst v0  }
0x139: {  	[tilespmem:$0xD78] =	vst v0  }
0x13a: {  	[tilespmem:$0xD88] =	vst v0  }
0x13b: {  	[tilespmem:$0xD98] =	vst v0  }
0x13c: {  	[tilespmem:$0xDA8] =	vst v0  }
0x13d: {  	[tilespmem:$0xDB8] =	vst v0  }
0x13e: {  	[tilespmem:$0xDC8] =	vst v0  }
0x13f: {  	[tilespmem:$0xDD8] =	vst v0  }
0x140: {  	[tilespmem:$0xDE8] =	vst v0  }
0x141: {  	[tilespmem:$0xDF8] =	vst v0  }
0x142: {  	[tilespmem:$0xE08] =	vst v0  }
0x143: {  	[tilespmem:$0xE18] =	vst v0  }
0x144: {  	[tilespmem:$0xE28] =	vst v0  }
0x145: {  	[tilespmem:$0xE38] =	vst v0  }
0x146: {  	[tilespmem:$0xE48] =	vst v0  }
0x147: {  	[tilespmem:$0xE58] =	vst v0  }
0x148: {  	[tilespmem:$0xE68] =	vst v0  }
0x149: {  	[tilespmem:$0xE78] =	vst v0  }
0x14a: {  	[tilespmem:$0xE88] =	vst v0  }
0x14b: {  	[tilespmem:$0xE98] =	vst v0  }
0x14c: {  	[tilespmem:$0xEA8] =	vst v0  }
0x14d: {  	[tilespmem:$0xEB8] =	vst v0  }
0x14e: {  	[tilespmem:$0xEC8] =	vst v0  }
0x14f: {  	[tilespmem:$0xED8] =	vst v0  }
0x150: {  	[tilespmem:$0xEE8] =	vst v0  }
0x151: {  	[tilespmem:$0xEF8] =	vst v0  }
0x152: {  	[tilespmem:$0xF08] =	vst v0  }
0x153: {  	[tilespmem:$0xF18] =	vst v0  }
0x154: {  	[tilespmem:$0xF28] =	vst v0  }
0x155: {  	[tilespmem:$0xF38] =	vst v0  }
0x156: {  	[tilespmem:$0xF48] =	vst v0  }
0x157: {  	[tilespmem:$0xF58] =	vst v0  }
0x158: {  	[tilespmem:$0xF68] =	vst v0  }
0x159: {  	[tilespmem:$0xF78] =	vst v0  }
0x15a: {  	[tilespmem:$0xF88] =	vst v0  }
0x15b: {  	[tilespmem:$0xF98] =	vst v0  }
0x15c: {  	[tilespmem:$0xFA8] =	vst v0  }
0x15d: {  	[tilespmem:$0xFB8] =	vst v0  }
0x15e: {  	[tilespmem:$0xFC8] =	vst v0  }
0x15f: {  	[tilespmem:$0xFD8] =	vst v0  }
0x160: {  	[tilespmem:$0xFE8] =	vst v0  }
0x161: {  	[tilespmem:$0xFF8] =	vst v0  }
0x162: {  	[tilespmem:$0x1028] =	vst v0  }
0x163: {  	[tilespmem:$0x10E8] =	vst v0  }
0x164: {  	[tilespmem:$0x1068] =	vst v0  }
0x165: {  	[tilespmem:$0x1B28] =	vst v0  }
0x166: {  	[tilespmem:$0x1B18] =	vst v0  }
0x167: {  	[tilespmem:$0x1B08] =	vst v0  }
0x168: {  	[tilespmem:$0x1AF8] =	vst v0  }
0x169: {  	[tilespmem:$0x1AE8] =	vst v0  }
0x16a: {  	[tilespmem:$0x1AD8] =	vst v0  }
0x16b: {  	[tilespmem:$0x1AC8] =	vst v0  }
0x16c: {  	[tilespmem:$0x1AB8] =	vst v0  }
0x16d: {  	[tilespmem:$0x1AA8] =	vst v0  }
0x16e: {  	[tilespmem:$0x1A98] =	vst v0  }
0x16f: {  	[tilespmem:$0x1A88] =	vst v0  }
0x170: {  	[tilespmem:$0x1A78] =	vst v0  }
0x171: {  	[tilespmem:$0x1A68] =	vst v0  }
0x172: {  	[tilespmem:$0x1A58] =	vst v0  }
0x173: {  	[tilespmem:$0x1A48] =	vst v0  }
0x174: {  	[tilespmem:$0x1A38] =	vst v0  }
0x175: {  	[tilespmem:$0x1A28] =	vst v0  }
0x176: {  	[tilespmem:$0x1A18] =	vst v0  }
0x177: {  	[tilespmem:$0x1A08] =	vst v0  }
0x178: {  	[tilespmem:$0x19F8] =	vst v0  }
0x179: {  	[tilespmem:$0x19E8] =	vst v0  }
0x17a: {  	[tilespmem:$0x19D8] =	vst v0  }
0x17b: {  	[tilespmem:$0x19C8] =	vst v0  }
0x17c: {  	[tilespmem:$0x19B8] =	vst v0  }
0x17d: {  	[tilespmem:$0x19A8] =	vst v0  }
0x17e: {  	[tilespmem:$0x1998] =	vst v0  }
0x17f: {  	[tilespmem:$0x1988] =	vst v0  }
0x180: {  	[tilespmem:$0x1978] =	vst v0  }
0x181: {  	[tilespmem:$0x1968] =	vst v0  }
0x182: {  	[tilespmem:$0x1958] =	vst v0  }
0x183: {  	[tilespmem:$0x1948] =	vst v0  }
0x184: {  	[tilespmem:$0x1938] =	vst v0  }
0x185: {  	[tilespmem:$0x1928] =	vst v0  }
0x186: {  	[tilespmem:$0x1918] =	vst v0  }
0x187: {  	[tilespmem:$0x1908] =	vst v0  }
0x188: {  	[tilespmem:$0x18F8] =	vst v0  }
0x189: {  	[tilespmem:$0x18E8] =	vst v0  }
0x18a: {  	[tilespmem:$0x18D8] =	vst v0  }
0x18b: {  	[tilespmem:$0x18C8] =	vst v0  }
0x18c: {  	[tilespmem:$0x18B8] =	vst v0  }
0x18d: {  	[tilespmem:$0x18A8] =	vst v0  }
0x18e: {  	[tilespmem:$0x1898] =	vst v0  }
0x18f: {  	[tilespmem:$0x1888] =	vst v0  }
0x190: {  	[tilespmem:$0x1878] =	vst v0  }
0x191: {  	[tilespmem:$0x1868] =	vst v0  }
0x192: {  	[tilespmem:$0x1858] =	vst v0  }
0x193: {  	[tilespmem:$0x1848] =	vst v0  }
0x194: {  	[tilespmem:$0x1838] =	vst v0  }
0x195: {  	[tilespmem:$0x1828] =	vst v0  }
0x196: {  	[tilespmem:$0x1818] =	vst v0  }
0x197: {  	[tilespmem:$0x1808] =	vst v0  }
0x198: {  	[tilespmem:$0x17F8] =	vst v0  }
0x199: {  	[tilespmem:$0x17E8] =	vst v0  }
0x19a: {  	[tilespmem:$0x17D8] =	vst v0  }
0x19b: {  	[tilespmem:$0x17C8] =	vst v0  }
0x19c: {  	[tilespmem:$0x17B8] =	vst v0  }
0x19d: {  	[tilespmem:$0x17A8] =	vst v0  }
0x19e: {  	[tilespmem:$0x1798] =	vst v0  }
0x19f: {  	[tilespmem:$0x1788] =	vst v0  }
0x1a0: {  	[tilespmem:$0x1778] =	vst v0  }
0x1a1: {  	[tilespmem:$0x1768] =	vst v0  }
0x1a2: {  	[tilespmem:$0x1758] =	vst v0  }
0x1a3: {  	[tilespmem:$0x1748] =	vst v0  }
0x1a4: {  	[tilespmem:$0x1738] =	vst v0  }
0x1a5: {  	[tilespmem:$0x1728] =	vst v0  }
0x1a6: {  	[tilespmem:$0x1718] =	vst v0  }
0x1a7: {  	[tilespmem:$0x1708] =	vst v0  }
0x1a8: {  	[tilespmem:$0x16F8] =	vst v0  }
0x1a9: {  	[tilespmem:$0x16E8] =	vst v0  }
0x1aa: {  	[tilespmem:$0x16D8] =	vst v0  }
0x1ab: {  	[tilespmem:$0x16C8] =	vst v0  }
0x1ac: {  	[tilespmem:$0x16B8] =	vst v0  }
0x1ad: {  	[tilespmem:$0x16A8] =	vst v0  }
0x1ae: {  	[tilespmem:$0x1698] =	vst v0  }
0x1af: {  	[tilespmem:$0x1688] =	vst v0  }
0x1b0: {  	[tilespmem:$0x1678] =	vst v0  }
0x1b1: {  	[tilespmem:$0x1668] =	vst v0  }
0x1b2: {  	[tilespmem:$0x1658] =	vst v0  }
0x1b3: {  	[tilespmem:$0x1648] =	vst v0  }
0x1b4: {  	[tilespmem:$0x1638] =	vst v0  }
0x1b5: {  	[tilespmem:$0x1628] =	vst v0  }
0x1b6: {  	[tilespmem:$0x1618] =	vst v0  }
0x1b7: {  	[tilespmem:$0x1608] =	vst v0  }
0x1b8: {  	[tilespmem:$0x15F8] =	vst v0  }
0x1b9: {  	[tilespmem:$0x15E8] =	vst v0  }
0x1ba: {  	[tilespmem:$0x15D8] =	vst v0  }
0x1bb: {  	[tilespmem:$0x15C8] =	vst v0  }
0x1bc: {  	[tilespmem:$0x15B8] =	vst v0  }
0x1bd: {  	[tilespmem:$0x15A8] =	vst v0  }
0x1be: {  	[tilespmem:$0x1598] =	vst v0  }
0x1bf: {  	[tilespmem:$0x1588] =	vst v0  }
0x1c0: {  	[tilespmem:$0x1578] =	vst v0  }
0x1c1: {  	[tilespmem:$0x1568] =	vst v0  }
0x1c2: {  	[tilespmem:$0x1558] =	vst v0  }
0x1c3: {  	[tilespmem:$0x1548] =	vst v0  }
0x1c4: {  	[tilespmem:$0x1538] =	vst v0  }
0x1c5: {  	[tilespmem:$0x1528] =	vst v0  }
0x1c6: {  	[tilespmem:$0x1518] =	vst v0  }
0x1c7: {  	[tilespmem:$0x1508] =	vst v0  }
0x1c8: {  	[tilespmem:$0x14F8] =	vst v0  }
0x1c9: {  	[tilespmem:$0x14E8] =	vst v0  }
0x1ca: {  	[tilespmem:$0x14D8] =	vst v0  }
0x1cb: {  	[tilespmem:$0x14C8] =	vst v0  }
0x1cc: {  	[tilespmem:$0x14B8] =	vst v0  }
0x1cd: {  	[tilespmem:$0x14A8] =	vst v0  }
0x1ce: {  	[tilespmem:$0x1498] =	vst v0  }
0x1cf: {  	[tilespmem:$0x1488] =	vst v0  }
0x1d0: {  	[tilespmem:$0x1478] =	vst v0  }
0x1d1: {  	[tilespmem:$0x1468] =	vst v0  }
0x1d2: {  	[tilespmem:$0x1458] =	vst v0  }
0x1d3: {  	[tilespmem:$0x1448] =	vst v0  }
0x1d4: {  	[tilespmem:$0x1438] =	vst v0  }
0x1d5: {  	[tilespmem:$0x1428] =	vst v0  }
0x1d6: {  	[tilespmem:$0x1418] =	vst v0  }
0x1d7: {  	[tilespmem:$0x1408] =	vst v0  }
0x1d8: {  	[tilespmem:$0x13F8] =	vst v0  }
0x1d9: {  	[tilespmem:$0x13E8] =	vst v0  }
0x1da: {  	[tilespmem:$0x13D8] =	vst v0  }
0x1db: {  	[tilespmem:$0x13C8] =	vst v0  }
0x1dc: {  	[tilespmem:$0x13B8] =	vst v0  }
0x1dd: {  	[tilespmem:$0x13A8] =	vst v0  }
0x1de: {  	[tilespmem:$0x1398] =	vst v0  }
0x1df: {  	[tilespmem:$0x1388] =	vst v0  }
0x1e0: {  	[tilespmem:$0x1378] =	vst v0  }
0x1e1: {  	[tilespmem:$0x1368] =	vst v0  }
0x1e2: {  	[tilespmem:$0x1358] =	vst v0  }
0x1e3: {  	[tilespmem:$0x1348] =	vst v0  }
0x1e4: {  	[tilespmem:$0x1338] =	vst v0  }
0x1e5: {  	[tilespmem:$0x1328] =	vst v0  }
0x1e6: {  	[tilespmem:$0x1318] =	vst v0  }
0x1e7: {  	[tilespmem:$0x1308] =	vst v0  }
0x1e8: {  	[tilespmem:$0x12F8] =	vst v0  }
0x1e9: {  	[tilespmem:$0x12E8] =	vst v0  }
0x1ea: {  	[tilespmem:$0x12D8] =	vst v0  }
0x1eb: {  	[tilespmem:$0x12C8] =	vst v0  }
0x1ec: {  	[tilespmem:$0x12B8] =	vst v0  }
0x1ed: {  	[tilespmem:$0x12A8] =	vst v0  }
0x1ee: {  	[tilespmem:$0x1298] =	vst v0  }
0x1ef: {  	[tilespmem:$0x1288] =	vst v0  }
0x1f0: {  	[tilespmem:$0x1278] =	vst v0  }
0x1f1: {  	[tilespmem:$0x1268] =	vst v0  }
0x1f2: {  	[tilespmem:$0x1258] =	vst v0  }
0x1f3: {  	[tilespmem:$0x1248] =	vst v0  }
0x1f4: {  	[tilespmem:$0x1238] =	vst v0  }
0x1f5: {  	[tilespmem:$0x1228] =	vst v0  }
0x1f6: {  	[tilespmem:$0x1218] =	vst v0  }
0x1f7: {  	[tilespmem:$0x1208] =	vst v0  }
0x1f8: {  	[tilespmem:$0x11F8] =	vst v0  }
0x1f9: {  	[tilespmem:$0x11E8] =	vst v0  }
0x1fa: {  	[tilespmem:$0x11D8] =	vst v0  }
0x1fb: {  	[tilespmem:$0x11C8] =	vst v0  }
0x1fc: {  	[tilespmem:$0x11B8] =	vst v0  }
0x1fd: {  	[tilespmem:$0x11A8] =	vst v0  }
0x1fe: {  	[tilespmem:$0x1198] =	vst v0  }
0x1ff: {  	[tilespmem:$0x1188] =	vst v0  }
0x200: {  	[tilespmem:$0x1178] =	vst v0  }
0x201: {  	[tilespmem:$0x1168] =	vst v0  }
0x202: {  	[tilespmem:$0x1158] =	vst v0  }
0x203: {  	[tilespmem:$0x1148] =	vst v0  }
0x204: {  	[tilespmem:$0x1138] =	vst v0  }
0x205: {  	[tilespmem:$0x1128] =	vst v0  }
0x206: {  	[tilespmem:$0x1118] =	vst v0  }
0x207: {  	s4 =	stileid.u32;
	[tilespmem:$0x1108] =	vst v0  }
0x208: {  	s0 =	smul.u32 $0x73, s4;
	[tilespmem:$0x10F8] =	vst v0  }
0x209: {  	s1 =	smin.u32 s4, $0xC;
	[tilespmem:$0x10C8] =	vst v0  }
0x20a: {  	[tilespmem:$0x10D8] =	vst v0;
	s0 =	sadd.s32 s1, s0  }
0x20b: {  	p0 =	slt.u32 s4, $0xC;
	[tilespmem:$0x10B8] =	vst v0;
	s1 =	simm.s32 $0xC3C0;
	s6 =	smul.u32 $0x1B0, s0  }
0x20c: {  	s1 =	simm.s32 @!p0 $0xC210;
	[tilespmem:$0x1038] =	vst v0  }
0x20d: {  	[tilespmem:$0x10A8] =	vst v0;
	s0 =	sadd.s32 s1, s6  }
0x20e: {  	s3 =	simm.s32 $0x2;
	s8 =	simm.s32 $0x9;
	[tilespmem:$0x1098] =	vst v0;
	s7 =	smin.u32 s0, $0xC3500  }
0x20f: {  	s10 =	simm.s32 $0xA;
	s30 =	simm.s32 $0xB;
	[tilespmem:$0x1088] =	vst v0;
	s0 =	ssub.s32 s7, s6  }
0x210: {  	s16 =	simm.s32 $0x0;
	p4 =	por $0x0, $0x0;
	[tilespmem:$0x1078] =	vst v0;
	p0 =	sgt.s32 s0, $0x0  }
0x211: {  	s17 =	simm.s32 $0xC;
	s21 =	simm.s32 $0x0;
	[tilespmem:$0x1058] =	vst v0;
	s0 =	simm.s32 @!p0 $0x0  }
0x212: {  	s18 =	simm.s32 $0x0;
	s2 =	sand.u32 $0x1, s2;
	[tilespmem:$0x1048] =	vst v0;
	s29 =	smulhi.u32 $0x4BDA12F7, s0  }
0x213: {  	s20 =	simm.s32 $0x0;
	s31 =	sshll.u32 s4, $0x5;
	[tilespmem:$0x1018] =	vst v0;
	[dreg:$0x5] =	wrdreg s2  }
0x214: {  	s2 =	smul.u32 $0x186A0, s2;
	[tilespmem:$0x1008] =	vst v0;
	[sflag:s3] =	ssyncpa.u1 $0x0;
	s1 =	sshrl.u32 s29, $0x7  }
0x215: {  	v0 =	vimm.s32 $0xFFFFFFFF;
	s3 =	sadd.s32 $0xA28A00, s11;
	[dreg:$0x4] =	wrdreg s31;
	s5 =	smul.u32 $0x1B0, s1  }
.Ltmp7:
0x216: {  	[tilespmem:$0x3648] =	vst v0;
	[sflag:s8] =	ssyncpa.u1 $0x0;
	s2 =	sadd.s32 s2, s11;
	(pc) =	sbr.rel .LBB3_1-.Ltmp7, $4  }
0x217: {  	[sflag:s10] =	ssyncpa.u1 $0x0;
	s11 =	sadd.s32 $0x26F5E00, s11;
	p0 =	sne.s32 s0, s5  }
0x218: {  	[sflag:s30] =	ssyncpa.u1 $0x0;
	s14 =	sadd.s32 $0x934600, s2;
	s12 =	simm.s32 @!p0 $0x0  }
0x219: {  	s15 =	sadd.s32 $0x6600, s2;
	s19 =	smov.u32 s6;
	s12 =	sadd.s32 s12, s1  }
0x21a: {  	v0 =	vlaneseq.u32;
	[dreg:$0x6] =	wrdreg s6;
	p0 =	por $0x1, $0x1;
	s4 =	sadd.s32 $0x1, s12  }
.LBB3_18:
0x21b: {  	s0 =	simm.s32 $0x2  }
0x21c: {  	_ =	swait.ge [sflag:s0], $0x0  }
0x21d: {  	[sflag:s0] =	ssyncset.done $0x0;
	s0 =	simm.s32 $0x0  }
.LBB3_19:
0x21e: {  	_ =	swait.ge [sflag:s17], s0  }
0x21f: {  	s31 =	ssub.s32 $0x0, s0;
	v1 =	vmov s23;
	vm0 =	veq.s32 v0, $0x0;
	[sflag:s17] =	ssyncset.done $0x0  }
0x220: {  	vm15 =	veq.s32 v0, $0x2;
	v1 =	vsel vm0, s28, v1;
	[sflag:s17] =	ssyncadd.s32 s31  }
0x221: {  	v1 =	vsel vm15, s21, v1;
	[sflag:s17] =	ssyncpa.u1 $0x1  }
0x222: {  	[tilespmem:$0x3648] =	vst v1  }
.LBB3_20:
0x223: {  	s0 =	sadd.s32 $0x1B0, s19  }
0x224: {  	s1 =	smov.u32 s6;
	p1 =	slt.s32 s0, s7  }
0x225: {  	s1 =	smov.u32 @p1 s0;
	p1 =	sne.s32 s20, s4  }
.Ltmp8:
0x226: {  	_ = 	snop;
	(pc) =	sbr.rel @!p1 .LBB3_21-.Ltmp8, $4  }
0x227: {  	_ = 	snop  }
0x228: {  	s21 =	smov.u32 s18  }
0x229: {  	s31 =	sadd.s32 $0x1, s20;
	s18 =	smov.u32 s19;
	p0 =	por !p0, !p0  }
0x22a: {  	p4 =	por !p4, !p4;
	s20 =	smov.u32 s31;
	s19 =	smov.u32 s1  }
.LBB3_1:
0x22b: {  	p2 =	sge.u32 s20, s12  }
0x22c: {  	s0 =	smulhi.u32 @!p2 $0xAAAAAAAB, s20  }
0x22d: {  	s1 =	smov.u32 s19;
	p3 =	sgt.s32 @!p2 s19, $0xC3350  }
0x22e: {  	s2 =	sshra.s32 @!p2 s19, $0x1F;
	p3 =	por !p3, p2;
	s0 =	sshrl.u32 @!p2 s0, $0x1  }
0x22f: {  	s2 =	sand.u32 @!p2 s2, s19;
	s1 =	simm.s32 @p3 $0xC3350;
	s0 =	smul.u32 @!p2 $0x3, s0  }
0x230: {  	s1 =	ssub.s32 @!p2 s1, s2  }
0x231: {  	s23 =	sadd.s32 $0xFFFFFFFF, s20;
	s1 =	sadd.s32 @!p2 $0xFFF3CCB0, s1;
	s0 =	ssub.s32 @!p2 s20, s0  }
0x232: {  	s2 =	sshll.u32 @!p2 s1, $0x2;
	p3 =	sgt.s32 @!p2 s1, $0x1AF;
	s0 =	smul.u32 @!p2 $0x6C0, s0  }
0x233: {  	s5 =	sand.u32 @!p2 $0x7, s19;
	s1 =	ssub.s32 @!p2 $0x6C0, s2;
	p3 =	por !p3, p2  }
0x234: {  	s2 =	sshrl.u32 @!p2 s19, $0x3;
	s1 =	sshrl.u32 @!p2 s1, $0x2;
	s0 =	sshrl.u32 @!p2 s0, $0x2  }
0x235: {  	s2 =	sadd.s32 @!p2 s2, s14;
	s1 =	simm.s32 @!p3 $0x0;
	s0 =	sadd.s32 @!p2 $0x3888, s0  }
0x236: {  	[tilespmem:s0], [sflag:$0xA] =	stream.linear.gather @!p2 [hbm4b:s2+s5], s1, $0x38;
	[tilespmem:$0x1F0F8] =	vst v63  }
0x237: {  	p2 =	sge.u32 s23, s12  }
0x238: {  	p3 =	sgt.s32 @!p2 s18, $0xC3350  }
0x239: {  	s0 =	smov.u32 s18;
	s1 =	sshra.s32 @!p2 s18, $0x1F;
	p3 =	por !p3, p2  }
0x23a: {  	s1 =	sand.u32 @!p2 s1, s18;
	s0 =	simm.s32 @p3 $0xC3350  }
0x23b: {  	s0 =	ssub.s32 @!p2 s0, s1  }
0x23c: {  	s0 =	sadd.s32 @!p2 $0xFFF3CCB0, s0  }
0x23d: {  	s1 =	sshll.u32 @!p2 s0, $0x2  }
0x23e: {  	p3 =	sgt.s32 @!p2 s0, $0x1AF;
	s0 =	ssub.s32 @!p2 $0x6C0, s1  }
0x23f: {  	s22 =	ssub.s32 @!p2 $0xC3500, s18;
	p3 =	por !p3, p2;
	s0 =	sshrl.u32 @!p2 s0, $0x2  }
0x240: {  	s1 =	sand.u32 @!p2 $0x1, s23;
	s0 =	simm.s32 @!p3 $0x0;
	p3 =	slt.s32 @!p2 s22, $0x1  }
0x241: {  	s2 =	simm.s32 @!p2 $0xA;
	s1 =	smul.u32 @!p2 $0x6C0, s1;
	p3 =	por p2, p3  }
.Ltmp9:
0x242: {  	_ =	swait.ge @!p2 [sflag:s2], s0;
	(pc) =	sbr.rel @p3 .LBB3_7-.Ltmp9, $4  }
0x243: {  	s5 =	ssub.s32 @!p2 $0x0, s0;
	[sflag:s2] =	ssyncset.done @!p2 $0x0  }
0x244: {  	s1 =	sshrl.u32 @!p2 s1, $0x2;
	[sflag:s2] =	ssyncadd.s32 @!p2 s5;
	s2 =	sshrl.u32 @!p2 s18, $0x3  }
0x245: {  	s1 =	sadd.s32 @!p2 $0x3D98, s1;
	s5 =	sand.u32 @!p2 $0x7, s18;
	s2 =	sadd.s32 @!p2 s2, s15  }
0x246: {  	[tilespmem:s1], [sflag:$0xB] =	stream.linear.gather @!p2 [hbm4b:s2+s5], s0, $0x38;
	[tilespmem:$0x1F0F8] =	vst v63  }
0x247: {  	s0 =	smulhi.u32 $0xAAAAAAAB, s23;
	_ =	sdelay $0x1  }
0x248: {  	s0 =	sshrl.u32 s0, $0x1  }
0x249: {  	s0 =	smul.u32 $0x3, s0;
	_ =	sdelay $0x1  }
0x24a: {  	s0 =	ssub.s32 s23, s0  }
0x24b: {  	s1 =	simm.s32 $0x1;
	s0 =	smul.u32 $0x6C0, s0  }
.Ltmp10:
0x24c: {  	s1 =	simm.s32 @!p0 $0x0;
	(pc) =	sbr.rel .LBB3_4-.Ltmp10, $4  }
0x24d: {  	s1 =	smul.u32 $0x36000, s1  }
0x24e: {  	p3 =	slt.s32 @!p2 s22, $0x1B0;
	s0 =	sshrl.u32 s0, $0x2  }
0x24f: {  	p2 =	por !p3, p2;
	s1 =	sshrl.u32 s1, $0x2;
	s0 =	sadd.s32 $0x3888, s0  }
0x250: {  	s24 =	simm.s32 $0x0;
	s22 =	simm.s32 @p2 $0x1B0;
	s23 =	sadd.s32 $0x40F8, s1;
	v1 =	vmov s0  }
.LBB3_3:
0x251: {  	p2 =	sge.s32 s24, s22  }
.Ltmp11:
0x252: {  	_ = 	snop;
	(pc) =	sbr.rel @p2 .LBB3_7-.Ltmp11, $2  }
0x253: {  	_ =	sdelay $0x2  }
0x254: {  	s23 =	sadd.s32 $0x800, s23  }
.LBB3_4:
0x255: {  	p2 =	sle.s32 s22, s24  }
.Ltmp12:
0x256: {  	_ = 	snop;
	(pc) =	sbr.rel @p2 .LBB3_3-.Ltmp12, $2  }
0x257: {  	_ =	sdelay $0x2  }
0x258: {  	s0 =	smov.u32 s24;
	s24 =	sadd.s32 $0x10, s24  }
0x259: {  	s1 =	ssub.s32 s22, s0  }
0x25a: {  	p2 =	slt.s32 s1, $0x10  }
0x25b: {  	s1 =	simm.s32 @!p2 $0x10  }
0x25c: {  	v2 =	vmov s1  }
0x25d: {  	vm0 =	vgt.s32 v2, v0;
	_ =	sdelay $0x5  }
0x25e: {  	v2 =	vld.idx.msk [tilespmem:v1+s0+$0x0 ss:$0x1], vm0;
	_ =	sdelay $0x2  }
0x25f: {  	p2 =	slt.s32 s24, s22;
	s1 =	smov.u32 s22  }
0x260: {  	s2 =	smov.u32 s23;
	s25 =	simm.s32 $0x0;
	s1 =	smov.u32 @p2 s24  }
.LBB3_6:
0x261: {  	(v2sf) =	vpush v2, s25;
	_ =	sdelay $0xc  }
0x262: {  	s25 =	sadd.s32 $0x1, s25  }
0x263: {  	s31 =	sadd.s32 s25, s0  }
0x264: {  	p2 =	slt.s32 s31, s1;
	s5 =	spop (v2sf)  }
.Ltmp13:
0x265: {  	s5 =	sshll.u32 s5, $0x4;
	(pc) =	sbr.rel @p2 .LBB3_6-.Ltmp13, $4  }
0x266: {  	s5 =	sand.u32 $0x1FFFFFF0, s5  }
0x267: {  	s5 =	sadd.s32 s11, s5  }
0x268: {  	[tilespmem:s2], [sflag:$0x9] =	stream.linear.gather [hbm4b:s5+s16], $0x4, $0x38;
	[tilespmem:$0x1F0F8] =	vst v63  }
0x269: {  	s2 =	sadd.s32 $0x80, s2  }
.Ltmp14:
0x26a: {  	_ = 	snop;
	(pc) =	sbr.rel .LBB3_3-.Ltmp14, $1  }
0x26b: {  	_ =	sdelay $0x3  }
.LBB3_7:
0x26c: {  	p2 =	slt.u32 s20, $0x2  }
.Ltmp15:
0x26d: {  	_ = 	snop;
	(pc) =	sbr.rel @p2 .LBB3_20-.Ltmp15, $1  }
0x26e: {  	_ =	sdelay $0x3  }
0x26f: {  	p2 =	sgt.s32 s21, $0xC3350  }
0x270: {  	s0 =	smov.u32 s21;
	s1 =	sshra.s32 s21, $0x1F;
	s2 =	ssub.s32 $0xC3500, s21  }
0x271: {  	s0 =	simm.s32 @!p2 $0xC3350;
	s1 =	sand.u32 s1, s21;
	p2 =	slt.s32 s2, $0x1B0  }
0x272: {  	s0 =	ssub.s32 s0, s1;
	s2 =	simm.s32 @!p2 $0x1B0  }
0x273: {  	s0 =	sadd.s32 $0xFFF3CCB0, s0;
	s24 =	sshll.u32 s2, $0x2  }
0x274: {  	s28 =	simm.s32 $0x9;
	s25 =	sshll.u32 s0, $0x2;
	s1 =	sand.u32 $0x3FFFFFFC, s24  }
0x275: {  	p2 =	sgt.s32 s0, $0x1AF;
	s26 =	ssub.s32 $0x6C0, s25;
	_ =	swait.ge [sflag:s28], s1  }
0x276: {  	s1 =	ssub.s32 $0x0, s1;
	[sflag:s28] =	ssyncset.done $0x0;
	s0 =	sshrl.u32 s26, $0x2  }
0x277: {  	s30 =	simm.s32 $0xB;
	[sflag:s28] =	ssyncadd.s32 s1;
	s0 =	simm.s32 @p2 $0x0  }
0x278: {  	_ =	swait.ge [sflag:s30], s0  }
0x279: {  	s0 =	ssub.s32 $0x0, s0;
	[sflag:s30] =	ssyncset.done $0x0  }
0x27a: {  	[sflag:s30] =	ssyncadd.s32 s0  }
0x27b: {  	v1 =	vld [tilespmem:$0x3648];
	_ =	sdelay $0x4  }
0x27c: {  	(v2sf) =	vpush v1, $0x0  }
0x27d: {  	(v2sf) =	vpush v1, $0x1  }
0x27e: {  	(v2sf) =	vpush v1, $0x2;
	_ =	sdelay $0x3  }
0x27f: {  	s0 =	sadd.s32 $0x1B0, s21  }
0x280: {  	s1 =	ssub.s32 $0x186A00, s21;
	p2 =	slt.s32 s7, s0  }
0x281: {  	s0 =	smov.u32 @p2 s7;
	p2 =	sgt.s32 s1, $0x0  }
0x282: {  	s25 =	ssub.s32 s0, s21;
	s1 =	simm.s32 @!p2 $0x0  }
0x283: {  	p2 =	slt.s32 s1, s25  }
0x284: {  	s25 =	smov.u32 @p2 s1  }
0x285: {  	s24 =	simm.s32 $0x1;
	p2 =	slt.s32 s25, $0x1  }
.Ltmp16:
0x286: {  	s24 =	simm.s32 @!p4 $0x0;
	(pc) =	sbr.rel @p2 .LBB3_12-.Ltmp16, $4  }
0x287: {  	s31 =	smul.u32 $0x6C0, s24  }
0x288: {  	s26 =	spop (v2sf)  }
0x289: {  	s0 =	sshrl.u32 s31, $0x2;
	s29 =	spop (v2sf)  }
0x28a: {  	s22 =	sadd.s32 $0x3D98, s0;
	s21 =	spop (v2sf)  }
0x28b: {  	s0 =	smin.u32 s25, $0x10  }
0x28c: {  	v1 =	vmov s0  }
0x28d: {  	p3 =	sgt.s32 s25, $0x10;
	vm1 =	vgt.u32 v1, v0  }
.Ltmp17:
0x28e: {  	_ = 	snop;
	(pc) =	sbr.rel @!p3 .LBB3_11-.Ltmp17, $2  }
0x28f: {  	_ =	sdelay $0x2  }
0x290: {  	s23 =	simm.s32 $0x10;
	s28 =	sadd.s32 $0xFFFFFFF0, s25;
	s0 =	smov.u32 s22;
	vm0 =	vmmov vm1  }
.LBB3_10:
0x291: {  	s1 =	smin.u32 s28, $0x10;
	s23 =	sadd.s32 $0x10, s23;
	v1 =	vld.msk [tilespmem:s0+$0x0 ss:$0x1], vm1  }
0x292: {  	v2 =	vmov s1;
	p3 =	slt.s32 s23, s25  }
0x293: {  	vm1 =	vgt.u32 v2, v0  }
.Ltmp18:
0x294: {  	(pc) =	sbr.rel @p3 .LBB3_10-.Ltmp18, $3  }
0x295: {  	_ =	sdelay $0x1  }
0x296: {  	v1 =	vshll.u32 v1, $0x4  }
0x297: {  	s28 =	sadd.s32 $0xFFFFFFF0, s28;
	[tilespmem:s0+$0x0] =	vst.msk vm0, v1;
	s0 =	sadd.s32 $0x10, s0;
	vm0 =	vmmov vm1  }
.LBB3_11:
0x298: {  	_ =	sdelay $0x4  }
0x299: {  	v1 =	vld.msk [tilespmem:s0+$0x0 ss:$0x1], vm1;
	_ =	sdelay $0x4  }
0x29a: {  	v1 =	vshll.u32 v1, $0x4  }
0x29b: {  	[tilespmem:s0+$0x0] =	vst.msk vm0, v1  }
.LBB3_12:
0x29c: {  	s0 =	sand.u32 $0x1, s20  }
0x29d: {  	s0 =	smul.u32 $0x1B0, s0  }
0x29e: {  	p3 =	sne.s32 s29, $0xFFFFFFFF  }
0x29f: {  	v1 =	vld.msk @!p3 [tilespmem:s0+$0x3D98], $0x1;
	_ =	sdelay $0x4  }
0x2a0: {  	(v2sf) =	vpush @!p3 v1, $0x0;
	_ =	sdelay $0xc  }
.Ltmp19:
0x2a1: {  	_ = 	snop;
	(pc) =	sbr.rel @p2 .LBB3_18-.Ltmp19, $4  }
0x2a2: {  	_ = 	snop  }
0x2a3: {  	s28 =	spop @!p3 (v2sf)  }
0x2a4: {  	s21 =	simm.s32 @!p3 $0x0;
	s23 =	smov.u32 s28  }
0x2a5: {  	[sflag:s17] =	ssyncpa.u1 $0x0;
	s28 =	smov.u32 @p3 s26;
	s23 =	smov.u32 @p3 s29  }
0x2a6: {  	v1 =	vld.msk [tilespmem:s22+$0x0], $0x1;
	_ =	sdelay $0x4  }
0x2a7: {  	(v2sf) =	vpush v1, $0x0;
	_ =	sdelay $0xe  }
0x2a8: {  	s0 =	simm.s32 @!p4 $0x0;
	s26 =	smul.u32 $0x36000, s24;
	s31 =	spop (v2sf)  }
0x2a9: {  	s29 =	ssub.s32 $0x0, s25;
	s0 =	simm.s32 @p4 $0x1;
	p2 =	seq.s32 s28, s31  }
0x2aa: {  	s1 =	smov.u32 s28;
	[smem:$0x7FD] =	sst s0;
	p3 =	sgt.s32 @!p2 s28, $0x0  }
0x2ab: {  	s0 =	sshrl.u32 s26, $0x2;
	s26 =	sadd.s32 $0x1, s29;
	p3 =	por !p3, p2  }
0x2ac: {  	s1 =	simm.s32 @p3 $0x0;
	p3 =	seq.s32 s26, $0x0  }
.Ltmp20:
0x2ad: {  	_ = 	snop;
	(pc) =	sbr.rel @p3 .LBB3_15-.Ltmp20, $4  }
0x2ae: {  	s6 =	smov.u32 s4;
	s25 =	simm.s32 $0x0  }
0x2af: {  	s24 =	sadd.s32 $0x40F8, s0;
	s0 =	simm.s32 @!p2 $0x1;
	s2 =	smin.u32 @!p2 s1, $0xC34FF  }
0x2b0: {  	s30 =	sadd.s32 $0x1, s22;
	s0 =	smov.u32 @p2 s25;
	s5 =	sand.u32 @!p2 $0xFFFF8, s2  }
0x2b1: {  	s1 =	simm.s32 @!p2 $0x1B38;
	s2 =	sand.u32 @!p2 $0x7, s2;
	s5 =	sadd.s32 @!p2 s3, s5  }
.LBB3_14:
0x2b2: {  	s4 =	smov.u32 s0  }
0x2b3: {  	[tilespmem:s1], [sflag:$0x2] =	stream.linear.gather @!p2 [hbm4b:s5+s2], $0x4, $0x38;
	[tilespmem:$0x1F0F8] =	vst v63  }
0x2b4: {  	s26 =	sadd.s32 $0x1, s26;
	s2 =	smov.u32 s31;
	v1 =	vld.msk [tilespmem:s30+$0x0], $0x1  }
0x2b5: {  	p3 =	seq.s32 s26, $0x0;
	_ =	sdelay $0x3  }
0x2b6: {  	(v2sf) =	vpush v1, $0x0;
	_ =	sdelay $0xe  }
0x2b7: {  	s31 =	spop (v2sf)  }
0x2b8: {  	p2 =	seq.s32 s2, s31  }
0x2b9: {  	p4 =	sgt.s32 @!p2 s2, $0x0;
	s1 =	sshll.u32 @!p2 s0, $0x6;
	s0 =	sadd.s32 @!p2 $0x1, s0  }
.Ltmp21:
0x2ba: {  	p4 =	por !p4, p2;
	s1 =	sshra.s32 @!p2 s1, $0x2;
	(pc) =	sbr.rel @!p3 .LBB3_14-.Ltmp21, $4  }
0x2bb: {  	s0 =	smov.u32 @p2 s4;
	s2 =	simm.s32 @p4 $0x0;
	s1 =	sadd.s32 @!p2 $0x1B38, s1  }
0x2bc: {  	s2 =	smin.u32 @!p2 s2, $0xC34FF  }
0x2bd: {  	s4 =	sand.u32 @!p2 $0xFFFF8, s2;
	s2 =	sand.u32 @!p2 $0x7, s2  }
0x2be: {  	s30 =	sadd.s32 $0x1, s30;
	s5 =	sadd.s32 @!p2 s3, s4  }
.LBB3_15:
0x2bf: {  	[tilespmem:s1], [sflag:$0x2] =	stream.linear.gather @!p2 [hbm4b:s5+s2], $0x4, $0x38;
	[tilespmem:$0x1F0F8] =	vst v63  }
0x2c0: {  	s0 =	sshll.u32 s0, $0x2  }
0x2c1: {  	s31 =	simm.s32 $0x2;
	s0 =	sand.u32 $0x3FFFFFFC, s0  }
0x2c2: {  	_ =	swait.ge [sflag:s31], s0  }
0x2c3: {  	s0 =	ssub.s32 $0x0, s0;
	[sflag:s31] =	ssyncset.done $0x0  }
0x2c4: {  	[sflag:s31] =	ssyncadd.s32 s0  }
0x2c5: {  	v1 =	vld.msk [tilespmem:s22+$0x0], $0x1;
	_ =	sdelay $0x4  }
0x2c6: {  	(v2sf) =	vpush v1, $0x0;
	_ =	sdelay $0xe  }
0x2c7: {  	s26 =	spop (v2sf)  }
0x2c8: {  	p2 =	sne.s32 s28, s26  }
0x2c9: {  	p4 =	sne.s32 @p2 s28, s23  }
0x2ca: {  	p3 =	por !p4, !p2  }
0x2cb: {  	s0 =	simm.s32 @!p3 $0x0  }
0x2cc: {  	v1 =	vld.msk @!p3 [tilespmem:s0+$0x1B38], $0xf  }
0x2cd: {  	p5 =	sgt.u32 @!p3 s28, $0xC34FF  }
0x2ce: {  	s1 =	sshll.u32 @!p3 s21, $0x6;
	p6 =	por @p2 p5, !p4  }
0x2cf: {  	s1 =	sshra.s32 @!p3 s1, $0x2;
	p1 =	por p6, !p2;
	p6 =	por p4, !p2  }
0x2d0: {  	s2 =	sadd.s32 @!p3 $0x28, s1;
	s4 =	sand.u32 @!p1 $0xFFFF8, s28;
	s5 =	sshll.u32 @!p6 s21, $0x6  }
0x2d1: {  	s28 =	sand.u32 @!p1 $0x7, s28;
	[tilespmem:s1+$0x28] =	vst.add.f32.msk @!p3 $0xf, v1;
	s1 =	sadd.s32 @!p1 s3, s4;
	s4 =	sshra.s32 @!p6 s5, $0x2  }
0x2d2: {  	[hbm4b:s1+s28] =	stream.linear.scatter @!p1 [tilespmem:s2], [sflag:$0xC], $0x4, $0x38;
	[tilespmem:$0x1F0F8] =	vst v63  }
0x2d3: {  	s0 =	rddreg [dreg:$0x4];
	s1 =	sadd.s32 @!p6 $0x28, s4;
	s2 =	simm.s32 @!p6 $0x1  }
0x2d4: {  	[spmem:s0] =	stream.linear.scatter @!p6 [tilespmem:s1], [sflag:$0x1], $0x4, $0x38;
	[tilespmem:$0x1F0F8] =	vst v63  }
0x2d5: {  	s0 =	sadd.s32 @p2 $0x1, s21;
	_ =	swait.ge @!p6 [sflag:s2], $0x4  }
0x2d6: {  	s1 =	sshrl.u32 @p2 s0, $0x4;
	[sflag:s2] =	ssyncset.done @!p6 $0x0  }
0x2d7: {  	s1 =	smulhi.u32 @p2 $0x97B425F, s1;
	[sflag:s2] =	ssyncadd.s32 @!p6 $0xFFFFFFFC  }
0x2d8: {  	s28 =	sadd.s32 $0x1, s29;
	v1 =	vld.msk @p2 [tilespmem:s24+$0x0], $0xf  }
0x2d9: {  	p1 =	por @p2 !p5, !p4;
	p4 =	seq.s32 s28, $0x0;
	s1 =	smul.u32 @p2 $0x1B0, s1  }
.Ltmp22:
0x2da: {  	p1 =	por !p1, !p2;
	s2 =	simm.s32 @!p3 $0x0;
	(pc) =	sbr.rel @p4 .LBB3_17-.Ltmp22, $4  }
0x2db: {  	s4 =	sshll.u32 @!p2 s21, $0x6;
	s2 =	simm.s32 @!p1 $0x10;
	s0 =	ssub.s32 @p2 s0, s1  }
0x2dc: {  	s29 =	simm.s32 $0x0;
	s2 =	sadd.s32 @!p3 $0x0, s2;
	s5 =	sshll.u32 @p2 s0, $0x4  }
0x2dd: {  	s30 =	sshra.s32 @!p2 s4, $0x2;
	s1 =	simm.s32 @p2 $0x1;
	s2 =	smov.u32 @p3 s25;
	[tilespmem:s5+$0x28] =	vst.msk @p2 $0xf, v1  }
0x2de: {  	s21 =	smov.u32 @p2 s0;
	s29 =	smov.u32 @p2 s2;
	s25 =	smov.u32 @p2 s1;
	v1 =	vld.msk @!p2 [tilespmem:s24+$0x0], $0xf  }
.LBB3_16:
0x2df: {  	_ =	sdelay $0x3  }
0x2e0: {  	s22 =	sadd.s32 $0x1, s22;
	[tilespmem:s30+$0x28] =	vst.add.f32.msk @!p2 $0xf, v1  }
0x2e1: {  	v1 =	vld.msk [tilespmem:s22+$0x0], $0x1;
	_ =	sdelay $0x4  }
0x2e2: {  	(v2sf) =	vpush v1, $0x0;
	_ =	sdelay $0xe  }
0x2e3: {  	s0 =	smov.u32 s26;
	s26 =	spop (v2sf)  }
0x2e4: {  	p2 =	sne.s32 s0, s26  }
0x2e5: {  	p5 =	sne.s32 @p2 s0, s23  }
0x2e6: {  	s4 =	sshll.u32 @!p2 s21, $0x6;
	p4 =	por !p5, !p2  }
0x2e7: {  	s30 =	sshra.s32 @!p2 s4, $0x2;
	s4 =	sshll.u32 @!p4 s25, $0x6  }
0x2e8: {  	s4 =	sshra.s32 @!p4 s4, $0x2  }
0x2e9: {  	p1 =	sgt.u32 @!p4 s0, $0xC34FF;
	v1 =	vld.msk @!p4 [tilespmem:s4+$0x1B38], $0xf  }
0x2ea: {  	s31 =	sshll.u32 @!p4 s21, $0x6;
	p6 =	por @p2 p1, !p5;
	p1 =	por @p2 !p1, !p5  }
0x2eb: {  	s8 =	simm.s32 @!p4 $0x0;
	s31 =	sshra.s32 @!p4 s31, $0x2;
	p1 =	por !p1, !p2  }
0x2ec: {  	p5 =	por p5, !p2;
	s8 =	simm.s32 @!p1 $0x10;
	p1 =	por p6, !p2  }
0x2ed: {  	s4 =	sadd.s32 @!p4 $0x28, s31;
	s13 =	sshll.u32 @!p5 s21, $0x6;
	s10 =	sand.u32 @!p1 $0xFFFF8, s0  }
0x2ee: {  	s13 =	sshra.s32 @!p5 s13, $0x2;
	s0 =	sand.u32 @!p1 $0x7, s0;
	s10 =	sadd.s32 @!p1 s3, s10;
	[tilespmem:s31+$0x28] =	vst.add.f32.msk @!p4 $0xf, v1  }
0x2ef: {  	[hbm4b:s10+s0] =	stream.linear.scatter @!p1 [tilespmem:s4], [sflag:$0xC], $0x4, $0x38;
	[tilespmem:$0x1F0F8] =	vst v63  }
0x2f0: {  	s1 =	rddreg [dreg:$0x4];
	s0 =	sadd.s32 @!p5 $0x28, s13;
	s4 =	simm.s32 @!p5 $0x1  }
0x2f1: {  	[spmem:s1] =	stream.linear.scatter @!p5 [tilespmem:s0], [sflag:$0x1], $0x4, $0x38;
	[tilespmem:$0x1F0F8] =	vst v63  }
0x2f2: {  	s2 =	sadd.s32 @p2 $0x1, s21;
	_ =	swait.ge @!p5 [sflag:s4], $0x4  }
0x2f3: {  	s5 =	sshrl.u32 @p2 s2, $0x4;
	[sflag:s4] =	ssyncset.done @!p5 $0x0  }
0x2f4: {  	s24 =	sadd.s32 $0x80, s24;
	s5 =	smulhi.u32 @p2 $0x97B425F, s5;
	[sflag:s4] =	ssyncadd.s32 @!p5 $0xFFFFFFFC  }
0x2f5: {  	s28 =	sadd.s32 $0x1, s28;
	v1 =	vld.msk @p2 [tilespmem:s24+$0x0], $0xf  }
0x2f6: {  	p3 =	seq.s32 s28, $0x0;
	s5 =	smul.u32 @p2 $0x1B0, s5  }
.Ltmp23:
0x2f7: {  	_ = 	snop;
	(pc) =	sbr.rel @!p3 .LBB3_16-.Ltmp23, $4  }
0x2f8: {  	s2 =	ssub.s32 @p2 s2, s5  }
0x2f9: {  	s8 =	sadd.s32 @!p4 s8, s29;
	s5 =	sshll.u32 @p2 s2, $0x4  }
0x2fa: {  	s9 =	sadd.s32 @p2 $0x1, s25;
	s8 =	smov.u32 @p4 s29;
	[tilespmem:s5+$0x28] =	vst.msk @p2 $0xf, v1  }
0x2fb: {  	s25 =	smov.u32 @p2 s9;
	s21 =	smov.u32 @p2 s2;
	s29 =	smov.u32 @p2 s8;
	v1 =	vld.msk @!p2 [tilespmem:s24+$0x0], $0xf  }
.LBB3_17:
.Ltmp24:
0x2fc: {  	_ = 	snop;
	(pc) =	sbr.rel .LBB3_19-.Ltmp24, $3  }
0x2fd: {  	s1 =	sld [smem:$0x7FD];
	_ =	sdelay $0x1  }
0x2fe: {  	s0 =	sshrl.u32 s29, $0x2;
	s28 =	smov.u32 s26  }
0x2ff: {  	s4 =	smov.u32 s6;
	s6 =	rddreg [dreg:$0x6];
	p4 =	seq.s32 s1, $0x1;
	[tilespmem:s30+$0x28] =	vst.add.f32.msk @!p2 $0xf, v1  }
.LBB3_21:
0x300: {  	_ =	sfence.sel $0x180000  }
0x301: {  	s0 =	simm.s32 $0x9;
	[bflag:$0x0] =	sbarrier.arrive $0xFFFF  }
0x302: {  	s24 =	simm.s32 $0xA;
	[sflag:s0] =	ssyncpa.u1 $0x1  }
0x303: {  	s25 =	simm.s32 $0xB;
	[sflag:s24] =	ssyncpa.u1 $0x1  }
0x304: {  	s26 =	simm.s32 $0x2;
	[sflag:s25] =	ssyncpa.u1 $0x1  }
0x305: {  	[sflag:s26] =	ssyncpa.u1 $0x1  }
0x306: {  	v0 =	vld [tilespmem:$0x3648];
	_ =	sdelay $0x4  }
0x307: {  	(v2sf) =	vpush v0, $0x0  }
0x308: {  	(v2sf) =	vpush v0, $0x1;
	_ =	sdelay $0x1  }
0x309: {  	(v2sf) =	vpush v0, $0x2;
	_ =	sdelay $0xb  }
0x30a: {  	s0 =	spop (v2sf)  }
0x30b: {  	s1 =	spop (v2sf)  }
0x30c: {  	s2 =	smov.u32 s0;
	p0 =	sne.s32 s0, s1  }
0x30d: {  	s4 =	spop (v2sf);
	s2 =	simm.s32 @!p0 $0xFFFFFFFF  }
0x30e: {  	v2 =	vimm.s32 $0x1;
	v3 =	vlaneseq.u32;
	p0 =	seq.s32 s4, $0xFFFFFFFF;
	v1 =	vmov s2  }
0x30f: {  	s16 =	stileid.u32;
	v0 =	vperm.xlane v0, v2;
	p1 =	sne.s32 @!p0 s0, s1;
	v1 =	vperm.xlane v1, v3  }
0x310: {  	vm0 =	vcmask $0x3F04;
	s6 =	simm.s32 $0x3648;
	s0 =	simm.s32 @!p0 $0x1;
	p1 =	por !p1, p0  }
0x311: {  	s2 =	sshll.u32 s16, $0x1;
	s1 =	sshll.u32 @!p0 s4, $0x6;
	s0 =	simm.s32 @p1 $0x0;
	v0 =	vsel vm0, v1, v0  }
0x312: {  	s5 =	sor.u32 $0x200, s2;
	s1 =	sshra.s32 @!p0 s1, $0x2;
	s0 =	sor.u32 @!p0 s0, s2;
	[tilespmem:$0x3648] =	vst v0  }
0x313: {  	[spmem:s5] =	stream.linear.scatter [tilespmem:s6], [sflag:$0x1], $0x2, $0x38;
	[tilespmem:$0x1F0F8] =	vst v63  }
0x314: {  	s1 =	sadd.s32 @!p0 $0x28, s1;
	s0 =	sshll.u32 @!p0 s0, $0x4  }
0x315: {  	[spmem:s0] =	stream.linear.scatter @!p0 [tilespmem:s1], [sflag:$0x1], $0x10, $0x38;
	[tilespmem:$0x1F0F8] =	vst v63  }
0x316: {  	s0 =	simm.s32 @!p0 $0x12  }
0x317: {  	s28 =	simm.s32 $0x1;
	s0 =	simm.s32 @p0 $0x2  }
0x318: {  	_ =	swait.ge [sflag:s28], s0  }
0x319: {  	s0 =	ssub.s32 $0x0, s0;
	[sflag:s28] =	ssyncset.done $0x0  }
0x31a: {  	p0 =	sne.s32 s16, $0x0;
	[sflag:s28] =	ssyncadd.s32 s0  }
.Ltmp25:
0x31b: {  	_ =	sfence.stream.spmem;
	(pc) =	sbr.rel @p0 .LBB3_38-.Ltmp25, $4  }
0x31c: {  	s29 =	simm.s32 $0x3;
	[bflag:$0x0] =	sbarrier.arrive $0xFFFF  }
0x31d: {  	s30 =	simm.s32 $0x4;
	[sflag:s29] =	ssyncpa.u1 $0x1  }
0x31e: {  	s31 =	simm.s32 $0x3C;
	[sflag:s30] =	ssyncpa.u1 $0x1  }
0x31f: {  	s17 =	rddreg [dreg:$0x5];
	[sflag:s31] =	ssyncpa.u1 $0x1  }
0x320: {  	_ =	sfence.stream.spmem;
	s0 =	simm.s32 $0x5  }
0x321: {  	s1 =	simm.s32 $0x200;
	s2 =	simm.s32 $0x3658;
	[sflag:s0] =	ssyncpa.u1 $0x0  }
0x322: {  	[tilespmem:s2], [sflag:$0x5] =	stream.linear.gather [spmem:s1], $0x20, $0x38;
	[tilespmem:$0x1F0F8] =	vst v63  }
0x323: {  	s26 =	simm.s32 $0x0;
	s28 =	simm.s32 $0x3678  }
0x324: {  	[tilespmem:s28], [sflag:$0x5] =	stream.linear.gather [spmem:s26], $0x200, $0x38;
	[tilespmem:$0x1F0F8] =	vst v63  }
0x325: {  	_ =	swait.ge [sflag:s0], $0x220  }
0x326: {  	[sflag:s0] =	ssyncset.done $0x0  }
0x327: {  	s29 =	simm.s32 $0x0;
	[sflag:s0] =	ssyncadd.s32 $0xFFFFFDE0  }
0x328: {  	v0 =	vld.msk [tilespmem:s29+$0x3658], $0x1;
	_ =	sdelay $0x1  }
0x329: {  	s30 =	simm.s32 $0x1  }
0x32a: {  	v1 =	vld.msk [tilespmem:s30+$0x3658], $0x1;
	_ =	sdelay $0x1  }
0x32b: {  	(v2sf) =	vpush v0, $0x0;
	_ =	sdelay $0x2  }
0x32c: {  	(v2sf) =	vpush v1, $0x0;
	_ =	sdelay $0x2  }
0x32d: {  	s31 =	simm.s32 $0x2  }
0x32e: {  	v0 =	vld.msk [tilespmem:s31+$0x3658], $0x1;
	_ =	sdelay $0x2  }
0x32f: {  	s6 =	simm.s32 $0xFFFFFFFF;
	s1 =	simm.s32 $0xFFFFFFFF;
	s0 =	simm.s32 $0xC  }
.LBB3_23:
0x330: {  	s2 =	smov.u32 s6;
	s4 =	smov.u32 s1  }
0x331: {  	s1 =	sshra.s32 s0, $0x2;
	p1 =	sne.s32 s0, $0x7C;
	s0 =	sadd.s32 $0x4, s0;
	(v2sf) =	vpush v0, $0x0  }
0x332: {  	v0 =	vld.msk [tilespmem:s1+$0x3658], $0x1  }
.Ltmp26:
0x333: {  	(pc) =	sbr.rel @p1 .LBB3_23-.Ltmp26, $4  }
0x334: {  	s6 =	spop (v2sf)  }
0x335: {  	p2 =	sne.s32 s4, $0xFFFFFFFF;
	s1 =	smov.u32 s6  }
0x336: {  	p3 =	seq.s32 s6, $0xFFFFFFFF;
	s1 =	smov.u32 @p2 s4  }
0x337: {  	s6 =	smov.u32 @p3 s2;
	s1 =	smov.u32 @p3 s4  }
0x338: {  	(v2sf) =	vpush v0, $0x0;
	_ =	sdelay $0x8  }
0x339: {  	s0 =	spop (v2sf)  }
0x33a: {  	p1 =	sne.s32 s1, $0xFFFFFFFF;
	s2 =	smov.u32 s0  }
0x33b: {  	s9 =	simm.s32 $0x6;
	p2 =	seq.s32 s0, $0xFFFFFFFF;
	s2 =	smov.u32 @p1 s1  }
0x33c: {  	s10 =	simm.s32 $0x3638;
	s2 =	smov.u32 @p2 s1;
	s1 =	spop (v2sf)  }
0x33d: {  	s0 =	smov.u32 @p2 s6;
	p1 =	sne.s32 s2, $0xFFFFFFFF;
	s4 =	smov.u32 s1  }
.Ltmp27:
0x33e: {  	p2 =	seq.s32 s1, $0xFFFFFFFF;
	s4 =	smov.u32 @p1 s2;
	(pc) =	sbr.rel .LBB3_25-.Ltmp27, $4  }
0x33f: {  	s11 =	simm.s32 $0x0;
	s4 =	smov.u32 @p2 s2;
	s7 =	spop (v2sf)  }
0x340: {  	[sflag:s9] =	ssyncpa.u1 $0x0;
	p1 =	sne.s32 s4, $0xFFFFFFFF;
	s8 =	smov.u32 s7  }
0x341: {  	s1 =	smov.u32 @p2 s0;
	p2 =	seq.s32 s7, $0xFFFFFFFF;
	s8 =	smov.u32 @p1 s4  }
0x342: {  	s6 =	simm.s32 $0x0;
	s7 =	smov.u32 @p2 s1;
	s8 =	smov.u32 @p2 s4  }
.LBB3_30:
0x343: {  	p1 =	sgt.u32 s12, $0xC34FF  }
0x344: {  	p2 =	seq.s32 @!p1 s12, s8  }
0x345: {  	p1 =	por p1, p2  }
0x346: {  	p2 =	sne.s32 @!p1 s12, s7  }
0x347: {  	p1 =	por p1, !p2  }
0x348: {  	s0 =	sshll.u32 @p1 s11, $0x6  }
0x349: {  	s0 =	sand.u32 @!p1 $0xFFFF8, s12  }
0x34a: {  	s1 =	sand.u32 @!p1 $0x7, s12;
	s0 =	sadd.s32 @!p1 s3, s0  }
0x34b: {  	[tilespmem:s10], [sflag:$0x6] =	stream.linear.gather @!p1 [hbm4b:s0+s1], $0x4, $0x38;
	[tilespmem:$0x1F0F8] =	vst v63  }
0x34c: {  	_ =	swait.ge @!p1 [sflag:s9], $0x4  }
0x34d: {  	[sflag:s9] =	ssyncset.done @!p1 $0x0  }
0x34e: {  	[sflag:s9] =	ssyncadd.s32 @!p1 $0xFFFFFFFC  }
0x34f: {  	v1 =	vld @!p1 [tilespmem:$0x3638];
	_ =	sdelay $0x2  }
0x350: {  	s0 =	sshll.u32 @!p1 s11, $0x6  }
0x351: {  	s1 =	sshrl.u32 @!p1 s0, $0x2  }
0x352: {  	[tilespmem:s1+$0x3678] =	vst.add.f32.msk @!p1 $0xffff, v1  }
0x353: {  	s0 =	sshrl.u32 s0, $0x2;
	[tilespmem:s6+$0x3658] =	vst.msk $0x1, v0  }
0x354: {  	v0 =	vld [tilespmem:s0+$0x3678];
	_ =	sdelay $0x2  }
0x355: {  	s31 =	sshll.u32 s6, $0x6  }
0x356: {  	s0 =	sshra.s32 s31, $0x2  }
0x357: {  	s6 =	sadd.s32 $0x1, s6;
	[tilespmem:s0+$0x3678] =	vst v0  }
.LBB3_32:
0x358: {  	s11 =	sadd.s32 $0x1, s11  }
0x359: {  	p1 =	sne.s32 s11, $0x20  }
.Ltmp28:
0x35a: {  	_ = 	snop;
	(pc) =	sbr.rel @!p1 .LBB3_33-.Ltmp28, $1  }
0x35b: {  	_ =	sdelay $0x3  }
.LBB3_25:
0x35c: {  	v0 =	vld.msk [tilespmem:s11+$0x3658], $0x1;
	_ =	sdelay $0x4  }
0x35d: {  	(v2sf) =	vpush v0, $0x0;
	_ =	sdelay $0xe  }
0x35e: {  	s12 =	spop (v2sf)  }
0x35f: {  	p1 =	seq.s32 s12, $0xFFFFFFFF  }
.Ltmp29:
0x360: {  	_ = 	snop;
	(pc) =	sbr.rel @p1 .LBB3_32-.Ltmp29, $1  }
0x361: {  	_ =	sdelay $0x3  }
0x362: {  	p1 =	slt.s32 s6, $0x1  }
.Ltmp30:
0x363: {  	_ = 	snop;
	(pc) =	sbr.rel @p1 .LBB3_30-.Ltmp30, $1  }
0x364: {  	_ =	sdelay $0x3  }
0x365: {  	s13 =	simm.s32 $0x3658;
	p1 =	por $0x0, $0x0  }
0x366: {  	v1 =	vld.msk @!p1 [tilespmem:s13+$0x0], $0x1;
	_ =	sdelay $0x4  }
0x367: {  	(v2sf) =	vpush @!p1 v1, $0x0;
	_ =	sdelay $0xd  }
0x368: {  	p3 =	sne.s32 s6, $0x1  }
.Ltmp31:
0x369: {  	s0 =	spop @!p1 (v2sf);
	(pc) =	sbr.rel @!p3 .LBB3_29-.Ltmp31, $4  }
0x36a: {  	p2 =	seq.s32 @!p1 s12, s0  }
0x36b: {  	s14 =	simm.s32 $0x0;
	p2 =	por !p2, p1  }
0x36c: {  	s0 =	simm.s32 $0xFFFFFFFF;
	s14 =	simm.s32 @p2 $0xFFFFFFFF  }
0x36d: {  	s15 =	simm.s32 $0x1;
	s14 =	smov.u32 @p1 s0  }
.LBB3_28:
0x36e: {  	s0 =	smov.u32 s14;
	p1 =	sne.s32 s14, $0xFFFFFFFF  }
0x36f: {  	s13 =	sadd.s32 $0x1, s13;
	s14 =	smov.u32 s15;
	s15 =	sadd.s32 $0x1, s15  }
0x370: {  	p2 =	sne.s32 s6, s15;
	v1 =	vld.msk @!p1 [tilespmem:s13+$0x0], $0x1;
	_ =	sdelay $0x4  }
0x371: {  	(v2sf) =	vpush @!p1 v1, $0x0;
	_ =	sdelay $0xe  }
.Ltmp32:
0x372: {  	s1 =	spop @!p1 (v2sf);
	(pc) =	sbr.rel @p2 .LBB3_28-.Ltmp32, $4  }
0x373: {  	p3 =	seq.s32 @!p1 s12, s1  }
0x374: {  	p3 =	por !p3, p1  }
0x375: {  	s14 =	simm.s32 @p3 $0xFFFFFFFF  }
0x376: {  	s14 =	smov.u32 @p1 s0  }
.LBB3_29:
0x377: {  	p1 =	sne.s32 s14, $0xFFFFFFFF  }
.Ltmp33:
0x378: {  	_ = 	snop;
	(pc) =	sbr.rel @!p1 .LBB3_30-.Ltmp33, $1  }
0x379: {  	_ =	sdelay $0x3  }
0x37a: {  	s0 =	sshll.u32 s11, $0x4  }
0x37b: {  	s0 =	sand.u32 $0x3FFFFFF0, s0  }
0x37c: {  	v0 =	vld [tilespmem:s0+$0x3678]  }
.Ltmp34:
0x37d: {  	_ = 	snop;
	(pc) =	sbr.rel .LBB3_32-.Ltmp34, $4  }
0x37e: {  	_ = 	snop  }
0x37f: {  	s31 =	sshll.u32 s14, $0x6  }
0x380: {  	s0 =	sshra.s32 s31, $0x2  }
0x381: {  	[tilespmem:s0+$0x3678] =	vst.add.f32.msk $0xffff, v0  }
.LBB3_33:
0x382: {  	s0 =	simm.s32 $0x6;
	p1 =	seq.s32 s6, $0x0  }
0x383: {  	[sflag:s0] =	ssyncpa.u1 $0x1;
	v0 =	vimm.s32 @p1 $0xFFFFFFFF  }
0x384: {  	s9 =	sadd.s32 $0xFFFFFFFF, s6;
	[tilespmem:$0x3878] =	vst @p1 v0  }
0x385: {  	v0 =	vld.msk @!p1 [tilespmem:s9+$0x3658], $0x1;
	_ =	sdelay $0x1  }
0x386: {  	v1 =	vld.msk @!p1 [tilespmem:$0x3658], $0x1;
	_ =	sdelay $0x2  }
0x387: {  	p2 =	seq.s32 @!p1 s9, $0x0;
	v0 =	vbroadcast @!p1 v0, $0x0  }
0x388: {  	vm0 =	vmmov @!p1 $0x1;
	p2 =	por !p2, p1  }
0x389: {  	v1 =	vnsel @!p1 vm0, $0xFFFFFFFF, v1;
	vm0 =	vcmask @!p1 $0x308;
	v0 =	vpsel !p2, $0xFFFFFFFF, v0  }
0x38a: {  	p2 =	sne.s32 @!p1 s8, s7;
	v0 =	vsel @!p1 vm0, v1, v0  }
0x38b: {  	s0 =	simm.s32 @!p1 $0x3678;
	s1 =	simm.s32 @!p1 $0x0;
	p3 =	por !p2, p1;
	[tilespmem:$0x3878] =	vst @!p1 v0  }
0x38c: {  	[spmem:s1] =	stream.linear.scatter @!p1 [tilespmem:s0], [sflag:$0x1], $0x10, $0x38;
	[tilespmem:$0x1F0F8] =	vst v63  }
0x38d: {  	s0 =	sshll.u32 @!p3 s9, $0x6  }
0x38e: {  	s0 =	sshra.s32 @!p3 s0, $0x2  }
0x38f: {  	s1 =	simm.s32 @!p3 $0x10;
	s0 =	sadd.s32 @!p3 $0x3678, s0  }
0x390: {  	[spmem:s1] =	stream.linear.scatter @!p3 [tilespmem:s0], [sflag:$0x1], $0x10, $0x38;
	[tilespmem:$0x1F0F8] =	vst v63  }
0x391: {  	s0 =	simm.s32 @!p3 $0x1  }
0x392: {  	_ =	swait.ge @!p3 [sflag:s0], $0x20  }
0x393: {  	p1 =	por p2, p1;
	[sflag:s0] =	ssyncset.done @!p3 $0x0  }
0x394: {  	[sflag:s0] =	ssyncadd.s32 @!p3 $0xFFFFFFE0;
	s0 =	simm.s32 @!p1 $0x1  }
0x395: {  	_ =	swait.ge @!p1 [sflag:s0], $0x10  }
0x396: {  	s29 =	simm.s32 $0x3878;
	[sflag:s0] =	ssyncset.done @!p1 $0x0  }
0x397: {  	s30 =	simm.s32 $0x200;
	s31 =	simm.s32 $0x1;
	[sflag:s0] =	ssyncadd.s32 @!p1 $0xFFFFFFF0  }
0x398: {  	[spmem:s30] =	stream.linear.scatter [tilespmem:s29], [sflag:$0x1], $0x10, $0x38;
	[tilespmem:$0x1F0F8] =	vst v63  }
0x399: {  	_ =	swait.ge [sflag:s31], $0x10  }
0x39a: {  	[sflag:s31] =	ssyncset.done $0x0  }
0x39b: {  	p1 =	seq.s32 s17, $0x0;
	s8 =	rddreg [dreg:$0x1];
	[sflag:s31] =	ssyncadd.s32 $0xFFFFFFF0  }
0x39c: {  	s1 =	sshll.u32 @p1 s8, $0xE;
	s7 =	rddreg [dreg:$0x2]  }
0x39d: {  	s0 =	sadd.s32 @p1 $0x15C3C, s1;
	s1 =	sshll.u32 @p1 s7, $0x11  }
0x39e: {  	_ =	sfence.stream.spmem;
	s0 =	sor.u32 @p1 s1, s0  }
0x39f: {  	[sflag:s0] =	ssyncadd.remote.s32 @p1 $0x1;
	s0 =	simm.s32 @p1 $0x4  }
0x3a0: {  	s2 =	simm.s32 @!p1 $0x3C;
	s1 =	sand.u32 $0xFFFFFFFE, s8;
	_ =	swait.ge @p1 [sflag:s0], $0x6  }
0x3a1: {  	s4 =	simm.s32 @!p1 $0x0;
	s1 =	sadd.s32 @!p1 $0x4, s1;
	[sflag:s0] =	ssyncset.done @p1 $0x0  }
0x3a2: {  	s5 =	simm.s32 @!p1 $0x20;
	[sflag:s0] =	ssyncadd.s32 @p1 $0xFFFFFFFA;
	s0 =	sshll.u32 @!p1 s1, $0x1A  }
0x3a3: {  	s1 =	sshll.u32 @!p1 s1, $0xD;
	s0 =	sor.u32 @!p1 s0, s7;
	_ =	swait.eq @!p1 [sflag:s2], $0x1  }
0x3a4: {  	s1 =	sor.u32 @!p1 $0x1C04, s1;
	s2 =	simm.s32 @!p1 $0x1C03;
	s0 =	sor.u32 @!p1 $0x80004000, s0  }
0x3a5: {  	[spmem:s5], [sflag:s1] =	dma.general @!p1 [spmem:s4], [sflag:s2], length:$0x4, [dreg:$0x0], stride_count:$0x0, ici_dest:s0, dma_misc:DstOpCode:WRITE  }
0x3a6: {  	p2 =	slt.s32 s9, $0x2;
	s4 =	simm.s32 @!p1 $0x40;
	s5 =	simm.s32 @!p1 $0x42  }
0x3a7: {  	[spmem:s5], [sflag:s1] =	dma.general @!p1 [spmem:s4], [sflag:s2], length:$0x2, [dreg:$0x0], stride_count:$0x0, ici_dest:s0, dma_misc:DstOpCode:WRITE  }
.Ltmp35:
0x3a8: {  	s0 =	simm.s32 @!p1 $0x3;
	(pc) =	sbr.rel @p2 .LBB3_37-.Ltmp35, $4  }
0x3a9: {  	s1 =	sshll.u32 @!p1 s8, $0xE;
	_ =	swait.ge @!p1 [sflag:s0], $0x6  }
0x3aa: {  	s2 =	sshll.u32 @!p1 s7, $0x11;
	s1 =	sadd.s32 @!p1 $0x11C3C, s1;
	[sflag:s0] =	ssyncset.done @!p1 $0x0  }
0x3ab: {  	[sflag:s0] =	ssyncadd.s32 @!p1 $0xFFFFFFFA;
	s0 =	sor.u32 @!p1 s2, s1  }
0x3ac: {  	[sflag:s0] =	ssyncadd.remote.s32 @!p1 $0xFFFFFFFF;
	s0 =	simm.s32 $0x0  }
0x3ad: {  	s0 =	simm.s32 $0x3659  }
0x3ae: {  	v0 =	vld.msk [tilespmem:s0+$0x0], $0x1;
	_ =	sdelay $0x4  }
0x3af: {  	(v2sf) =	vpush v0, $0x0;
	_ =	sdelay $0xd  }
0x3b0: {  	s2 =	sadd.s32 $0xFFFFFFFE, s6  }
0x3b1: {  	s2 =	sadd.s32 $0xFFFFFFFF, s2;
	s0 =	spop (v2sf)  }
0x3b2: {  	p2 =	sne.s32 s2, $0x0;
	p1 =	sgt.u32 s0, $0xC34FF  }
.Ltmp36:
0x3b3: {  	s4 =	sand.u32 @!p1 $0xFFFF8, s0;
	(pc) =	sbr.rel @!p2 .LBB3_36-.Ltmp36, $4  }
0x3b4: {  	s1 =	simm.s32 $0x3688;
	s0 =	sand.u32 @!p1 $0x7, s0;
	s4 =	sadd.s32 @!p1 s3, s4  }
0x3b5: {  	[hbm4b:s4+s0] =	stream.linear.scatter @!p1 [tilespmem:s1], [sflag:$0x5], $0x4, $0x38;
	[tilespmem:$0x1F0F8] =	vst v63  }
0x3b6: {  	s0 =	simm.s32 $0x0  }
0x3b7: {  	s6 =	simm.s32 $0x0;
	s7 =	simm.s32 $0x365A;
	s0 =	simm.s32 @!p1 $0x10  }
.LBB3_35:
0x3b8: {  	v0 =	vld.msk [tilespmem:s7+$0x0], $0x1;
	s2 =	sadd.s32 $0xFFFFFFFF, s2;
	s6 =	sadd.s32 s6, s0  }
0x3b9: {  	p1 =	sne.s32 s2, $0x0;
	_ =	sdelay $0x3  }
0x3ba: {  	(v2sf) =	vpush v0, $0x0;
	_ =	sdelay $0xe  }
.Ltmp37:
0x3bb: {  	s4 =	spop (v2sf);
	(pc) =	sbr.rel @p1 .LBB3_35-.Ltmp37, $4  }
0x3bc: {  	s0 =	simm.s32 $0x0;
	p2 =	sgt.u32 s4, $0xC34FF  }
0x3bd: {  	s1 =	sadd.s32 $0x10, s1;
	s0 =	simm.s32 @!p2 $0x10;
	s5 =	sand.u32 @!p2 $0xFFFF8, s4  }
0x3be: {  	s7 =	sadd.s32 $0x1, s7;
	s4 =	sand.u32 @!p2 $0x7, s4;
	s5 =	sadd.s32 @!p2 s3, s5  }
0x3bf: {  	[hbm4b:s5+s4] =	stream.linear.scatter @!p2 [tilespmem:s1], [sflag:$0x5], $0x4, $0x38;
	[tilespmem:$0x1F0F8] =	vst v63  }
.LBB3_36:
0x3c0: {  	s0 =	sadd.s32 s6, s0  }
0x3c1: {  	s0 =	sshrl.u32 s0, $0x2  }
.LBB3_37:
0x3c2: {  	s1 =	simm.s32 $0x5  }
0x3c3: {  	_ =	swait.ge [sflag:s1], s0  }
0x3c4: {  	s31 =	ssub.s32 $0x0, s0;
	[sflag:s1] =	ssyncset.done $0x0  }
0x3c5: {  	[sflag:s1] =	ssyncadd.s32 s31  }
0x3c6: {  	[sflag:s1] =	ssyncpa.u1 $0x1  }
.LBB3_38:
0x3c7: {  	s0 =	sor.u32 s17, s16  }
0x3c8: {  	p1 =	sne.s32 s0, $0x0  }
.Ltmp38:
0x3c9: {  	_ = 	snop;
	(pc) =	sbr.rel @p1 .LBB3_53-.Ltmp38, $3  }
0x3ca: {  	_ =	sdelay $0x1  }
0x3cb: {  	[bflag:$0x0] =	sbarrier.arrive $0xFFFF  }
0x3cc: {  	_ =	sfence  }
0x3cd: {  	s0 =	simm.s32 $0x7  }
0x3ce: {  	s1 =	simm.s32 $0x200;
	s2 =	simm.s32 $0x3658;
	[sflag:s0] =	ssyncpa.u1 $0x0  }
0x3cf: {  	[tilespmem:s2], [sflag:$0x7] =	stream.linear.gather [spmem:s1], $0x20, $0x38;
	[tilespmem:$0x1F0F8] =	vst v63  }
0x3d0: {  	s30 =	simm.s32 $0x3678;
	s1 =	simm.s32 $0x0  }
0x3d1: {  	[tilespmem:s30], [sflag:$0x7] =	stream.linear.gather [spmem:s1], $0x200, $0x38;
	[tilespmem:$0x1F0F8] =	vst v63  }
.Ltmp39:
0x3d2: {  	_ = 	snop;
	(pc) =	sbr.rel .LBB3_40-.Ltmp39, $4  }
0x3d3: {  	_ =	swait.ge [sflag:s0], $0x220  }
0x3d4: {  	[sflag:s0] =	ssyncset.done $0x0  }
0x3d5: {  	s31 =	simm.s32 $0x8;
	[sflag:s0] =	ssyncadd.s32 $0xFFFFFDE0  }
0x3d6: {  	s2 =	simm.s32 $0x0;
	[sflag:s31] =	ssyncpa.u1 $0x0  }
.LBB3_45:
0x3d7: {  	p1 =	slt.u32 s4, $0xC3500  }
0x3d8: {  	s0 =	sand.u32 @p1 $0xFFFF8, s4  }
0x3d9: {  	s4 =	sand.u32 @p1 $0x7, s4;
	s5 =	simm.s32 @p1 $0x3638;
	s0 =	sadd.s32 @p1 s3, s0  }
0x3da: {  	[tilespmem:s5], [sflag:$0x8] =	stream.linear.gather @p1 [hbm4b:s0+s4], $0x4, $0x38;
	[tilespmem:$0x1F0F8] =	vst v63  }
0x3db: {  	s0 =	simm.s32 @p1 $0x8  }
0x3dc: {  	_ =	swait.ge @p1 [sflag:s0], $0x4  }
0x3dd: {  	[sflag:s0] =	ssyncset.done @p1 $0x0  }
0x3de: {  	[sflag:s0] =	ssyncadd.s32 @p1 $0xFFFFFFFC  }
0x3df: {  	v1 =	vld @p1 [tilespmem:$0x3638];
	_ =	sdelay $0x2  }
0x3e0: {  	s0 =	sshll.u32 @p1 s2, $0x6  }
0x3e1: {  	s5 =	sshll.u32 @!p1 s2, $0x6;
	s4 =	sshrl.u32 @p1 s0, $0x2  }
0x3e2: {  	s5 =	smov.u32 @p1 s0;
	[tilespmem:s4+$0x3678] =	vst.add.f32.msk @p1 $0xffff, v1  }
0x3e3: {  	s0 =	sshrl.u32 s5, $0x2;
	[tilespmem:s1+$0x3658] =	vst.msk $0x1, v0  }
0x3e4: {  	v0 =	vld [tilespmem:s0+$0x3678];
	_ =	sdelay $0x2  }
0x3e5: {  	s31 =	sshll.u32 s1, $0x6  }
0x3e6: {  	s0 =	sshra.s32 s31, $0x2  }
0x3e7: {  	s1 =	sadd.s32 $0x1, s1;
	[tilespmem:s0+$0x3678] =	vst v0  }
.LBB3_47:
0x3e8: {  	s2 =	sadd.s32 $0x1, s2  }
0x3e9: {  	p1 =	sne.s32 s2, $0x20  }
.Ltmp40:
0x3ea: {  	_ = 	snop;
	(pc) =	sbr.rel @!p1 .LBB3_48-.Ltmp40, $1  }
0x3eb: {  	_ =	sdelay $0x3  }
.LBB3_40:
0x3ec: {  	v0 =	vld.msk [tilespmem:s2+$0x3658], $0x1;
	_ =	sdelay $0x4  }
0x3ed: {  	(v2sf) =	vpush v0, $0x0;
	_ =	sdelay $0xe  }
0x3ee: {  	s4 =	spop (v2sf)  }
0x3ef: {  	p1 =	seq.s32 s4, $0xFFFFFFFF  }
.Ltmp41:
0x3f0: {  	_ = 	snop;
	(pc) =	sbr.rel @p1 .LBB3_47-.Ltmp41, $1  }
0x3f1: {  	_ =	sdelay $0x3  }
0x3f2: {  	p1 =	slt.s32 s1, $0x1  }
.Ltmp42:
0x3f3: {  	_ = 	snop;
	(pc) =	sbr.rel @p1 .LBB3_45-.Ltmp42, $1  }
0x3f4: {  	_ =	sdelay $0x3  }
0x3f5: {  	s5 =	simm.s32 $0x3658;
	p1 =	por $0x0, $0x0  }
0x3f6: {  	v1 =	vld.msk @!p1 [tilespmem:s5+$0x0], $0x1;
	_ =	sdelay $0x4  }
0x3f7: {  	(v2sf) =	vpush @!p1 v1, $0x0;
	_ =	sdelay $0xd  }
0x3f8: {  	p3 =	sne.s32 s1, $0x1  }
.Ltmp43:
0x3f9: {  	s0 =	spop @!p1 (v2sf);
	(pc) =	sbr.rel @!p3 .LBB3_44-.Ltmp43, $4  }
0x3fa: {  	p2 =	seq.s32 @!p1 s4, s0  }
0x3fb: {  	s6 =	simm.s32 $0x0;
	p2 =	por !p2, p1  }
0x3fc: {  	s0 =	simm.s32 $0xFFFFFFFF;
	s6 =	simm.s32 @p2 $0xFFFFFFFF  }
0x3fd: {  	s7 =	simm.s32 $0x1;
	s6 =	smov.u32 @p1 s0  }
.LBB3_43:
0x3fe: {  	s0 =	smov.u32 s6;
	p1 =	sne.s32 s6, $0xFFFFFFFF  }
0x3ff: {  	s5 =	sadd.s32 $0x1, s5;
	s6 =	smov.u32 s7;
	s7 =	sadd.s32 $0x1, s7  }
0x400: {  	p2 =	sne.s32 s1, s7;
	v1 =	vld.msk @!p1 [tilespmem:s5+$0x0], $0x1;
	_ =	sdelay $0x4  }
0x401: {  	(v2sf) =	vpush @!p1 v1, $0x0;
	_ =	sdelay $0xe  }
.Ltmp44:
0x402: {  	s8 =	spop @!p1 (v2sf);
	(pc) =	sbr.rel @p2 .LBB3_43-.Ltmp44, $4  }
0x403: {  	p3 =	seq.s32 @!p1 s4, s8  }
0x404: {  	p3 =	por !p3, p1  }
0x405: {  	s6 =	simm.s32 @p3 $0xFFFFFFFF  }
0x406: {  	s6 =	smov.u32 @p1 s0  }
.LBB3_44:
0x407: {  	p1 =	sne.s32 s6, $0xFFFFFFFF  }
.Ltmp45:
0x408: {  	_ = 	snop;
	(pc) =	sbr.rel @!p1 .LBB3_45-.Ltmp45, $1  }
0x409: {  	_ =	sdelay $0x3  }
0x40a: {  	s0 =	sshll.u32 s2, $0x4  }
0x40b: {  	s0 =	sand.u32 $0x3FFFFFF0, s0  }
0x40c: {  	v0 =	vld [tilespmem:s0+$0x3678]  }
.Ltmp46:
0x40d: {  	_ = 	snop;
	(pc) =	sbr.rel .LBB3_47-.Ltmp46, $4  }
0x40e: {  	_ = 	snop  }
0x40f: {  	s31 =	sshll.u32 s6, $0x6  }
0x410: {  	s0 =	sshra.s32 s31, $0x2  }
0x411: {  	[tilespmem:s0+$0x3678] =	vst.add.f32.msk $0xffff, v0  }
.LBB3_48:
0x412: {  	p1 =	slt.s32 s1, $0x1  }
.Ltmp47:
0x413: {  	_ = 	snop;
	(pc) =	sbr.rel @p1 .LBB3_52-.Ltmp47, $3  }
0x414: {  	_ =	sdelay $0x1  }
0x415: {  	s0 =	simm.s32 $0x8  }
0x416: {  	s2 =	simm.s32 $0x0;
	[sflag:s0] =	ssyncpa.u1 $0x1  }
0x417: {  	s0 =	simm.s32 $0x3658  }
0x418: {  	v0 =	vld.msk [tilespmem:s0+$0x0], $0x1;
	_ =	sdelay $0x4  }
0x419: {  	(v2sf) =	vpush v0, $0x0;
	_ =	sdelay $0xe  }
0x41a: {  	s1 =	sadd.s32 $0xFFFFFFFF, s1;
	s0 =	spop (v2sf)  }
0x41b: {  	p2 =	sne.s32 s1, $0x0;
	p1 =	sgt.u32 s0, $0xC34FF  }
.Ltmp48:
0x41c: {  	s5 =	sand.u32 @!p1 $0xFFFF8, s0;
	(pc) =	sbr.rel @!p2 .LBB3_51-.Ltmp48, $4  }
0x41d: {  	s4 =	simm.s32 $0x3678;
	s0 =	sand.u32 @!p1 $0x7, s0;
	s5 =	sadd.s32 @!p1 s3, s5  }
0x41e: {  	[hbm4b:s5+s0] =	stream.linear.scatter @!p1 [tilespmem:s4], [sflag:$0x7], $0x4, $0x38;
	[tilespmem:$0x1F0F8] =	vst v63  }
0x41f: {  	s0 =	simm.s32 $0x0  }
0x420: {  	s5 =	simm.s32 $0x3659;
	s0 =	simm.s32 @!p1 $0x10  }
.LBB3_50:
0x421: {  	v0 =	vld.msk [tilespmem:s5+$0x0], $0x1;
	s1 =	sadd.s32 $0xFFFFFFFF, s1;
	s2 =	sadd.s32 s2, s0  }
0x422: {  	p1 =	sne.s32 s1, $0x0;
	_ =	sdelay $0x3  }
0x423: {  	(v2sf) =	vpush v0, $0x0;
	_ =	sdelay $0xe  }
.Ltmp49:
0x424: {  	s6 =	spop (v2sf);
	(pc) =	sbr.rel @p1 .LBB3_50-.Ltmp49, $4  }
0x425: {  	s0 =	simm.s32 $0x0;
	p2 =	sgt.u32 s6, $0xC34FF  }
0x426: {  	s4 =	sadd.s32 $0x10, s4;
	s0 =	simm.s32 @!p2 $0x10;
	s7 =	sand.u32 @!p2 $0xFFFF8, s6  }
0x427: {  	s5 =	sadd.s32 $0x1, s5;
	s6 =	sand.u32 @!p2 $0x7, s6;
	s7 =	sadd.s32 @!p2 s3, s7  }
0x428: {  	[hbm4b:s7+s6] =	stream.linear.scatter @!p2 [tilespmem:s4], [sflag:$0x7], $0x4, $0x38;
	[tilespmem:$0x1F0F8] =	vst v63  }
.LBB3_51:
0x429: {  	s0 =	sadd.s32 s2, s0  }
0x42a: {  	s2 =	sshrl.u32 s0, $0x2  }
.LBB3_52:
0x42b: {  	s0 =	simm.s32 $0x7  }
0x42c: {  	_ =	swait.ge [sflag:s0], s2  }
0x42d: {  	s1 =	ssub.s32 $0x0, s2;
	[sflag:s0] =	ssyncset.done $0x0  }
0x42e: {  	[sflag:s0] =	ssyncadd.s32 s1  }
0x42f: {  	[sflag:s0] =	ssyncpa.u1 $0x1  }
.LBB3_53:
0x430: {  	_ =	sfence;
	s0 =	simm.s32 $0x1  }
0x431: {  	[sflag:s0] =	ssyncpa.u1 $0x1  }
0x432: {  	_ =	strace $0x9000004D  }
0x433: {  	[bflag:$0x2] =	sbarrier.arrive $0xFFFF  }
0x434: {  	s0 =	rddreg [dreg:$0x3]  }
0x435: {  	s0 =	sadd.s32 @!p0 $0x100000, s0  }
0x436: {  	[sflag:s0] =	ssyncadd.tile.s32 @!p0 $0x1;
	_ =	shalt  }
.Lfunc_end3:
_tile_overlayer_lowered:
.L_overlay_start_3:
0x437: {  	(tag) =	ssettag $0x3  }
0x438: {  	s0 =	rddreg [dreg:$0x0];
	s2 =	stileid.u32  }
0x439: {  	s1 =	rddreg [dreg:$0x1];
	p0 =	sne.s32 s2, $0x0  }
0x43a: {  	s3 =	rddreg [dreg:$0x2];
	[bflag:$0x3] =	sbarrier.arrive $0xFFFF;
	s2 =	simm.s32 @!p0 $0x1C01  }
0x43b: {  	[timem:s3], [sflag:s2] =	dma.local @!p0 [hbm:s0], s1  }
0x43c: {  	s0 =	simm.s32 @!p0 $0x1  }
0x43d: {  	_ =	swait.ge @!p0 [sflag:s0], s1  }
0x43e: {  	s1 =	ssub.s32 @!p0 $0x0, s1;
	[sflag:s0] =	ssyncset.done @!p0 $0x0  }
0x43f: {  	[sflag:s0] =	ssyncadd.s32 @!p0 s1  }
0x440: {  	[bflag:$0x3] =	sbarrier.arrive $0xFFFF  }
0x441: {  	_ =	shalt  }

// kernel: sparse-core-data-format-call.1.cloned.1.call-start
scs
called_computation.5_lowered:
.L_overlay_start_0:
0x0: {  	s1 =	sld [smem:$0x3FD9]  }
0x1: {  	s2 =	sld [smem:$0x3FFE];
	_ =	sdelay $0x1  }
0x2: {  	s3 =	srdreg.scid  }
0x3: {  	s0 =	sand.u32 $0x1, s3  }
0x4: {  	s17 =	sshll.u32 s0, $0xA;
	s1 =	sadd.s32 s2, s1  }
0x5: {  	s1 =	sadd.s32 s1, s17  }
0x6: {  	[smem:$0x3FB4] =	sst s1  }
0x7: {  	_ = 	snop  }
0x8: {  	(tm) =	ssettm $0x1  }
0x9: {  	s18 =	sld [smem:$0x3FFB];
	_ =	sdelay $0x3  }
0xa: {  	_ =	strace s18  }
0xb: {  	s1 =	sld [smem:$0x3FFC];
	_ =	sdelay $0x3  }
0xc: {  	_ =	strace s1  }
0xd: {  	s1 =	sld [smem:$0x3FFD];
	_ =	sdelay $0x3  }
0xe: {  	_ =	strace s1  }
0xf: {  	_ =	strace $0x8FFFFFFF  }
0x10: {  	s19 =	sld [smem:$0x3FDB];
	_ =	sdelay $0x1  }
0x11: {  	s20 =	simm.s32 $_scs_section_size  }
0x12: {  	s4 =	simm.s32 $_size__tile_overlayer_lowered;
	s5 =	simm.s32 $_tile_overlayer_lowered  }
0x13: {  	s23 =	simm.s32 $0x1BFF;
	s22 =	sshll.u32 s5, $0x1;
	s1 =	sadd.s32 s20, s19  }
0x14: {  	s6 =	simm.s32 $0x0;
	s21 =	sshll.u32 s4, $0x1;
	s4 =	sadd.s32 s22, s1  }
0x15: {  	[timem:s6], [sflag:s23] =	dma.local [hbm:s4], s21  }
0x16: {  	_ =	swait.ge [sflag:s23], s21  }
0x17: {  	s2 =	ssub.s32 $0x0, s21;
	[sflag:s23] =	ssyncset.done $0x0  }
0x18: {  	[sflag:s23] =	ssyncadd.s32 s2;
	_ =	sdelay $0x1  }
0x19: {  	s24 =	simm.s32 $0x1B8B  }
0x1a: {  	_ =	swait.ge [sflag:s24], $0x1  }
0x1b: {  	[sflag:s24] =	ssyncset.done $0x0  }
0x1c: {  	s26 =	simm.s32 $0x1B8E;
	s25 =	sld [smem:$0x3FFE];
	[sflag:s24] =	ssyncadd.s32 $0xFFFFFFFF  }
0x1d: {  	s27 =	simm.s32 $execute0_lowered;
	[smem:$0x3FD2] =	sst s26  }
0x1e: {  	s4 =	sshll.u32 s27, $0x1;
	_ =	strace $0x80000046;
	[dreg:$0x1] =	wrdreg $0xFFFFFFFF  }
0x1f: {  	s28 =	simm.s32 $_size_execute0_lowered;
	s1 =	sadd.s32 s1, s4;
	[dreg:$0x0] =	wrdreg $0x0  }
0x20: {  	s4 =	sshll.u32 s28, $0x1;
	[dreg:$0x2] =	wrdreg s1  }
0x21: {  	[dreg:$0x3] =	wrdreg s4  }
0x22: {  	[dreg:$0x4] =	wrdreg $0xC0  }
0x23: {  	_ =	task [dreg:s6], $0x5FFFF  }
0x24: {  	[dreg:$0x1] =	wrdreg $0xFFFFFFFF  }
0x25: {  	[dreg:$0x0] =	wrdreg $0x60  }
0x26: {  	[dreg:$0x2] =	wrdreg s25  }
0x27: {  	[dreg:$0x3] =	wrdreg $0xB  }
0x28: {  	_ =	task.clear_ibuf [dreg:s6], $0x4FFFF;
	_ =	strace $0x90000046  }
0x29: {  	s29 =	simm.s32 $0xB;
	_ =	strace $0x80000048  }
0x2a: {  	_ =	swait.ge [sflag:s29], $0x1  }
0x2b: {  	[sflag:s29] =	ssyncadd.s32 $0xFFFFFFFF  }
0x2c: {  	_ =	strace $0x90000048  }
0x2d: {  	_ =	sfence  }
0x2e: {  	s30 =	sld [smem:$0x0];
	_ =	sdelay $0x2  }
0x2f: {  	s31 =	sshll.u32 s3, $0xD;
	s3 =	sshrl.u32 s3, $0x2  }
0x30: {  	s2 =	sand.u32 $0x4000, s31;
	s1 =	sadd.s32 s3, s30  }
0x31: {  	s0 =	sor.u32 s2, s0;
	s1 =	sshll.u32 s1, $0x11  }
0x32: {  	s0 =	sor.u32 s1, s0  }
0x33: {  	s0 =	sadd.s32 $0x8F2B, s0  }
0x34: {  	[sflag:s0] =	ssyncadd.remote.s32 $0x1  }
0x35: {  	_ =	sfence.sel $0xFFFF  }
0x36: {  	[dreg:$0x0] =	wrdreg $0xFFFFFFFF;
	(pc) =	sbr.abs _section_cstart, $3  }
0x37: {  	[dreg:$0x1] =	wrdreg $0xFFFFFFFF  }
0x38: {  	_ =	task.clear_ibuf [dreg:s6], $0x2FFFF;
	_ =	strace $0x9FFFFFFF  }
0x39: {  	(tm) =	ssettm $0x7FFFFFFF  }
tec
execute0_lowered:
.L_overlay_start_1:
0x0: {  	(tag) =	ssettag $0x1  }
0x1: {  	s0 =	srdreg.scid  }
0x2: {  	s6 =	rddreg [dreg:$0x0];
	s7 =	simm.s32 $0x1;
	s1 =	sshll.u32 s0, $0x4  }
0x3: {  	s8 =	simm.s32 $0x2;
	s0 =	stileid.u32;
	s1 =	sand.u32 $0x10, s1  }
0x4: {  	s13 =	simm.s32 $0x0;
	s12 =	simm.s32 $0x0;
	s1 =	sor.u32 s0, s1  }
0x5: {  	s10 =	simm.s32 $0x0;
	s3 =	sadd.s32 $0x319E00, s6;
	s2 =	sshll.u32 s1, $0x9  }
0x6: {  	s11 =	simm.s32 $0x0;
	s6 =	sadd.s32 $0xE8BE00, s6;
	s5 =	ssub.s32 $0x186A00, s2  }
.Ltmp0:
0x7: {  	s1 =	rddreg [dreg:$0x1];
	s4 =	sand.u32 $0x3E00, s5;
	(pc) =	sbr.rel .LBB1_1-.Ltmp0, $4  }
0x8: {  	_ =	strace $0x80000047;
	s9 =	smov.u32 s2;
	p0 =	sne.s32 s4, $0x0  }
0x9: {  	s5 =	sshrl.u32 s5, $0xE;
	s4 =	simm.s32 $0x1;
	s7 =	simm.s32 @!p0 $0x0  }
0xa: {  	[sflag:s4] =	ssyncpa.u1 $0x0;
	p0 =	por $0x0, $0x0;
	s5 =	sadd.s32 s7, s5  }
0xb: {  	[sflag:s8] =	ssyncpa.u1 $0x0;
	s8 =	simm.s32 $0x80;
	s7 =	sadd.s32 $0x1, s5  }
.LBB1_4:
0xc: {  	_ = 	snop  }
0xd: {  	[tilespmem:s18+$0x2D60 ss:$0x21] =	vst.msk $0xffff, v7  }
0xe: {  	[tilespmem:s18+$0x2F70 ss:$0x21] =	vst.msk $0xffff, v6  }
0xf: {  	[tilespmem:s18+$0x3390 ss:$0x21] =	vst.msk $0xffff, v3  }
0x10: {  	s21 =	sor.u32 s24, s23;
	v31 =	vld.idx.msk [tilespmem:v0+s16+$0xC70 ss:$0x1], $0xffff;
	[tilespmem:s18+$0x35A0 ss:$0x21] =	vst.msk $0xffff, v1  }
0x11: {  	[tilespmem:s18+$0x37B0 ss:$0x21] =	vst.msk $0xffff, v2;
	v43 =	vld.idx.msk [tilespmem:v0+s21+$0x410 ss:$0x1], $0xffff  }
0x12: {  	[tilespmem:s18+$0x39C0 ss:$0x21] =	vst.msk $0xffff, v4;
	v44 =	vld.idx.msk [tilespmem:v0+s21+$0x420 ss:$0x1], $0xffff  }
0x13: {  	[tilespmem:s18+$0x3BD0 ss:$0x21] =	vst.msk $0xffff, v5;
	s22 =	sand.u32 $0x3200, s21;
	v45 =	vld.idx.msk [tilespmem:v0+s21+$0x430 ss:$0x1], $0xffff  }
0x14: {  	s20 =	sand.u32 $0x180, s20;
	s25 =	sshra.s32 s19, $0x2;
	[tilespmem:s18+$0x3DE0 ss:$0x21] =	vst.msk $0xffff, v8;
	v46 =	vld.idx.msk [tilespmem:v0+s21+$0x440 ss:$0x1], $0xffff;
	s15 =	sadd.s32 s22, s15  }
0x15: {  	v47 =	vld.idx.msk [tilespmem:v0+s21+$0x450 ss:$0x1], $0xffff;
	s24 =	sadd.s32 s20, s15;
	s15 =	sadd.s32 s25, s17;
	[tilespmem:s18+$0x3FF0 ss:$0x21] =	vst.msk $0xffff, v31  }
0x16: {  	v48 =	vld.idx.msk [tilespmem:v0+s21+$0x460 ss:$0x1], $0xffff;
	[tilespmem:s15+$0x1290 ss:$0x21] =	vst.msk $0xffff, v43  }
0x17: {  	v49 =	vld.idx.msk [tilespmem:v0+s21+$0x470 ss:$0x1], $0xffff;
	[tilespmem:s15+$0x14A0 ss:$0x21] =	vst.msk $0xffff, v44  }
0x18: {  	v50 =	vld.idx.msk [tilespmem:v0+s21+$0x810 ss:$0x1], $0xffff;
	[tilespmem:s15+$0x16B0 ss:$0x21] =	vst.msk $0xffff, v45  }
0x19: {  	v51 =	vld.idx.msk [tilespmem:v0+s21+$0x820 ss:$0x1], $0xffff;
	[tilespmem:s15+$0x18C0 ss:$0x21] =	vst.msk $0xffff, v46  }
0x1a: {  	v52 =	vld.idx.msk [tilespmem:v0+s21+$0x830 ss:$0x1], $0xffff;
	[tilespmem:s15+$0x1AD0 ss:$0x21] =	vst.msk $0xffff, v47  }
0x1b: {  	v53 =	vld.idx.msk [tilespmem:v0+s21+$0x840 ss:$0x1], $0xffff;
	[tilespmem:s15+$0x1CE0 ss:$0x21] =	vst.msk $0xffff, v48  }
0x1c: {  	v54 =	vld.idx.msk [tilespmem:v0+s21+$0x850 ss:$0x1], $0xffff;
	[tilespmem:s15+$0x1EF0 ss:$0x21] =	vst.msk $0xffff, v49  }
0x1d: {  	v55 =	vld.idx.msk [tilespmem:v0+s21+$0x860 ss:$0x1], $0xffff;
	[tilespmem:s15+$0x2310 ss:$0x21] =	vst.msk $0xffff, v50  }
0x1e: {  	v56 =	vld.idx.msk [tilespmem:v0+s21+$0x870 ss:$0x1], $0xffff;
	[tilespmem:s15+$0x2520 ss:$0x21] =	vst.msk $0xffff, v51  }
0x1f: {  	v57 =	vld.idx.msk [tilespmem:v0+s21+$0xC10 ss:$0x1], $0xffff;
	[tilespmem:s15+$0x2730 ss:$0x21] =	vst.msk $0xffff, v52  }
0x20: {  	v58 =	vld.idx.msk [tilespmem:v0+s21+$0xC20 ss:$0x1], $0xffff;
	[tilespmem:s15+$0x2940 ss:$0x21] =	vst.msk $0xffff, v53  }
0x21: {  	v59 =	vld.idx.msk [tilespmem:v0+s21+$0xC30 ss:$0x1], $0xffff;
	[tilespmem:s15+$0x2B50 ss:$0x21] =	vst.msk $0xffff, v54  }
0x22: {  	v60 =	vld.idx.msk [tilespmem:v0+s21+$0xC40 ss:$0x1], $0xffff;
	[tilespmem:s15+$0x2D60 ss:$0x21] =	vst.msk $0xffff, v55  }
0x23: {  	v61 =	vld.idx.msk [tilespmem:v0+s21+$0xC50 ss:$0x1], $0xffff;
	[tilespmem:s15+$0x2F70 ss:$0x21] =	vst.msk $0xffff, v56  }
0x24: {  	v62 =	vld.idx.msk [tilespmem:v0+s21+$0xC60 ss:$0x1], $0xffff;
	[tilespmem:s15+$0x3390 ss:$0x21] =	vst.msk $0xffff, v57  }
0x25: {  	v63 =	vld.idx.msk [tilespmem:v0+s21+$0xC70 ss:$0x1], $0xffff;
	[tilespmem:s15+$0x35A0 ss:$0x21] =	vst.msk $0xffff, v58  }
0x26: {  	v32 =	vld [tilespmem:s24+$0xC00];
	[tilespmem:s15+$0x37B0 ss:$0x21] =	vst.msk $0xffff, v59  }
0x27: {  	v33 =	vld [tilespmem:s24+$0x0];
	[tilespmem:s15+$0x39C0 ss:$0x21] =	vst.msk $0xffff, v60  }
0x28: {  	v34 =	vld [tilespmem:s24+$0x10];
	[tilespmem:s15+$0x3BD0 ss:$0x21] =	vst.msk $0xffff, v61  }
0x29: {  	s13 =	sshll.u32 s13, $0x7;
	s26 =	sshll.u32 s12, $0x3;
	v35 =	vld [tilespmem:s24+$0x20];
	[tilespmem:s15+$0x3DE0 ss:$0x21] =	vst.msk $0xffff, v62  }
0x2a: {  	s27 =	sand.u32 $0xFFFFFC00, s13;
	s16 =	sand.u32 $0xFFFFFC00, s26;
	v36 =	vld [tilespmem:s24+$0x30];
	[tilespmem:s15+$0x3FF0 ss:$0x21] =	vst.msk $0xffff, v63  }
0x2b: {  	s13 =	sand.u32 $0x380, s13;
	s16 =	sadd.s32 s16, s27;
	v37 =	vld [tilespmem:s24+$0x40];
	[tilespmem:s15+$0x3180 ss:$0x21] =	vst.msk $0xffff, v32  }
0x2c: {  	s13 =	sor.u32 s13, s16;
	v38 =	vld [tilespmem:s24+$0x50];
	[tilespmem:s15+$0x0 ss:$0x21] =	vst.msk $0xffff, v33  }
0x2d: {  	v39 =	vld [tilespmem:s24+$0x60];
	s13 =	sshrl.u32 s13, $0x7;
	[tilespmem:s15+$0x210 ss:$0x21] =	vst.msk $0xffff, v34  }
0x2e: {  	v40 =	vld [tilespmem:s24+$0x70];
	s28 =	smulhi.u32 $0x14F8B59, s13;
	[tilespmem:s15+$0x420 ss:$0x21] =	vst.msk $0xffff, v35  }
0x2f: {  	v41 =	vld [tilespmem:s24+$0x400];
	[tilespmem:s15+$0x630 ss:$0x21] =	vst.msk $0xffff, v36  }
0x30: {  	v42 =	vld [tilespmem:s24+$0x800];
	s16 =	sshrl.u32 s28, $0xD;
	[tilespmem:s15+$0x840 ss:$0x21] =	vst.msk $0xffff, v37  }
0x31: {  	s16 =	smul.u32 $0x186A00, s16;
	[tilespmem:s15+$0xA50 ss:$0x21] =	vst.msk $0xffff, v38  }
0x32: {  	s29 =	sshrl.u32 s12, $0x3;
	[tilespmem:s15+$0xC60 ss:$0x21] =	vst.msk $0xffff, v39  }
0x33: {  	s31 =	sand.u32 $0x7, s12;
	s30 =	sand.u32 $0xF, s29;
	[tilespmem:s15+$0xE70 ss:$0x21] =	vst.msk $0xffff, v40;
	s13 =	ssub.s32 s13, s16  }
0x34: {  	s12 =	sshll.u32 s31, $0x12;
	[tilespmem:s15+$0x1080 ss:$0x21] =	vst.msk $0xffff, v41;
	s16 =	sadd.s32 s6, s30;
	s13 =	sshll.u32 s13, $0x4  }
0x35: {  	s12 =	sor.u32 $0x20, s12;
	[tilespmem:s15+$0x2100 ss:$0x21] =	vst.msk $0xffff, v42;
	s13 =	sadd.s32 s13, s16  }
0x36: {  	[hbm4b:s13+s12] =	stream.strided.scatter [tilespmem:s14], [sflag:$0x2], $0x4000, s8, s12, $0x10;
	[tilespmem:$0x10400] =	vst v63  }
.LBB1_5:
0x37: {  	s14 =	sadd.s32 $0x4000, s9  }
0x38: {  	s12 =	sadd.s32 $0x20, s10;
	s16 =	smov.u32 s10;
	p2 =	sgt.s32 s14, $0x1869FF  }
0x39: {  	s16 =	smov.u32 @p2 s12  }
0x3a: {  	s14 =	smov.u32 @p2 s2;
	p2 =	sgt.s32 s16, $0x1F  }
0x3b: {  	s16 =	simm.s32 @p2 $0x0;
	p2 =	sne.s32 s11, s7  }
.Ltmp1:
0x3c: {  	p1 =	slt.u32 s11, $0x2;
	(pc) =	sbr.rel @!p2 .LBB1_6-.Ltmp1, $4  }
0x3d: {  	s15 =	simm.s32 @!p1 $0x2  }
0x3e: {  	s13 =	smov.u32 s9;
	p0 =	por !p0, !p0;
	_ =	swait.ge @!p1 [sflag:s15], $0x4000  }
0x3f: {  	s12 =	smov.u32 s10;
	[sflag:s15] =	ssyncset.done @!p1 $0x0;
	s9 =	smov.u32 s14  }
0x40: {  	s11 =	sadd.s32 $0x1, s11;
	[sflag:s15] =	ssyncadd.s32 @!p1 $0xFFFFC000;
	s10 =	smov.u32 s16  }
.LBB1_1:
0x41: {  	p1 =	sge.u32 s11, s5  }
0x42: {  	s14 =	sshrl.u32 @!p1 s10, $0x3  }
0x43: {  	s15 =	sshll.u32 @!p1 s9, $0x3;
	s14 =	smul.u32 @!p1 $0xC35000, s14  }
0x44: {  	s16 =	sshll.u32 @!p1 s10, $0x7;
	s15 =	sand.u32 @!p1 $0xFFFFFC00, s15  }
0x45: {  	s14 =	sadd.s32 @!p1 s14, s15;
	s15 =	sand.u32 @!p1 $0x380, s16  }
0x46: {  	s14 =	sor.u32 @!p1 s15, s14  }
0x47: {  	s15 =	sshrl.u32 @!p1 s14, $0x9  }
0x48: {  	s15 =	smulhi.u32 @!p1 $0xA7C5AD, s15;
	_ =	sdelay $0x1  }
0x49: {  	s15 =	sshrl.u32 @!p1 s15, $0x3  }
0x4a: {  	s16 =	sand.u32 @!p1 $0x7F, s9;
	s17 =	smul.u32 @!p1 $0x186A00, s15  }
0x4b: {  	s31 =	sadd.s32 $0xFFFFFFFF, s11;
	s14 =	sor.u32 @!p1 s16, s14;
	s16 =	sxor.u32 @!p1 $0xFFFFFFFF, s11  }
0x4c: {  	s16 =	sshll.u32 @!p1 s16, $0xE;
	s15 =	sand.u32 @!p1 $0x1F, s15;
	s14 =	ssub.s32 @!p1 s14, s17  }
0x4d: {  	s15 =	smul.u32 @!p1 $0x30D40, s15;
	s17 =	sshrl.u32 @!p1 s14, $0x3;
	s14 =	sand.u32 @!p1 $0x7, s14  }
0x4e: {  	s16 =	sand.u32 @!p1 $0x4000, s16;
	s17 =	sadd.s32 @!p1 s3, s17;
	s14 =	sshll.u32 @!p1 s14, $0x12  }
0x4f: {  	s15 =	sadd.s32 @!p1 s15, s17;
	s14 =	sor.u32 @!p1 $0x1000, s14;
	s17 =	simm.s32 @!p1 $0xC35000  }
0x50: {  	[tilespmem:s16], [sflag:$0x1] =	stream.strided.gather @!p1 [hbm4b:s15+s14], $0x4000, s17, s14, $0x38;
	[tilespmem:$0x10400] =	vst v63  }
0x51: {  	p1 =	sge.u32 s31, s5  }
.Ltmp2:
0x52: {  	_ = 	snop;
	(pc) =	sbr.rel @p1 .LBB1_5-.Ltmp2, $1  }
0x53: {  	_ =	sdelay $0x3  }
0x54: {  	s17 =	simm.s32 $0x0  }
0x55: {  	s16 =	sand.u32 $0x3000, s17;
	s18 =	sand.u32 $0x380, s17  }
0x56: {  	s14 =	sand.u32 $0x1, s11;
	s16 =	sor.u32 s18, s16  }
0x57: {  	_ =	swait.ge [sflag:s4], $0x4000;
	s15 =	sshll.u32 s14, $0xE;
	s18 =	sand.u32 $0x3200, s16  }
0x58: {  	[sflag:s4] =	ssyncset.done $0x0;
	s17 =	sand.u32 $0x180, s17;
	s18 =	sadd.s32 s18, s15  }
0x59: {  	[sflag:s4] =	ssyncadd.s32 $0xFFFFC000;
	s20 =	sadd.s32 s17, s18  }
0x5a: {  	v4 =	vld [tilespmem:s20+$0xC00]  }
0x5b: {  	s19 =	simm.s32 $0x1;
	v0 =	vmov s15;
	v5 =	vld [tilespmem:s20+$0x0]  }
0x5c: {  	s19 =	simm.s32 @!p0 $0x0;
	v6 =	vld [tilespmem:s20+$0x10]  }
0x5d: {  	s31 =	smul.u32 $0x10800, s19;
	v7 =	vld [tilespmem:s20+$0x20]  }
0x5e: {  	v8 =	vld [tilespmem:s20+$0x30]  }
0x5f: {  	s17 =	sshrl.u32 s31, $0x2;
	v9 =	vld [tilespmem:s20+$0x40]  }
0x60: {  	s17 =	sor.u32 $0x8000, s17;
	v1 =	vld.idx.msk [tilespmem:v0+s16+$0x410 ss:$0x1], $0xffff  }
0x61: {  	v2 =	vld.idx.msk [tilespmem:v0+s16+$0x420 ss:$0x1], $0xffff;
	s18 =	sadd.s32 $0x0, s17  }
0x62: {  	v3 =	vld.idx.msk [tilespmem:v0+s16+$0x430 ss:$0x1], $0xffff;
	[tilespmem:s18+$0x3180 ss:$0x21] =	vst.msk $0xffff, v4  }
0x63: {  	v10 =	vld.idx.msk [tilespmem:v0+s16+$0x820 ss:$0x1], $0xffff;
	[tilespmem:s18+$0x0 ss:$0x21] =	vst.msk $0xffff, v5  }
0x64: {  	v11 =	vld.idx.msk [tilespmem:v0+s16+$0x830 ss:$0x1], $0xffff;
	[tilespmem:s18+$0x210 ss:$0x21] =	vst.msk $0xffff, v6  }
0x65: {  	v12 =	vld.idx.msk [tilespmem:v0+s16+$0x840 ss:$0x1], $0xffff;
	[tilespmem:s18+$0x420 ss:$0x21] =	vst.msk $0xffff, v7  }
0x66: {  	v13 =	vld.idx.msk [tilespmem:v0+s16+$0x850 ss:$0x1], $0xffff;
	[tilespmem:s18+$0x630 ss:$0x21] =	vst.msk $0xffff, v8  }
0x67: {  	v4 =	vld [tilespmem:s20+$0x50];
	[tilespmem:s18+$0x840 ss:$0x21] =	vst.msk $0xffff, v9  }
0x68: {  	v5 =	vld [tilespmem:s20+$0x60];
	[tilespmem:s18+$0x1290 ss:$0x21] =	vst.msk $0xffff, v1  }
0x69: {  	v6 =	vld [tilespmem:s20+$0x70];
	[tilespmem:s18+$0x14A0 ss:$0x21] =	vst.msk $0xffff, v2  }
0x6a: {  	v7 =	vld [tilespmem:s20+$0x400];
	[tilespmem:s18+$0x16B0 ss:$0x21] =	vst.msk $0xffff, v3  }
0x6b: {  	v8 =	vld [tilespmem:s20+$0x800];
	[tilespmem:s18+$0x2520 ss:$0x21] =	vst.msk $0xffff, v10  }
0x6c: {  	v9 =	vld.idx.msk [tilespmem:v0+s16+$0x470 ss:$0x1], $0xffff;
	[tilespmem:s18+$0x2730 ss:$0x21] =	vst.msk $0xffff, v11  }
0x6d: {  	v3 =	vld.idx.msk [tilespmem:v0+s16+$0xC10 ss:$0x1], $0xffff;
	[tilespmem:s18+$0x2940 ss:$0x21] =	vst.msk $0xffff, v12  }
0x6e: {  	v1 =	vld.idx.msk [tilespmem:v0+s16+$0xC20 ss:$0x1], $0xffff;
	[tilespmem:s18+$0x2B50 ss:$0x21] =	vst.msk $0xffff, v13  }
0x6f: {  	v2 =	vld.idx.msk [tilespmem:v0+s16+$0xC30 ss:$0x1], $0xffff;
	[tilespmem:s18+$0xA50 ss:$0x21] =	vst.msk $0xffff, v4  }
0x70: {  	[tilespmem:s18+$0xE70 ss:$0x21] =	vst.msk $0xffff, v6;
	v6 =	vld.idx.msk [tilespmem:v0+s16+$0x460 ss:$0x1], $0xffff  }
0x71: {  	v4 =	vld.idx.msk [tilespmem:v0+s16+$0x440 ss:$0x1], $0xffff;
	[tilespmem:s18+$0xC60 ss:$0x21] =	vst.msk $0xffff, v5  }
0x72: {  	v5 =	vld.idx.msk [tilespmem:v0+s16+$0x450 ss:$0x1], $0xffff;
	[tilespmem:s18+$0x1080 ss:$0x21] =	vst.msk $0xffff, v7  }
0x73: {  	[tilespmem:s18+$0x2100 ss:$0x21] =	vst.msk $0xffff, v8;
	v8 =	vld.idx.msk [tilespmem:v0+s16+$0x810 ss:$0x1], $0xffff  }
0x74: {  	v7 =	vld.idx.msk [tilespmem:v0+s16+$0x860 ss:$0x1], $0xffff;
	[tilespmem:s18+$0x1EF0 ss:$0x21] =	vst.msk $0xffff, v9  }
0x75: {  	s14 =	smul.u32 $0x10800, s14;
	[tilespmem:s18+$0x1CE0 ss:$0x21] =	vst.msk $0xffff, v6;
	v6 =	vld.idx.msk [tilespmem:v0+s16+$0x870 ss:$0x1], $0xffff  }
0x76: {  	s21 =	simm.s32 $0x200;
	s22 =	simm.s32 $0x8;
	[tilespmem:s18+$0x18C0 ss:$0x21] =	vst.msk $0xffff, v4;
	v4 =	vld.idx.msk [tilespmem:v0+s16+$0xC40 ss:$0x1], $0xffff  }
0x77: {  	s23 =	sand.u32 $0x3000, s21;
	s14 =	sshrl.u32 s14, $0x2;
	s20 =	simm.s32 $0x80;
	[tilespmem:s18+$0x1AD0 ss:$0x21] =	vst.msk $0xffff, v5;
	v5 =	vld.idx.msk [tilespmem:v0+s16+$0xC50 ss:$0x1], $0xffff  }
0x78: {  	s19 =	simm.s32 $0x4;
	s14 =	sor.u32 $0x8000, s14;
	s24 =	sand.u32 $0x380, s20;
	[tilespmem:s18+$0x2310 ss:$0x21] =	vst.msk $0xffff, v8;
	v8 =	vld.idx.msk [tilespmem:v0+s16+$0xC60 ss:$0x1], $0xffff  }
.LBB1_3:
0x79: {  	p1 =	sne.s32 s22, $0x7C;
	[tilespmem:s18+$0x2D60 ss:$0x21] =	vst.msk $0xffff, v7;
	v7 =	vld.idx.msk [tilespmem:v0+s16+$0xC70 ss:$0x1], $0xffff;
	s16 =	sor.u32 s24, s23  }
0x7a: {  	s23 =	sand.u32 $0x3200, s16;
	v9 =	vld.idx.msk [tilespmem:v0+s16+$0x410 ss:$0x1], $0xffff;
	[tilespmem:s18+$0x2F70 ss:$0x21] =	vst.msk $0xffff, v6  }
0x7b: {  	s24 =	sand.u32 $0x180, s20;
	s23 =	sadd.s32 s23, s15;
	v6 =	vld.idx.msk [tilespmem:v0+s16+$0x420 ss:$0x1], $0xffff;
	[tilespmem:s18+$0x3390 ss:$0x21] =	vst.msk $0xffff, v3  }
0x7c: {  	s23 =	sadd.s32 s24, s23;
	v3 =	vld.idx.msk [tilespmem:v0+s16+$0x430 ss:$0x1], $0xffff;
	[tilespmem:s18+$0x35A0 ss:$0x21] =	vst.msk $0xffff, v1  }
0x7d: {  	v1 =	vld [tilespmem:s23+$0xC00];
	[tilespmem:s18+$0x37B0 ss:$0x21] =	vst.msk $0xffff, v2  }
0x7e: {  	v2 =	vld [tilespmem:s23+$0x0];
	[tilespmem:s18+$0x39C0 ss:$0x21] =	vst.msk $0xffff, v4  }
0x7f: {  	v4 =	vld [tilespmem:s23+$0x10];
	[tilespmem:s18+$0x3BD0 ss:$0x21] =	vst.msk $0xffff, v5  }
0x80: {  	s24 =	sshra.s32 s19, $0x2;
	s19 =	smov.u32 s22;
	v5 =	vld [tilespmem:s23+$0x20];
	[tilespmem:s18+$0x3DE0 ss:$0x21] =	vst.msk $0xffff, v8  }
0x81: {  	v8 =	vld [tilespmem:s23+$0x30];
	[tilespmem:s18+$0x3FF0 ss:$0x21] =	vst.msk $0xffff, v7;
	s18 =	sadd.s32 s24, s17  }
0x82: {  	v7 =	vld [tilespmem:s23+$0x40];
	[tilespmem:s18+$0x3180 ss:$0x21] =	vst.msk $0xffff, v1  }
0x83: {  	[tilespmem:s18+$0x0 ss:$0x21] =	vst.msk $0xffff, v2;
	v1 =	vld [tilespmem:s23+$0x50]  }
0x84: {  	[tilespmem:s18+$0x210 ss:$0x21] =	vst.msk $0xffff, v4;
	v2 =	vld [tilespmem:s23+$0x60]  }
0x85: {  	[tilespmem:s18+$0x420 ss:$0x21] =	vst.msk $0xffff, v5;
	v4 =	vld [tilespmem:s23+$0x70]  }
0x86: {  	[tilespmem:s18+$0x630 ss:$0x21] =	vst.msk $0xffff, v8;
	v5 =	vld [tilespmem:s23+$0x400]  }
0x87: {  	[tilespmem:s18+$0x840 ss:$0x21] =	vst.msk $0xffff, v7;
	v7 =	vld [tilespmem:s23+$0x800]  }
0x88: {  	[tilespmem:s18+$0xA50 ss:$0x21] =	vst.msk $0xffff, v1;
	v1 =	vld.idx.msk [tilespmem:v0+s16+$0x440 ss:$0x1], $0xffff  }
0x89: {  	[tilespmem:s18+$0xC60 ss:$0x21] =	vst.msk $0xffff, v2;
	v2 =	vld.idx.msk [tilespmem:v0+s16+$0x450 ss:$0x1], $0xffff  }
0x8a: {  	[tilespmem:s18+$0xE70 ss:$0x21] =	vst.msk $0xffff, v4;
	v4 =	vld.idx.msk [tilespmem:v0+s16+$0x460 ss:$0x1], $0xffff  }
0x8b: {  	[tilespmem:s18+$0x1080 ss:$0x21] =	vst.msk $0xffff, v5;
	v5 =	vld.idx.msk [tilespmem:v0+s16+$0x470 ss:$0x1], $0xffff  }
0x8c: {  	[tilespmem:s18+$0x2100 ss:$0x21] =	vst.msk $0xffff, v7;
	v8 =	vld.idx.msk [tilespmem:v0+s16+$0x810 ss:$0x1], $0xffff  }
0x8d: {  	[tilespmem:s18+$0x1290 ss:$0x21] =	vst.msk $0xffff, v9;
	v9 =	vld.idx.msk [tilespmem:v0+s16+$0x820 ss:$0x1], $0xffff  }
0x8e: {  	[tilespmem:s18+$0x14A0 ss:$0x21] =	vst.msk $0xffff, v6;
	v10 =	vld.idx.msk [tilespmem:v0+s16+$0x830 ss:$0x1], $0xffff  }
0x8f: {  	[tilespmem:s18+$0x16B0 ss:$0x21] =	vst.msk $0xffff, v3;
	v11 =	vld.idx.msk [tilespmem:v0+s16+$0x840 ss:$0x1], $0xffff  }
0x90: {  	[tilespmem:s18+$0x18C0 ss:$0x21] =	vst.msk $0xffff, v1;
	v12 =	vld.idx.msk [tilespmem:v0+s16+$0x850 ss:$0x1], $0xffff  }
0x91: {  	[tilespmem:s18+$0x1AD0 ss:$0x21] =	vst.msk $0xffff, v2;
	v7 =	vld.idx.msk [tilespmem:v0+s16+$0x860 ss:$0x1], $0xffff  }
0x92: {  	[tilespmem:s18+$0x1CE0 ss:$0x21] =	vst.msk $0xffff, v4;
	v6 =	vld.idx.msk [tilespmem:v0+s16+$0x870 ss:$0x1], $0xffff  }
0x93: {  	[tilespmem:s18+$0x1EF0 ss:$0x21] =	vst.msk $0xffff, v5;
	v3 =	vld.idx.msk [tilespmem:v0+s16+$0xC10 ss:$0x1], $0xffff  }
.Ltmp3:
0x94: {  	[tilespmem:s18+$0x2310 ss:$0x21] =	vst.msk $0xffff, v8;
	v1 =	vld.idx.msk [tilespmem:v0+s16+$0xC20 ss:$0x1], $0xffff;
	(pc) =	sbr.rel @p1 .LBB1_3-.Ltmp3, $4  }
0x95: {  	[tilespmem:s18+$0x2520 ss:$0x21] =	vst.msk $0xffff, v9;
	v2 =	vld.idx.msk [tilespmem:v0+s16+$0xC30 ss:$0x1], $0xffff  }
0x96: {  	[tilespmem:s18+$0x2730 ss:$0x21] =	vst.msk $0xffff, v10;
	v4 =	vld.idx.msk [tilespmem:v0+s16+$0xC40 ss:$0x1], $0xffff  }
0x97: {  	s20 =	sadd.s32 $0x80, s20;
	s21 =	sadd.s32 $0x200, s21;
	[tilespmem:s18+$0x2940 ss:$0x21] =	vst.msk $0xffff, v11;
	v5 =	vld.idx.msk [tilespmem:v0+s16+$0xC50 ss:$0x1], $0xffff  }
0x98: {  	s22 =	sadd.s32 $0x4, s22;
	s24 =	sand.u32 $0x380, s20;
	s23 =	sand.u32 $0x3000, s21;
	[tilespmem:s18+$0x2B50 ss:$0x21] =	vst.msk $0xffff, v12;
	v8 =	vld.idx.msk [tilespmem:v0+s16+$0xC60 ss:$0x1], $0xffff  }
.Ltmp4:
0x99: {  	_ = 	snop;
	(pc) =	sbr.rel .LBB1_4-.Ltmp4, $1  }
0x9a: {  	_ =	sdelay $0x3  }
.LBB1_6:
0x9b: {  	_ =	sfence.sel $0x180000  }
0x9c: {  	s2 =	simm.s32 $0x1;
	[bflag:$0x0] =	sbarrier.arrive $0xFFFF  }
0x9d: {  	s31 =	simm.s32 $0x2;
	[sflag:s2] =	ssyncpa.u1 $0x1  }
0x9e: {  	[sflag:s31] =	ssyncpa.u1 $0x1  }
0x9f: {  	p0 =	sne.s32 s0, $0x0;
	_ =	strace $0x90000047  }
0xa0: {  	s0 =	sadd.s32 @!p0 $0x100000, s1;
	[bflag:$0x2] =	sbarrier.arrive $0xFFFF  }
0xa1: {  	[sflag:s0] =	ssyncadd.tile.s32 @!p0 $0x1;
	_ =	shalt  }
.Lfunc_end1:
_tile_overlayer_lowered:
.L_overlay_start_2:
0xa2: {  	(tag) =	ssettag $0x2  }
0xa3: {  	s0 =	rddreg [dreg:$0x0];
	s2 =	stileid.u32  }
0xa4: {  	s1 =	rddreg [dreg:$0x1];
	p0 =	sne.s32 s2, $0x0  }
0xa5: {  	s3 =	rddreg [dreg:$0x2];
	[bflag:$0x3] =	sbarrier.arrive $0xFFFF;
	s2 =	simm.s32 @!p0 $0x1C01  }
0xa6: {  	[timem:s3], [sflag:s2] =	dma.local @!p0 [hbm:s0], s1  }
0xa7: {  	s0 =	simm.s32 @!p0 $0x1  }
0xa8: {  	_ =	swait.ge @!p0 [sflag:s0], s1  }
0xa9: {  	s1 =	ssub.s32 @!p0 $0x0, s1;
	[sflag:s0] =	ssyncset.done @!p0 $0x0  }
0xaa: {  	[sflag:s0] =	ssyncadd.s32 @!p0 s1  }
0xab: {  	[bflag:$0x3] =	sbarrier.arrive $0xFFFF  }
0xac: {  	_ =	shalt  }

// kernel: sparse-core-data-format-call.cloned.1.call-start
scs
called_computation.4_lowered:
.L_overlay_start_0:
0x0: {  	s1 =	sld [smem:$0x3FD9]  }
0x1: {  	s2 =	sld [smem:$0x3FFE];
	_ =	sdelay $0x1  }
0x2: {  	s3 =	srdreg.scid  }
0x3: {  	s0 =	sand.u32 $0x1, s3  }
0x4: {  	s17 =	sshll.u32 s0, $0xA;
	s1 =	sadd.s32 s2, s1  }
0x5: {  	s1 =	sadd.s32 s1, s17  }
0x6: {  	[smem:$0x3FB4] =	sst s1  }
0x7: {  	_ = 	snop  }
0x8: {  	(tm) =	ssettm $0x1  }
0x9: {  	s18 =	sld [smem:$0x3FFB];
	_ =	sdelay $0x3  }
0xa: {  	_ =	strace s18  }
0xb: {  	s1 =	sld [smem:$0x3FFC];
	_ =	sdelay $0x3  }
0xc: {  	_ =	strace s1  }
0xd: {  	s1 =	sld [smem:$0x3FFD];
	_ =	sdelay $0x3  }
0xe: {  	_ =	strace s1  }
0xf: {  	_ =	strace $0x8FFFFFFF  }
0x10: {  	s19 =	sld [smem:$0x3FDB];
	_ =	sdelay $0x1  }
0x11: {  	s20 =	simm.s32 $_scs_section_size  }
0x12: {  	s4 =	simm.s32 $_size__tile_overlayer_lowered;
	s5 =	simm.s32 $_tile_overlayer_lowered  }
0x13: {  	s23 =	simm.s32 $0x1BFF;
	s22 =	sshll.u32 s5, $0x1;
	s1 =	sadd.s32 s20, s19  }
0x14: {  	s6 =	simm.s32 $0x0;
	s21 =	sshll.u32 s4, $0x1;
	s4 =	sadd.s32 s22, s1  }
0x15: {  	[timem:s6], [sflag:s23] =	dma.local [hbm:s4], s21  }
0x16: {  	_ =	swait.ge [sflag:s23], s21  }
0x17: {  	s2 =	ssub.s32 $0x0, s21;
	[sflag:s23] =	ssyncset.done $0x0  }
0x18: {  	[sflag:s23] =	ssyncadd.s32 s2;
	_ =	sdelay $0x1  }
0x19: {  	s24 =	simm.s32 $0x1B8B  }
0x1a: {  	_ =	swait.ge [sflag:s24], $0x1  }
0x1b: {  	[sflag:s24] =	ssyncset.done $0x0  }
0x1c: {  	s26 =	simm.s32 $0x1B8E;
	s25 =	sld [smem:$0x3FFE];
	[sflag:s24] =	ssyncadd.s32 $0xFFFFFFFF  }
0x1d: {  	s27 =	simm.s32 $execute0_lowered;
	[smem:$0x3FD2] =	sst s26  }
0x1e: {  	s4 =	sshll.u32 s27, $0x1;
	_ =	strace $0x80000055;
	[dreg:$0x1] =	wrdreg $0xFFFFFFFF  }
0x1f: {  	s28 =	simm.s32 $_size_execute0_lowered;
	s1 =	sadd.s32 s1, s4;
	[dreg:$0x0] =	wrdreg $0x0  }
0x20: {  	s4 =	sshll.u32 s28, $0x1;
	[dreg:$0x2] =	wrdreg s1  }
0x21: {  	[dreg:$0x3] =	wrdreg s4  }
0x22: {  	[dreg:$0x4] =	wrdreg $0xC0  }
0x23: {  	_ =	task [dreg:s6], $0x5FFFF  }
0x24: {  	[dreg:$0x1] =	wrdreg $0xFFFFFFFF  }
0x25: {  	[dreg:$0x0] =	wrdreg $0x60  }
0x26: {  	[dreg:$0x2] =	wrdreg s25  }
0x27: {  	[dreg:$0x3] =	wrdreg $0xA  }
0x28: {  	_ =	task.clear_ibuf [dreg:s6], $0x4FFFF;
	_ =	strace $0x90000055  }
0x29: {  	s29 =	simm.s32 $0xA;
	_ =	strace $0x80000057  }
0x2a: {  	_ =	swait.ge [sflag:s29], $0x1  }
0x2b: {  	[sflag:s29] =	ssyncadd.s32 $0xFFFFFFFF  }
0x2c: {  	_ =	strace $0x90000057  }
0x2d: {  	_ =	sfence  }
0x2e: {  	s30 =	sld [smem:$0x0];
	_ =	sdelay $0x2  }
0x2f: {  	s31 =	sshll.u32 s3, $0xD;
	s3 =	sshrl.u32 s3, $0x2  }
0x30: {  	s2 =	sand.u32 $0x4000, s31;
	s1 =	sadd.s32 s3, s30  }
0x31: {  	s0 =	sor.u32 s2, s0;
	s1 =	sshll.u32 s1, $0x11  }
0x32: {  	s0 =	sor.u32 s1, s0  }
0x33: {  	s0 =	sadd.s32 $0x8F2B, s0  }
0x34: {  	[sflag:s0] =	ssyncadd.remote.s32 $0x1  }
0x35: {  	_ =	sfence.sel $0xFFFF  }
0x36: {  	[dreg:$0x0] =	wrdreg $0xFFFFFFFF;
	(pc) =	sbr.abs _section_cstart, $3  }
0x37: {  	[dreg:$0x1] =	wrdreg $0xFFFFFFFF  }
0x38: {  	_ =	task.clear_ibuf [dreg:s6], $0x2FFFF;
	_ =	strace $0x9FFFFFFF  }
0x39: {  	(tm) =	ssettm $0x7FFFFFFF  }
tec
execute0_lowered:
.L_overlay_start_1:
0x0: {  	(tag) =	ssettag $0x1  }
0x1: {  	s0 =	srdreg.scid  }
0x2: {  	s6 =	rddreg [dreg:$0x0];
	s7 =	simm.s32 $0x1;
	s1 =	sshll.u32 s0, $0x4  }
0x3: {  	s8 =	simm.s32 $0x2;
	s0 =	stileid.u32;
	s1 =	sand.u32 $0x10, s1  }
0x4: {  	s13 =	simm.s32 $0x0;
	s12 =	simm.s32 $0x0;
	s1 =	sor.u32 s0, s1  }
0x5: {  	s10 =	simm.s32 $0x0;
	s3 =	sadd.s32 $0xE8BE00, s6;
	s2 =	sshll.u32 s1, $0x9  }
0x6: {  	s11 =	simm.s32 $0x0;
	s6 =	sadd.s32 $0x3F5FE00, s6;
	s5 =	ssub.s32 $0x186A00, s2  }
.Ltmp0:
0x7: {  	s1 =	rddreg [dreg:$0x1];
	s4 =	sand.u32 $0x3E00, s5;
	(pc) =	sbr.rel .LBB1_1-.Ltmp0, $4  }
0x8: {  	_ =	strace $0x80000056;
	s9 =	smov.u32 s2;
	p0 =	sne.s32 s4, $0x0  }
0x9: {  	s5 =	sshrl.u32 s5, $0xE;
	s4 =	simm.s32 $0x1;
	s7 =	simm.s32 @!p0 $0x0  }
0xa: {  	[sflag:s4] =	ssyncpa.u1 $0x0;
	p0 =	por $0x0, $0x0;
	s5 =	sadd.s32 s7, s5  }
0xb: {  	[sflag:s8] =	ssyncpa.u1 $0x0;
	s8 =	simm.s32 $0x80;
	s7 =	sadd.s32 $0x1, s5  }
.LBB1_4:
0xc: {  	_ = 	snop  }
0xd: {  	[tilespmem:s18+$0x2D60 ss:$0x21] =	vst.msk $0xffff, v7  }
0xe: {  	[tilespmem:s18+$0x2F70 ss:$0x21] =	vst.msk $0xffff, v6  }
0xf: {  	[tilespmem:s18+$0x3390 ss:$0x21] =	vst.msk $0xffff, v3  }
0x10: {  	s21 =	sor.u32 s24, s23;
	v31 =	vld.idx.msk [tilespmem:v0+s16+$0xC70 ss:$0x1], $0xffff;
	[tilespmem:s18+$0x35A0 ss:$0x21] =	vst.msk $0xffff, v1  }
0x11: {  	[tilespmem:s18+$0x37B0 ss:$0x21] =	vst.msk $0xffff, v2;
	v43 =	vld.idx.msk [tilespmem:v0+s21+$0x410 ss:$0x1], $0xffff  }
0x12: {  	[tilespmem:s18+$0x39C0 ss:$0x21] =	vst.msk $0xffff, v4;
	v44 =	vld.idx.msk [tilespmem:v0+s21+$0x420 ss:$0x1], $0xffff  }
0x13: {  	[tilespmem:s18+$0x3BD0 ss:$0x21] =	vst.msk $0xffff, v5;
	s22 =	sand.u32 $0x3200, s21;
	v45 =	vld.idx.msk [tilespmem:v0+s21+$0x430 ss:$0x1], $0xffff  }
0x14: {  	s20 =	sand.u32 $0x180, s20;
	s25 =	sshra.s32 s19, $0x2;
	[tilespmem:s18+$0x3DE0 ss:$0x21] =	vst.msk $0xffff, v8;
	v46 =	vld.idx.msk [tilespmem:v0+s21+$0x440 ss:$0x1], $0xffff;
	s15 =	sadd.s32 s22, s15  }
0x15: {  	v47 =	vld.idx.msk [tilespmem:v0+s21+$0x450 ss:$0x1], $0xffff;
	s24 =	sadd.s32 s20, s15;
	s15 =	sadd.s32 s25, s17;
	[tilespmem:s18+$0x3FF0 ss:$0x21] =	vst.msk $0xffff, v31  }
0x16: {  	v48 =	vld.idx.msk [tilespmem:v0+s21+$0x460 ss:$0x1], $0xffff;
	[tilespmem:s15+$0x1290 ss:$0x21] =	vst.msk $0xffff, v43  }
0x17: {  	v49 =	vld.idx.msk [tilespmem:v0+s21+$0x470 ss:$0x1], $0xffff;
	[tilespmem:s15+$0x14A0 ss:$0x21] =	vst.msk $0xffff, v44  }
0x18: {  	v50 =	vld.idx.msk [tilespmem:v0+s21+$0x810 ss:$0x1], $0xffff;
	[tilespmem:s15+$0x16B0 ss:$0x21] =	vst.msk $0xffff, v45  }
0x19: {  	v51 =	vld.idx.msk [tilespmem:v0+s21+$0x820 ss:$0x1], $0xffff;
	[tilespmem:s15+$0x18C0 ss:$0x21] =	vst.msk $0xffff, v46  }
0x1a: {  	v52 =	vld.idx.msk [tilespmem:v0+s21+$0x830 ss:$0x1], $0xffff;
	[tilespmem:s15+$0x1AD0 ss:$0x21] =	vst.msk $0xffff, v47  }
0x1b: {  	v53 =	vld.idx.msk [tilespmem:v0+s21+$0x840 ss:$0x1], $0xffff;
	[tilespmem:s15+$0x1CE0 ss:$0x21] =	vst.msk $0xffff, v48  }
0x1c: {  	v54 =	vld.idx.msk [tilespmem:v0+s21+$0x850 ss:$0x1], $0xffff;
	[tilespmem:s15+$0x1EF0 ss:$0x21] =	vst.msk $0xffff, v49  }
0x1d: {  	v55 =	vld.idx.msk [tilespmem:v0+s21+$0x860 ss:$0x1], $0xffff;
	[tilespmem:s15+$0x2310 ss:$0x21] =	vst.msk $0xffff, v50  }
0x1e: {  	v56 =	vld.idx.msk [tilespmem:v0+s21+$0x870 ss:$0x1], $0xffff;
	[tilespmem:s15+$0x2520 ss:$0x21] =	vst.msk $0xffff, v51  }
0x1f: {  	v57 =	vld.idx.msk [tilespmem:v0+s21+$0xC10 ss:$0x1], $0xffff;
	[tilespmem:s15+$0x2730 ss:$0x21] =	vst.msk $0xffff, v52  }
0x20: {  	v58 =	vld.idx.msk [tilespmem:v0+s21+$0xC20 ss:$0x1], $0xffff;
	[tilespmem:s15+$0x2940 ss:$0x21] =	vst.msk $0xffff, v53  }
0x21: {  	v59 =	vld.idx.msk [tilespmem:v0+s21+$0xC30 ss:$0x1], $0xffff;
	[tilespmem:s15+$0x2B50 ss:$0x21] =	vst.msk $0xffff, v54  }
0x22: {  	v60 =	vld.idx.msk [tilespmem:v0+s21+$0xC40 ss:$0x1], $0xffff;
	[tilespmem:s15+$0x2D60 ss:$0x21] =	vst.msk $0xffff, v55  }
0x23: {  	v61 =	vld.idx.msk [tilespmem:v0+s21+$0xC50 ss:$0x1], $0xffff;
	[tilespmem:s15+$0x2F70 ss:$0x21] =	vst.msk $0xffff, v56  }
0x24: {  	v62 =	vld.idx.msk [tilespmem:v0+s21+$0xC60 ss:$0x1], $0xffff;
	[tilespmem:s15+$0x3390 ss:$0x21] =	vst.msk $0xffff, v57  }
0x25: {  	v63 =	vld.idx.msk [tilespmem:v0+s21+$0xC70 ss:$0x1], $0xffff;
	[tilespmem:s15+$0x35A0 ss:$0x21] =	vst.msk $0xffff, v58  }
0x26: {  	v32 =	vld [tilespmem:s24+$0xC00];
	[tilespmem:s15+$0x37B0 ss:$0x21] =	vst.msk $0xffff, v59  }
0x27: {  	v33 =	vld [tilespmem:s24+$0x0];
	[tilespmem:s15+$0x39C0 ss:$0x21] =	vst.msk $0xffff, v60  }
0x28: {  	v34 =	vld [tilespmem:s24+$0x10];
	[tilespmem:s15+$0x3BD0 ss:$0x21] =	vst.msk $0xffff, v61  }
0x29: {  	s13 =	sshll.u32 s13, $0x7;
	s26 =	sshll.u32 s12, $0x3;
	v35 =	vld [tilespmem:s24+$0x20];
	[tilespmem:s15+$0x3DE0 ss:$0x21] =	vst.msk $0xffff, v62  }
0x2a: {  	s27 =	sand.u32 $0xFFFFFC00, s13;
	s16 =	sand.u32 $0xFFFFFC00, s26;
	v36 =	vld [tilespmem:s24+$0x30];
	[tilespmem:s15+$0x3FF0 ss:$0x21] =	vst.msk $0xffff, v63  }
0x2b: {  	s13 =	sand.u32 $0x380, s13;
	s16 =	sadd.s32 s16, s27;
	v37 =	vld [tilespmem:s24+$0x40];
	[tilespmem:s15+$0x3180 ss:$0x21] =	vst.msk $0xffff, v32  }
0x2c: {  	s13 =	sor.u32 s13, s16;
	v38 =	vld [tilespmem:s24+$0x50];
	[tilespmem:s15+$0x0 ss:$0x21] =	vst.msk $0xffff, v33  }
0x2d: {  	v39 =	vld [tilespmem:s24+$0x60];
	s13 =	sshrl.u32 s13, $0x7;
	[tilespmem:s15+$0x210 ss:$0x21] =	vst.msk $0xffff, v34  }
0x2e: {  	v40 =	vld [tilespmem:s24+$0x70];
	s28 =	smulhi.u32 $0x14F8B59, s13;
	[tilespmem:s15+$0x420 ss:$0x21] =	vst.msk $0xffff, v35  }
0x2f: {  	v41 =	vld [tilespmem:s24+$0x400];
	[tilespmem:s15+$0x630 ss:$0x21] =	vst.msk $0xffff, v36  }
0x30: {  	v42 =	vld [tilespmem:s24+$0x800];
	s16 =	sshrl.u32 s28, $0xD;
	[tilespmem:s15+$0x840 ss:$0x21] =	vst.msk $0xffff, v37  }
0x31: {  	s16 =	smul.u32 $0x186A00, s16;
	[tilespmem:s15+$0xA50 ss:$0x21] =	vst.msk $0xffff, v38  }
0x32: {  	s29 =	sshrl.u32 s12, $0x3;
	[tilespmem:s15+$0xC60 ss:$0x21] =	vst.msk $0xffff, v39  }
0x33: {  	s31 =	sand.u32 $0x7, s12;
	s30 =	sand.u32 $0xF, s29;
	[tilespmem:s15+$0xE70 ss:$0x21] =	vst.msk $0xffff, v40;
	s13 =	ssub.s32 s13, s16  }
0x34: {  	s12 =	sshll.u32 s31, $0x12;
	[tilespmem:s15+$0x1080 ss:$0x21] =	vst.msk $0xffff, v41;
	s16 =	sadd.s32 s6, s30;
	s13 =	sshll.u32 s13, $0x4  }
0x35: {  	s12 =	sor.u32 $0x20, s12;
	[tilespmem:s15+$0x2100 ss:$0x21] =	vst.msk $0xffff, v42;
	s13 =	sadd.s32 s13, s16  }
0x36: {  	[hbm4b:s13+s12] =	stream.strided.scatter [tilespmem:s14], [sflag:$0x2], $0x4000, s8, s12, $0x10;
	[tilespmem:$0x10400] =	vst v63  }
.LBB1_5:
0x37: {  	s14 =	sadd.s32 $0x4000, s9  }
0x38: {  	s12 =	sadd.s32 $0x20, s10;
	s16 =	smov.u32 s10;
	p2 =	sgt.s32 s14, $0x1869FF  }
0x39: {  	s16 =	smov.u32 @p2 s12  }
0x3a: {  	s14 =	smov.u32 @p2 s2;
	p2 =	sgt.s32 s16, $0x1F  }
0x3b: {  	s16 =	simm.s32 @p2 $0x0;
	p2 =	sne.s32 s11, s7  }
.Ltmp1:
0x3c: {  	p1 =	slt.u32 s11, $0x2;
	(pc) =	sbr.rel @!p2 .LBB1_6-.Ltmp1, $4  }
0x3d: {  	s15 =	simm.s32 @!p1 $0x2  }
0x3e: {  	s13 =	smov.u32 s9;
	p0 =	por !p0, !p0;
	_ =	swait.ge @!p1 [sflag:s15], $0x4000  }
0x3f: {  	s12 =	smov.u32 s10;
	[sflag:s15] =	ssyncset.done @!p1 $0x0;
	s9 =	smov.u32 s14  }
0x40: {  	s11 =	sadd.s32 $0x1, s11;
	[sflag:s15] =	ssyncadd.s32 @!p1 $0xFFFFC000;
	s10 =	smov.u32 s16  }
.LBB1_1:
0x41: {  	p1 =	sge.u32 s11, s5  }
0x42: {  	s14 =	sshrl.u32 @!p1 s10, $0x3  }
0x43: {  	s15 =	sshll.u32 @!p1 s9, $0x3;
	s14 =	smul.u32 @!p1 $0xC35000, s14  }
0x44: {  	s16 =	sshll.u32 @!p1 s10, $0x7;
	s15 =	sand.u32 @!p1 $0xFFFFFC00, s15  }
0x45: {  	s14 =	sadd.s32 @!p1 s14, s15;
	s15 =	sand.u32 @!p1 $0x380, s16  }
0x46: {  	s14 =	sor.u32 @!p1 s15, s14  }
0x47: {  	s15 =	sshrl.u32 @!p1 s14, $0x9  }
0x48: {  	s15 =	smulhi.u32 @!p1 $0xA7C5AD, s15;
	_ =	sdelay $0x1  }
0x49: {  	s15 =	sshrl.u32 @!p1 s15, $0x3  }
0x4a: {  	s16 =	sand.u32 @!p1 $0x7F, s9;
	s17 =	smul.u32 @!p1 $0x186A00, s15  }
0x4b: {  	s31 =	sadd.s32 $0xFFFFFFFF, s11;
	s14 =	sor.u32 @!p1 s16, s14;
	s16 =	sxor.u32 @!p1 $0xFFFFFFFF, s11  }
0x4c: {  	s16 =	sshll.u32 @!p1 s16, $0xE;
	s15 =	sand.u32 @!p1 $0x1F, s15;
	s14 =	ssub.s32 @!p1 s14, s17  }
0x4d: {  	s15 =	smul.u32 @!p1 $0x30D40, s15;
	s17 =	sshrl.u32 @!p1 s14, $0x3;
	s14 =	sand.u32 @!p1 $0x7, s14  }
0x4e: {  	s16 =	sand.u32 @!p1 $0x4000, s16;
	s17 =	sadd.s32 @!p1 s3, s17;
	s14 =	sshll.u32 @!p1 s14, $0x12  }
0x4f: {  	s15 =	sadd.s32 @!p1 s15, s17;
	s14 =	sor.u32 @!p1 $0x1000, s14;
	s17 =	simm.s32 @!p1 $0xC35000  }
0x50: {  	[tilespmem:s16], [sflag:$0x1] =	stream.strided.gather @!p1 [hbm4b:s15+s14], $0x4000, s17, s14, $0x38;
	[tilespmem:$0x10400] =	vst v63  }
0x51: {  	p1 =	sge.u32 s31, s5  }
.Ltmp2:
0x52: {  	_ = 	snop;
	(pc) =	sbr.rel @p1 .LBB1_5-.Ltmp2, $1  }
0x53: {  	_ =	sdelay $0x3  }
0x54: {  	s17 =	simm.s32 $0x0  }
0x55: {  	s16 =	sand.u32 $0x3000, s17;
	s18 =	sand.u32 $0x380, s17  }
0x56: {  	s14 =	sand.u32 $0x1, s11;
	s16 =	sor.u32 s18, s16  }
0x57: {  	_ =	swait.ge [sflag:s4], $0x4000;
	s15 =	sshll.u32 s14, $0xE;
	s18 =	sand.u32 $0x3200, s16  }
0x58: {  	[sflag:s4] =	ssyncset.done $0x0;
	s17 =	sand.u32 $0x180, s17;
	s18 =	sadd.s32 s18, s15  }
0x59: {  	[sflag:s4] =	ssyncadd.s32 $0xFFFFC000;
	s20 =	sadd.s32 s17, s18  }
0x5a: {  	v4 =	vld [tilespmem:s20+$0xC00]  }
0x5b: {  	s19 =	simm.s32 $0x1;
	v0 =	vmov s15;
	v5 =	vld [tilespmem:s20+$0x0]  }
0x5c: {  	s19 =	simm.s32 @!p0 $0x0;
	v6 =	vld [tilespmem:s20+$0x10]  }
0x5d: {  	s31 =	smul.u32 $0x10800, s19;
	v7 =	vld [tilespmem:s20+$0x20]  }
0x5e: {  	v8 =	vld [tilespmem:s20+$0x30]  }
0x5f: {  	s17 =	sshrl.u32 s31, $0x2;
	v9 =	vld [tilespmem:s20+$0x40]  }
0x60: {  	s17 =	sor.u32 $0x8000, s17;
	v1 =	vld.idx.msk [tilespmem:v0+s16+$0x410 ss:$0x1], $0xffff  }
0x61: {  	v2 =	vld.idx.msk [tilespmem:v0+s16+$0x420 ss:$0x1], $0xffff;
	s18 =	sadd.s32 $0x0, s17  }
0x62: {  	v3 =	vld.idx.msk [tilespmem:v0+s16+$0x430 ss:$0x1], $0xffff;
	[tilespmem:s18+$0x3180 ss:$0x21] =	vst.msk $0xffff, v4  }
0x63: {  	v10 =	vld.idx.msk [tilespmem:v0+s16+$0x820 ss:$0x1], $0xffff;
	[tilespmem:s18+$0x0 ss:$0x21] =	vst.msk $0xffff, v5  }
0x64: {  	v11 =	vld.idx.msk [tilespmem:v0+s16+$0x830 ss:$0x1], $0xffff;
	[tilespmem:s18+$0x210 ss:$0x21] =	vst.msk $0xffff, v6  }
0x65: {  	v12 =	vld.idx.msk [tilespmem:v0+s16+$0x840 ss:$0x1], $0xffff;
	[tilespmem:s18+$0x420 ss:$0x21] =	vst.msk $0xffff, v7  }
0x66: {  	v13 =	vld.idx.msk [tilespmem:v0+s16+$0x850 ss:$0x1], $0xffff;
	[tilespmem:s18+$0x630 ss:$0x21] =	vst.msk $0xffff, v8  }
0x67: {  	v4 =	vld [tilespmem:s20+$0x50];
	[tilespmem:s18+$0x840 ss:$0x21] =	vst.msk $0xffff, v9  }
0x68: {  	v5 =	vld [tilespmem:s20+$0x60];
	[tilespmem:s18+$0x1290 ss:$0x21] =	vst.msk $0xffff, v1  }
0x69: {  	v6 =	vld [tilespmem:s20+$0x70];
	[tilespmem:s18+$0x14A0 ss:$0x21] =	vst.msk $0xffff, v2  }
0x6a: {  	v7 =	vld [tilespmem:s20+$0x400];
	[tilespmem:s18+$0x16B0 ss:$0x21] =	vst.msk $0xffff, v3  }
0x6b: {  	v8 =	vld [tilespmem:s20+$0x800];
	[tilespmem:s18+$0x2520 ss:$0x21] =	vst.msk $0xffff, v10  }
0x6c: {  	v9 =	vld.idx.msk [tilespmem:v0+s16+$0x470 ss:$0x1], $0xffff;
	[tilespmem:s18+$0x2730 ss:$0x21] =	vst.msk $0xffff, v11  }
0x6d: {  	v3 =	vld.idx.msk [tilespmem:v0+s16+$0xC10 ss:$0x1], $0xffff;
	[tilespmem:s18+$0x2940 ss:$0x21] =	vst.msk $0xffff, v12  }
0x6e: {  	v1 =	vld.idx.msk [tilespmem:v0+s16+$0xC20 ss:$0x1], $0xffff;
	[tilespmem:s18+$0x2B50 ss:$0x21] =	vst.msk $0xffff, v13  }
0x6f: {  	v2 =	vld.idx.msk [tilespmem:v0+s16+$0xC30 ss:$0x1], $0xffff;
	[tilespmem:s18+$0xA50 ss:$0x21] =	vst.msk $0xffff, v4  }
0x70: {  	[tilespmem:s18+$0xE70 ss:$0x21] =	vst.msk $0xffff, v6;
	v6 =	vld.idx.msk [tilespmem:v0+s16+$0x460 ss:$0x1], $0xffff  }
0x71: {  	v4 =	vld.idx.msk [tilespmem:v0+s16+$0x440 ss:$0x1], $0xffff;
	[tilespmem:s18+$0xC60 ss:$0x21] =	vst.msk $0xffff, v5  }
0x72: {  	v5 =	vld.idx.msk [tilespmem:v0+s16+$0x450 ss:$0x1], $0xffff;
	[tilespmem:s18+$0x1080 ss:$0x21] =	vst.msk $0xffff, v7  }
0x73: {  	[tilespmem:s18+$0x2100 ss:$0x21] =	vst.msk $0xffff, v8;
	v8 =	vld.idx.msk [tilespmem:v0+s16+$0x810 ss:$0x1], $0xffff  }
0x74: {  	v7 =	vld.idx.msk [tilespmem:v0+s16+$0x860 ss:$0x1], $0xffff;
	[tilespmem:s18+$0x1EF0 ss:$0x21] =	vst.msk $0xffff, v9  }
0x75: {  	s14 =	smul.u32 $0x10800, s14;
	[tilespmem:s18+$0x1CE0 ss:$0x21] =	vst.msk $0xffff, v6;
	v6 =	vld.idx.msk [tilespmem:v0+s16+$0x870 ss:$0x1], $0xffff  }
0x76: {  	s21 =	simm.s32 $0x200;
	s22 =	simm.s32 $0x8;
	[tilespmem:s18+$0x18C0 ss:$0x21] =	vst.msk $0xffff, v4;
	v4 =	vld.idx.msk [tilespmem:v0+s16+$0xC40 ss:$0x1], $0xffff  }
0x77: {  	s23 =	sand.u32 $0x3000, s21;
	s14 =	sshrl.u32 s14, $0x2;
	s20 =	simm.s32 $0x80;
	[tilespmem:s18+$0x1AD0 ss:$0x21] =	vst.msk $0xffff, v5;
	v5 =	vld.idx.msk [tilespmem:v0+s16+$0xC50 ss:$0x1], $0xffff  }
0x78: {  	s19 =	simm.s32 $0x4;
	s14 =	sor.u32 $0x8000, s14;
	s24 =	sand.u32 $0x380, s20;
	[tilespmem:s18+$0x2310 ss:$0x21] =	vst.msk $0xffff, v8;
	v8 =	vld.idx.msk [tilespmem:v0+s16+$0xC60 ss:$0x1], $0xffff  }
.LBB1_3:
0x79: {  	p1 =	sne.s32 s22, $0x7C;
	[tilespmem:s18+$0x2D60 ss:$0x21] =	vst.msk $0xffff, v7;
	v7 =	vld.idx.msk [tilespmem:v0+s16+$0xC70 ss:$0x1], $0xffff;
	s16 =	sor.u32 s24, s23  }
0x7a: {  	s23 =	sand.u32 $0x3200, s16;
	v9 =	vld.idx.msk [tilespmem:v0+s16+$0x410 ss:$0x1], $0xffff;
	[tilespmem:s18+$0x2F70 ss:$0x21] =	vst.msk $0xffff, v6  }
0x7b: {  	s24 =	sand.u32 $0x180, s20;
	s23 =	sadd.s32 s23, s15;
	v6 =	vld.idx.msk [tilespmem:v0+s16+$0x420 ss:$0x1], $0xffff;
	[tilespmem:s18+$0x3390 ss:$0x21] =	vst.msk $0xffff, v3  }
0x7c: {  	s23 =	sadd.s32 s24, s23;
	v3 =	vld.idx.msk [tilespmem:v0+s16+$0x430 ss:$0x1], $0xffff;
	[tilespmem:s18+$0x35A0 ss:$0x21] =	vst.msk $0xffff, v1  }
0x7d: {  	v1 =	vld [tilespmem:s23+$0xC00];
	[tilespmem:s18+$0x37B0 ss:$0x21] =	vst.msk $0xffff, v2  }
0x7e: {  	v2 =	vld [tilespmem:s23+$0x0];
	[tilespmem:s18+$0x39C0 ss:$0x21] =	vst.msk $0xffff, v4  }
0x7f: {  	v4 =	vld [tilespmem:s23+$0x10];
	[tilespmem:s18+$0x3BD0 ss:$0x21] =	vst.msk $0xffff, v5  }
0x80: {  	s24 =	sshra.s32 s19, $0x2;
	s19 =	smov.u32 s22;
	v5 =	vld [tilespmem:s23+$0x20];
	[tilespmem:s18+$0x3DE0 ss:$0x21] =	vst.msk $0xffff, v8  }
0x81: {  	v8 =	vld [tilespmem:s23+$0x30];
	[tilespmem:s18+$0x3FF0 ss:$0x21] =	vst.msk $0xffff, v7;
	s18 =	sadd.s32 s24, s17  }
0x82: {  	v7 =	vld [tilespmem:s23+$0x40];
	[tilespmem:s18+$0x3180 ss:$0x21] =	vst.msk $0xffff, v1  }
0x83: {  	[tilespmem:s18+$0x0 ss:$0x21] =	vst.msk $0xffff, v2;
	v1 =	vld [tilespmem:s23+$0x50]  }
0x84: {  	[tilespmem:s18+$0x210 ss:$0x21] =	vst.msk $0xffff, v4;
	v2 =	vld [tilespmem:s23+$0x60]  }
0x85: {  	[tilespmem:s18+$0x420 ss:$0x21] =	vst.msk $0xffff, v5;
	v4 =	vld [tilespmem:s23+$0x70]  }
0x86: {  	[tilespmem:s18+$0x630 ss:$0x21] =	vst.msk $0xffff, v8;
	v5 =	vld [tilespmem:s23+$0x400]  }
0x87: {  	[tilespmem:s18+$0x840 ss:$0x21] =	vst.msk $0xffff, v7;
	v7 =	vld [tilespmem:s23+$0x800]  }
0x88: {  	[tilespmem:s18+$0xA50 ss:$0x21] =	vst.msk $0xffff, v1;
	v1 =	vld.idx.msk [tilespmem:v0+s16+$0x440 ss:$0x1], $0xffff  }
0x89: {  	[tilespmem:s18+$0xC60 ss:$0x21] =	vst.msk $0xffff, v2;
	v2 =	vld.idx.msk [tilespmem:v0+s16+$0x450 ss:$0x1], $0xffff  }
0x8a: {  	[tilespmem:s18+$0xE70 ss:$0x21] =	vst.msk $0xffff, v4;
	v4 =	vld.idx.msk [tilespmem:v0+s16+$0x460 ss:$0x1], $0xffff  }
0x8b: {  	[tilespmem:s18+$0x1080 ss:$0x21] =	vst.msk $0xffff, v5;
	v5 =	vld.idx.msk [tilespmem:v0+s16+$0x470 ss:$0x1], $0xffff  }
0x8c: {  	[tilespmem:s18+$0x2100 ss:$0x21] =	vst.msk $0xffff, v7;
	v8 =	vld.idx.msk [tilespmem:v0+s16+$0x810 ss:$0x1], $0xffff  }
0x8d: {  	[tilespmem:s18+$0x1290 ss:$0x21] =	vst.msk $0xffff, v9;
	v9 =	vld.idx.msk [tilespmem:v0+s16+$0x820 ss:$0x1], $0xffff  }
0x8e: {  	[tilespmem:s18+$0x14A0 ss:$0x21] =	vst.msk $0xffff, v6;
	v10 =	vld.idx.msk [tilespmem:v0+s16+$0x830 ss:$0x1], $0xffff  }
0x8f: {  	[tilespmem:s18+$0x16B0 ss:$0x21] =	vst.msk $0xffff, v3;
	v11 =	vld.idx.msk [tilespmem:v0+s16+$0x840 ss:$0x1], $0xffff  }
0x90: {  	[tilespmem:s18+$0x18C0 ss:$0x21] =	vst.msk $0xffff, v1;
	v12 =	vld.idx.msk [tilespmem:v0+s16+$0x850 ss:$0x1], $0xffff  }
0x91: {  	[tilespmem:s18+$0x1AD0 ss:$0x21] =	vst.msk $0xffff, v2;
	v7 =	vld.idx.msk [tilespmem:v0+s16+$0x860 ss:$0x1], $0xffff  }
0x92: {  	[tilespmem:s18+$0x1CE0 ss:$0x21] =	vst.msk $0xffff, v4;
	v6 =	vld.idx.msk [tilespmem:v0+s16+$0x870 ss:$0x1], $0xffff  }
0x93: {  	[tilespmem:s18+$0x1EF0 ss:$0x21] =	vst.msk $0xffff, v5;
	v3 =	vld.idx.msk [tilespmem:v0+s16+$0xC10 ss:$0x1], $0xffff  }
.Ltmp3:
0x94: {  	[tilespmem:s18+$0x2310 ss:$0x21] =	vst.msk $0xffff, v8;
	v1 =	vld.idx.msk [tilespmem:v0+s16+$0xC20 ss:$0x1], $0xffff;
	(pc) =	sbr.rel @p1 .LBB1_3-.Ltmp3, $4  }
0x95: {  	[tilespmem:s18+$0x2520 ss:$0x21] =	vst.msk $0xffff, v9;
	v2 =	vld.idx.msk [tilespmem:v0+s16+$0xC30 ss:$0x1], $0xffff  }
0x96: {  	[tilespmem:s18+$0x2730 ss:$0x21] =	vst.msk $0xffff, v10;
	v4 =	vld.idx.msk [tilespmem:v0+s16+$0xC40 ss:$0x1], $0xffff  }
0x97: {  	s20 =	sadd.s32 $0x80, s20;
	s21 =	sadd.s32 $0x200, s21;
	[tilespmem:s18+$0x2940 ss:$0x21] =	vst.msk $0xffff, v11;
	v5 =	vld.idx.msk [tilespmem:v0+s16+$0xC50 ss:$0x1], $0xffff  }
0x98: {  	s22 =	sadd.s32 $0x4, s22;
	s24 =	sand.u32 $0x380, s20;
	s23 =	sand.u32 $0x3000, s21;
	[tilespmem:s18+$0x2B50 ss:$0x21] =	vst.msk $0xffff, v12;
	v8 =	vld.idx.msk [tilespmem:v0+s16+$0xC60 ss:$0x1], $0xffff  }
.Ltmp4:
0x99: {  	_ = 	snop;
	(pc) =	sbr.rel .LBB1_4-.Ltmp4, $1  }
0x9a: {  	_ =	sdelay $0x3  }
.LBB1_6:
0x9b: {  	_ =	sfence.sel $0x180000  }
0x9c: {  	s2 =	simm.s32 $0x1;
	[bflag:$0x0] =	sbarrier.arrive $0xFFFF  }
0x9d: {  	s31 =	simm.s32 $0x2;
	[sflag:s2] =	ssyncpa.u1 $0x1  }
0x9e: {  	[sflag:s31] =	ssyncpa.u1 $0x1  }
0x9f: {  	p0 =	sne.s32 s0, $0x0;
	_ =	strace $0x90000056  }
0xa0: {  	s0 =	sadd.s32 @!p0 $0x100000, s1;
	[bflag:$0x2] =	sbarrier.arrive $0xFFFF  }
0xa1: {  	[sflag:s0] =	ssyncadd.tile.s32 @!p0 $0x1;
	_ =	shalt  }
.Lfunc_end1:
_tile_overlayer_lowered:
.L_overlay_start_2:
0xa2: {  	(tag) =	ssettag $0x2  }
0xa3: {  	s0 =	rddreg [dreg:$0x0];
	s2 =	stileid.u32  }
0xa4: {  	s1 =	rddreg [dreg:$0x1];
	p0 =	sne.s32 s2, $0x0  }
0xa5: {  	s3 =	rddreg [dreg:$0x2];
	[bflag:$0x3] =	sbarrier.arrive $0xFFFF;
	s2 =	simm.s32 @!p0 $0x1C01  }
0xa6: {  	[timem:s3], [sflag:s2] =	dma.local @!p0 [hbm:s0], s1  }
0xa7: {  	s0 =	simm.s32 @!p0 $0x1  }
0xa8: {  	_ =	swait.ge @!p0 [sflag:s0], s1  }
0xa9: {  	s1 =	ssub.s32 @!p0 $0x0, s1;
	[sflag:s0] =	ssyncset.done @!p0 $0x0  }
0xaa: {  	[sflag:s0] =	ssyncadd.s32 @!p0 s1  }
0xab: {  	[bflag:$0x3] =	sbarrier.arrive $0xFFFF  }
0xac: {  	_ =	shalt  }

</sc_bundles>
